<compile_context>
chip_gen: v7x
topology: tpu7x:2x2x1
jax: 0.10.2.dev20260603
libtpu: 0.0.44.dev20260713+nightly
codegen_flags: <defaults>
</compile_context>

<pallas_src>
import functools
import jax
import jax.numpy as jnp
from jax import lax
from jax.experimental import pallas as pl
from jax.experimental.pallas import tpu as pltpu
from jax.experimental.pallas import tpu_sc as plsc

_N = 10000
_E = 160000
_NEFF = 10240
_EC = 128
_EPAD = 163840
_NC, _NS, _NW = 2, 16, 32
_ERPT = _EPAD // _NW // _EC
_RB = 512



def _tc_mm_scale(x_cur, W, degP):
    f = x_cur.shape[1]

    def body(x_ref, w_ref, deg_ref, out_ref):
        deg = deg_ref[0, :, 0:1] + deg_ref[1, :, 0:1] + 1.0
        dinv = lax.rsqrt(deg)
        h = jnp.dot(x_ref[...], w_ref[...], preferred_element_type=jnp.float32)
        out_ref[...] = h * dinv

    return pl.pallas_call(
        body,
        grid=(_NEFF // _RB,),
        in_specs=[
            pl.BlockSpec((_RB, f), lambda i: (i, 0)),
            pl.BlockSpec((f, 128), lambda i: (0, 0)),
            pl.BlockSpec((2, _RB, 128), lambda i: (0, i, 0)),
        ],
        out_specs=pl.BlockSpec((_RB, 128), lambda i: (i, 0)),
        out_shape=jax.ShapeDtypeStruct((_NEFF, 128), jnp.float32),
    )(x_cur, W, degP)


def _tc_combine(aggP, hs, degP, m_col, b2d, p2d):

    def body(agg_ref, hs_ref, deg_ref, m_ref, b_ref, p_ref, gs_ref, s_ref):
        deg = deg_ref[0, :, 0:1] + deg_ref[1, :, 0:1] + 1.0
        dinv = lax.rsqrt(deg)
        hsv = hs_ref[...]
        m = m_ref[...]
        g = m * jnp.maximum(
            dinv * (agg_ref[0, :, :] + agg_ref[1, :, :] + hsv) + b_ref[...],
            0.0)
        p = p_ref[...]
        pn = lax.rsqrt(jnp.sum(p * p))
        sraw = jnp.sum(g * p, axis=1, keepdims=True) * pn
        s = 1.0 / (1.0 + jnp.exp(-sraw))
        s = jnp.where(m > 0.0, s, -1.0)
        gs_ref[...] = g * s
        s_ref[...] = s

    return pl.pallas_call(
        body,
        grid=(_NEFF // _RB,),
        in_specs=[
            pl.BlockSpec((2, _RB, 128), lambda i: (0, i, 0)),
            pl.BlockSpec((_RB, 128), lambda i: (i, 0)),
            pl.BlockSpec((2, _RB, 128), lambda i: (0, i, 0)),
            pl.BlockSpec((_RB, 1), lambda i: (i, 0)),
            pl.BlockSpec((1, 128), lambda i: (0, 0)),
            pl.BlockSpec((1, 128), lambda i: (0, 0)),
        ],
        out_specs=[
            pl.BlockSpec((_RB, 128), lambda i: (i, 0)),
            pl.BlockSpec((_RB, 1), lambda i: (i, 0)),
        ],
        out_shape=[
            jax.ShapeDtypeStruct((_NEFF, 128), jnp.float32),
            jax.ShapeDtypeStruct((_NEFF, 1), jnp.float32),
        ],
    )(aggP, hs, degP, m_col, b2d, p2d)


def _tc_rank(s_col, s_row):
    J = _NEFF // 128

    def body(sc_ref, sr_ref, out_ref):
        si = sc_ref[...]

        def jstep(j, acc):
            sj = sr_ref[0:1, pl.ds(j * 128, 128)]
            return acc + (sj > si).astype(jnp.float32)

        acc = lax.fori_loop(0, J, jstep, jnp.zeros((_RB, 128), jnp.float32))
        out_ref[...] = jnp.sum(acc, axis=1, keepdims=True).astype(jnp.int32)

    return pl.pallas_call(
        body,
        grid=(_NEFF // _RB,),
        in_specs=[
            pl.BlockSpec((_RB, 1), lambda i: (i, 0)),
            pl.BlockSpec((8, _NEFF), lambda i: (0, 0)),
        ],
        out_specs=pl.BlockSpec((_RB, 1), lambda i: (i, 0)),
        out_shape=jax.ShapeDtypeStruct((_NEFF, 1), jnp.int32),
    )(s_col, s_row)


def _tc_pool(gs, rank_col, k_new):

    def body(gs_ref, r_ref, x_ref, m_ref, ro_ref):
        keep = (r_ref[...] < k_new).astype(jnp.float32)
        xv = gs_ref[...] * keep
        x_ref[...] = xv
        m_ref[...] = keep
        mx = jnp.max(jnp.where(keep > 0.0, xv, -3.0e38), axis=0, keepdims=True)
        sm = jnp.sum(xv, axis=0, keepdims=True) * (1.0 / k_new)
        ro_ref[...] = jnp.concatenate([mx, sm], axis=1)

    return pl.pallas_call(
        body,
        out_shape=[
            jax.ShapeDtypeStruct((_NEFF, 128), jnp.float32),
            jax.ShapeDtypeStruct((_NEFF, 1), jnp.float32),
            jax.ShapeDtypeStruct((1, 256), jnp.float32),
        ],
    )(gs, rank_col)


def _tc_mlp(x1, x2, x3, Wl1, bl1, Wl2, bl2, Wl3, bl3):
    def body(x1r, x2r, x3r, w1r, b1r, w2r, b2r, w3r, b3r, o_ref):
        z = (jnp.maximum(x1r[...], 0.0) + jnp.maximum(x2r[...], 0.0)
             + jnp.maximum(x3r[...], 0.0))
        z = jnp.maximum(jnp.dot(z, w1r[...], preferred_element_type=jnp.float32)
                        + b1r[...], 0.0)
        z = jnp.maximum(jnp.dot(z, w2r[...], preferred_element_type=jnp.float32)
                        + b2r[...], 0.0)
        t = jnp.dot(z, w3r[...], preferred_element_type=jnp.float32) + b3r[...]
        m = jnp.max(t, axis=1, keepdims=True)
        e = jnp.exp(t - m)
        o_ref[...] = t - m - jnp.log(jnp.sum(e, axis=1, keepdims=True))

    return pl.pallas_call(
        body,
        out_shape=jax.ShapeDtypeStruct((1, 10), jnp.float32),
    )(x1, x2, x3, Wl1, bl1.reshape(1, -1), Wl2, bl2.reshape(1, -1),
      Wl3, bl3.reshape(1, -1))



def _sc_count(d2d):
    rpt = _NEFF // _NS
    mesh = plsc.VectorSubcoreMesh(core_axis_name="c", subcore_axis_name="s")

    @functools.partial(
        pl.kernel,
        out_type=jax.ShapeDtypeStruct((2, _NEFF, 128), jnp.float32),
        mesh=mesh,
        scratch_types=[
            pltpu.VMEM((_ERPT, _EC), jnp.int32),
            pltpu.VMEM((_EC, 128), jnp.float32),
            pltpu.VMEM((32, 128), jnp.float32),
            pltpu.VMEM_SHARED((_NEFF, 128), jnp.float32),
        ],
    )
    def k(d_hbm, out_hbm, didx_v, ones_v, bounce_v, acc_sh):
        cid = lax.axis_index("c")
        sid = lax.axis_index("s")
        wid = cid * _NS + sid

        def fill(r, c):
            for l in range(8):
                ones_v[r, pl.ds(l * 16, 16)] = jnp.full((16,), 1.0,
                                                        jnp.float32)
            return c

        lax.fori_loop(0, _EC, fill, 0)

        def fill_zero(r, c):
            for l in range(8):
                bounce_v[r, pl.ds(l * 16, 16)] = jnp.zeros((16,), jnp.float32)
            return c

        lax.fori_loop(0, 32, fill_zero, 0)

        def zloop(c, carry):
            pltpu.sync_copy(bounce_v, acc_sh.at[pl.ds(sid * rpt + c * 32, 32)])
            return carry

        lax.fori_loop(0, rpt // 32, zloop, 0)
        plsc.subcore_barrier()

        pltpu.sync_copy(d_hbm.at[pl.ds(wid * _ERPT, _ERPT)], didx_v)

        def echunk(j, carry):
            pltpu.sync_copy(ones_v, acc_sh.at[didx_v.at[j]], add=True)
            return carry

        lax.fori_loop(0, _ERPT, echunk, 0)
        plsc.subcore_barrier()

        def dloop(c, carry):
            r0 = sid * rpt + c * 32
            pltpu.sync_copy(acc_sh.at[pl.ds(r0, 32)], bounce_v)
            pltpu.sync_copy(bounce_v, out_hbm.at[cid, pl.ds(r0, 32)])
            return carry

        lax.fori_loop(0, rpt // 32, dloop, 0)

    return k(d2d)


def _sc_agg(hs, s2d, d2d):
    rpt = _NEFF // _NS
    mesh = plsc.VectorSubcoreMesh(core_axis_name="c", subcore_axis_name="s")

    @functools.partial(
        pl.kernel,
        out_type=jax.ShapeDtypeStruct((2, _NEFF, 128), jnp.float32),
        mesh=mesh,
        scratch_types=[
            pltpu.VMEM((_ERPT, _EC), jnp.int32),
            pltpu.VMEM((_ERPT, _EC), jnp.int32),
            pltpu.VMEM((_EC, 128), jnp.float32),
            pltpu.VMEM((_EC, 128), jnp.float32),
            pltpu.VMEM((32, 128), jnp.float32),
            pltpu.VMEM_SHARED((_NEFF, 128), jnp.float32),
            pltpu.SemaphoreType.DMA,
            pltpu.SemaphoreType.DMA,
        ],
    )
    def k(hs_hbm, s_hbm, d_hbm, out_hbm, sidx_v, didx_v, rows0_v, rows1_v,
          bounce_v, acc_sh, sem0, sem1):
        cid = lax.axis_index("c")
        sid = lax.axis_index("s")
        wid = cid * _NS + sid

        def fill_zero(r, c):
            for l in range(8):
                bounce_v[r, pl.ds(l * 16, 16)] = jnp.zeros((16,), jnp.float32)
            return c

        lax.fori_loop(0, 32, fill_zero, 0)

        def zloop(c, carry):
            pltpu.sync_copy(bounce_v, acc_sh.at[pl.ds(sid * rpt + c * 32, 32)])
            return carry

        lax.fori_loop(0, rpt // 32, zloop, 0)
        plsc.subcore_barrier()

        pltpu.sync_copy(s_hbm.at[pl.ds(wid * _ERPT, _ERPT)], sidx_v)
        pltpu.sync_copy(d_hbm.at[pl.ds(wid * _ERPT, _ERPT)], didx_v)

        pltpu.async_copy(hs_hbm.at[sidx_v.at[0]], rows0_v, sem0)

        def echunk(t, carry):
            j0 = t * 2
            pltpu.async_copy(hs_hbm.at[sidx_v.at[j0 + 1]], rows1_v, sem1)
            pltpu.make_async_copy(hs_hbm.at[sidx_v.at[j0]], rows0_v,
                                  sem0).wait()
            pltpu.sync_copy(rows0_v, acc_sh.at[didx_v.at[j0]], add=True)

            @pl.when(j0 + 2 < _ERPT)
            def _():
                pltpu.async_copy(hs_hbm.at[sidx_v.at[j0 + 2]], rows0_v, sem0)

            pltpu.make_async_copy(hs_hbm.at[sidx_v.at[j0 + 1]], rows1_v,
                                  sem1).wait()
            pltpu.sync_copy(rows1_v, acc_sh.at[didx_v.at[j0 + 1]], add=True)
            return carry

        lax.fori_loop(0, _ERPT // 2, echunk, 0)
        plsc.subcore_barrier()

        def dloop(c, carry):
            r0 = sid * rpt + c * 32
            pltpu.sync_copy(acc_sh.at[pl.ds(r0, 32)], bounce_v)
            pltpu.sync_copy(bounce_v, out_hbm.at[cid, pl.ds(r0, 32)])
            return carry

        lax.fori_loop(0, rpt // 32, dloop, 0)

    return k(hs, s2d, d2d)



def kernel(x, edge_index, batch, W1, b1, W2, b2, W3, b3, p1, p2, p3,
           Wl1, bl1, Wl2, bl2, Wl3, bl3):
    del batch
    s2d = jnp.concatenate(
        [edge_index[0], jnp.full((_EPAD - _E,), _N, jnp.int32)]
    ).reshape(_EPAD // _EC, _EC)
    d2d = jnp.concatenate(
        [edge_index[1], jnp.full((_EPAD - _E,), _N, jnp.int32)]
    ).reshape(_EPAD // _EC, _EC)

    row_live = (jnp.arange(_NEFF, dtype=jnp.int32) < _N).astype(jnp.float32)
    m_col = row_live.reshape(_NEFF, 1)
    x_cur = jnp.concatenate(
        [x, jnp.zeros((_NEFF - _N, x.shape[1]), jnp.float32)])

    k = _N
    reads = []
    for lvl, (W, b, p) in enumerate(((W1, b1, p1), (W2, b2, p2),
                                     (W3, b3, p3))):
        k_new = (k + 1) // 2
        if lvl == 0:
            degP = _sc_count(d2d)
        else:
            m_wide = jnp.broadcast_to(m_col, (_NEFF, 128))
            degP = _sc_agg(m_wide, s2d, d2d)
        hs = _tc_mm_scale(x_cur, W, degP)
        aggP = _sc_agg(hs, s2d, d2d)
        gs, s_col = _tc_combine(aggP, hs, degP, m_col, b.reshape(1, 128),
                                p.reshape(1, 128))
        s_row = jnp.broadcast_to(s_col.reshape(1, _NEFF), (8, _NEFF))
        rank_col = _tc_rank(s_col, s_row)
        x_cur, m_col, ro = _tc_pool(gs, rank_col, k_new)
        reads.append(ro)
        k = k_new

    return _tc_mlp(reads[0], reads[1], reads[2],
                   Wl1, bl1, Wl2, bl2, Wl3, bl3)

# --- scband reference (transcript-rebuilt; emitter-appended) ---
"""Pipeline reference for scband-graph-classification-model-64785286693205 (READ-ONLY COPY).

The authoritative reference and input builder live on the scoring server;
editing this copy changes nothing except your own understanding.
"""

import math
import jax, jax.numpy as jnp
import numpy as np

N = 10000
E = 160000
F_IN = 256
NHID = 128
NCLS = 10
RATIO = 0.5


def setup_inputs(seed: int = 0) -> dict:
    key = jax.random.key(seed)
    ks = jax.random.split(key, 20)
    inp = {}
    inp["x"] = jax.random.normal(ks[0], (N, F_IN), dtype=jnp.float32)
    inp["edge_index"] = jax.random.randint(ks[1], (2, E), 0, N, dtype=jnp.int32)
    inp["batch"] = jnp.zeros((N,), dtype=jnp.int32)
    inp["W1"] = jax.random.normal(ks[2], (F_IN, NHID), dtype=jnp.float32) * 0.05
    inp["b1"] = jnp.zeros((NHID,), dtype=jnp.float32)
    inp["W2"] = jax.random.normal(ks[3], (NHID, NHID), dtype=jnp.float32) * 0.05
    inp["b2"] = jnp.zeros((NHID,), dtype=jnp.float32)
    inp["W3"] = jax.random.normal(ks[4], (NHID, NHID), dtype=jnp.float32) * 0.05
    inp["b3"] = jnp.zeros((NHID,), dtype=jnp.float32)
    inp["p1"] = jax.random.normal(ks[5], (NHID,), dtype=jnp.float32)
    inp["p2"] = jax.random.normal(ks[6], (NHID,), dtype=jnp.float32)
    inp["p3"] = jax.random.normal(ks[7], (NHID,), dtype=jnp.float32)
    inp["Wl1"] = jax.random.normal(ks[8], (2 * NHID, NHID), dtype=jnp.float32) * 0.05
    inp["bl1"] = jnp.zeros((NHID,), dtype=jnp.float32)
    inp["Wl2"] = jax.random.normal(ks[9], (NHID, NHID // 2), dtype=jnp.float32) * 0.05
    inp["bl2"] = jnp.zeros((NHID // 2,), dtype=jnp.float32)
    inp["Wl3"] = jax.random.normal(ks[10], (NHID // 2, NCLS), dtype=jnp.float32) * 0.05
    inp["bl3"] = jnp.zeros((NCLS,), dtype=jnp.float32)
    return inp


def _gcn(x, src, dst, gate, W, b):
    # GCNConv with self-loops; edges carry a 0/1 gate so pooled-out edges are masked
    n = x.shape[0]
    deg = jnp.zeros((n,), x.dtype).at[dst].add(gate) + 1.0
    dinv = jax.lax.rsqrt(deg)
    h = x @ W
    coef = dinv[src] * dinv[dst] * gate
    agg = jnp.zeros_like(h).at[dst].add(h[src] * coef[:, None])
    agg = agg + h * (dinv * dinv)[:, None]
    return agg + b


def _pool(x, src, dst, gate, batch, p, k):
    # MVPool-style score-based top-k pooling with static k; removed edges are gated to 0
    score = jax.nn.sigmoid(x @ p / jnp.linalg.norm(p))
    vals, perm = jax.lax.top_k(score, k)
    x_new = x[perm] * vals[:, None]
    batch_new = batch[perm]
    n = x.shape[0]
    maskf = jnp.zeros((n,), x.dtype).at[perm].set(1.0)
    maski = jnp.zeros((n,), jnp.int32).at[perm].set(1)
    new_idx = jnp.cumsum(maski) - 1
    src_new = jnp.clip(new_idx[src], 0, k - 1)
    dst_new = jnp.clip(new_idx[dst], 0, k - 1)
    gate_new = gate * maskf[src] * maskf[dst]
    return x_new, src_new, dst_new, gate_new, batch_new


def _readout(x, batch):
    mx = jax.ops.segment_max(x, batch, num_segments=1)
    s = jax.ops.segment_sum(x, batch, num_segments=1)
    cnt = jax.ops.segment_sum(jnp.ones((x.shape[0], 1), x.dtype), batch, num_segments=1)
    return jnp.concatenate([mx, s / jnp.maximum(cnt, 1.0)], axis=1)


def reference(x, edge_index, batch, W1, b1, W2, b2, W3, b3, p1, p2, p3, Wl1, bl1, Wl2, bl2, Wl3, bl3):
    src, dst = edge_index[0], edge_index[1]
    gate = jnp.ones((src.shape[0],), x.dtype)
    k1 = int(math.ceil(RATIO * N))
    k2 = int(math.ceil(RATIO * k1))
    k3 = int(math.ceil(RATIO * k2))
    h = jax.nn.relu(_gcn(x, src, dst, gate, W1, b1))
    h, src, dst, gate, batch = _pool(h, src, dst, gate, batch, p1, k1)
    x1 = _readout(h, batch)
    h = jax.nn.relu(_gcn(h, src, dst, gate, W2, b2))
    h, src, dst, gate, batch = _pool(h, src, dst, gate, batch, p2, k2)
    x2 = _readout(h, batch)
    h = jax.nn.relu(_gcn(h, src, dst, gate, W3, b3))
    h, src, dst, gate, batch = _pool(h, src, dst, gate, batch, p3, k3)
    x3 = _readout(h, batch)
    z = jax.nn.relu(x1) + jax.nn.relu(x2) + jax.nn.relu(x3)
    z = jax.nn.relu(z @ Wl1 + bl1)
    z = jax.nn.relu(z @ Wl2 + bl2)
    return jax.nn.log_softmax(z @ Wl3 + bl3, axis=-1)


if False:  # reference __main__ guard neutralized (emitter)
    out = reference(**setup_inputs())
    print(out.shape, out.dtype)

if __name__ == "__main__":
    import jax
    _d = setup_inputs()
    print(jax.jit(kernel)(*tuple(_d.values())))

</pallas_src>

<mosaic_0001>
#map = affine_map<(d0, d1) -> (0, 0)>
#map1 = affine_map<(d0, d1) -> (0, 0, 0)>
module attributes {stable_mosaic.version = 14 : i64} {
  func.func @k(%arg0: i32, %arg1: i32, %arg2: memref<10240x128xf32, #tpu.memory_space<hbm>>, %arg3: memref<1280x128xi32, #tpu.memory_space<hbm>>, %arg4: memref<1280x128xi32, #tpu.memory_space<hbm>>, %arg5: memref<2x10240x128xf32, #tpu.memory_space<hbm>>, %arg6: memref<40x128xi32, #tpu.memory_space<vmem>>, %arg7: memref<40x128xi32, #tpu.memory_space<vmem>>, %arg8: memref<128x128xf32, #tpu.memory_space<vmem>>, %arg9: memref<128x128xf32, #tpu.memory_space<vmem>>, %arg10: memref<32x128xf32, #tpu.memory_space<vmem>>, %arg11: memref<10240x128xf32, #tpu.memory_space<vmem_shared>>, %arg12: memref<!tpu.dma_semaphore, #tpu.memory_space<semaphore_mem>>, %arg13: memref<!tpu.dma_semaphore, #tpu.memory_space<semaphore_mem>>) attributes {dimension_semantics = [#tpu.dimension_semantics<core_parallel>, #tpu.dimension_semantics<subcore_parallel>], iteration_bounds = array<i64: 2, 16>, scalar_prefetch = 0 : i64, scratch_operands = 8 : i64, tpu.core_type = #tpu.core_type<sc_vector_subcore>, window_params = [{transform_indices = #map}, {transform_indices = #map}, {transform_indices = #map}, {transform_indices = #map1}]} {
    %mul3A = arith.constant 16 : i32
    %mul3A_0 = arith.muli %arg0, %mul3A : i32
    %add3A = arith.addi %mul3A_0, %arg1 : i32
    %scan3A = arith.constant 0 : i32
    %scan3A_1 = arith.constant 0 : i32
    %scan3A_2 = arith.constant 32 : i32
    %scan3A_3 = arith.addi %scan3A_1, %scan3A_2 : i32
    %scan3A_4 = arith.constant 1 : i32
    scf.for %scan3A_35 = %scan3A_1 to %scan3A_3 step %scan3A_4  : i32 {
      %broadcast_in_dim3A = arith.constant 0.000000e+00 : f32
      %broadcast_in_dim3A_36 = vector.broadcast %broadcast_in_dim3A : f32 to vector<16xf32>
      %swap3A = arith.index_cast %scan3A_35 : i32 to index
      %swap3A_37 = arith.constant 0 : index
      %swap3A_38 = tpu.vector_load %arg10[%swap3A, %swap3A_37] {strides = array<i32>} : memref<32x128xf32, #tpu.memory_space<vmem>>, vector<1x16xf32>,
      %swap3A_39 = vector.shape_cast %swap3A_38 : vector<1x16xf32> to vector<16xf32>
      %swap3A_40 = vector.shape_cast %broadcast_in_dim3A_36 : vector<16xf32> to vector<1x16xf32>
      tpu.vector_store %arg10[%swap3A, %swap3A_37], %swap3A_40 {strides = array<i32>} : memref<32x128xf32, #tpu.memory_space<vmem>>, vector<1x16xf32>,
      %broadcast_in_dim3A_41 = arith.constant 0.000000e+00 : f32
      %broadcast_in_dim3A_42 = vector.broadcast %broadcast_in_dim3A_41 : f32 to vector<16xf32>
      %swap3A_43 = arith.index_cast %scan3A_35 : i32 to index
      %swap3A_44 = arith.constant 16 : index
      %swap3A_45 = tpu.vector_load %arg10[%swap3A_43, %swap3A_44] {strides = array<i32>} : memref<32x128xf32, #tpu.memory_space<vmem>>, vector<1x16xf32>,
      %swap3A_46 = vector.shape_cast %swap3A_45 : vector<1x16xf32> to vector<16xf32>
      %swap3A_47 = vector.shape_cast %broadcast_in_dim3A_42 : vector<16xf32> to vector<1x16xf32>
      tpu.vector_store %arg10[%swap3A_43, %swap3A_44], %swap3A_47 {strides = array<i32>} : memref<32x128xf32, #tpu.memory_space<vmem>>, vector<1x16xf32>,
      %broadcast_in_dim3A_48 = arith.constant 0.000000e+00 : f32
      %broadcast_in_dim3A_49 = vector.broadcast %broadcast_in_dim3A_48 : f32 to vector<16xf32>
      %swap3A_50 = arith.index_cast %scan3A_35 : i32 to index
      %swap3A_51 = arith.constant 32 : index
      %swap3A_52 = tpu.vector_load %arg10[%swap3A_50, %swap3A_51] {strides = array<i32>} : memref<32x128xf32, #tpu.memory_space<vmem>>, vector<1x16xf32>,
      %swap3A_53 = vector.shape_cast %swap3A_52 : vector<1x16xf32> to vector<16xf32>
      %swap3A_54 = vector.shape_cast %broadcast_in_dim3A_49 : vector<16xf32> to vector<1x16xf32>
      tpu.vector_store %arg10[%swap3A_50, %swap3A_51], %swap3A_54 {strides = array<i32>} : memref<32x128xf32, #tpu.memory_space<vmem>>, vector<1x16xf32>,
      %broadcast_in_dim3A_55 = arith.constant 0.000000e+00 : f32
      %broadcast_in_dim3A_56 = vector.broadcast %broadcast_in_dim3A_55 : f32 to vector<16xf32>
      %swap3A_57 = arith.index_cast %scan3A_35 : i32 to index
      %swap3A_58 = arith.constant 48 : index
      %swap3A_59 = tpu.vector_load %arg10[%swap3A_57, %swap3A_58] {strides = array<i32>} : memref<32x128xf32, #tpu.memory_space<vmem>>, vector<1x16xf32>,
      %swap3A_60 = vector.shape_cast %swap3A_59 : vector<1x16xf32> to vector<16xf32>
      %swap3A_61 = vector.shape_cast %broadcast_in_dim3A_56 : vector<16xf32> to vector<1x16xf32>
      tpu.vector_store %arg10[%swap3A_57, %swap3A_58], %swap3A_61 {strides = array<i32>} : memref<32x128xf32, #tpu.memory_space<vmem>>, vector<1x16xf32>,
      %broadcast_in_dim3A_62 = arith.constant 0.000000e+00 : f32
      %broadcast_in_dim3A_63 = vector.broadcast %broadcast_in_dim3A_62 : f32 to vector<16xf32>
      %swap3A_64 = arith.index_cast %scan3A_35 : i32 to index
      %swap3A_65 = arith.constant 64 : index
      %swap3A_66 = tpu.vector_load %arg10[%swap3A_64, %swap3A_65] {strides = array<i32>} : memref<32x128xf32, #tpu.memory_space<vmem>>, vector<1x16xf32>,
      %swap3A_67 = vector.shape_cast %swap3A_66 : vector<1x16xf32> to vector<16xf32>
      %swap3A_68 = vector.shape_cast %broadcast_in_dim3A_63 : vector<16xf32> to vector<1x16xf32>
      tpu.vector_store %arg10[%swap3A_64, %swap3A_65], %swap3A_68 {strides = array<i32>} : memref<32x128xf32, #tpu.memory_space<vmem>>, vector<1x16xf32>,
      %broadcast_in_dim3A_69 = arith.constant 0.000000e+00 : f32
      %broadcast_in_dim3A_70 = vector.broadcast %broadcast_in_dim3A_69 : f32 to vector<16xf32>
      %swap3A_71 = arith.index_cast %scan3A_35 : i32 to index
      %swap3A_72 = arith.constant 80 : index
      %swap3A_73 = tpu.vector_load %arg10[%swap3A_71, %swap3A_72] {strides = array<i32>} : memref<32x128xf32, #tpu.memory_space<vmem>>, vector<1x16xf32>,
      %swap3A_74 = vector.shape_cast %swap3A_73 : vector<1x16xf32> to vector<16xf32>
      %swap3A_75 = vector.shape_cast %broadcast_in_dim3A_70 : vector<16xf32> to vector<1x16xf32>
      tpu.vector_store %arg10[%swap3A_71, %swap3A_72], %swap3A_75 {strides = array<i32>} : memref<32x128xf32, #tpu.memory_space<vmem>>, vector<1x16xf32>,
      %broadcast_in_dim3A_76 = arith.constant 0.000000e+00 : f32
      %broadcast_in_dim3A_77 = vector.broadcast %broadcast_in_dim3A_76 : f32 to vector<16xf32>
      %swap3A_78 = arith.index_cast %scan3A_35 : i32 to index
      %swap3A_79 = arith.constant 96 : index
      %swap3A_80 = tpu.vector_load %arg10[%swap3A_78, %swap3A_79] {strides = array<i32>} : memref<32x128xf32, #tpu.memory_space<vmem>>, vector<1x16xf32>,
      %swap3A_81 = vector.shape_cast %swap3A_80 : vector<1x16xf32> to vector<16xf32>
      %swap3A_82 = vector.shape_cast %broadcast_in_dim3A_77 : vector<16xf32> to vector<1x16xf32>
      tpu.vector_store %arg10[%swap3A_78, %swap3A_79], %swap3A_82 {strides = array<i32>} : memref<32x128xf32, #tpu.memory_space<vmem>>, vector<1x16xf32>,
      %broadcast_in_dim3A_83 = arith.constant 0.000000e+00 : f32
      %broadcast_in_dim3A_84 = vector.broadcast %broadcast_in_dim3A_83 : f32 to vector<16xf32>
      %swap3A_85 = arith.index_cast %scan3A_35 : i32 to index
      %swap3A_86 = arith.constant 112 : index
      %swap3A_87 = tpu.vector_load %arg10[%swap3A_85, %swap3A_86] {strides = array<i32>} : memref<32x128xf32, #tpu.memory_space<vmem>>, vector<1x16xf32>,
      %swap3A_88 = vector.shape_cast %swap3A_87 : vector<1x16xf32> to vector<16xf32>
      %swap3A_89 = vector.shape_cast %broadcast_in_dim3A_84 : vector<16xf32> to vector<1x16xf32>
      tpu.vector_store %arg10[%swap3A_85, %swap3A_86], %swap3A_89 {strides = array<i32>} : memref<32x128xf32, #tpu.memory_space<vmem>>, vector<1x16xf32>,
    }
    %scan3A_5 = arith.constant 32 : i32
    %scan3A_6 = arith.constant 0 : i32
    %scan3A_7 = arith.constant 0 : i32
    %scan3A_8 = arith.constant 20 : i32
    %scan3A_9 = arith.addi %scan3A_7, %scan3A_8 : i32
    %scan3A_10 = arith.constant 1 : i32
    scf.for %scan3A_35 = %scan3A_7 to %scan3A_9 step %scan3A_10  : i32 {
      %mul3A_36 = arith.constant 640 : i32
      %mul3A_37 = arith.muli %arg1, %mul3A_36 : i32
      %mul3A_38 = arith.constant 32 : i32
      %mul3A_39 = arith.muli %scan3A_35, %mul3A_38 : i32
      %add3A_40 = arith.addi %mul3A_37, %mul3A_39 : i32
      "tpu.region"() ({
        %run_scoped3A = tpu.sem_alloc : memref<!tpu.dma_semaphore, #tpu.memory_space<semaphore_mem>>
        %dma_start3A_41 = arith.constant 0 : i32
        %dma_start3A_42 = tpu.memref_slice %arg11[%add3A_40, %dma_start3A_41] : memref<10240x128xf32, #tpu.memory_space<vmem_shared>> -> memref<32x128xf32, #tpu.memory_space<vmem_shared>>
        %dma_start3A_43 = arith.constant 0 : i32
        %dma_start3A_44 = tpu.memref_slice %arg11[%add3A_40, %dma_start3A_43] : memref<10240x128xf32, #tpu.memory_space<vmem_shared>> -> memref<32x128xf32, #tpu.memory_space<vmem_shared>>
        tpu.enqueue_dma source(%arg10 : memref<32x128xf32, #tpu.memory_space<vmem>>) target(%dma_start3A_44 : memref<32x128xf32, #tpu.memory_space<vmem_shared>>) target_semaphore(%run_scoped3A : memref<!tpu.dma_semaphore, #tpu.memory_space<semaphore_mem>>)
        %dma_wait3A = arith.constant 0 : i32
        %dma_wait3A_45 = tpu.memref_slice %arg11[%add3A_40, %dma_wait3A] : memref<10240x128xf32, #tpu.memory_space<vmem_shared>> -> memref<32x128xf32, #tpu.memory_space<vmem_shared>>
        %dma_wait3A_46 = arith.constant 0 : i32
        %dma_wait3A_47 = tpu.memref_slice %arg11[%add3A_40, %dma_wait3A_46] : memref<10240x128xf32, #tpu.memory_space<vmem_shared>> -> memref<32x128xf32, #tpu.memory_space<vmem_shared>>
        tpu.wait_dma2 semaphore(%run_scoped3A : memref<!tpu.dma_semaphore, #tpu.memory_space<semaphore_mem>>) src(%arg10 : memref<32x128xf32, #tpu.memory_space<vmem>>) dst(%dma_wait3A_47 : memref<32x128xf32, #tpu.memory_space<vmem_shared>>)
        tpu.yield
      }) : () -> ()
    }
    %scan3A_11 = arith.constant 20 : i32
    %barrier3A = arith.constant 0 : index
    tpu.barrier barrier_id(%barrier3A)
    %mul3A_12 = arith.constant 40 : i32
    %mul3A_13 = arith.muli %add3A, %mul3A_12 : i32
    "tpu.region"() ({
      %run_scoped3A = tpu.sem_alloc : memref<!tpu.dma_semaphore, #tpu.memory_space<semaphore_mem>>
      %dma_start3A_35 = arith.constant 0 : i32
      %dma_start3A_36 = tpu.memref_slice %arg3[%mul3A_13, %dma_start3A_35] : memref<1280x128xi32, #tpu.memory_space<hbm>> -> memref<40x128xi32, #tpu.memory_space<hbm>>
      %dma_start3A_37 = arith.constant 0 : i32
      %dma_start3A_38 = tpu.memref_slice %arg3[%mul3A_13, %dma_start3A_37] : memref<1280x128xi32, #tpu.memory_space<hbm>> -> memref<40x128xi32, #tpu.memory_space<hbm>>
      tpu.enqueue_dma source(%dma_start3A_38 : memref<40x128xi32, #tpu.memory_space<hbm>>) target(%arg6 : memref<40x128xi32, #tpu.memory_space<vmem>>) target_semaphore(%run_scoped3A : memref<!tpu.dma_semaphore, #tpu.memory_space<semaphore_mem>>)
      %dma_wait3A = arith.constant 0 : i32
      %dma_wait3A_39 = tpu.memref_slice %arg3[%mul3A_13, %dma_wait3A] : memref<1280x128xi32, #tpu.memory_space<hbm>> -> memref<40x128xi32, #tpu.memory_space<hbm>>
      %dma_wait3A_40 = arith.constant 0 : i32
      %dma_wait3A_41 = tpu.memref_slice %arg3[%mul3A_13, %dma_wait3A_40] : memref<1280x128xi32, #tpu.memory_space<hbm>> -> memref<40x128xi32, #tpu.memory_space<hbm>>
      tpu.wait_dma2 semaphore(%run_scoped3A : memref<!tpu.dma_semaphore, #tpu.memory_space<semaphore_mem>>) src(%dma_wait3A_41 : memref<40x128xi32, #tpu.memory_space<hbm>>) dst(%arg6 : memref<40x128xi32, #tpu.memory_space<vmem>>)
      tpu.yield
    }) : () -> ()
    %mul3A_14 = arith.constant 40 : i32
    %mul3A_15 = arith.muli %add3A, %mul3A_14 : i32
    "tpu.region"() ({
      %run_scoped3A = tpu.sem_alloc : memref<!tpu.dma_semaphore, #tpu.memory_space<semaphore_mem>>
      %dma_start3A_35 = arith.constant 0 : i32
      %dma_start3A_36 = tpu.memref_slice %arg4[%mul3A_15, %dma_start3A_35] : memref<1280x128xi32, #tpu.memory_space<hbm>> -> memref<40x128xi32, #tpu.memory_space<hbm>>
      %dma_start3A_37 = arith.constant 0 : i32
      %dma_start3A_38 = tpu.memref_slice %arg4[%mul3A_15, %dma_start3A_37] : memref<1280x128xi32, #tpu.memory_space<hbm>> -> memref<40x128xi32, #tpu.memory_space<hbm>>
      tpu.enqueue_dma source(%dma_start3A_38 : memref<40x128xi32, #tpu.memory_space<hbm>>) target(%arg7 : memref<40x128xi32, #tpu.memory_space<vmem>>) target_semaphore(%run_scoped3A : memref<!tpu.dma_semaphore, #tpu.memory_space<semaphore_mem>>)
      %dma_wait3A = arith.constant 0 : i32
      %dma_wait3A_39 = tpu.memref_slice %arg4[%mul3A_15, %dma_wait3A] : memref<1280x128xi32, #tpu.memory_space<hbm>> -> memref<40x128xi32, #tpu.memory_space<hbm>>
      %dma_wait3A_40 = arith.constant 0 : i32
      %dma_wait3A_41 = tpu.memref_slice %arg4[%mul3A_15, %dma_wait3A_40] : memref<1280x128xi32, #tpu.memory_space<hbm>> -> memref<40x128xi32, #tpu.memory_space<hbm>>
      tpu.wait_dma2 semaphore(%run_scoped3A : memref<!tpu.dma_semaphore, #tpu.memory_space<semaphore_mem>>) src(%dma_wait3A_41 : memref<40x128xi32, #tpu.memory_space<hbm>>) dst(%arg7 : memref<40x128xi32, #tpu.memory_space<vmem>>)
      tpu.yield
    }) : () -> ()
    %dma_start3A = arith.constant 0 : i32
    %dma_start3A_16 = arith.constant 0 : i32
    %dma_start3A_17 = tpu.memref_slice %arg6[%dma_start3A, %dma_start3A_16] : memref<40x128xi32, #tpu.memory_space<vmem>> -> memref<1x128xi32, #tpu.memory_space<vmem>>
    %dma_start3A_18 = tpu.memref_squeeze %dma_start3A_17 : memref<1x128xi32, #tpu.memory_space<vmem>> -> memref<128xi32, #tpu.memory_space<vmem>>
    %dma_start3A_19 = arith.constant 0 : i32
    %dma_start3A_20 = arith.constant 0 : i32
    %dma_start3A_21 = tpu.memref_slice %arg2[%dma_start3A_19, %dma_start3A_20] : memref<10240x128xf32, #tpu.memory_space<hbm>> -> memref<10240x128xf32, #tpu.memory_space<hbm>>
    tpu.enqueue_indirect_dma source(%dma_start3A_21 : memref<10240x128xf32, #tpu.memory_space<hbm>>) target(%arg8 : memref<128x128xf32, #tpu.memory_space<vmem>>) offsets(%dma_start3A_18 : memref<128xi32, #tpu.memory_space<vmem>>) semaphore(%arg12 : memref<!tpu.dma_semaphore, #tpu.memory_space<semaphore_mem>>)
    %scan3A_22 = arith.constant 0 : i32
    %scan3A_23 = arith.constant 0 : i32
    %scan3A_24 = arith.constant 20 : i32
    %scan3A_25 = arith.addi %scan3A_23, %scan3A_24 : i32
    %scan3A_26 = arith.constant 1 : i32
    scf.for %scan3A_35 = %scan3A_23 to %scan3A_25 step %scan3A_26  : i32 {
      %mul3A_36 = arith.constant 2 : i32
      %mul3A_37 = arith.muli %scan3A_35, %mul3A_36 : i32
      %add3A_38 = arith.constant 1 : i32
      %add3A_39 = arith.addi %mul3A_37, %add3A_38 : i32
      %dma_start3A_40 = arith.constant 0 : i32
      %dma_start3A_41 = tpu.memref_slice %arg6[%add3A_39, %dma_start3A_40] : memref<40x128xi32, #tpu.memory_space<vmem>> -> memref<1x128xi32, #tpu.memory_space<vmem>>
      %dma_start3A_42 = tpu.memref_squeeze %dma_start3A_41 : memref<1x128xi32, #tpu.memory_space<vmem>> -> memref<128xi32, #tpu.memory_space<vmem>>
      %dma_start3A_43 = arith.constant 0 : i32
      %dma_start3A_44 = arith.constant 0 : i32
      %dma_start3A_45 = tpu.memref_slice %arg2[%dma_start3A_43, %dma_start3A_44] : memref<10240x128xf32, #tpu.memory_space<hbm>> -> memref<10240x128xf32, #tpu.memory_space<hbm>>
      tpu.enqueue_indirect_dma source(%dma_start3A_45 : memref<10240x128xf32, #tpu.memory_space<hbm>>) target(%arg9 : memref<128x128xf32, #tpu.memory_space<vmem>>) offsets(%dma_start3A_42 : memref<128xi32, #tpu.memory_space<vmem>>) semaphore(%arg13 : memref<!tpu.dma_semaphore, #tpu.memory_space<semaphore_mem>>)
      %dma_wait3A = arith.constant 0 : i32
      %dma_wait3A_46 = tpu.memref_slice %arg6[%mul3A_37, %dma_wait3A] : memref<40x128xi32, #tpu.memory_space<vmem>> -> memref<1x128xi32, #tpu.memory_space<vmem>>
      %dma_wait3A_47 = tpu.memref_squeeze %dma_wait3A_46 : memref<1x128xi32, #tpu.memory_space<vmem>> -> memref<128xi32, #tpu.memory_space<vmem>>
      %dma_wait3A_48 = arith.constant 0 : i32
      %dma_wait3A_49 = arith.constant 0 : i32
      %dma_wait3A_50 = tpu.memref_slice %arg2[%dma_wait3A_48, %dma_wait3A_49] : memref<10240x128xf32, #tpu.memory_space<hbm>> -> memref<10240x128xf32, #tpu.memory_space<hbm>>
      tpu.wait_indirect_dma semaphore(%arg12 : memref<!tpu.dma_semaphore, #tpu.memory_space<semaphore_mem>>) src(%dma_wait3A_50 : memref<10240x128xf32, #tpu.memory_space<hbm>>) dst(%arg8 : memref<128x128xf32, #tpu.memory_space<vmem>>)
      "tpu.region"() ({
        %run_scoped3A = tpu.sem_alloc : memref<!tpu.dma_semaphore, #tpu.memory_space<semaphore_mem>>
        %dma_start3A_65 = arith.constant 0 : i32
        %dma_start3A_66 = tpu.memref_slice %arg7[%mul3A_37, %dma_start3A_65] : memref<40x128xi32, #tpu.memory_space<vmem>> -> memref<1x128xi32, #tpu.memory_space<vmem>>
        %dma_start3A_67 = tpu.memref_squeeze %dma_start3A_66 : memref<1x128xi32, #tpu.memory_space<vmem>> -> memref<128xi32, #tpu.memory_space<vmem>>
        %dma_start3A_68 = arith.constant 0 : i32
        %dma_start3A_69 = arith.constant 0 : i32
        %dma_start3A_70 = tpu.memref_slice %arg11[%dma_start3A_68, %dma_start3A_69] : memref<10240x128xf32, #tpu.memory_space<vmem_shared>> -> memref<10240x128xf32, #tpu.memory_space<vmem_shared>>
        tpu.enqueue_indirect_dma source(%arg8 : memref<128x128xf32, #tpu.memory_space<vmem>>) target(%dma_start3A_70 : memref<10240x128xf32, #tpu.memory_space<vmem_shared>>) offsets(%dma_start3A_67 : memref<128xi32, #tpu.memory_space<vmem>>) semaphore(%run_scoped3A : memref<!tpu.dma_semaphore, #tpu.memory_space<semaphore_mem>>) {add = true}
        %dma_wait3A_71 = arith.constant 0 : i32
        %dma_wait3A_72 = tpu.memref_slice %arg7[%mul3A_37, %dma_wait3A_71] : memref<40x128xi32, #tpu.memory_space<vmem>> -> memref<1x128xi32, #tpu.memory_space<vmem>>
        %dma_wait3A_73 = tpu.memref_squeeze %dma_wait3A_72 : memref<1x128xi32, #tpu.memory_space<vmem>> -> memref<128xi32, #tpu.memory_space<vmem>>
        %dma_wait3A_74 = arith.constant 0 : i32
        %dma_wait3A_75 = arith.constant 0 : i32
        %dma_wait3A_76 = tpu.memref_slice %arg11[%dma_wait3A_74, %dma_wait3A_75] : memref<10240x128xf32, #tpu.memory_space<vmem_shared>> -> memref<10240x128xf32, #tpu.memory_space<vmem_shared>>
        tpu.wait_indirect_dma semaphore(%run_scoped3A : memref<!tpu.dma_semaphore, #tpu.memory_space<semaphore_mem>>) src(%arg8 : memref<128x128xf32, #tpu.memory_space<vmem>>) dst(%dma_wait3A_76 : memref<10240x128xf32, #tpu.memory_space<vmem_shared>>)
        tpu.yield
      }) : () -> ()
      %add3A_51 = arith.constant 2 : i32
      %add3A_52 = arith.addi %mul3A_37, %add3A_51 : i32
      %lt3A = arith.constant 40 : i32
      %lt3A_53 = arith.cmpi slt, %add3A_52, %lt3A : i32
      %convert_element_type3A = arith.extui %lt3A_53 : i1 to i32
      %cond3A = arith.constant 0 : i32
      %cond3A_54 = arith.cmpi ne, %convert_element_type3A, %cond3A : i32
      scf.if %cond3A_54 {
        %add3A_65 = arith.constant 2 : i32
        %add3A_66 = arith.addi %mul3A_37, %add3A_65 : i32
        %dma_start3A_67 = arith.constant 0 : i32
        %dma_start3A_68 = tpu.memref_slice %arg6[%add3A_66, %dma_start3A_67] : memref<40x128xi32, #tpu.memory_space<vmem>> -> memref<1x128xi32, #tpu.memory_space<vmem>>
        %dma_start3A_69 = tpu.memref_squeeze %dma_start3A_68 : memref<1x128xi32, #tpu.memory_space<vmem>> -> memref<128xi32, #tpu.memory_space<vmem>>
        %dma_start3A_70 = arith.constant 0 : i32
        %dma_start3A_71 = arith.constant 0 : i32
        %dma_start3A_72 = tpu.memref_slice %arg2[%dma_start3A_70, %dma_start3A_71] : memref<10240x128xf32, #tpu.memory_space<hbm>> -> memref<10240x128xf32, #tpu.memory_space<hbm>>
        tpu.enqueue_indirect_dma source(%dma_start3A_72 : memref<10240x128xf32, #tpu.memory_space<hbm>>) target(%arg8 : memref<128x128xf32, #tpu.memory_space<vmem>>) offsets(%dma_start3A_69 : memref<128xi32, #tpu.memory_space<vmem>>) semaphore(%arg12 : memref<!tpu.dma_semaphore, #tpu.memory_space<semaphore_mem>>)
      } else {
      }
      %add3A_55 = arith.constant 1 : i32
      %add3A_56 = arith.addi %mul3A_37, %add3A_55 : i32
      %dma_wait3A_57 = arith.constant 0 : i32
      %dma_wait3A_58 = tpu.memref_slice %arg6[%add3A_56, %dma_wait3A_57] : memref<40x128xi32, #tpu.memory_space<vmem>> -> memref<1x128xi32, #tpu.memory_space<vmem>>
      %dma_wait3A_59 = tpu.memref_squeeze %dma_wait3A_58 : memref<1x128xi32, #tpu.memory_space<vmem>> -> memref<128xi32, #tpu.memory_space<vmem>>
      %dma_wait3A_60 = arith.constant 0 : i32
      %dma_wait3A_61 = arith.constant 0 : i32
      %dma_wait3A_62 = tpu.memref_slice %arg2[%dma_wait3A_60, %dma_wait3A_61] : memref<10240x128xf32, #tpu.memory_space<hbm>> -> memref<10240x128xf32, #tpu.memory_space<hbm>>
      tpu.wait_indirect_dma semaphore(%arg13 : memref<!tpu.dma_semaphore, #tpu.memory_space<semaphore_mem>>) src(%dma_wait3A_62 : memref<10240x128xf32, #tpu.memory_space<hbm>>) dst(%arg9 : memref<128x128xf32, #tpu.memory_space<vmem>>)
      %add3A_63 = arith.constant 1 : i32
      %add3A_64 = arith.addi %mul3A_37, %add3A_63 : i32
      "tpu.region"() ({
        %run_scoped3A = tpu.sem_alloc : memref<!tpu.dma_semaphore, #tpu.memory_space<semaphore_mem>>
        %dma_start3A_65 = arith.constant 0 : i32
        %dma_start3A_66 = tpu.memref_slice %arg7[%add3A_64, %dma_start3A_65] : memref<40x128xi32, #tpu.memory_space<vmem>> -> memref<1x128xi32, #tpu.memory_space<vmem>>
        %dma_start3A_67 = tpu.memref_squeeze %dma_start3A_66 : memref<1x128xi32, #tpu.memory_space<vmem>> -> memref<128xi32, #tpu.memory_space<vmem>>
        %dma_start3A_68 = arith.constant 0 : i32
        %dma_start3A_69 = arith.constant 0 : i32
        %dma_start3A_70 = tpu.memref_slice %arg11[%dma_start3A_68, %dma_start3A_69] : memref<10240x128xf32, #tpu.memory_space<vmem_shared>> -> memref<10240x128xf32, #tpu.memory_space<vmem_shared>>
        tpu.enqueue_indirect_dma source(%arg9 : memref<128x128xf32, #tpu.memory_space<vmem>>) target(%dma_start3A_70 : memref<10240x128xf32, #tpu.memory_space<vmem_shared>>) offsets(%dma_start3A_67 : memref<128xi32, #tpu.memory_space<vmem>>) semaphore(%run_scoped3A : memref<!tpu.dma_semaphore, #tpu.memory_space<semaphore_mem>>) {add = true}
        %dma_wait3A_71 = arith.constant 0 : i32
        %dma_wait3A_72 = tpu.memref_slice %arg7[%add3A_64, %dma_wait3A_71] : memref<40x128xi32, #tpu.memory_space<vmem>> -> memref<1x128xi32, #tpu.memory_space<vmem>>
        %dma_wait3A_73 = tpu.memref_squeeze %dma_wait3A_72 : memref<1x128xi32, #tpu.memory_space<vmem>> -> memref<128xi32, #tpu.memory_space<vmem>>
        %dma_wait3A_74 = arith.constant 0 : i32
        %dma_wait3A_75 = arith.constant 0 : i32
        %dma_wait3A_76 = tpu.memref_slice %arg11[%dma_wait3A_74, %dma_wait3A_75] : memref<10240x128xf32, #tpu.memory_space<vmem_shared>> -> memref<10240x128xf32, #tpu.memory_space<vmem_shared>>
        tpu.wait_indirect_dma semaphore(%run_scoped3A : memref<!tpu.dma_semaphore, #tpu.memory_space<semaphore_mem>>) src(%arg9 : memref<128x128xf32, #tpu.memory_space<vmem>>) dst(%dma_wait3A_76 : memref<10240x128xf32, #tpu.memory_space<vmem_shared>>)
        tpu.yield
      }) : () -> ()
    }
    %scan3A_27 = arith.constant 20 : i32
    %barrier3A_28 = arith.constant 0 : index
    tpu.barrier barrier_id(%barrier3A_28)
    %scan3A_29 = arith.constant 0 : i32
    %scan3A_30 = arith.constant 0 : i32
    %scan3A_31 = arith.constant 20 : i32
    %scan3A_32 = arith.addi %scan3A_30, %scan3A_31 : i32
    %scan3A_33 = arith.constant 1 : i32
    scf.for %scan3A_35 = %scan3A_30 to %scan3A_32 step %scan3A_33  : i32 {
      %mul3A_36 = arith.constant 640 : i32
      %mul3A_37 = arith.muli %arg1, %mul3A_36 : i32
      %mul3A_38 = arith.constant 32 : i32
      %mul3A_39 = arith.muli %scan3A_35, %mul3A_38 : i32
      %add3A_40 = arith.addi %mul3A_37, %mul3A_39 : i32
      "tpu.region"() ({
        %run_scoped3A = tpu.sem_alloc : memref<!tpu.dma_semaphore, #tpu.memory_space<semaphore_mem>>
        %dma_start3A_41 = arith.constant 0 : i32
        %dma_start3A_42 = tpu.memref_slice %arg11[%add3A_40, %dma_start3A_41] : memref<10240x128xf32, #tpu.memory_space<vmem_shared>> -> memref<32x128xf32, #tpu.memory_space<vmem_shared>>
        %dma_start3A_43 = arith.constant 0 : i32
        %dma_start3A_44 = tpu.memref_slice %arg11[%add3A_40, %dma_start3A_43] : memref<10240x128xf32, #tpu.memory_space<vmem_shared>> -> memref<32x128xf32, #tpu.memory_space<vmem_shared>>
        tpu.enqueue_dma source(%dma_start3A_44 : memref<32x128xf32, #tpu.memory_space<vmem_shared>>) target(%arg10 : memref<32x128xf32, #tpu.memory_space<vmem>>) target_semaphore(%run_scoped3A : memref<!tpu.dma_semaphore, #tpu.memory_space<semaphore_mem>>)
        %dma_wait3A = arith.constant 0 : i32
        %dma_wait3A_45 = tpu.memref_slice %arg11[%add3A_40, %dma_wait3A] : memref<10240x128xf32, #tpu.memory_space<vmem_shared>> -> memref<32x128xf32, #tpu.memory_space<vmem_shared>>
        %dma_wait3A_46 = arith.constant 0 : i32
        %dma_wait3A_47 = tpu.memref_slice %arg11[%add3A_40, %dma_wait3A_46] : memref<10240x128xf32, #tpu.memory_space<vmem_shared>> -> memref<32x128xf32, #tpu.memory_space<vmem_shared>>
        tpu.wait_dma2 semaphore(%run_scoped3A : memref<!tpu.dma_semaphore, #tpu.memory_space<semaphore_mem>>) src(%dma_wait3A_47 : memref<32x128xf32, #tpu.memory_space<vmem_shared>>) dst(%arg10 : memref<32x128xf32, #tpu.memory_space<vmem>>)
        tpu.yield
      }) : () -> ()
      "tpu.region"() ({
        %run_scoped3A = tpu.sem_alloc : memref<!tpu.dma_semaphore, #tpu.memory_space<semaphore_mem>>
        %dma_start3A_41 = arith.constant 0 : i32
        %dma_start3A_42 = tpu.memref_slice %arg5[%arg0, %add3A_40, %dma_start3A_41] : memref<2x10240x128xf32, #tpu.memory_space<hbm>> -> memref<1x32x128xf32, #tpu.memory_space<hbm>>
        %dma_start3A_43 = tpu.memref_squeeze %dma_start3A_42 : memref<1x32x128xf32, #tpu.memory_space<hbm>> -> memref<32x128xf32, #tpu.memory_space<hbm>>
        %dma_start3A_44 = arith.constant 0 : i32
        %dma_start3A_45 = tpu.memref_slice %arg5[%arg0, %add3A_40, %dma_start3A_44] : memref<2x10240x128xf32, #tpu.memory_space<hbm>> -> memref<1x32x128xf32, #tpu.memory_space<hbm>>
        %dma_start3A_46 = tpu.memref_squeeze %dma_start3A_45 : memref<1x32x128xf32, #tpu.memory_space<hbm>> -> memref<32x128xf32, #tpu.memory_space<hbm>>
        tpu.enqueue_dma source(%arg10 : memref<32x128xf32, #tpu.memory_space<vmem>>) target(%dma_start3A_46 : memref<32x128xf32, #tpu.memory_space<hbm>>) target_semaphore(%run_scoped3A : memref<!tpu.dma_semaphore, #tpu.memory_space<semaphore_mem>>)
        %dma_wait3A = arith.constant 0 : i32
        %dma_wait3A_47 = tpu.memref_slice %arg5[%arg0, %add3A_40, %dma_wait3A] : memref<2x10240x128xf32, #tpu.memory_space<hbm>> -> memref<1x32x128xf32, #tpu.memory_space<hbm>>
        %dma_wait3A_48 = tpu.memref_squeeze %dma_wait3A_47 : memref<1x32x128xf32, #tpu.memory_space<hbm>> -> memref<32x128xf32, #tpu.memory_space<hbm>>
        %dma_wait3A_49 = arith.constant 0 : i32
        %dma_wait3A_50 = tpu.memref_slice %arg5[%arg0, %add3A_40, %dma_wait3A_49] : memref<2x10240x128xf32, #tpu.memory_space<hbm>> -> memref<1x32x128xf32, #tpu.memory_space<hbm>>
        %dma_wait3A_51 = tpu.memref_squeeze %dma_wait3A_50 : memref<1x32x128xf32, #tpu.memory_space<hbm>> -> memref<32x128xf32, #tpu.memory_space<hbm>>
        tpu.wait_dma2 semaphore(%run_scoped3A : memref<!tpu.dma_semaphore, #tpu.memory_space<semaphore_mem>>) src(%arg10 : memref<32x128xf32, #tpu.memory_space<vmem>>) dst(%dma_wait3A_51 : memref<32x128xf32, #tpu.memory_space<hbm>>)
        tpu.yield
      }) : () -> ()
    }
    %scan3A_34 = arith.constant 20 : i32
    return
  }
}

#map = affine_map<(d0, d1) -> (0, 0)>
#map1 = affine_map<(d0, d1) -> (0, 0, 0)>
module attributes {stable_mosaic.version = 14 : i64} {
  func.func @k(%arg0: i32, %arg1: i32, %arg2: memref<1280x128xi32, #tpu.memory_space<hbm>>, %arg3: memref<2x10240x128xf32, #tpu.memory_space<hbm>>, %arg4: memref<40x128xi32, #tpu.memory_space<vmem>>, %arg5: memref<128x128xf32, #tpu.memory_space<vmem>>, %arg6: memref<32x128xf32, #tpu.memory_space<vmem>>, %arg7: memref<10240x128xf32, #tpu.memory_space<vmem_shared>>) attributes {dimension_semantics = [#tpu.dimension_semantics<core_parallel>, #tpu.dimension_semantics<subcore_parallel>], iteration_bounds = array<i64: 2, 16>, scalar_prefetch = 0 : i64, scratch_operands = 4 : i64, tpu.core_type = #tpu.core_type<sc_vector_subcore>, window_params = [{transform_indices = #map}, {transform_indices = #map1}]} {
    %mul3A = arith.constant 16 : i32
    %mul3A_0 = arith.muli %arg0, %mul3A : i32
    %add3A = arith.addi %mul3A_0, %arg1 : i32
    %scan3A = arith.constant 0 : i32
    %scan3A_1 = arith.constant 0 : i32
    %scan3A_2 = arith.constant 128 : i32
    %scan3A_3 = arith.addi %scan3A_1, %scan3A_2 : i32
    %scan3A_4 = arith.constant 1 : i32
    scf.for %scan3A_33 = %scan3A_1 to %scan3A_3 step %scan3A_4  : i32 {
      %broadcast_in_dim3A = arith.constant 1.000000e+00 : f32
      %broadcast_in_dim3A_34 = vector.broadcast %broadcast_in_dim3A : f32 to vector<16xf32>
      %swap3A = arith.index_cast %scan3A_33 : i32 to index
      %swap3A_35 = arith.constant 0 : index
      %swap3A_36 = tpu.vector_load %arg5[%swap3A, %swap3A_35] {strides = array<i32>} : memref<128x128xf32, #tpu.memory_space<vmem>>, vector<1x16xf32>,
      %swap3A_37 = vector.shape_cast %swap3A_36 : vector<1x16xf32> to vector<16xf32>
      %swap3A_38 = vector.shape_cast %broadcast_in_dim3A_34 : vector<16xf32> to vector<1x16xf32>
      tpu.vector_store %arg5[%swap3A, %swap3A_35], %swap3A_38 {strides = array<i32>} : memref<128x128xf32, #tpu.memory_space<vmem>>, vector<1x16xf32>,
      %broadcast_in_dim3A_39 = arith.constant 1.000000e+00 : f32
      %broadcast_in_dim3A_40 = vector.broadcast %broadcast_in_dim3A_39 : f32 to vector<16xf32>
      %swap3A_41 = arith.index_cast %scan3A_33 : i32 to index
      %swap3A_42 = arith.constant 16 : index
      %swap3A_43 = tpu.vector_load %arg5[%swap3A_41, %swap3A_42] {strides = array<i32>} : memref<128x128xf32, #tpu.memory_space<vmem>>, vector<1x16xf32>,
      %swap3A_44 = vector.shape_cast %swap3A_43 : vector<1x16xf32> to vector<16xf32>
      %swap3A_45 = vector.shape_cast %broadcast_in_dim3A_40 : vector<16xf32> to vector<1x16xf32>
      tpu.vector_store %arg5[%swap3A_41, %swap3A_42], %swap3A_45 {strides = array<i32>} : memref<128x128xf32, #tpu.memory_space<vmem>>, vector<1x16xf32>,
      %broadcast_in_dim3A_46 = arith.constant 1.000000e+00 : f32
      %broadcast_in_dim3A_47 = vector.broadcast %broadcast_in_dim3A_46 : f32 to vector<16xf32>
      %swap3A_48 = arith.index_cast %scan3A_33 : i32 to index
      %swap3A_49 = arith.constant 32 : index
      %swap3A_50 = tpu.vector_load %arg5[%swap3A_48, %swap3A_49] {strides = array<i32>} : memref<128x128xf32, #tpu.memory_space<vmem>>, vector<1x16xf32>,
      %swap3A_51 = vector.shape_cast %swap3A_50 : vector<1x16xf32> to vector<16xf32>
      %swap3A_52 = vector.shape_cast %broadcast_in_dim3A_47 : vector<16xf32> to vector<1x16xf32>
      tpu.vector_store %arg5[%swap3A_48, %swap3A_49], %swap3A_52 {strides = array<i32>} : memref<128x128xf32, #tpu.memory_space<vmem>>, vector<1x16xf32>,
      %broadcast_in_dim3A_53 = arith.constant 1.000000e+00 : f32
      %broadcast_in_dim3A_54 = vector.broadcast %broadcast_in_dim3A_53 : f32 to vector<16xf32>
      %swap3A_55 = arith.index_cast %scan3A_33 : i32 to index
      %swap3A_56 = arith.constant 48 : index
      %swap3A_57 = tpu.vector_load %arg5[%swap3A_55, %swap3A_56] {strides = array<i32>} : memref<128x128xf32, #tpu.memory_space<vmem>>, vector<1x16xf32>,
      %swap3A_58 = vector.shape_cast %swap3A_57 : vector<1x16xf32> to vector<16xf32>
      %swap3A_59 = vector.shape_cast %broadcast_in_dim3A_54 : vector<16xf32> to vector<1x16xf32>
      tpu.vector_store %arg5[%swap3A_55, %swap3A_56], %swap3A_59 {strides = array<i32>} : memref<128x128xf32, #tpu.memory_space<vmem>>, vector<1x16xf32>,
      %broadcast_in_dim3A_60 = arith.constant 1.000000e+00 : f32
      %broadcast_in_dim3A_61 = vector.broadcast %broadcast_in_dim3A_60 : f32 to vector<16xf32>
      %swap3A_62 = arith.index_cast %scan3A_33 : i32 to index
      %swap3A_63 = arith.constant 64 : index
      %swap3A_64 = tpu.vector_load %arg5[%swap3A_62, %swap3A_63] {strides = array<i32>} : memref<128x128xf32, #tpu.memory_space<vmem>>, vector<1x16xf32>,
      %swap3A_65 = vector.shape_cast %swap3A_64 : vector<1x16xf32> to vector<16xf32>
      %swap3A_66 = vector.shape_cast %broadcast_in_dim3A_61 : vector<16xf32> to vector<1x16xf32>
      tpu.vector_store %arg5[%swap3A_62, %swap3A_63], %swap3A_66 {strides = array<i32>} : memref<128x128xf32, #tpu.memory_space<vmem>>, vector<1x16xf32>,
      %broadcast_in_dim3A_67 = arith.constant 1.000000e+00 : f32
      %broadcast_in_dim3A_68 = vector.broadcast %broadcast_in_dim3A_67 : f32 to vector<16xf32>
      %swap3A_69 = arith.index_cast %scan3A_33 : i32 to index
      %swap3A_70 = arith.constant 80 : index
      %swap3A_71 = tpu.vector_load %arg5[%swap3A_69, %swap3A_70] {strides = array<i32>} : memref<128x128xf32, #tpu.memory_space<vmem>>, vector<1x16xf32>,
      %swap3A_72 = vector.shape_cast %swap3A_71 : vector<1x16xf32> to vector<16xf32>
      %swap3A_73 = vector.shape_cast %broadcast_in_dim3A_68 : vector<16xf32> to vector<1x16xf32>
      tpu.vector_store %arg5[%swap3A_69, %swap3A_70], %swap3A_73 {strides = array<i32>} : memref<128x128xf32, #tpu.memory_space<vmem>>, vector<1x16xf32>,
      %broadcast_in_dim3A_74 = arith.constant 1.000000e+00 : f32
      %broadcast_in_dim3A_75 = vector.broadcast %broadcast_in_dim3A_74 : f32 to vector<16xf32>
      %swap3A_76 = arith.index_cast %scan3A_33 : i32 to index
      %swap3A_77 = arith.constant 96 : index
      %swap3A_78 = tpu.vector_load %arg5[%swap3A_76, %swap3A_77] {strides = array<i32>} : memref<128x128xf32, #tpu.memory_space<vmem>>, vector<1x16xf32>,
      %swap3A_79 = vector.shape_cast %swap3A_78 : vector<1x16xf32> to vector<16xf32>
      %swap3A_80 = vector.shape_cast %broadcast_in_dim3A_75 : vector<16xf32> to vector<1x16xf32>
      tpu.vector_store %arg5[%swap3A_76, %swap3A_77], %swap3A_80 {strides = array<i32>} : memref<128x128xf32, #tpu.memory_space<vmem>>, vector<1x16xf32>,
      %broadcast_in_dim3A_81 = arith.constant 1.000000e+00 : f32
      %broadcast_in_dim3A_82 = vector.broadcast %broadcast_in_dim3A_81 : f32 to vector<16xf32>
      %swap3A_83 = arith.index_cast %scan3A_33 : i32 to index
      %swap3A_84 = arith.constant 112 : index
      %swap3A_85 = tpu.vector_load %arg5[%swap3A_83, %swap3A_84] {strides = array<i32>} : memref<128x128xf32, #tpu.memory_space<vmem>>, vector<1x16xf32>,
      %swap3A_86 = vector.shape_cast %swap3A_85 : vector<1x16xf32> to vector<16xf32>
      %swap3A_87 = vector.shape_cast %broadcast_in_dim3A_82 : vector<16xf32> to vector<1x16xf32>
      tpu.vector_store %arg5[%swap3A_83, %swap3A_84], %swap3A_87 {strides = array<i32>} : memref<128x128xf32, #tpu.memory_space<vmem>>, vector<1x16xf32>,
    }
    %scan3A_5 = arith.constant 128 : i32
    %scan3A_6 = arith.constant 0 : i32
    %scan3A_7 = arith.constant 0 : i32
    %scan3A_8 = arith.constant 32 : i32
    %scan3A_9 = arith.addi %scan3A_7, %scan3A_8 : i32
    %scan3A_10 = arith.constant 1 : i32
    scf.for %scan3A_33 = %scan3A_7 to %scan3A_9 step %scan3A_10  : i32 {
      %broadcast_in_dim3A = arith.constant 0.000000e+00 : f32
      %broadcast_in_dim3A_34 = vector.broadcast %broadcast_in_dim3A : f32 to vector<16xf32>
      %swap3A = arith.index_cast %scan3A_33 : i32 to index
      %swap3A_35 = arith.constant 0 : index
      %swap3A_36 = tpu.vector_load %arg6[%swap3A, %swap3A_35] {strides = array<i32>} : memref<32x128xf32, #tpu.memory_space<vmem>>, vector<1x16xf32>,
      %swap3A_37 = vector.shape_cast %swap3A_36 : vector<1x16xf32> to vector<16xf32>
      %swap3A_38 = vector.shape_cast %broadcast_in_dim3A_34 : vector<16xf32> to vector<1x16xf32>
      tpu.vector_store %arg6[%swap3A, %swap3A_35], %swap3A_38 {strides = array<i32>} : memref<32x128xf32, #tpu.memory_space<vmem>>, vector<1x16xf32>,
      %broadcast_in_dim3A_39 = arith.constant 0.000000e+00 : f32
      %broadcast_in_dim3A_40 = vector.broadcast %broadcast_in_dim3A_39 : f32 to vector<16xf32>
      %swap3A_41 = arith.index_cast %scan3A_33 : i32 to index
      %swap3A_42 = arith.constant 16 : index
      %swap3A_43 = tpu.vector_load %arg6[%swap3A_41, %swap3A_42] {strides = array<i32>} : memref<32x128xf32, #tpu.memory_space<vmem>>, vector<1x16xf32>,
      %swap3A_44 = vector.shape_cast %swap3A_43 : vector<1x16xf32> to vector<16xf32>
      %swap3A_45 = vector.shape_cast %broadcast_in_dim3A_40 : vector<16xf32> to vector<1x16xf32>
      tpu.vector_store %arg6[%swap3A_41, %swap3A_42], %swap3A_45 {strides = array<i32>} : memref<32x128xf32, #tpu.memory_space<vmem>>, vector<1x16xf32>,
      %broadcast_in_dim3A_46 = arith.constant 0.000000e+00 : f32
      %broadcast_in_dim3A_47 = vector.broadcast %broadcast_in_dim3A_46 : f32 to vector<16xf32>
      %swap3A_48 = arith.index_cast %scan3A_33 : i32 to index
      %swap3A_49 = arith.constant 32 : index
      %swap3A_50 = tpu.vector_load %arg6[%swap3A_48, %swap3A_49] {strides = array<i32>} : memref<32x128xf32, #tpu.memory_space<vmem>>, vector<1x16xf32>,
      %swap3A_51 = vector.shape_cast %swap3A_50 : vector<1x16xf32> to vector<16xf32>
      %swap3A_52 = vector.shape_cast %broadcast_in_dim3A_47 : vector<16xf32> to vector<1x16xf32>
      tpu.vector_store %arg6[%swap3A_48, %swap3A_49], %swap3A_52 {strides = array<i32>} : memref<32x128xf32, #tpu.memory_space<vmem>>, vector<1x16xf32>,
      %broadcast_in_dim3A_53 = arith.constant 0.000000e+00 : f32
      %broadcast_in_dim3A_54 = vector.broadcast %broadcast_in_dim3A_53 : f32 to vector<16xf32>
      %swap3A_55 = arith.index_cast %scan3A_33 : i32 to index
      %swap3A_56 = arith.constant 48 : index
      %swap3A_57 = tpu.vector_load %arg6[%swap3A_55, %swap3A_56] {strides = array<i32>} : memref<32x128xf32, #tpu.memory_space<vmem>>, vector<1x16xf32>,
      %swap3A_58 = vector.shape_cast %swap3A_57 : vector<1x16xf32> to vector<16xf32>
      %swap3A_59 = vector.shape_cast %broadcast_in_dim3A_54 : vector<16xf32> to vector<1x16xf32>
      tpu.vector_store %arg6[%swap3A_55, %swap3A_56], %swap3A_59 {strides = array<i32>} : memref<32x128xf32, #tpu.memory_space<vmem>>, vector<1x16xf32>,
      %broadcast_in_dim3A_60 = arith.constant 0.000000e+00 : f32
      %broadcast_in_dim3A_61 = vector.broadcast %broadcast_in_dim3A_60 : f32 to vector<16xf32>
      %swap3A_62 = arith.index_cast %scan3A_33 : i32 to index
      %swap3A_63 = arith.constant 64 : index
      %swap3A_64 = tpu.vector_load %arg6[%swap3A_62, %swap3A_63] {strides = array<i32>} : memref<32x128xf32, #tpu.memory_space<vmem>>, vector<1x16xf32>,
      %swap3A_65 = vector.shape_cast %swap3A_64 : vector<1x16xf32> to vector<16xf32>
      %swap3A_66 = vector.shape_cast %broadcast_in_dim3A_61 : vector<16xf32> to vector<1x16xf32>
      tpu.vector_store %arg6[%swap3A_62, %swap3A_63], %swap3A_66 {strides = array<i32>} : memref<32x128xf32, #tpu.memory_space<vmem>>, vector<1x16xf32>,
      %broadcast_in_dim3A_67 = arith.constant 0.000000e+00 : f32
      %broadcast_in_dim3A_68 = vector.broadcast %broadcast_in_dim3A_67 : f32 to vector<16xf32>
      %swap3A_69 = arith.index_cast %scan3A_33 : i32 to index
      %swap3A_70 = arith.constant 80 : index
      %swap3A_71 = tpu.vector_load %arg6[%swap3A_69, %swap3A_70] {strides = array<i32>} : memref<32x128xf32, #tpu.memory_space<vmem>>, vector<1x16xf32>,
      %swap3A_72 = vector.shape_cast %swap3A_71 : vector<1x16xf32> to vector<16xf32>
      %swap3A_73 = vector.shape_cast %broadcast_in_dim3A_68 : vector<16xf32> to vector<1x16xf32>
      tpu.vector_store %arg6[%swap3A_69, %swap3A_70], %swap3A_73 {strides = array<i32>} : memref<32x128xf32, #tpu.memory_space<vmem>>, vector<1x16xf32>,
      %broadcast_in_dim3A_74 = arith.constant 0.000000e+00 : f32
      %broadcast_in_dim3A_75 = vector.broadcast %broadcast_in_dim3A_74 : f32 to vector<16xf32>
      %swap3A_76 = arith.index_cast %scan3A_33 : i32 to index
      %swap3A_77 = arith.constant 96 : index
      %swap3A_78 = tpu.vector_load %arg6[%swap3A_76, %swap3A_77] {strides = array<i32>} : memref<32x128xf32, #tpu.memory_space<vmem>>, vector<1x16xf32>,
      %swap3A_79 = vector.shape_cast %swap3A_78 : vector<1x16xf32> to vector<16xf32>
      %swap3A_80 = vector.shape_cast %broadcast_in_dim3A_75 : vector<16xf32> to vector<1x16xf32>
      tpu.vector_store %arg6[%swap3A_76, %swap3A_77], %swap3A_80 {strides = array<i32>} : memref<32x128xf32, #tpu.memory_space<vmem>>, vector<1x16xf32>,
      %broadcast_in_dim3A_81 = arith.constant 0.000000e+00 : f32
      %broadcast_in_dim3A_82 = vector.broadcast %broadcast_in_dim3A_81 : f32 to vector<16xf32>
      %swap3A_83 = arith.index_cast %scan3A_33 : i32 to index
      %swap3A_84 = arith.constant 112 : index
      %swap3A_85 = tpu.vector_load %arg6[%swap3A_83, %swap3A_84] {strides = array<i32>} : memref<32x128xf32, #tpu.memory_space<vmem>>, vector<1x16xf32>,
      %swap3A_86 = vector.shape_cast %swap3A_85 : vector<1x16xf32> to vector<16xf32>
      %swap3A_87 = vector.shape_cast %broadcast_in_dim3A_82 : vector<16xf32> to vector<1x16xf32>
      tpu.vector_store %arg6[%swap3A_83, %swap3A_84], %swap3A_87 {strides = array<i32>} : memref<32x128xf32, #tpu.memory_space<vmem>>, vector<1x16xf32>,
    }
    %scan3A_11 = arith.constant 32 : i32
    %scan3A_12 = arith.constant 0 : i32
    %scan3A_13 = arith.constant 0 : i32
    %scan3A_14 = arith.constant 20 : i32
    %scan3A_15 = arith.addi %scan3A_13, %scan3A_14 : i32
    %scan3A_16 = arith.constant 1 : i32
    scf.for %scan3A_33 = %scan3A_13 to %scan3A_15 step %scan3A_16  : i32 {
      %mul3A_34 = arith.constant 640 : i32
      %mul3A_35 = arith.muli %arg1, %mul3A_34 : i32
      %mul3A_36 = arith.constant 32 : i32
      %mul3A_37 = arith.muli %scan3A_33, %mul3A_36 : i32
      %add3A_38 = arith.addi %mul3A_35, %mul3A_37 : i32
      "tpu.region"() ({
        %run_scoped3A = tpu.sem_alloc : memref<!tpu.dma_semaphore, #tpu.memory_space<semaphore_mem>>
        %dma_start3A = arith.constant 0 : i32
        %dma_start3A_39 = tpu.memref_slice %arg7[%add3A_38, %dma_start3A] : memref<10240x128xf32, #tpu.memory_space<vmem_shared>> -> memref<32x128xf32, #tpu.memory_space<vmem_shared>>
        %dma_start3A_40 = arith.constant 0 : i32
        %dma_start3A_41 = tpu.memref_slice %arg7[%add3A_38, %dma_start3A_40] : memref<10240x128xf32, #tpu.memory_space<vmem_shared>> -> memref<32x128xf32, #tpu.memory_space<vmem_shared>>
        tpu.enqueue_dma source(%arg6 : memref<32x128xf32, #tpu.memory_space<vmem>>) target(%dma_start3A_41 : memref<32x128xf32, #tpu.memory_space<vmem_shared>>) target_semaphore(%run_scoped3A : memref<!tpu.dma_semaphore, #tpu.memory_space<semaphore_mem>>)
        %dma_wait3A = arith.constant 0 : i32
        %dma_wait3A_42 = tpu.memref_slice %arg7[%add3A_38, %dma_wait3A] : memref<10240x128xf32, #tpu.memory_space<vmem_shared>> -> memref<32x128xf32, #tpu.memory_space<vmem_shared>>
        %dma_wait3A_43 = arith.constant 0 : i32
        %dma_wait3A_44 = tpu.memref_slice %arg7[%add3A_38, %dma_wait3A_43] : memref<10240x128xf32, #tpu.memory_space<vmem_shared>> -> memref<32x128xf32, #tpu.memory_space<vmem_shared>>
        tpu.wait_dma2 semaphore(%run_scoped3A : memref<!tpu.dma_semaphore, #tpu.memory_space<semaphore_mem>>) src(%arg6 : memref<32x128xf32, #tpu.memory_space<vmem>>) dst(%dma_wait3A_44 : memref<32x128xf32, #tpu.memory_space<vmem_shared>>)
        tpu.yield
      }) : () -> ()
    }
    %scan3A_17 = arith.constant 20 : i32
    %barrier3A = arith.constant 0 : index
    tpu.barrier barrier_id(%barrier3A)
    %mul3A_18 = arith.constant 40 : i32
    %mul3A_19 = arith.muli %add3A, %mul3A_18 : i32
    "tpu.region"() ({
      %run_scoped3A = tpu.sem_alloc : memref<!tpu.dma_semaphore, #tpu.memory_space<semaphore_mem>>
      %dma_start3A = arith.constant 0 : i32
      %dma_start3A_33 = tpu.memref_slice %arg2[%mul3A_19, %dma_start3A] : memref<1280x128xi32, #tpu.memory_space<hbm>> -> memref<40x128xi32, #tpu.memory_space<hbm>>
      %dma_start3A_34 = arith.constant 0 : i32
      %dma_start3A_35 = tpu.memref_slice %arg2[%mul3A_19, %dma_start3A_34] : memref<1280x128xi32, #tpu.memory_space<hbm>> -> memref<40x128xi32, #tpu.memory_space<hbm>>
      tpu.enqueue_dma source(%dma_start3A_35 : memref<40x128xi32, #tpu.memory_space<hbm>>) target(%arg4 : memref<40x128xi32, #tpu.memory_space<vmem>>) target_semaphore(%run_scoped3A : memref<!tpu.dma_semaphore, #tpu.memory_space<semaphore_mem>>)
      %dma_wait3A = arith.constant 0 : i32
      %dma_wait3A_36 = tpu.memref_slice %arg2[%mul3A_19, %dma_wait3A] : memref<1280x128xi32, #tpu.memory_space<hbm>> -> memref<40x128xi32, #tpu.memory_space<hbm>>
      %dma_wait3A_37 = arith.constant 0 : i32
      %dma_wait3A_38 = tpu.memref_slice %arg2[%mul3A_19, %dma_wait3A_37] : memref<1280x128xi32, #tpu.memory_space<hbm>> -> memref<40x128xi32, #tpu.memory_space<hbm>>
      tpu.wait_dma2 semaphore(%run_scoped3A : memref<!tpu.dma_semaphore, #tpu.memory_space<semaphore_mem>>) src(%dma_wait3A_38 : memref<40x128xi32, #tpu.memory_space<hbm>>) dst(%arg4 : memref<40x128xi32, #tpu.memory_space<vmem>>)
      tpu.yield
    }) : () -> ()
    %scan3A_20 = arith.constant 0 : i32
    %scan3A_21 = arith.constant 0 : i32
    %scan3A_22 = arith.constant 40 : i32
    %scan3A_23 = arith.addi %scan3A_21, %scan3A_22 : i32
    %scan3A_24 = arith.constant 1 : i32
    scf.for %scan3A_33 = %scan3A_21 to %scan3A_23 step %scan3A_24  : i32 {
      "tpu.region"() ({
        %run_scoped3A = tpu.sem_alloc : memref<!tpu.dma_semaphore, #tpu.memory_space<semaphore_mem>>
        %dma_start3A = arith.constant 0 : i32
        %dma_start3A_34 = tpu.memref_slice %arg4[%scan3A_33, %dma_start3A] : memref<40x128xi32, #tpu.memory_space<vmem>> -> memref<1x128xi32, #tpu.memory_space<vmem>>
        %dma_start3A_35 = tpu.memref_squeeze %dma_start3A_34 : memref<1x128xi32, #tpu.memory_space<vmem>> -> memref<128xi32, #tpu.memory_space<vmem>>
        %dma_start3A_36 = arith.constant 0 : i32
        %dma_start3A_37 = arith.constant 0 : i32
        %dma_start3A_38 = tpu.memref_slice %arg7[%dma_start3A_36, %dma_start3A_37] : memref<10240x128xf32, #tpu.memory_space<vmem_shared>> -> memref<10240x128xf32, #tpu.memory_space<vmem_shared>>
        tpu.enqueue_indirect_dma source(%arg5 : memref<128x128xf32, #tpu.memory_space<vmem>>) target(%dma_start3A_38 : memref<10240x128xf32, #tpu.memory_space<vmem_shared>>) offsets(%dma_start3A_35 : memref<128xi32, #tpu.memory_space<vmem>>) semaphore(%run_scoped3A : memref<!tpu.dma_semaphore, #tpu.memory_space<semaphore_mem>>) {add = true}
        %dma_wait3A = arith.constant 0 : i32
        %dma_wait3A_39 = tpu.memref_slice %arg4[%scan3A_33, %dma_wait3A] : memref<40x128xi32, #tpu.memory_space<vmem>> -> memref<1x128xi32, #tpu.memory_space<vmem>>
        %dma_wait3A_40 = tpu.memref_squeeze %dma_wait3A_39 : memref<1x128xi32, #tpu.memory_space<vmem>> -> memref<128xi32, #tpu.memory_space<vmem>>
        %dma_wait3A_41 = arith.constant 0 : i32
        %dma_wait3A_42 = arith.constant 0 : i32
        %dma_wait3A_43 = tpu.memref_slice %arg7[%dma_wait3A_41, %dma_wait3A_42] : memref<10240x128xf32, #tpu.memory_space<vmem_shared>> -> memref<10240x128xf32, #tpu.memory_space<vmem_shared>>
        tpu.wait_indirect_dma semaphore(%run_scoped3A : memref<!tpu.dma_semaphore, #tpu.memory_space<semaphore_mem>>) src(%arg5 : memref<128x128xf32, #tpu.memory_space<vmem>>) dst(%dma_wait3A_43 : memref<10240x128xf32, #tpu.memory_space<vmem_shared>>)
        tpu.yield
      }) : () -> ()
    }
    %scan3A_25 = arith.constant 40 : i32
    %barrier3A_26 = arith.constant 0 : index
    tpu.barrier barrier_id(%barrier3A_26)
    %scan3A_27 = arith.constant 0 : i32
    %scan3A_28 = arith.constant 0 : i32
    %scan3A_29 = arith.constant 20 : i32
    %scan3A_30 = arith.addi %scan3A_28, %scan3A_29 : i32
    %scan3A_31 = arith.constant 1 : i32
    scf.for %scan3A_33 = %scan3A_28 to %scan3A_30 step %scan3A_31  : i32 {
      %mul3A_34 = arith.constant 640 : i32
      %mul3A_35 = arith.muli %arg1, %mul3A_34 : i32
      %mul3A_36 = arith.constant 32 : i32
      %mul3A_37 = arith.muli %scan3A_33, %mul3A_36 : i32
      %add3A_38 = arith.addi %mul3A_35, %mul3A_37 : i32
      "tpu.region"() ({
        %run_scoped3A = tpu.sem_alloc : memref<!tpu.dma_semaphore, #tpu.memory_space<semaphore_mem>>
        %dma_start3A = arith.constant 0 : i32
        %dma_start3A_39 = tpu.memref_slice %arg7[%add3A_38, %dma_start3A] : memref<10240x128xf32, #tpu.memory_space<vmem_shared>> -> memref<32x128xf32, #tpu.memory_space<vmem_shared>>
        %dma_start3A_40 = arith.constant 0 : i32
        %dma_start3A_41 = tpu.memref_slice %arg7[%add3A_38, %dma_start3A_40] : memref<10240x128xf32, #tpu.memory_space<vmem_shared>> -> memref<32x128xf32, #tpu.memory_space<vmem_shared>>
        tpu.enqueue_dma source(%dma_start3A_41 : memref<32x128xf32, #tpu.memory_space<vmem_shared>>) target(%arg6 : memref<32x128xf32, #tpu.memory_space<vmem>>) target_semaphore(%run_scoped3A : memref<!tpu.dma_semaphore, #tpu.memory_space<semaphore_mem>>)
        %dma_wait3A = arith.constant 0 : i32
        %dma_wait3A_42 = tpu.memref_slice %arg7[%add3A_38, %dma_wait3A] : memref<10240x128xf32, #tpu.memory_space<vmem_shared>> -> memref<32x128xf32, #tpu.memory_space<vmem_shared>>
        %dma_wait3A_43 = arith.constant 0 : i32
        %dma_wait3A_44 = tpu.memref_slice %arg7[%add3A_38, %dma_wait3A_43] : memref<10240x128xf32, #tpu.memory_space<vmem_shared>> -> memref<32x128xf32, #tpu.memory_space<vmem_shared>>
        tpu.wait_dma2 semaphore(%run_scoped3A : memref<!tpu.dma_semaphore, #tpu.memory_space<semaphore_mem>>) src(%dma_wait3A_44 : memref<32x128xf32, #tpu.memory_space<vmem_shared>>) dst(%arg6 : memref<32x128xf32, #tpu.memory_space<vmem>>)
        tpu.yield
      }) : () -> ()
      "tpu.region"() ({
        %run_scoped3A = tpu.sem_alloc : memref<!tpu.dma_semaphore, #tpu.memory_space<semaphore_mem>>
        %dma_start3A = arith.constant 0 : i32
        %dma_start3A_39 = tpu.memref_slice %arg3[%arg0, %add3A_38, %dma_start3A] : memref<2x10240x128xf32, #tpu.memory_space<hbm>> -> memref<1x32x128xf32, #tpu.memory_space<hbm>>
        %dma_start3A_40 = tpu.memref_squeeze %dma_start3A_39 : memref<1x32x128xf32, #tpu.memory_space<hbm>> -> memref<32x128xf32, #tpu.memory_space<hbm>>
        %dma_start3A_41 = arith.constant 0 : i32
        %dma_start3A_42 = tpu.memref_slice %arg3[%arg0, %add3A_38, %dma_start3A_41] : memref<2x10240x128xf32, #tpu.memory_space<hbm>> -> memref<1x32x128xf32, #tpu.memory_space<hbm>>
        %dma_start3A_43 = tpu.memref_squeeze %dma_start3A_42 : memref<1x32x128xf32, #tpu.memory_space<hbm>> -> memref<32x128xf32, #tpu.memory_space<hbm>>
        tpu.enqueue_dma source(%arg6 : memref<32x128xf32, #tpu.memory_space<vmem>>) target(%dma_start3A_43 : memref<32x128xf32, #tpu.memory_space<hbm>>) target_semaphore(%run_scoped3A : memref<!tpu.dma_semaphore, #tpu.memory_space<semaphore_mem>>)
        %dma_wait3A = arith.constant 0 : i32
        %dma_wait3A_44 = tpu.memref_slice %arg3[%arg0, %add3A_38, %dma_wait3A] : memref<2x10240x128xf32, #tpu.memory_space<hbm>> -> memref<1x32x128xf32, #tpu.memory_space<hbm>>
        %dma_wait3A_45 = tpu.memref_squeeze %dma_wait3A_44 : memref<1x32x128xf32, #tpu.memory_space<hbm>> -> memref<32x128xf32, #tpu.memory_space<hbm>>
        %dma_wait3A_46 = arith.constant 0 : i32
        %dma_wait3A_47 = tpu.memref_slice %arg3[%arg0, %add3A_38, %dma_wait3A_46] : memref<2x10240x128xf32, #tpu.memory_space<hbm>> -> memref<1x32x128xf32, #tpu.memory_space<hbm>>
        %dma_wait3A_48 = tpu.memref_squeeze %dma_wait3A_47 : memref<1x32x128xf32, #tpu.memory_space<hbm>> -> memref<32x128xf32, #tpu.memory_space<hbm>>
        tpu.wait_dma2 semaphore(%run_scoped3A : memref<!tpu.dma_semaphore, #tpu.memory_space<semaphore_mem>>) src(%arg6 : memref<32x128xf32, #tpu.memory_space<vmem>>) dst(%dma_wait3A_48 : memref<32x128xf32, #tpu.memory_space<hbm>>)
        tpu.yield
      }) : () -> ()
    }
    %scan3A_32 = arith.constant 20 : i32
    return
  }
}

#map = affine_map<(d0, d1) -> (0, 0)>
#map1 = affine_map<(d0, d1) -> (0, 0, 0)>
module attributes {stable_mosaic.version = 14 : i64} {
  func.func @k(%arg0: i32, %arg1: i32, %arg2: memref<10240x128xf32, #tpu.memory_space<hbm>>, %arg3: memref<1280x128xi32, #tpu.memory_space<hbm>>, %arg4: memref<1280x128xi32, #tpu.memory_space<hbm>>, %arg5: memref<2x10240x128xf32, #tpu.memory_space<hbm>>, %arg6: memref<40x128xi32, #tpu.memory_space<vmem>>, %arg7: memref<40x128xi32, #tpu.memory_space<vmem>>, %arg8: memref<128x128xf32, #tpu.memory_space<vmem>>, %arg9: memref<128x128xf32, #tpu.memory_space<vmem>>, %arg10: memref<32x128xf32, #tpu.memory_space<vmem>>, %arg11: memref<10240x128xf32, #tpu.memory_space<vmem_shared>>, %arg12: memref<!tpu.dma_semaphore, #tpu.memory_space<semaphore_mem>>, %arg13: memref<!tpu.dma_semaphore, #tpu.memory_space<semaphore_mem>>) attributes {dimension_semantics = [#tpu.dimension_semantics<core_parallel>, #tpu.dimension_semantics<subcore_parallel>], iteration_bounds = array<i64: 2, 16>, scalar_prefetch = 0 : i64, scratch_operands = 8 : i64, tpu.core_type = #tpu.core_type<sc_vector_subcore>, window_params = [{transform_indices = #map}, {transform_indices = #map}, {transform_indices = #map}, {transform_indices = #map1}]} {
    %mul3A = arith.constant 16 : i32
    %mul3A_0 = arith.muli %arg0, %mul3A : i32
    %add3A = arith.addi %mul3A_0, %arg1 : i32
    %scan3A = arith.constant 0 : i32
    %scan3A_1 = arith.constant 0 : i32
    %scan3A_2 = arith.constant 32 : i32
    %scan3A_3 = arith.addi %scan3A_1, %scan3A_2 : i32
    %scan3A_4 = arith.constant 1 : i32
    scf.for %scan3A_35 = %scan3A_1 to %scan3A_3 step %scan3A_4  : i32 {
      %broadcast_in_dim3A = arith.constant 0.000000e+00 : f32
      %broadcast_in_dim3A_36 = vector.broadcast %broadcast_in_dim3A : f32 to vector<16xf32>
      %swap3A = arith.index_cast %scan3A_35 : i32 to index
      %swap3A_37 = arith.constant 0 : index
      %swap3A_38 = tpu.vector_load %arg10[%swap3A, %swap3A_37] {strides = array<i32>} : memref<32x128xf32, #tpu.memory_space<vmem>>, vector<1x16xf32>,
      %swap3A_39 = vector.shape_cast %swap3A_38 : vector<1x16xf32> to vector<16xf32>
      %swap3A_40 = vector.shape_cast %broadcast_in_dim3A_36 : vector<16xf32> to vector<1x16xf32>
      tpu.vector_store %arg10[%swap3A, %swap3A_37], %swap3A_40 {strides = array<i32>} : memref<32x128xf32, #tpu.memory_space<vmem>>, vector<1x16xf32>,
      %broadcast_in_dim3A_41 = arith.constant 0.000000e+00 : f32
      %broadcast_in_dim3A_42 = vector.broadcast %broadcast_in_dim3A_41 : f32 to vector<16xf32>
      %swap3A_43 = arith.index_cast %scan3A_35 : i32 to index
      %swap3A_44 = arith.constant 16 : index
      %swap3A_45 = tpu.vector_load %arg10[%swap3A_43, %swap3A_44] {strides = array<i32>} : memref<32x128xf32, #tpu.memory_space<vmem>>, vector<1x16xf32>,
      %swap3A_46 = vector.shape_cast %swap3A_45 : vector<1x16xf32> to vector<16xf32>
      %swap3A_47 = vector.shape_cast %broadcast_in_dim3A_42 : vector<16xf32> to vector<1x16xf32>
      tpu.vector_store %arg10[%swap3A_43, %swap3A_44], %swap3A_47 {strides = array<i32>} : memref<32x128xf32, #tpu.memory_space<vmem>>, vector<1x16xf32>,
      %broadcast_in_dim3A_48 = arith.constant 0.000000e+00 : f32
      %broadcast_in_dim3A_49 = vector.broadcast %broadcast_in_dim3A_48 : f32 to vector<16xf32>
      %swap3A_50 = arith.index_cast %scan3A_35 : i32 to index
      %swap3A_51 = arith.constant 32 : index
      %swap3A_52 = tpu.vector_load %arg10[%swap3A_50, %swap3A_51] {strides = array<i32>} : memref<32x128xf32, #tpu.memory_space<vmem>>, vector<1x16xf32>,
      %swap3A_53 = vector.shape_cast %swap3A_52 : vector<1x16xf32> to vector<16xf32>
      %swap3A_54 = vector.shape_cast %broadcast_in_dim3A_49 : vector<16xf32> to vector<1x16xf32>
      tpu.vector_store %arg10[%swap3A_50, %swap3A_51], %swap3A_54 {strides = array<i32>} : memref<32x128xf32, #tpu.memory_space<vmem>>, vector<1x16xf32>,
      %broadcast_in_dim3A_55 = arith.constant 0.000000e+00 : f32
      %broadcast_in_dim3A_56 = vector.broadcast %broadcast_in_dim3A_55 : f32 to vector<16xf32>
      %swap3A_57 = arith.index_cast %scan3A_35 : i32 to index
      %swap3A_58 = arith.constant 48 : index
      %swap3A_59 = tpu.vector_load %arg10[%swap3A_57, %swap3A_58] {strides = array<i32>} : memref<32x128xf32, #tpu.memory_space<vmem>>, vector<1x16xf32>,
      %swap3A_60 = vector.shape_cast %swap3A_59 : vector<1x16xf32> to vector<16xf32>
      %swap3A_61 = vector.shape_cast %broadcast_in_dim3A_56 : vector<16xf32> to vector<1x16xf32>
      tpu.vector_store %arg10[%swap3A_57, %swap3A_58], %swap3A_61 {strides = array<i32>} : memref<32x128xf32, #tpu.memory_space<vmem>>, vector<1x16xf32>,
      %broadcast_in_dim3A_62 = arith.constant 0.000000e+00 : f32
      %broadcast_in_dim3A_63 = vector.broadcast %broadcast_in_dim3A_62 : f32 to vector<16xf32>
      %swap3A_64 = arith.index_cast %scan3A_35 : i32 to index
      %swap3A_65 = arith.constant 64 : index
      %swap3A_66 = tpu.vector_load %arg10[%swap3A_64, %swap3A_65] {strides = array<i32>} : memref<32x128xf32, #tpu.memory_space<vmem>>, vector<1x16xf32>,
      %swap3A_67 = vector.shape_cast %swap3A_66 : vector<1x16xf32> to vector<16xf32>
      %swap3A_68 = vector.shape_cast %broadcast_in_dim3A_63 : vector<16xf32> to vector<1x16xf32>
      tpu.vector_store %arg10[%swap3A_64, %swap3A_65], %swap3A_68 {strides = array<i32>} : memref<32x128xf32, #tpu.memory_space<vmem>>, vector<1x16xf32>,
      %broadcast_in_dim3A_69 = arith.constant 0.000000e+00 : f32
      %broadcast_in_dim3A_70 = vector.broadcast %broadcast_in_dim3A_69 : f32 to vector<16xf32>
      %swap3A_71 = arith.index_cast %scan3A_35 : i32 to index
      %swap3A_72 = arith.constant 80 : index
      %swap3A_73 = tpu.vector_load %arg10[%swap3A_71, %swap3A_72] {strides = array<i32>} : memref<32x128xf32, #tpu.memory_space<vmem>>, vector<1x16xf32>,
      %swap3A_74 = vector.shape_cast %swap3A_73 : vector<1x16xf32> to vector<16xf32>
      %swap3A_75 = vector.shape_cast %broadcast_in_dim3A_70 : vector<16xf32> to vector<1x16xf32>
      tpu.vector_store %arg10[%swap3A_71, %swap3A_72], %swap3A_75 {strides = array<i32>} : memref<32x128xf32, #tpu.memory_space<vmem>>, vector<1x16xf32>,
      %broadcast_in_dim3A_76 = arith.constant 0.000000e+00 : f32
      %broadcast_in_dim3A_77 = vector.broadcast %broadcast_in_dim3A_76 : f32 to vector<16xf32>
      %swap3A_78 = arith.index_cast %scan3A_35 : i32 to index
      %swap3A_79 = arith.constant 96 : index
      %swap3A_80 = tpu.vector_load %arg10[%swap3A_78, %swap3A_79] {strides = array<i32>} : memref<32x128xf32, #tpu.memory_space<vmem>>, vector<1x16xf32>,
      %swap3A_81 = vector.shape_cast %swap3A_80 : vector<1x16xf32> to vector<16xf32>
      %swap3A_82 = vector.shape_cast %broadcast_in_dim3A_77 : vector<16xf32> to vector<1x16xf32>
      tpu.vector_store %arg10[%swap3A_78, %swap3A_79], %swap3A_82 {strides = array<i32>} : memref<32x128xf32, #tpu.memory_space<vmem>>, vector<1x16xf32>,
      %broadcast_in_dim3A_83 = arith.constant 0.000000e+00 : f32
      %broadcast_in_dim3A_84 = vector.broadcast %broadcast_in_dim3A_83 : f32 to vector<16xf32>
      %swap3A_85 = arith.index_cast %scan3A_35 : i32 to index
      %swap3A_86 = arith.constant 112 : index
      %swap3A_87 = tpu.vector_load %arg10[%swap3A_85, %swap3A_86] {strides = array<i32>} : memref<32x128xf32, #tpu.memory_space<vmem>>, vector<1x16xf32>,
      %swap3A_88 = vector.shape_cast %swap3A_87 : vector<1x16xf32> to vector<16xf32>
      %swap3A_89 = vector.shape_cast %broadcast_in_dim3A_84 : vector<16xf32> to vector<1x16xf32>
      tpu.vector_store %arg10[%swap3A_85, %swap3A_86], %swap3A_89 {strides = array<i32>} : memref<32x128xf32, #tpu.memory_space<vmem>>, vector<1x16xf32>,
    }
    %scan3A_5 = arith.constant 32 : i32
    %scan3A_6 = arith.constant 0 : i32
    %scan3A_7 = arith.constant 0 : i32
    %scan3A_8 = arith.constant 20 : i32
    %scan3A_9 = arith.addi %scan3A_7, %scan3A_8 : i32
    %scan3A_10 = arith.constant 1 : i32
    scf.for %scan3A_35 = %scan3A_7 to %scan3A_9 step %scan3A_10  : i32 {
      %mul3A_36 = arith.constant 640 : i32
      %mul3A_37 = arith.muli %arg1, %mul3A_36 : i32
      %mul3A_38 = arith.constant 32 : i32
      %mul3A_39 = arith.muli %scan3A_35, %mul3A_38 : i32
      %add3A_40 = arith.addi %mul3A_37, %mul3A_39 : i32
      "tpu.region"() ({
        %run_scoped3A = tpu.sem_alloc : memref<!tpu.dma_semaphore, #tpu.memory_space<semaphore_mem>>
        %dma_start3A_41 = arith.constant 0 : i32
        %dma_start3A_42 = tpu.memref_slice %arg11[%add3A_40, %dma_start3A_41] : memref<10240x128xf32, #tpu.memory_space<vmem_shared>> -> memref<32x128xf32, #tpu.memory_space<vmem_shared>>
        %dma_start3A_43 = arith.constant 0 : i32
        %dma_start3A_44 = tpu.memref_slice %arg11[%add3A_40, %dma_start3A_43] : memref<10240x128xf32, #tpu.memory_space<vmem_shared>> -> memref<32x128xf32, #tpu.memory_space<vmem_shared>>
        tpu.enqueue_dma source(%arg10 : memref<32x128xf32, #tpu.memory_space<vmem>>) target(%dma_start3A_44 : memref<32x128xf32, #tpu.memory_space<vmem_shared>>) target_semaphore(%run_scoped3A : memref<!tpu.dma_semaphore, #tpu.memory_space<semaphore_mem>>)
        %dma_wait3A = arith.constant 0 : i32
        %dma_wait3A_45 = tpu.memref_slice %arg11[%add3A_40, %dma_wait3A] : memref<10240x128xf32, #tpu.memory_space<vmem_shared>> -> memref<32x128xf32, #tpu.memory_space<vmem_shared>>
        %dma_wait3A_46 = arith.constant 0 : i32
        %dma_wait3A_47 = tpu.memref_slice %arg11[%add3A_40, %dma_wait3A_46] : memref<10240x128xf32, #tpu.memory_space<vmem_shared>> -> memref<32x128xf32, #tpu.memory_space<vmem_shared>>
        tpu.wait_dma2 semaphore(%run_scoped3A : memref<!tpu.dma_semaphore, #tpu.memory_space<semaphore_mem>>) src(%arg10 : memref<32x128xf32, #tpu.memory_space<vmem>>) dst(%dma_wait3A_47 : memref<32x128xf32, #tpu.memory_space<vmem_shared>>)
        tpu.yield
      }) : () -> ()
    }
    %scan3A_11 = arith.constant 20 : i32
    %barrier3A = arith.constant 0 : index
    tpu.barrier barrier_id(%barrier3A)
    %mul3A_12 = arith.constant 40 : i32
    %mul3A_13 = arith.muli %add3A, %mul3A_12 : i32
    "tpu.region"() ({
      %run_scoped3A = tpu.sem_alloc : memref<!tpu.dma_semaphore, #tpu.memory_space<semaphore_mem>>
      %dma_start3A_35 = arith.constant 0 : i32
      %dma_start3A_36 = tpu.memref_slice %arg3[%mul3A_13, %dma_start3A_35] : memref<1280x128xi32, #tpu.memory_space<hbm>> -> memref<40x128xi32, #tpu.memory_space<hbm>>
      %dma_start3A_37 = arith.constant 0 : i32
      %dma_start3A_38 = tpu.memref_slice %arg3[%mul3A_13, %dma_start3A_37] : memref<1280x128xi32, #tpu.memory_space<hbm>> -> memref<40x128xi32, #tpu.memory_space<hbm>>
      tpu.enqueue_dma source(%dma_start3A_38 : memref<40x128xi32, #tpu.memory_space<hbm>>) target(%arg6 : memref<40x128xi32, #tpu.memory_space<vmem>>) target_semaphore(%run_scoped3A : memref<!tpu.dma_semaphore, #tpu.memory_space<semaphore_mem>>)
      %dma_wait3A = arith.constant 0 : i32
      %dma_wait3A_39 = tpu.memref_slice %arg3[%mul3A_13, %dma_wait3A] : memref<1280x128xi32, #tpu.memory_space<hbm>> -> memref<40x128xi32, #tpu.memory_space<hbm>>
      %dma_wait3A_40 = arith.constant 0 : i32
      %dma_wait3A_41 = tpu.memref_slice %arg3[%mul3A_13, %dma_wait3A_40] : memref<1280x128xi32, #tpu.memory_space<hbm>> -> memref<40x128xi32, #tpu.memory_space<hbm>>
      tpu.wait_dma2 semaphore(%run_scoped3A : memref<!tpu.dma_semaphore, #tpu.memory_space<semaphore_mem>>) src(%dma_wait3A_41 : memref<40x128xi32, #tpu.memory_space<hbm>>) dst(%arg6 : memref<40x128xi32, #tpu.memory_space<vmem>>)
      tpu.yield
    }) : () -> ()
    %mul3A_14 = arith.constant 40 : i32
    %mul3A_15 = arith.muli %add3A, %mul3A_14 : i32
    "tpu.region"() ({
      %run_scoped3A = tpu.sem_alloc : memref<!tpu.dma_semaphore, #tpu.memory_space<semaphore_mem>>
      %dma_start3A_35 = arith.constant 0 : i32
      %dma_start3A_36 = tpu.memref_slice %arg4[%mul3A_15, %dma_start3A_35] : memref<1280x128xi32, #tpu.memory_space<hbm>> -> memref<40x128xi32, #tpu.memory_space<hbm>>
      %dma_start3A_37 = arith.constant 0 : i32
      %dma_start3A_38 = tpu.memref_slice %arg4[%mul3A_15, %dma_start3A_37] : memref<1280x128xi32, #tpu.memory_space<hbm>> -> memref<40x128xi32, #tpu.memory_space<hbm>>
      tpu.enqueue_dma source(%dma_start3A_38 : memref<40x128xi32, #tpu.memory_space<hbm>>) target(%arg7 : memref<40x128xi32, #tpu.memory_space<vmem>>) target_semaphore(%run_scoped3A : memref<!tpu.dma_semaphore, #tpu.memory_space<semaphore_mem>>)
      %dma_wait3A = arith.constant 0 : i32
      %dma_wait3A_39 = tpu.memref_slice %arg4[%mul3A_15, %dma_wait3A] : memref<1280x128xi32, #tpu.memory_space<hbm>> -> memref<40x128xi32, #tpu.memory_space<hbm>>
      %dma_wait3A_40 = arith.constant 0 : i32
      %dma_wait3A_41 = tpu.memref_slice %arg4[%mul3A_15, %dma_wait3A_40] : memref<1280x128xi32, #tpu.memory_space<hbm>> -> memref<40x128xi32, #tpu.memory_space<hbm>>
      tpu.wait_dma2 semaphore(%run_scoped3A : memref<!tpu.dma_semaphore, #tpu.memory_space<semaphore_mem>>) src(%dma_wait3A_41 : memref<40x128xi32, #tpu.memory_space<hbm>>) dst(%arg7 : memref<40x128xi32, #tpu.memory_space<vmem>>)
      tpu.yield
    }) : () -> ()
    %dma_start3A = arith.constant 0 : i32
    %dma_start3A_16 = arith.constant 0 : i32
    %dma_start3A_17 = tpu.memref_slice %arg6[%dma_start3A, %dma_start3A_16] : memref<40x128xi32, #tpu.memory_space<vmem>> -> memref<1x128xi32, #tpu.memory_space<vmem>>
    %dma_start3A_18 = tpu.memref_squeeze %dma_start3A_17 : memref<1x128xi32, #tpu.memory_space<vmem>> -> memref<128xi32, #tpu.memory_space<vmem>>
    %dma_start3A_19 = arith.constant 0 : i32
    %dma_start3A_20 = arith.constant 0 : i32
    %dma_start3A_21 = tpu.memref_slice %arg2[%dma_start3A_19, %dma_start3A_20] : memref<10240x128xf32, #tpu.memory_space<hbm>> -> memref<10240x128xf32, #tpu.memory_space<hbm>>
    tpu.enqueue_indirect_dma source(%dma_start3A_21 : memref<10240x128xf32, #tpu.memory_space<hbm>>) target(%arg8 : memref<128x128xf32, #tpu.memory_space<vmem>>) offsets(%dma_start3A_18 : memref<128xi32, #tpu.memory_space<vmem>>) semaphore(%arg12 : memref<!tpu.dma_semaphore, #tpu.memory_space<semaphore_mem>>)
    %scan3A_22 = arith.constant 0 : i32
    %scan3A_23 = arith.constant 0 : i32
    %scan3A_24 = arith.constant 20 : i32
    %scan3A_25 = arith.addi %scan3A_23, %scan3A_24 : i32
    %scan3A_26 = arith.constant 1 : i32
    scf.for %scan3A_35 = %scan3A_23 to %scan3A_25 step %scan3A_26  : i32 {
      %mul3A_36 = arith.constant 2 : i32
      %mul3A_37 = arith.muli %scan3A_35, %mul3A_36 : i32
      %add3A_38 = arith.constant 1 : i32
      %add3A_39 = arith.addi %mul3A_37, %add3A_38 : i32
      %dma_start3A_40 = arith.constant 0 : i32
      %dma_start3A_41 = tpu.memref_slice %arg6[%add3A_39, %dma_start3A_40] : memref<40x128xi32, #tpu.memory_space<vmem>> -> memref<1x128xi32, #tpu.memory_space<vmem>>
      %dma_start3A_42 = tpu.memref_squeeze %dma_start3A_41 : memref<1x128xi32, #tpu.memory_space<vmem>> -> memref<128xi32, #tpu.memory_space<vmem>>
      %dma_start3A_43 = arith.constant 0 : i32
      %dma_start3A_44 = arith.constant 0 : i32
      %dma_start3A_45 = tpu.memref_slice %arg2[%dma_start3A_43, %dma_start3A_44] : memref<10240x128xf32, #tpu.memory_space<hbm>> -> memref<10240x128xf32, #tpu.memory_space<hbm>>
      tpu.enqueue_indirect_dma source(%dma_start3A_45 : memref<10240x128xf32, #tpu.memory_space<hbm>>) target(%arg9 : memref<128x128xf32, #tpu.memory_space<vmem>>) offsets(%dma_start3A_42 : memref<128xi32, #tpu.memory_space<vmem>>) semaphore(%arg13 : memref<!tpu.dma_semaphore, #tpu.memory_space<semaphore_mem>>)
      %dma_wait3A = arith.constant 0 : i32
      %dma_wait3A_46 = tpu.memref_slice %arg6[%mul3A_37, %dma_wait3A] : memref<40x128xi32, #tpu.memory_space<vmem>> -> memref<1x128xi32, #tpu.memory_space<vmem>>
      %dma_wait3A_47 = tpu.memref_squeeze %dma_wait3A_46 : memref<1x128xi32, #tpu.memory_space<vmem>> -> memref<128xi32, #tpu.memory_space<vmem>>
      %dma_wait3A_48 = arith.constant 0 : i32
      %dma_wait3A_49 = arith.constant 0 : i32
      %dma_wait3A_50 = tpu.memref_slice %arg2[%dma_wait3A_48, %dma_wait3A_49] : memref<10240x128xf32, #tpu.memory_space<hbm>> -> memref<10240x128xf32, #tpu.memory_space<hbm>>
      tpu.wait_indirect_dma semaphore(%arg12 : memref<!tpu.dma_semaphore, #tpu.memory_space<semaphore_mem>>) src(%dma_wait3A_50 : memref<10240x128xf32, #tpu.memory_space<hbm>>) dst(%arg8 : memref<128x128xf32, #tpu.memory_space<vmem>>)
      "tpu.region"() ({
        %run_scoped3A = tpu.sem_alloc : memref<!tpu.dma_semaphore, #tpu.memory_space<semaphore_mem>>
        %dma_start3A_65 = arith.constant 0 : i32
        %dma_start3A_66 = tpu.memref_slice %arg7[%mul3A_37, %dma_start3A_65] : memref<40x128xi32, #tpu.memory_space<vmem>> -> memref<1x128xi32, #tpu.memory_space<vmem>>
        %dma_start3A_67 = tpu.memref_squeeze %dma_start3A_66 : memref<1x128xi32, #tpu.memory_space<vmem>> -> memref<128xi32, #tpu.memory_space<vmem>>
        %dma_start3A_68 = arith.constant 0 : i32
        %dma_start3A_69 = arith.constant 0 : i32
        %dma_start3A_70 = tpu.memref_slice %arg11[%dma_start3A_68, %dma_start3A_69] : memref<10240x128xf32, #tpu.memory_space<vmem_shared>> -> memref<10240x128xf32, #tpu.memory_space<vmem_shared>>
        tpu.enqueue_indirect_dma source(%arg8 : memref<128x128xf32, #tpu.memory_space<vmem>>) target(%dma_start3A_70 : memref<10240x128xf32, #tpu.memory_space<vmem_shared>>) offsets(%dma_start3A_67 : memref<128xi32, #tpu.memory_space<vmem>>) semaphore(%run_scoped3A : memref<!tpu.dma_semaphore, #tpu.memory_space<semaphore_mem>>) {add = true}
        %dma_wait3A_71 = arith.constant 0 : i32
        %dma_wait3A_72 = tpu.memref_slice %arg7[%mul3A_37, %dma_wait3A_71] : memref<40x128xi32, #tpu.memory_space<vmem>> -> memref<1x128xi32, #tpu.memory_space<vmem>>
        %dma_wait3A_73 = tpu.memref_squeeze %dma_wait3A_72 : memref<1x128xi32, #tpu.memory_space<vmem>> -> memref<128xi32, #tpu.memory_space<vmem>>
        %dma_wait3A_74 = arith.constant 0 : i32
        %dma_wait3A_75 = arith.constant 0 : i32
        %dma_wait3A_76 = tpu.memref_slice %arg11[%dma_wait3A_74, %dma_wait3A_75] : memref<10240x128xf32, #tpu.memory_space<vmem_shared>> -> memref<10240x128xf32, #tpu.memory_space<vmem_shared>>
        tpu.wait_indirect_dma semaphore(%run_scoped3A : memref<!tpu.dma_semaphore, #tpu.memory_space<semaphore_mem>>) src(%arg8 : memref<128x128xf32, #tpu.memory_space<vmem>>) dst(%dma_wait3A_76 : memref<10240x128xf32, #tpu.memory_space<vmem_shared>>)
        tpu.yield
      }) : () -> ()
      %add3A_51 = arith.constant 2 : i32
      %add3A_52 = arith.addi %mul3A_37, %add3A_51 : i32
      %lt3A = arith.constant 40 : i32
      %lt3A_53 = arith.cmpi slt, %add3A_52, %lt3A : i32
      %convert_element_type3A = arith.extui %lt3A_53 : i1 to i32
      %cond3A = arith.constant 0 : i32
      %cond3A_54 = arith.cmpi ne, %convert_element_type3A, %cond3A : i32
      scf.if %cond3A_54 {
        %add3A_65 = arith.constant 2 : i32
        %add3A_66 = arith.addi %mul3A_37, %add3A_65 : i32
        %dma_start3A_67 = arith.constant 0 : i32
        %dma_start3A_68 = tpu.memref_slice %arg6[%add3A_66, %dma_start3A_67] : memref<40x128xi32, #tpu.memory_space<vmem>> -> memref<1x128xi32, #tpu.memory_space<vmem>>
        %dma_start3A_69 = tpu.memref_squeeze %dma_start3A_68 : memref<1x128xi32, #tpu.memory_space<vmem>> -> memref<128xi32, #tpu.memory_space<vmem>>
        %dma_start3A_70 = arith.constant 0 : i32
        %dma_start3A_71 = arith.constant 0 : i32
        %dma_start3A_72 = tpu.memref_slice %arg2[%dma_start3A_70, %dma_start3A_71] : memref<10240x128xf32, #tpu.memory_space<hbm>> -> memref<10240x128xf32, #tpu.memory_space<hbm>>
        tpu.enqueue_indirect_dma source(%dma_start3A_72 : memref<10240x128xf32, #tpu.memory_space<hbm>>) target(%arg8 : memref<128x128xf32, #tpu.memory_space<vmem>>) offsets(%dma_start3A_69 : memref<128xi32, #tpu.memory_space<vmem>>) semaphore(%arg12 : memref<!tpu.dma_semaphore, #tpu.memory_space<semaphore_mem>>)
      } else {
      }
      %add3A_55 = arith.constant 1 : i32
      %add3A_56 = arith.addi %mul3A_37, %add3A_55 : i32
      %dma_wait3A_57 = arith.constant 0 : i32
      %dma_wait3A_58 = tpu.memref_slice %arg6[%add3A_56, %dma_wait3A_57] : memref<40x128xi32, #tpu.memory_space<vmem>> -> memref<1x128xi32, #tpu.memory_space<vmem>>
      %dma_wait3A_59 = tpu.memref_squeeze %dma_wait3A_58 : memref<1x128xi32, #tpu.memory_space<vmem>> -> memref<128xi32, #tpu.memory_space<vmem>>
      %dma_wait3A_60 = arith.constant 0 : i32
      %dma_wait3A_61 = arith.constant 0 : i32
      %dma_wait3A_62 = tpu.memref_slice %arg2[%dma_wait3A_60, %dma_wait3A_61] : memref<10240x128xf32, #tpu.memory_space<hbm>> -> memref<10240x128xf32, #tpu.memory_space<hbm>>
      tpu.wait_indirect_dma semaphore(%arg13 : memref<!tpu.dma_semaphore, #tpu.memory_space<semaphore_mem>>) src(%dma_wait3A_62 : memref<10240x128xf32, #tpu.memory_space<hbm>>) dst(%arg9 : memref<128x128xf32, #tpu.memory_space<vmem>>)
      %add3A_63 = arith.constant 1 : i32
      %add3A_64 = arith.addi %mul3A_37, %add3A_63 : i32
      "tpu.region"() ({
        %run_scoped3A = tpu.sem_alloc : memref<!tpu.dma_semaphore, #tpu.memory_space<semaphore_mem>>
        %dma_start3A_65 = arith.constant 0 : i32
        %dma_start3A_66 = tpu.memref_slice %arg7[%add3A_64, %dma_start3A_65] : memref<40x128xi32, #tpu.memory_space<vmem>> -> memref<1x128xi32, #tpu.memory_space<vmem>>
        %dma_start3A_67 = tpu.memref_squeeze %dma_start3A_66 : memref<1x128xi32, #tpu.memory_space<vmem>> -> memref<128xi32, #tpu.memory_space<vmem>>
        %dma_start3A_68 = arith.constant 0 : i32
        %dma_start3A_69 = arith.constant 0 : i32
        %dma_start3A_70 = tpu.memref_slice %arg11[%dma_start3A_68, %dma_start3A_69] : memref<10240x128xf32, #tpu.memory_space<vmem_shared>> -> memref<10240x128xf32, #tpu.memory_space<vmem_shared>>
        tpu.enqueue_indirect_dma source(%arg9 : memref<128x128xf32, #tpu.memory_space<vmem>>) target(%dma_start3A_70 : memref<10240x128xf32, #tpu.memory_space<vmem_shared>>) offsets(%dma_start3A_67 : memref<128xi32, #tpu.memory_space<vmem>>) semaphore(%run_scoped3A : memref<!tpu.dma_semaphore, #tpu.memory_space<semaphore_mem>>) {add = true}
        %dma_wait3A_71 = arith.constant 0 : i32
        %dma_wait3A_72 = tpu.memref_slice %arg7[%add3A_64, %dma_wait3A_71] : memref<40x128xi32, #tpu.memory_space<vmem>> -> memref<1x128xi32, #tpu.memory_space<vmem>>
        %dma_wait3A_73 = tpu.memref_squeeze %dma_wait3A_72 : memref<1x128xi32, #tpu.memory_space<vmem>> -> memref<128xi32, #tpu.memory_space<vmem>>
        %dma_wait3A_74 = arith.constant 0 : i32
        %dma_wait3A_75 = arith.constant 0 : i32
        %dma_wait3A_76 = tpu.memref_slice %arg11[%dma_wait3A_74, %dma_wait3A_75] : memref<10240x128xf32, #tpu.memory_space<vmem_shared>> -> memref<10240x128xf32, #tpu.memory_space<vmem_shared>>
        tpu.wait_indirect_dma semaphore(%run_scoped3A : memref<!tpu.dma_semaphore, #tpu.memory_space<semaphore_mem>>) src(%arg9 : memref<128x128xf32, #tpu.memory_space<vmem>>) dst(%dma_wait3A_76 : memref<10240x128xf32, #tpu.memory_space<vmem_shared>>)
        tpu.yield
      }) : () -> ()
    }
    %scan3A_27 = arith.constant 20 : i32
    %barrier3A_28 = arith.constant 0 : index
    tpu.barrier barrier_id(%barrier3A_28)
    %scan3A_29 = arith.constant 0 : i32
    %scan3A_30 = arith.constant 0 : i32
    %scan3A_31 = arith.constant 20 : i32
    %scan3A_32 = arith.addi %scan3A_30, %scan3A_31 : i32
    %scan3A_33 = arith.constant 1 : i32
    scf.for %scan3A_35 = %scan3A_30 to %scan3A_32 step %scan3A_33  : i32 {
      %mul3A_36 = arith.constant 640 : i32
      %mul3A_37 = arith.muli %arg1, %mul3A_36 : i32
      %mul3A_38 = arith.constant 32 : i32
      %mul3A_39 = arith.muli %scan3A_35, %mul3A_38 : i32
      %add3A_40 = arith.addi %mul3A_37, %mul3A_39 : i32
      "tpu.region"() ({
        %run_scoped3A = tpu.sem_alloc : memref<!tpu.dma_semaphore, #tpu.memory_space<semaphore_mem>>
        %dma_start3A_41 = arith.constant 0 : i32
        %dma_start3A_42 = tpu.memref_slice %arg11[%add3A_40, %dma_start3A_41] : memref<10240x128xf32, #tpu.memory_space<vmem_shared>> -> memref<32x128xf32, #tpu.memory_space<vmem_shared>>
        %dma_start3A_43 = arith.constant 0 : i32
        %dma_start3A_44 = tpu.memref_slice %arg11[%add3A_40, %dma_start3A_43] : memref<10240x128xf32, #tpu.memory_space<vmem_shared>> -> memref<32x128xf32, #tpu.memory_space<vmem_shared>>
        tpu.enqueue_dma source(%dma_start3A_44 : memref<32x128xf32, #tpu.memory_space<vmem_shared>>) target(%arg10 : memref<32x128xf32, #tpu.memory_space<vmem>>) target_semaphore(%run_scoped3A : memref<!tpu.dma_semaphore, #tpu.memory_space<semaphore_mem>>)
        %dma_wait3A = arith.constant 0 : i32
        %dma_wait3A_45 = tpu.memref_slice %arg11[%add3A_40, %dma_wait3A] : memref<10240x128xf32, #tpu.memory_space<vmem_shared>> -> memref<32x128xf32, #tpu.memory_space<vmem_shared>>
        %dma_wait3A_46 = arith.constant 0 : i32
        %dma_wait3A_47 = tpu.memref_slice %arg11[%add3A_40, %dma_wait3A_46] : memref<10240x128xf32, #tpu.memory_space<vmem_shared>> -> memref<32x128xf32, #tpu.memory_space<vmem_shared>>
        tpu.wait_dma2 semaphore(%run_scoped3A : memref<!tpu.dma_semaphore, #tpu.memory_space<semaphore_mem>>) src(%dma_wait3A_47 : memref<32x128xf32, #tpu.memory_space<vmem_shared>>) dst(%arg10 : memref<32x128xf32, #tpu.memory_space<vmem>>)
        tpu.yield
      }) : () -> ()
      "tpu.region"() ({
        %run_scoped3A = tpu.sem_alloc : memref<!tpu.dma_semaphore, #tpu.memory_space<semaphore_mem>>
        %dma_start3A_41 = arith.constant 0 : i32
        %dma_start3A_42 = tpu.memref_slice %arg5[%arg0, %add3A_40, %dma_start3A_41] : memref<2x10240x128xf32, #tpu.memory_space<hbm>> -> memref<1x32x128xf32, #tpu.memory_space<hbm>>
        %dma_start3A_43 = tpu.memref_squeeze %dma_start3A_42 : memref<1x32x128xf32, #tpu.memory_space<hbm>> -> memref<32x128xf32, #tpu.memory_space<hbm>>
        %dma_start3A_44 = arith.constant 0 : i32
        %dma_start3A_45 = tpu.memref_slice %arg5[%arg0, %add3A_40, %dma_start3A_44] : memref<2x10240x128xf32, #tpu.memory_space<hbm>> -> memref<1x32x128xf32, #tpu.memory_space<hbm>>
        %dma_start3A_46 = tpu.memref_squeeze %dma_start3A_45 : memref<1x32x128xf32, #tpu.memory_space<hbm>> -> memref<32x128xf32, #tpu.memory_space<hbm>>
        tpu.enqueue_dma source(%arg10 : memref<32x128xf32, #tpu.memory_space<vmem>>) target(%dma_start3A_46 : memref<32x128xf32, #tpu.memory_space<hbm>>) target_semaphore(%run_scoped3A : memref<!tpu.dma_semaphore, #tpu.memory_space<semaphore_mem>>)
        %dma_wait3A = arith.constant 0 : i32
        %dma_wait3A_47 = tpu.memref_slice %arg5[%arg0, %add3A_40, %dma_wait3A] : memref<2x10240x128xf32, #tpu.memory_space<hbm>> -> memref<1x32x128xf32, #tpu.memory_space<hbm>>
        %dma_wait3A_48 = tpu.memref_squeeze %dma_wait3A_47 : memref<1x32x128xf32, #tpu.memory_space<hbm>> -> memref<32x128xf32, #tpu.memory_space<hbm>>
        %dma_wait3A_49 = arith.constant 0 : i32
        %dma_wait3A_50 = tpu.memref_slice %arg5[%arg0, %add3A_40, %dma_wait3A_49] : memref<2x10240x128xf32, #tpu.memory_space<hbm>> -> memref<1x32x128xf32, #tpu.memory_space<hbm>>
        %dma_wait3A_51 = tpu.memref_squeeze %dma_wait3A_50 : memref<1x32x128xf32, #tpu.memory_space<hbm>> -> memref<32x128xf32, #tpu.memory_space<hbm>>
        tpu.wait_dma2 semaphore(%run_scoped3A : memref<!tpu.dma_semaphore, #tpu.memory_space<semaphore_mem>>) src(%arg10 : memref<32x128xf32, #tpu.memory_space<vmem>>) dst(%dma_wait3A_51 : memref<32x128xf32, #tpu.memory_space<hbm>>)
        tpu.yield
      }) : () -> ()
    }
    %scan3A_34 = arith.constant 20 : i32
    return
  }
}

#map = affine_map<(d0, d1) -> (0, 0)>
#map1 = affine_map<(d0, d1) -> (0, 0, 0)>
module attributes {stable_mosaic.version = 14 : i64} {
  func.func @k(%arg0: i32, %arg1: i32, %arg2: memref<10240x128xf32, #tpu.memory_space<hbm>>, %arg3: memref<1280x128xi32, #tpu.memory_space<hbm>>, %arg4: memref<1280x128xi32, #tpu.memory_space<hbm>>, %arg5: memref<2x10240x128xf32, #tpu.memory_space<hbm>>, %arg6: memref<40x128xi32, #tpu.memory_space<vmem>>, %arg7: memref<40x128xi32, #tpu.memory_space<vmem>>, %arg8: memref<128x128xf32, #tpu.memory_space<vmem>>, %arg9: memref<128x128xf32, #tpu.memory_space<vmem>>, %arg10: memref<32x128xf32, #tpu.memory_space<vmem>>, %arg11: memref<10240x128xf32, #tpu.memory_space<vmem_shared>>, %arg12: memref<!tpu.dma_semaphore, #tpu.memory_space<semaphore_mem>>, %arg13: memref<!tpu.dma_semaphore, #tpu.memory_space<semaphore_mem>>) attributes {dimension_semantics = [#tpu.dimension_semantics<core_parallel>, #tpu.dimension_semantics<subcore_parallel>], iteration_bounds = array<i64: 2, 16>, scalar_prefetch = 0 : i64, scratch_operands = 8 : i64, tpu.core_type = #tpu.core_type<sc_vector_subcore>, window_params = [{transform_indices = #map}, {transform_indices = #map}, {transform_indices = #map}, {transform_indices = #map1}]} {
    %mul3A = arith.constant 16 : i32
    %mul3A_0 = arith.muli %arg0, %mul3A : i32
    %add3A = arith.addi %mul3A_0, %arg1 : i32
    %scan3A = arith.constant 0 : i32
    %scan3A_1 = arith.constant 0 : i32
    %scan3A_2 = arith.constant 32 : i32
    %scan3A_3 = arith.addi %scan3A_1, %scan3A_2 : i32
    %scan3A_4 = arith.constant 1 : i32
    scf.for %scan3A_35 = %scan3A_1 to %scan3A_3 step %scan3A_4  : i32 {
      %broadcast_in_dim3A = arith.constant 0.000000e+00 : f32
      %broadcast_in_dim3A_36 = vector.broadcast %broadcast_in_dim3A : f32 to vector<16xf32>
      %swap3A = arith.index_cast %scan3A_35 : i32 to index
      %swap3A_37 = arith.constant 0 : index
      %swap3A_38 = tpu.vector_load %arg10[%swap3A, %swap3A_37] {strides = array<i32>} : memref<32x128xf32, #tpu.memory_space<vmem>>, vector<1x16xf32>,
      %swap3A_39 = vector.shape_cast %swap3A_38 : vector<1x16xf32> to vector<16xf32>
      %swap3A_40 = vector.shape_cast %broadcast_in_dim3A_36 : vector<16xf32> to vector<1x16xf32>
      tpu.vector_store %arg10[%swap3A, %swap3A_37], %swap3A_40 {strides = array<i32>} : memref<32x128xf32, #tpu.memory_space<vmem>>, vector<1x16xf32>,
      %broadcast_in_dim3A_41 = arith.constant 0.000000e+00 : f32
      %broadcast_in_dim3A_42 = vector.broadcast %broadcast_in_dim3A_41 : f32 to vector<16xf32>
      %swap3A_43 = arith.index_cast %scan3A_35 : i32 to index
      %swap3A_44 = arith.constant 16 : index
      %swap3A_45 = tpu.vector_load %arg10[%swap3A_43, %swap3A_44] {strides = array<i32>} : memref<32x128xf32, #tpu.memory_space<vmem>>, vector<1x16xf32>,
      %swap3A_46 = vector.shape_cast %swap3A_45 : vector<1x16xf32> to vector<16xf32>
      %swap3A_47 = vector.shape_cast %broadcast_in_dim3A_42 : vector<16xf32> to vector<1x16xf32>
      tpu.vector_store %arg10[%swap3A_43, %swap3A_44], %swap3A_47 {strides = array<i32>} : memref<32x128xf32, #tpu.memory_space<vmem>>, vector<1x16xf32>,
      %broadcast_in_dim3A_48 = arith.constant 0.000000e+00 : f32
      %broadcast_in_dim3A_49 = vector.broadcast %broadcast_in_dim3A_48 : f32 to vector<16xf32>
      %swap3A_50 = arith.index_cast %scan3A_35 : i32 to index
      %swap3A_51 = arith.constant 32 : index
      %swap3A_52 = tpu.vector_load %arg10[%swap3A_50, %swap3A_51] {strides = array<i32>} : memref<32x128xf32, #tpu.memory_space<vmem>>, vector<1x16xf32>,
      %swap3A_53 = vector.shape_cast %swap3A_52 : vector<1x16xf32> to vector<16xf32>
      %swap3A_54 = vector.shape_cast %broadcast_in_dim3A_49 : vector<16xf32> to vector<1x16xf32>
      tpu.vector_store %arg10[%swap3A_50, %swap3A_51], %swap3A_54 {strides = array<i32>} : memref<32x128xf32, #tpu.memory_space<vmem>>, vector<1x16xf32>,
      %broadcast_in_dim3A_55 = arith.constant 0.000000e+00 : f32
      %broadcast_in_dim3A_56 = vector.broadcast %broadcast_in_dim3A_55 : f32 to vector<16xf32>
      %swap3A_57 = arith.index_cast %scan3A_35 : i32 to index
      %swap3A_58 = arith.constant 48 : index
      %swap3A_59 = tpu.vector_load %arg10[%swap3A_57, %swap3A_58] {strides = array<i32>} : memref<32x128xf32, #tpu.memory_space<vmem>>, vector<1x16xf32>,
      %swap3A_60 = vector.shape_cast %swap3A_59 : vector<1x16xf32> to vector<16xf32>
      %swap3A_61 = vector.shape_cast %broadcast_in_dim3A_56 : vector<16xf32> to vector<1x16xf32>
      tpu.vector_store %arg10[%swap3A_57, %swap3A_58], %swap3A_61 {strides = array<i32>} : memref<32x128xf32, #tpu.memory_space<vmem>>, vector<1x16xf32>,
      %broadcast_in_dim3A_62 = arith.constant 0.000000e+00 : f32
      %broadcast_in_dim3A_63 = vector.broadcast %broadcast_in_dim3A_62 : f32 to vector<16xf32>
      %swap3A_64 = arith.index_cast %scan3A_35 : i32 to index
      %swap3A_65 = arith.constant 64 : index
      %swap3A_66 = tpu.vector_load %arg10[%swap3A_64, %swap3A_65] {strides = array<i32>} : memref<32x128xf32, #tpu.memory_space<vmem>>, vector<1x16xf32>,
      %swap3A_67 = vector.shape_cast %swap3A_66 : vector<1x16xf32> to vector<16xf32>
      %swap3A_68 = vector.shape_cast %broadcast_in_dim3A_63 : vector<16xf32> to vector<1x16xf32>
      tpu.vector_store %arg10[%swap3A_64, %swap3A_65], %swap3A_68 {strides = array<i32>} : memref<32x128xf32, #tpu.memory_space<vmem>>, vector<1x16xf32>,
      %broadcast_in_dim3A_69 = arith.constant 0.000000e+00 : f32
      %broadcast_in_dim3A_70 = vector.broadcast %broadcast_in_dim3A_69 : f32 to vector<16xf32>
      %swap3A_71 = arith.index_cast %scan3A_35 : i32 to index
      %swap3A_72 = arith.constant 80 : index
      %swap3A_73 = tpu.vector_load %arg10[%swap3A_71, %swap3A_72] {strides = array<i32>} : memref<32x128xf32, #tpu.memory_space<vmem>>, vector<1x16xf32>,
      %swap3A_74 = vector.shape_cast %swap3A_73 : vector<1x16xf32> to vector<16xf32>
      %swap3A_75 = vector.shape_cast %broadcast_in_dim3A_70 : vector<16xf32> to vector<1x16xf32>
      tpu.vector_store %arg10[%swap3A_71, %swap3A_72], %swap3A_75 {strides = array<i32>} : memref<32x128xf32, #tpu.memory_space<vmem>>, vector<1x16xf32>,
      %broadcast_in_dim3A_76 = arith.constant 0.000000e+00 : f32
      %broadcast_in_dim3A_77 = vector.broadcast %broadcast_in_dim3A_76 : f32 to vector<16xf32>
      %swap3A_78 = arith.index_cast %scan3A_35 : i32 to index
      %swap3A_79 = arith.constant 96 : index
      %swap3A_80 = tpu.vector_load %arg10[%swap3A_78, %swap3A_79] {strides = array<i32>} : memref<32x128xf32, #tpu.memory_space<vmem>>, vector<1x16xf32>,
      %swap3A_81 = vector.shape_cast %swap3A_80 : vector<1x16xf32> to vector<16xf32>
      %swap3A_82 = vector.shape_cast %broadcast_in_dim3A_77 : vector<16xf32> to vector<1x16xf32>
      tpu.vector_store %arg10[%swap3A_78, %swap3A_79], %swap3A_82 {strides = array<i32>} : memref<32x128xf32, #tpu.memory_space<vmem>>, vector<1x16xf32>,
      %broadcast_in_dim3A_83 = arith.constant 0.000000e+00 : f32
      %broadcast_in_dim3A_84 = vector.broadcast %broadcast_in_dim3A_83 : f32 to vector<16xf32>
      %swap3A_85 = arith.index_cast %scan3A_35 : i32 to index
      %swap3A_86 = arith.constant 112 : index
      %swap3A_87 = tpu.vector_load %arg10[%swap3A_85, %swap3A_86] {strides = array<i32>} : memref<32x128xf32, #tpu.memory_space<vmem>>, vector<1x16xf32>,
      %swap3A_88 = vector.shape_cast %swap3A_87 : vector<1x16xf32> to vector<16xf32>
      %swap3A_89 = vector.shape_cast %broadcast_in_dim3A_84 : vector<16xf32> to vector<1x16xf32>
      tpu.vector_store %arg10[%swap3A_85, %swap3A_86], %swap3A_89 {strides = array<i32>} : memref<32x128xf32, #tpu.memory_space<vmem>>, vector<1x16xf32>,
    }
    %scan3A_5 = arith.constant 32 : i32
    %scan3A_6 = arith.constant 0 : i32
    %scan3A_7 = arith.constant 0 : i32
    %scan3A_8 = arith.constant 20 : i32
    %scan3A_9 = arith.addi %scan3A_7, %scan3A_8 : i32
    %scan3A_10 = arith.constant 1 : i32
    scf.for %scan3A_35 = %scan3A_7 to %scan3A_9 step %scan3A_10  : i32 {
      %mul3A_36 = arith.constant 640 : i32
      %mul3A_37 = arith.muli %arg1, %mul3A_36 : i32
      %mul3A_38 = arith.constant 32 : i32
      %mul3A_39 = arith.muli %scan3A_35, %mul3A_38 : i32
      %add3A_40 = arith.addi %mul3A_37, %mul3A_39 : i32
      "tpu.region"() ({
        %run_scoped3A = tpu.sem_alloc : memref<!tpu.dma_semaphore, #tpu.memory_space<semaphore_mem>>
        %dma_start3A_41 = arith.constant 0 : i32
        %dma_start3A_42 = tpu.memref_slice %arg11[%add3A_40, %dma_start3A_41] : memref<10240x128xf32, #tpu.memory_space<vmem_shared>> -> memref<32x128xf32, #tpu.memory_space<vmem_shared>>
        %dma_start3A_43 = arith.constant 0 : i32
        %dma_start3A_44 = tpu.memref_slice %arg11[%add3A_40, %dma_start3A_43] : memref<10240x128xf32, #tpu.memory_space<vmem_shared>> -> memref<32x128xf32, #tpu.memory_space<vmem_shared>>
        tpu.enqueue_dma source(%arg10 : memref<32x128xf32, #tpu.memory_space<vmem>>) target(%dma_start3A_44 : memref<32x128xf32, #tpu.memory_space<vmem_shared>>) target_semaphore(%run_scoped3A : memref<!tpu.dma_semaphore, #tpu.memory_space<semaphore_mem>>)
        %dma_wait3A = arith.constant 0 : i32
        %dma_wait3A_45 = tpu.memref_slice %arg11[%add3A_40, %dma_wait3A] : memref<10240x128xf32, #tpu.memory_space<vmem_shared>> -> memref<32x128xf32, #tpu.memory_space<vmem_shared>>
        %dma_wait3A_46 = arith.constant 0 : i32
        %dma_wait3A_47 = tpu.memref_slice %arg11[%add3A_40, %dma_wait3A_46] : memref<10240x128xf32, #tpu.memory_space<vmem_shared>> -> memref<32x128xf32, #tpu.memory_space<vmem_shared>>
        tpu.wait_dma2 semaphore(%run_scoped3A : memref<!tpu.dma_semaphore, #tpu.memory_space<semaphore_mem>>) src(%arg10 : memref<32x128xf32, #tpu.memory_space<vmem>>) dst(%dma_wait3A_47 : memref<32x128xf32, #tpu.memory_space<vmem_shared>>)
        tpu.yield
      }) : () -> ()
    }
    %scan3A_11 = arith.constant 20 : i32
    %barrier3A = arith.constant 0 : index
    tpu.barrier barrier_id(%barrier3A)
    %mul3A_12 = arith.constant 40 : i32
    %mul3A_13 = arith.muli %add3A, %mul3A_12 : i32
    "tpu.region"() ({
      %run_scoped3A = tpu.sem_alloc : memref<!tpu.dma_semaphore, #tpu.memory_space<semaphore_mem>>
      %dma_start3A_35 = arith.constant 0 : i32
      %dma_start3A_36 = tpu.memref_slice %arg3[%mul3A_13, %dma_start3A_35] : memref<1280x128xi32, #tpu.memory_space<hbm>> -> memref<40x128xi32, #tpu.memory_space<hbm>>
      %dma_start3A_37 = arith.constant 0 : i32
      %dma_start3A_38 = tpu.memref_slice %arg3[%mul3A_13, %dma_start3A_37] : memref<1280x128xi32, #tpu.memory_space<hbm>> -> memref<40x128xi32, #tpu.memory_space<hbm>>
      tpu.enqueue_dma source(%dma_start3A_38 : memref<40x128xi32, #tpu.memory_space<hbm>>) target(%arg6 : memref<40x128xi32, #tpu.memory_space<vmem>>) target_semaphore(%run_scoped3A : memref<!tpu.dma_semaphore, #tpu.memory_space<semaphore_mem>>)
      %dma_wait3A = arith.constant 0 : i32
      %dma_wait3A_39 = tpu.memref_slice %arg3[%mul3A_13, %dma_wait3A] : memref<1280x128xi32, #tpu.memory_space<hbm>> -> memref<40x128xi32, #tpu.memory_space<hbm>>
      %dma_wait3A_40 = arith.constant 0 : i32
      %dma_wait3A_41 = tpu.memref_slice %arg3[%mul3A_13, %dma_wait3A_40] : memref<1280x128xi32, #tpu.memory_space<hbm>> -> memref<40x128xi32, #tpu.memory_space<hbm>>
      tpu.wait_dma2 semaphore(%run_scoped3A : memref<!tpu.dma_semaphore, #tpu.memory_space<semaphore_mem>>) src(%dma_wait3A_41 : memref<40x128xi32, #tpu.memory_space<hbm>>) dst(%arg6 : memref<40x128xi32, #tpu.memory_space<vmem>>)
      tpu.yield
    }) : () -> ()
    %mul3A_14 = arith.constant 40 : i32
    %mul3A_15 = arith.muli %add3A, %mul3A_14 : i32
    "tpu.region"() ({
      %run_scoped3A = tpu.sem_alloc : memref<!tpu.dma_semaphore, #tpu.memory_space<semaphore_mem>>
      %dma_start3A_35 = arith.constant 0 : i32
      %dma_start3A_36 = tpu.memref_slice %arg4[%mul3A_15, %dma_start3A_35] : memref<1280x128xi32, #tpu.memory_space<hbm>> -> memref<40x128xi32, #tpu.memory_space<hbm>>
      %dma_start3A_37 = arith.constant 0 : i32
      %dma_start3A_38 = tpu.memref_slice %arg4[%mul3A_15, %dma_start3A_37] : memref<1280x128xi32, #tpu.memory_space<hbm>> -> memref<40x128xi32, #tpu.memory_space<hbm>>
      tpu.enqueue_dma source(%dma_start3A_38 : memref<40x128xi32, #tpu.memory_space<hbm>>) target(%arg7 : memref<40x128xi32, #tpu.memory_space<vmem>>) target_semaphore(%run_scoped3A : memref<!tpu.dma_semaphore, #tpu.memory_space<semaphore_mem>>)
      %dma_wait3A = arith.constant 0 : i32
      %dma_wait3A_39 = tpu.memref_slice %arg4[%mul3A_15, %dma_wait3A] : memref<1280x128xi32, #tpu.memory_space<hbm>> -> memref<40x128xi32, #tpu.memory_space<hbm>>
      %dma_wait3A_40 = arith.constant 0 : i32
      %dma_wait3A_41 = tpu.memref_slice %arg4[%mul3A_15, %dma_wait3A_40] : memref<1280x128xi32, #tpu.memory_space<hbm>> -> memref<40x128xi32, #tpu.memory_space<hbm>>
      tpu.wait_dma2 semaphore(%run_scoped3A : memref<!tpu.dma_semaphore, #tpu.memory_space<semaphore_mem>>) src(%dma_wait3A_41 : memref<40x128xi32, #tpu.memory_space<hbm>>) dst(%arg7 : memref<40x128xi32, #tpu.memory_space<vmem>>)
      tpu.yield
    }) : () -> ()
    %dma_start3A = arith.constant 0 : i32
    %dma_start3A_16 = arith.constant 0 : i32
    %dma_start3A_17 = tpu.memref_slice %arg6[%dma_start3A, %dma_start3A_16] : memref<40x128xi32, #tpu.memory_space<vmem>> -> memref<1x128xi32, #tpu.memory_space<vmem>>
    %dma_start3A_18 = tpu.memref_squeeze %dma_start3A_17 : memref<1x128xi32, #tpu.memory_space<vmem>> -> memref<128xi32, #tpu.memory_space<vmem>>
    %dma_start3A_19 = arith.constant 0 : i32
    %dma_start3A_20 = arith.constant 0 : i32
    %dma_start3A_21 = tpu.memref_slice %arg2[%dma_start3A_19, %dma_start3A_20] : memref<10240x128xf32, #tpu.memory_space<hbm>> -> memref<10240x128xf32, #tpu.memory_space<hbm>>
    tpu.enqueue_indirect_dma source(%dma_start3A_21 : memref<10240x128xf32, #tpu.memory_space<hbm>>) target(%arg8 : memref<128x128xf32, #tpu.memory_space<vmem>>) offsets(%dma_start3A_18 : memref<128xi32, #tpu.memory_space<vmem>>) semaphore(%arg12 : memref<!tpu.dma_semaphore, #tpu.memory_space<semaphore_mem>>)
    %scan3A_22 = arith.constant 0 : i32
    %scan3A_23 = arith.constant 0 : i32
    %scan3A_24 = arith.constant 20 : i32
    %scan3A_25 = arith.addi %scan3A_23, %scan3A_24 : i32
    %scan3A_26 = arith.constant 1 : i32
    scf.for %scan3A_35 = %scan3A_23 to %scan3A_25 step %scan3A_26  : i32 {
      %mul3A_36 = arith.constant 2 : i32
      %mul3A_37 = arith.muli %scan3A_35, %mul3A_36 : i32
      %add3A_38 = arith.constant 1 : i32
      %add3A_39 = arith.addi %mul3A_37, %add3A_38 : i32
      %dma_start3A_40 = arith.constant 0 : i32
      %dma_start3A_41 = tpu.memref_slice %arg6[%add3A_39, %dma_start3A_40] : memref<40x128xi32, #tpu.memory_space<vmem>> -> memref<1x128xi32, #tpu.memory_space<vmem>>
      %dma_start3A_42 = tpu.memref_squeeze %dma_start3A_41 : memref<1x128xi32, #tpu.memory_space<vmem>> -> memref<128xi32, #tpu.memory_space<vmem>>
      %dma_start3A_43 = arith.constant 0 : i32
      %dma_start3A_44 = arith.constant 0 : i32
      %dma_start3A_45 = tpu.memref_slice %arg2[%dma_start3A_43, %dma_start3A_44] : memref<10240x128xf32, #tpu.memory_space<hbm>> -> memref<10240x128xf32, #tpu.memory_space<hbm>>
      tpu.enqueue_indirect_dma source(%dma_start3A_45 : memref<10240x128xf32, #tpu.memory_space<hbm>>) target(%arg9 : memref<128x128xf32, #tpu.memory_space<vmem>>) offsets(%dma_start3A_42 : memref<128xi32, #tpu.memory_space<vmem>>) semaphore(%arg13 : memref<!tpu.dma_semaphore, #tpu.memory_space<semaphore_mem>>)
      %dma_wait3A = arith.constant 0 : i32
      %dma_wait3A_46 = tpu.memref_slice %arg6[%mul3A_37, %dma_wait3A] : memref<40x128xi32, #tpu.memory_space<vmem>> -> memref<1x128xi32, #tpu.memory_space<vmem>>
      %dma_wait3A_47 = tpu.memref_squeeze %dma_wait3A_46 : memref<1x128xi32, #tpu.memory_space<vmem>> -> memref<128xi32, #tpu.memory_space<vmem>>
      %dma_wait3A_48 = arith.constant 0 : i32
      %dma_wait3A_49 = arith.constant 0 : i32
      %dma_wait3A_50 = tpu.memref_slice %arg2[%dma_wait3A_48, %dma_wait3A_49] : memref<10240x128xf32, #tpu.memory_space<hbm>> -> memref<10240x128xf32, #tpu.memory_space<hbm>>
      tpu.wait_indirect_dma semaphore(%arg12 : memref<!tpu.dma_semaphore, #tpu.memory_space<semaphore_mem>>) src(%dma_wait3A_50 : memref<10240x128xf32, #tpu.memory_space<hbm>>) dst(%arg8 : memref<128x128xf32, #tpu.memory_space<vmem>>)
      "tpu.region"() ({
        %run_scoped3A = tpu.sem_alloc : memref<!tpu.dma_semaphore, #tpu.memory_space<semaphore_mem>>
        %dma_start3A_65 = arith.constant 0 : i32
        %dma_start3A_66 = tpu.memref_slice %arg7[%mul3A_37, %dma_start3A_65] : memref<40x128xi32, #tpu.memory_space<vmem>> -> memref<1x128xi32, #tpu.memory_space<vmem>>
        %dma_start3A_67 = tpu.memref_squeeze %dma_start3A_66 : memref<1x128xi32, #tpu.memory_space<vmem>> -> memref<128xi32, #tpu.memory_space<vmem>>
        %dma_start3A_68 = arith.constant 0 : i32
        %dma_start3A_69 = arith.constant 0 : i32
        %dma_start3A_70 = tpu.memref_slice %arg11[%dma_start3A_68, %dma_start3A_69] : memref<10240x128xf32, #tpu.memory_space<vmem_shared>> -> memref<10240x128xf32, #tpu.memory_space<vmem_shared>>
        tpu.enqueue_indirect_dma source(%arg8 : memref<128x128xf32, #tpu.memory_space<vmem>>) target(%dma_start3A_70 : memref<10240x128xf32, #tpu.memory_space<vmem_shared>>) offsets(%dma_start3A_67 : memref<128xi32, #tpu.memory_space<vmem>>) semaphore(%run_scoped3A : memref<!tpu.dma_semaphore, #tpu.memory_space<semaphore_mem>>) {add = true}
        %dma_wait3A_71 = arith.constant 0 : i32
        %dma_wait3A_72 = tpu.memref_slice %arg7[%mul3A_37, %dma_wait3A_71] : memref<40x128xi32, #tpu.memory_space<vmem>> -> memref<1x128xi32, #tpu.memory_space<vmem>>
        %dma_wait3A_73 = tpu.memref_squeeze %dma_wait3A_72 : memref<1x128xi32, #tpu.memory_space<vmem>> -> memref<128xi32, #tpu.memory_space<vmem>>
        %dma_wait3A_74 = arith.constant 0 : i32
        %dma_wait3A_75 = arith.constant 0 : i32
        %dma_wait3A_76 = tpu.memref_slice %arg11[%dma_wait3A_74, %dma_wait3A_75] : memref<10240x128xf32, #tpu.memory_space<vmem_shared>> -> memref<10240x128xf32, #tpu.memory_space<vmem_shared>>
        tpu.wait_indirect_dma semaphore(%run_scoped3A : memref<!tpu.dma_semaphore, #tpu.memory_space<semaphore_mem>>) src(%arg8 : memref<128x128xf32, #tpu.memory_space<vmem>>) dst(%dma_wait3A_76 : memref<10240x128xf32, #tpu.memory_space<vmem_shared>>)
        tpu.yield
      }) : () -> ()
      %add3A_51 = arith.constant 2 : i32
      %add3A_52 = arith.addi %mul3A_37, %add3A_51 : i32
      %lt3A = arith.constant 40 : i32
      %lt3A_53 = arith.cmpi slt, %add3A_52, %lt3A : i32
      %convert_element_type3A = arith.extui %lt3A_53 : i1 to i32
      %cond3A = arith.constant 0 : i32
      %cond3A_54 = arith.cmpi ne, %convert_element_type3A, %cond3A : i32
      scf.if %cond3A_54 {
        %add3A_65 = arith.constant 2 : i32
        %add3A_66 = arith.addi %mul3A_37, %add3A_65 : i32
        %dma_start3A_67 = arith.constant 0 : i32
        %dma_start3A_68 = tpu.memref_slice %arg6[%add3A_66, %dma_start3A_67] : memref<40x128xi32, #tpu.memory_space<vmem>> -> memref<1x128xi32, #tpu.memory_space<vmem>>
        %dma_start3A_69 = tpu.memref_squeeze %dma_start3A_68 : memref<1x128xi32, #tpu.memory_space<vmem>> -> memref<128xi32, #tpu.memory_space<vmem>>
        %dma_start3A_70 = arith.constant 0 : i32
        %dma_start3A_71 = arith.constant 0 : i32
        %dma_start3A_72 = tpu.memref_slice %arg2[%dma_start3A_70, %dma_start3A_71] : memref<10240x128xf32, #tpu.memory_space<hbm>> -> memref<10240x128xf32, #tpu.memory_space<hbm>>
        tpu.enqueue_indirect_dma source(%dma_start3A_72 : memref<10240x128xf32, #tpu.memory_space<hbm>>) target(%arg8 : memref<128x128xf32, #tpu.memory_space<vmem>>) offsets(%dma_start3A_69 : memref<128xi32, #tpu.memory_space<vmem>>) semaphore(%arg12 : memref<!tpu.dma_semaphore, #tpu.memory_space<semaphore_mem>>)
      } else {
      }
      %add3A_55 = arith.constant 1 : i32
      %add3A_56 = arith.addi %mul3A_37, %add3A_55 : i32
      %dma_wait3A_57 = arith.constant 0 : i32
      %dma_wait3A_58 = tpu.memref_slice %arg6[%add3A_56, %dma_wait3A_57] : memref<40x128xi32, #tpu.memory_space<vmem>> -> memref<1x128xi32, #tpu.memory_space<vmem>>
      %dma_wait3A_59 = tpu.memref_squeeze %dma_wait3A_58 : memref<1x128xi32, #tpu.memory_space<vmem>> -> memref<128xi32, #tpu.memory_space<vmem>>
      %dma_wait3A_60 = arith.constant 0 : i32
      %dma_wait3A_61 = arith.constant 0 : i32
      %dma_wait3A_62 = tpu.memref_slice %arg2[%dma_wait3A_60, %dma_wait3A_61] : memref<10240x128xf32, #tpu.memory_space<hbm>> -> memref<10240x128xf32, #tpu.memory_space<hbm>>
      tpu.wait_indirect_dma semaphore(%arg13 : memref<!tpu.dma_semaphore, #tpu.memory_space<semaphore_mem>>) src(%dma_wait3A_62 : memref<10240x128xf32, #tpu.memory_space<hbm>>) dst(%arg9 : memref<128x128xf32, #tpu.memory_space<vmem>>)
      %add3A_63 = arith.constant 1 : i32
      %add3A_64 = arith.addi %mul3A_37, %add3A_63 : i32
      "tpu.region"() ({
        %run_scoped3A = tpu.sem_alloc : memref<!tpu.dma_semaphore, #tpu.memory_space<semaphore_mem>>
        %dma_start3A_65 = arith.constant 0 : i32
        %dma_start3A_66 = tpu.memref_slice %arg7[%add3A_64, %dma_start3A_65] : memref<40x128xi32, #tpu.memory_space<vmem>> -> memref<1x128xi32, #tpu.memory_space<vmem>>
        %dma_start3A_67 = tpu.memref_squeeze %dma_start3A_66 : memref<1x128xi32, #tpu.memory_space<vmem>> -> memref<128xi32, #tpu.memory_space<vmem>>
        %dma_start3A_68 = arith.constant 0 : i32
        %dma_start3A_69 = arith.constant 0 : i32
        %dma_start3A_70 = tpu.memref_slice %arg11[%dma_start3A_68, %dma_start3A_69] : memref<10240x128xf32, #tpu.memory_space<vmem_shared>> -> memref<10240x128xf32, #tpu.memory_space<vmem_shared>>
        tpu.enqueue_indirect_dma source(%arg9 : memref<128x128xf32, #tpu.memory_space<vmem>>) target(%dma_start3A_70 : memref<10240x128xf32, #tpu.memory_space<vmem_shared>>) offsets(%dma_start3A_67 : memref<128xi32, #tpu.memory_space<vmem>>) semaphore(%run_scoped3A : memref<!tpu.dma_semaphore, #tpu.memory_space<semaphore_mem>>) {add = true}
        %dma_wait3A_71 = arith.constant 0 : i32
        %dma_wait3A_72 = tpu.memref_slice %arg7[%add3A_64, %dma_wait3A_71] : memref<40x128xi32, #tpu.memory_space<vmem>> -> memref<1x128xi32, #tpu.memory_space<vmem>>
        %dma_wait3A_73 = tpu.memref_squeeze %dma_wait3A_72 : memref<1x128xi32, #tpu.memory_space<vmem>> -> memref<128xi32, #tpu.memory_space<vmem>>
        %dma_wait3A_74 = arith.constant 0 : i32
        %dma_wait3A_75 = arith.constant 0 : i32
        %dma_wait3A_76 = tpu.memref_slice %arg11[%dma_wait3A_74, %dma_wait3A_75] : memref<10240x128xf32, #tpu.memory_space<vmem_shared>> -> memref<10240x128xf32, #tpu.memory_space<vmem_shared>>
        tpu.wait_indirect_dma semaphore(%run_scoped3A : memref<!tpu.dma_semaphore, #tpu.memory_space<semaphore_mem>>) src(%arg9 : memref<128x128xf32, #tpu.memory_space<vmem>>) dst(%dma_wait3A_76 : memref<10240x128xf32, #tpu.memory_space<vmem_shared>>)
        tpu.yield
      }) : () -> ()
    }
    %scan3A_27 = arith.constant 20 : i32
    %barrier3A_28 = arith.constant 0 : index
    tpu.barrier barrier_id(%barrier3A_28)
    %scan3A_29 = arith.constant 0 : i32
    %scan3A_30 = arith.constant 0 : i32
    %scan3A_31 = arith.constant 20 : i32
    %scan3A_32 = arith.addi %scan3A_30, %scan3A_31 : i32
    %scan3A_33 = arith.constant 1 : i32
    scf.for %scan3A_35 = %scan3A_30 to %scan3A_32 step %scan3A_33  : i32 {
      %mul3A_36 = arith.constant 640 : i32
      %mul3A_37 = arith.muli %arg1, %mul3A_36 : i32
      %mul3A_38 = arith.constant 32 : i32
      %mul3A_39 = arith.muli %scan3A_35, %mul3A_38 : i32
      %add3A_40 = arith.addi %mul3A_37, %mul3A_39 : i32
      "tpu.region"() ({
        %run_scoped3A = tpu.sem_alloc : memref<!tpu.dma_semaphore, #tpu.memory_space<semaphore_mem>>
        %dma_start3A_41 = arith.constant 0 : i32
        %dma_start3A_42 = tpu.memref_slice %arg11[%add3A_40, %dma_start3A_41] : memref<10240x128xf32, #tpu.memory_space<vmem_shared>> -> memref<32x128xf32, #tpu.memory_space<vmem_shared>>
        %dma_start3A_43 = arith.constant 0 : i32
        %dma_start3A_44 = tpu.memref_slice %arg11[%add3A_40, %dma_start3A_43] : memref<10240x128xf32, #tpu.memory_space<vmem_shared>> -> memref<32x128xf32, #tpu.memory_space<vmem_shared>>
        tpu.enqueue_dma source(%dma_start3A_44 : memref<32x128xf32, #tpu.memory_space<vmem_shared>>) target(%arg10 : memref<32x128xf32, #tpu.memory_space<vmem>>) target_semaphore(%run_scoped3A : memref<!tpu.dma_semaphore, #tpu.memory_space<semaphore_mem>>)
        %dma_wait3A = arith.constant 0 : i32
        %dma_wait3A_45 = tpu.memref_slice %arg11[%add3A_40, %dma_wait3A] : memref<10240x128xf32, #tpu.memory_space<vmem_shared>> -> memref<32x128xf32, #tpu.memory_space<vmem_shared>>
        %dma_wait3A_46 = arith.constant 0 : i32
        %dma_wait3A_47 = tpu.memref_slice %arg11[%add3A_40, %dma_wait3A_46] : memref<10240x128xf32, #tpu.memory_space<vmem_shared>> -> memref<32x128xf32, #tpu.memory_space<vmem_shared>>
        tpu.wait_dma2 semaphore(%run_scoped3A : memref<!tpu.dma_semaphore, #tpu.memory_space<semaphore_mem>>) src(%dma_wait3A_47 : memref<32x128xf32, #tpu.memory_space<vmem_shared>>) dst(%arg10 : memref<32x128xf32, #tpu.memory_space<vmem>>)
        tpu.yield
      }) : () -> ()
      "tpu.region"() ({
        %run_scoped3A = tpu.sem_alloc : memref<!tpu.dma_semaphore, #tpu.memory_space<semaphore_mem>>
        %dma_start3A_41 = arith.constant 0 : i32
        %dma_start3A_42 = tpu.memref_slice %arg5[%arg0, %add3A_40, %dma_start3A_41] : memref<2x10240x128xf32, #tpu.memory_space<hbm>> -> memref<1x32x128xf32, #tpu.memory_space<hbm>>
        %dma_start3A_43 = tpu.memref_squeeze %dma_start3A_42 : memref<1x32x128xf32, #tpu.memory_space<hbm>> -> memref<32x128xf32, #tpu.memory_space<hbm>>
        %dma_start3A_44 = arith.constant 0 : i32
        %dma_start3A_45 = tpu.memref_slice %arg5[%arg0, %add3A_40, %dma_start3A_44] : memref<2x10240x128xf32, #tpu.memory_space<hbm>> -> memref<1x32x128xf32, #tpu.memory_space<hbm>>
        %dma_start3A_46 = tpu.memref_squeeze %dma_start3A_45 : memref<1x32x128xf32, #tpu.memory_space<hbm>> -> memref<32x128xf32, #tpu.memory_space<hbm>>
        tpu.enqueue_dma source(%arg10 : memref<32x128xf32, #tpu.memory_space<vmem>>) target(%dma_start3A_46 : memref<32x128xf32, #tpu.memory_space<hbm>>) target_semaphore(%run_scoped3A : memref<!tpu.dma_semaphore, #tpu.memory_space<semaphore_mem>>)
        %dma_wait3A = arith.constant 0 : i32
        %dma_wait3A_47 = tpu.memref_slice %arg5[%arg0, %add3A_40, %dma_wait3A] : memref<2x10240x128xf32, #tpu.memory_space<hbm>> -> memref<1x32x128xf32, #tpu.memory_space<hbm>>
        %dma_wait3A_48 = tpu.memref_squeeze %dma_wait3A_47 : memref<1x32x128xf32, #tpu.memory_space<hbm>> -> memref<32x128xf32, #tpu.memory_space<hbm>>
        %dma_wait3A_49 = arith.constant 0 : i32
        %dma_wait3A_50 = tpu.memref_slice %arg5[%arg0, %add3A_40, %dma_wait3A_49] : memref<2x10240x128xf32, #tpu.memory_space<hbm>> -> memref<1x32x128xf32, #tpu.memory_space<hbm>>
        %dma_wait3A_51 = tpu.memref_squeeze %dma_wait3A_50 : memref<1x32x128xf32, #tpu.memory_space<hbm>> -> memref<32x128xf32, #tpu.memory_space<hbm>>
        tpu.wait_dma2 semaphore(%run_scoped3A : memref<!tpu.dma_semaphore, #tpu.memory_space<semaphore_mem>>) src(%arg10 : memref<32x128xf32, #tpu.memory_space<vmem>>) dst(%dma_wait3A_51 : memref<32x128xf32, #tpu.memory_space<hbm>>)
        tpu.yield
      }) : () -> ()
    }
    %scan3A_34 = arith.constant 20 : i32
    return
  }
}

#map = affine_map<(d0, d1) -> (0, 0)>
#map1 = affine_map<(d0, d1) -> (0, 0, 0)>
module attributes {stable_mosaic.version = 14 : i64} {
  func.func @k(%arg0: i32, %arg1: i32, %arg2: memref<10240x128xf32, #tpu.memory_space<hbm>>, %arg3: memref<1280x128xi32, #tpu.memory_space<hbm>>, %arg4: memref<1280x128xi32, #tpu.memory_space<hbm>>, %arg5: memref<2x10240x128xf32, #tpu.memory_space<hbm>>, %arg6: memref<40x128xi32, #tpu.memory_space<vmem>>, %arg7: memref<40x128xi32, #tpu.memory_space<vmem>>, %arg8: memref<128x128xf32, #tpu.memory_space<vmem>>, %arg9: memref<128x128xf32, #tpu.memory_space<vmem>>, %arg10: memref<32x128xf32, #tpu.memory_space<vmem>>, %arg11: memref<10240x128xf32, #tpu.memory_space<vmem_shared>>, %arg12: memref<!tpu.dma_semaphore, #tpu.memory_space<semaphore_mem>>, %arg13: memref<!tpu.dma_semaphore, #tpu.memory_space<semaphore_mem>>) attributes {dimension_semantics = [#tpu.dimension_semantics<core_parallel>, #tpu.dimension_semantics<subcore_parallel>], iteration_bounds = array<i64: 2, 16>, scalar_prefetch = 0 : i64, scratch_operands = 8 : i64, tpu.core_type = #tpu.core_type<sc_vector_subcore>, window_params = [{transform_indices = #map}, {transform_indices = #map}, {transform_indices = #map}, {transform_indices = #map1}]} {
    %mul3A = arith.constant 16 : i32
    %mul3A_0 = arith.muli %arg0, %mul3A : i32
    %add3A = arith.addi %mul3A_0, %arg1 : i32
    %scan3A = arith.constant 0 : i32
    %scan3A_1 = arith.constant 0 : i32
    %scan3A_2 = arith.constant 32 : i32
    %scan3A_3 = arith.addi %scan3A_1, %scan3A_2 : i32
    %scan3A_4 = arith.constant 1 : i32
    scf.for %scan3A_35 = %scan3A_1 to %scan3A_3 step %scan3A_4  : i32 {
      %broadcast_in_dim3A = arith.constant 0.000000e+00 : f32
      %broadcast_in_dim3A_36 = vector.broadcast %broadcast_in_dim3A : f32 to vector<16xf32>
      %swap3A = arith.index_cast %scan3A_35 : i32 to index
      %swap3A_37 = arith.constant 0 : index
      %swap3A_38 = tpu.vector_load %arg10[%swap3A, %swap3A_37] {strides = array<i32>} : memref<32x128xf32, #tpu.memory_space<vmem>>, vector<1x16xf32>,
      %swap3A_39 = vector.shape_cast %swap3A_38 : vector<1x16xf32> to vector<16xf32>
      %swap3A_40 = vector.shape_cast %broadcast_in_dim3A_36 : vector<16xf32> to vector<1x16xf32>
      tpu.vector_store %arg10[%swap3A, %swap3A_37], %swap3A_40 {strides = array<i32>} : memref<32x128xf32, #tpu.memory_space<vmem>>, vector<1x16xf32>,
      %broadcast_in_dim3A_41 = arith.constant 0.000000e+00 : f32
      %broadcast_in_dim3A_42 = vector.broadcast %broadcast_in_dim3A_41 : f32 to vector<16xf32>
      %swap3A_43 = arith.index_cast %scan3A_35 : i32 to index
      %swap3A_44 = arith.constant 16 : index
      %swap3A_45 = tpu.vector_load %arg10[%swap3A_43, %swap3A_44] {strides = array<i32>} : memref<32x128xf32, #tpu.memory_space<vmem>>, vector<1x16xf32>,
      %swap3A_46 = vector.shape_cast %swap3A_45 : vector<1x16xf32> to vector<16xf32>
      %swap3A_47 = vector.shape_cast %broadcast_in_dim3A_42 : vector<16xf32> to vector<1x16xf32>
      tpu.vector_store %arg10[%swap3A_43, %swap3A_44], %swap3A_47 {strides = array<i32>} : memref<32x128xf32, #tpu.memory_space<vmem>>, vector<1x16xf32>,
      %broadcast_in_dim3A_48 = arith.constant 0.000000e+00 : f32
      %broadcast_in_dim3A_49 = vector.broadcast %broadcast_in_dim3A_48 : f32 to vector<16xf32>
      %swap3A_50 = arith.index_cast %scan3A_35 : i32 to index
      %swap3A_51 = arith.constant 32 : index
      %swap3A_52 = tpu.vector_load %arg10[%swap3A_50, %swap3A_51] {strides = array<i32>} : memref<32x128xf32, #tpu.memory_space<vmem>>, vector<1x16xf32>,
      %swap3A_53 = vector.shape_cast %swap3A_52 : vector<1x16xf32> to vector<16xf32>
      %swap3A_54 = vector.shape_cast %broadcast_in_dim3A_49 : vector<16xf32> to vector<1x16xf32>
      tpu.vector_store %arg10[%swap3A_50, %swap3A_51], %swap3A_54 {strides = array<i32>} : memref<32x128xf32, #tpu.memory_space<vmem>>, vector<1x16xf32>,
      %broadcast_in_dim3A_55 = arith.constant 0.000000e+00 : f32
      %broadcast_in_dim3A_56 = vector.broadcast %broadcast_in_dim3A_55 : f32 to vector<16xf32>
      %swap3A_57 = arith.index_cast %scan3A_35 : i32 to index
      %swap3A_58 = arith.constant 48 : index
      %swap3A_59 = tpu.vector_load %arg10[%swap3A_57, %swap3A_58] {strides = array<i32>} : memref<32x128xf32, #tpu.memory_space<vmem>>, vector<1x16xf32>,
      %swap3A_60 = vector.shape_cast %swap3A_59 : vector<1x16xf32> to vector<16xf32>
      %swap3A_61 = vector.shape_cast %broadcast_in_dim3A_56 : vector<16xf32> to vector<1x16xf32>
      tpu.vector_store %arg10[%swap3A_57, %swap3A_58], %swap3A_61 {strides = array<i32>} : memref<32x128xf32, #tpu.memory_space<vmem>>, vector<1x16xf32>,
      %broadcast_in_dim3A_62 = arith.constant 0.000000e+00 : f32
      %broadcast_in_dim3A_63 = vector.broadcast %broadcast_in_dim3A_62 : f32 to vector<16xf32>
      %swap3A_64 = arith.index_cast %scan3A_35 : i32 to index
      %swap3A_65 = arith.constant 64 : index
      %swap3A_66 = tpu.vector_load %arg10[%swap3A_64, %swap3A_65] {strides = array<i32>} : memref<32x128xf32, #tpu.memory_space<vmem>>, vector<1x16xf32>,
      %swap3A_67 = vector.shape_cast %swap3A_66 : vector<1x16xf32> to vector<16xf32>
      %swap3A_68 = vector.shape_cast %broadcast_in_dim3A_63 : vector<16xf32> to vector<1x16xf32>
      tpu.vector_store %arg10[%swap3A_64, %swap3A_65], %swap3A_68 {strides = array<i32>} : memref<32x128xf32, #tpu.memory_space<vmem>>, vector<1x16xf32>,
      %broadcast_in_dim3A_69 = arith.constant 0.000000e+00 : f32
      %broadcast_in_dim3A_70 = vector.broadcast %broadcast_in_dim3A_69 : f32 to vector<16xf32>
      %swap3A_71 = arith.index_cast %scan3A_35 : i32 to index
      %swap3A_72 = arith.constant 80 : index
      %swap3A_73 = tpu.vector_load %arg10[%swap3A_71, %swap3A_72] {strides = array<i32>} : memref<32x128xf32, #tpu.memory_space<vmem>>, vector<1x16xf32>,
      %swap3A_74 = vector.shape_cast %swap3A_73 : vector<1x16xf32> to vector<16xf32>
      %swap3A_75 = vector.shape_cast %broadcast_in_dim3A_70 : vector<16xf32> to vector<1x16xf32>
      tpu.vector_store %arg10[%swap3A_71, %swap3A_72], %swap3A_75 {strides = array<i32>} : memref<32x128xf32, #tpu.memory_space<vmem>>, vector<1x16xf32>,
      %broadcast_in_dim3A_76 = arith.constant 0.000000e+00 : f32
      %broadcast_in_dim3A_77 = vector.broadcast %broadcast_in_dim3A_76 : f32 to vector<16xf32>
      %swap3A_78 = arith.index_cast %scan3A_35 : i32 to index
      %swap3A_79 = arith.constant 96 : index
      %swap3A_80 = tpu.vector_load %arg10[%swap3A_78, %swap3A_79] {strides = array<i32>} : memref<32x128xf32, #tpu.memory_space<vmem>>, vector<1x16xf32>,
      %swap3A_81 = vector.shape_cast %swap3A_80 : vector<1x16xf32> to vector<16xf32>
      %swap3A_82 = vector.shape_cast %broadcast_in_dim3A_77 : vector<16xf32> to vector<1x16xf32>
      tpu.vector_store %arg10[%swap3A_78, %swap3A_79], %swap3A_82 {strides = array<i32>} : memref<32x128xf32, #tpu.memory_space<vmem>>, vector<1x16xf32>,
      %broadcast_in_dim3A_83 = arith.constant 0.000000e+00 : f32
      %broadcast_in_dim3A_84 = vector.broadcast %broadcast_in_dim3A_83 : f32 to vector<16xf32>
      %swap3A_85 = arith.index_cast %scan3A_35 : i32 to index
      %swap3A_86 = arith.constant 112 : index
      %swap3A_87 = tpu.vector_load %arg10[%swap3A_85, %swap3A_86] {strides = array<i32>} : memref<32x128xf32, #tpu.memory_space<vmem>>, vector<1x16xf32>,
      %swap3A_88 = vector.shape_cast %swap3A_87 : vector<1x16xf32> to vector<16xf32>
      %swap3A_89 = vector.shape_cast %broadcast_in_dim3A_84 : vector<16xf32> to vector<1x16xf32>
      tpu.vector_store %arg10[%swap3A_85, %swap3A_86], %swap3A_89 {strides = array<i32>} : memref<32x128xf32, #tpu.memory_space<vmem>>, vector<1x16xf32>,
    }
    %scan3A_5 = arith.constant 32 : i32
    %scan3A_6 = arith.constant 0 : i32
    %scan3A_7 = arith.constant 0 : i32
    %scan3A_8 = arith.constant 20 : i32
    %scan3A_9 = arith.addi %scan3A_7, %scan3A_8 : i32
    %scan3A_10 = arith.constant 1 : i32
    scf.for %scan3A_35 = %scan3A_7 to %scan3A_9 step %scan3A_10  : i32 {
      %mul3A_36 = arith.constant 640 : i32
      %mul3A_37 = arith.muli %arg1, %mul3A_36 : i32
      %mul3A_38 = arith.constant 32 : i32
      %mul3A_39 = arith.muli %scan3A_35, %mul3A_38 : i32
      %add3A_40 = arith.addi %mul3A_37, %mul3A_39 : i32
      "tpu.region"() ({
        %run_scoped3A = tpu.sem_alloc : memref<!tpu.dma_semaphore, #tpu.memory_space<semaphore_mem>>
        %dma_start3A_41 = arith.constant 0 : i32
        %dma_start3A_42 = tpu.memref_slice %arg11[%add3A_40, %dma_start3A_41] : memref<10240x128xf32, #tpu.memory_space<vmem_shared>> -> memref<32x128xf32, #tpu.memory_space<vmem_shared>>
        %dma_start3A_43 = arith.constant 0 : i32
        %dma_start3A_44 = tpu.memref_slice %arg11[%add3A_40, %dma_start3A_43] : memref<10240x128xf32, #tpu.memory_space<vmem_shared>> -> memref<32x128xf32, #tpu.memory_space<vmem_shared>>
        tpu.enqueue_dma source(%arg10 : memref<32x128xf32, #tpu.memory_space<vmem>>) target(%dma_start3A_44 : memref<32x128xf32, #tpu.memory_space<vmem_shared>>) target_semaphore(%run_scoped3A : memref<!tpu.dma_semaphore, #tpu.memory_space<semaphore_mem>>)
        %dma_wait3A = arith.constant 0 : i32
        %dma_wait3A_45 = tpu.memref_slice %arg11[%add3A_40, %dma_wait3A] : memref<10240x128xf32, #tpu.memory_space<vmem_shared>> -> memref<32x128xf32, #tpu.memory_space<vmem_shared>>
        %dma_wait3A_46 = arith.constant 0 : i32
        %dma_wait3A_47 = tpu.memref_slice %arg11[%add3A_40, %dma_wait3A_46] : memref<10240x128xf32, #tpu.memory_space<vmem_shared>> -> memref<32x128xf32, #tpu.memory_space<vmem_shared>>
        tpu.wait_dma2 semaphore(%run_scoped3A : memref<!tpu.dma_semaphore, #tpu.memory_space<semaphore_mem>>) src(%arg10 : memref<32x128xf32, #tpu.memory_space<vmem>>) dst(%dma_wait3A_47 : memref<32x128xf32, #tpu.memory_space<vmem_shared>>)
        tpu.yield
      }) : () -> ()
    }
    %scan3A_11 = arith.constant 20 : i32
    %barrier3A = arith.constant 0 : index
    tpu.barrier barrier_id(%barrier3A)
    %mul3A_12 = arith.constant 40 : i32
    %mul3A_13 = arith.muli %add3A, %mul3A_12 : i32
    "tpu.region"() ({
      %run_scoped3A = tpu.sem_alloc : memref<!tpu.dma_semaphore, #tpu.memory_space<semaphore_mem>>
      %dma_start3A_35 = arith.constant 0 : i32
      %dma_start3A_36 = tpu.memref_slice %arg3[%mul3A_13, %dma_start3A_35] : memref<1280x128xi32, #tpu.memory_space<hbm>> -> memref<40x128xi32, #tpu.memory_space<hbm>>
      %dma_start3A_37 = arith.constant 0 : i32
      %dma_start3A_38 = tpu.memref_slice %arg3[%mul3A_13, %dma_start3A_37] : memref<1280x128xi32, #tpu.memory_space<hbm>> -> memref<40x128xi32, #tpu.memory_space<hbm>>
      tpu.enqueue_dma source(%dma_start3A_38 : memref<40x128xi32, #tpu.memory_space<hbm>>) target(%arg6 : memref<40x128xi32, #tpu.memory_space<vmem>>) target_semaphore(%run_scoped3A : memref<!tpu.dma_semaphore, #tpu.memory_space<semaphore_mem>>)
      %dma_wait3A = arith.constant 0 : i32
      %dma_wait3A_39 = tpu.memref_slice %arg3[%mul3A_13, %dma_wait3A] : memref<1280x128xi32, #tpu.memory_space<hbm>> -> memref<40x128xi32, #tpu.memory_space<hbm>>
      %dma_wait3A_40 = arith.constant 0 : i32
      %dma_wait3A_41 = tpu.memref_slice %arg3[%mul3A_13, %dma_wait3A_40] : memref<1280x128xi32, #tpu.memory_space<hbm>> -> memref<40x128xi32, #tpu.memory_space<hbm>>
      tpu.wait_dma2 semaphore(%run_scoped3A : memref<!tpu.dma_semaphore, #tpu.memory_space<semaphore_mem>>) src(%dma_wait3A_41 : memref<40x128xi32, #tpu.memory_space<hbm>>) dst(%arg6 : memref<40x128xi32, #tpu.memory_space<vmem>>)
      tpu.yield
    }) : () -> ()
    %mul3A_14 = arith.constant 40 : i32
    %mul3A_15 = arith.muli %add3A, %mul3A_14 : i32
    "tpu.region"() ({
      %run_scoped3A = tpu.sem_alloc : memref<!tpu.dma_semaphore, #tpu.memory_space<semaphore_mem>>
      %dma_start3A_35 = arith.constant 0 : i32
      %dma_start3A_36 = tpu.memref_slice %arg4[%mul3A_15, %dma_start3A_35] : memref<1280x128xi32, #tpu.memory_space<hbm>> -> memref<40x128xi32, #tpu.memory_space<hbm>>
      %dma_start3A_37 = arith.constant 0 : i32
      %dma_start3A_38 = tpu.memref_slice %arg4[%mul3A_15, %dma_start3A_37] : memref<1280x128xi32, #tpu.memory_space<hbm>> -> memref<40x128xi32, #tpu.memory_space<hbm>>
      tpu.enqueue_dma source(%dma_start3A_38 : memref<40x128xi32, #tpu.memory_space<hbm>>) target(%arg7 : memref<40x128xi32, #tpu.memory_space<vmem>>) target_semaphore(%run_scoped3A : memref<!tpu.dma_semaphore, #tpu.memory_space<semaphore_mem>>)
      %dma_wait3A = arith.constant 0 : i32
      %dma_wait3A_39 = tpu.memref_slice %arg4[%mul3A_15, %dma_wait3A] : memref<1280x128xi32, #tpu.memory_space<hbm>> -> memref<40x128xi32, #tpu.memory_space<hbm>>
      %dma_wait3A_40 = arith.constant 0 : i32
      %dma_wait3A_41 = tpu.memref_slice %arg4[%mul3A_15, %dma_wait3A_40] : memref<1280x128xi32, #tpu.memory_space<hbm>> -> memref<40x128xi32, #tpu.memory_space<hbm>>
      tpu.wait_dma2 semaphore(%run_scoped3A : memref<!tpu.dma_semaphore, #tpu.memory_space<semaphore_mem>>) src(%dma_wait3A_41 : memref<40x128xi32, #tpu.memory_space<hbm>>) dst(%arg7 : memref<40x128xi32, #tpu.memory_space<vmem>>)
      tpu.yield
    }) : () -> ()
    %dma_start3A = arith.constant 0 : i32
    %dma_start3A_16 = arith.constant 0 : i32
    %dma_start3A_17 = tpu.memref_slice %arg6[%dma_start3A, %dma_start3A_16] : memref<40x128xi32, #tpu.memory_space<vmem>> -> memref<1x128xi32, #tpu.memory_space<vmem>>
    %dma_start3A_18 = tpu.memref_squeeze %dma_start3A_17 : memref<1x128xi32, #tpu.memory_space<vmem>> -> memref<128xi32, #tpu.memory_space<vmem>>
    %dma_start3A_19 = arith.constant 0 : i32
    %dma_start3A_20 = arith.constant 0 : i32
    %dma_start3A_21 = tpu.memref_slice %arg2[%dma_start3A_19, %dma_start3A_20] : memref<10240x128xf32, #tpu.memory_space<hbm>> -> memref<10240x128xf32, #tpu.memory_space<hbm>>
    tpu.enqueue_indirect_dma source(%dma_start3A_21 : memref<10240x128xf32, #tpu.memory_space<hbm>>) target(%arg8 : memref<128x128xf32, #tpu.memory_space<vmem>>) offsets(%dma_start3A_18 : memref<128xi32, #tpu.memory_space<vmem>>) semaphore(%arg12 : memref<!tpu.dma_semaphore, #tpu.memory_space<semaphore_mem>>)
    %scan3A_22 = arith.constant 0 : i32
    %scan3A_23 = arith.constant 0 : i32
    %scan3A_24 = arith.constant 20 : i32
    %scan3A_25 = arith.addi %scan3A_23, %scan3A_24 : i32
    %scan3A_26 = arith.constant 1 : i32
    scf.for %scan3A_35 = %scan3A_23 to %scan3A_25 step %scan3A_26  : i32 {
      %mul3A_36 = arith.constant 2 : i32
      %mul3A_37 = arith.muli %scan3A_35, %mul3A_36 : i32
      %add3A_38 = arith.constant 1 : i32
      %add3A_39 = arith.addi %mul3A_37, %add3A_38 : i32
      %dma_start3A_40 = arith.constant 0 : i32
      %dma_start3A_41 = tpu.memref_slice %arg6[%add3A_39, %dma_start3A_40] : memref<40x128xi32, #tpu.memory_space<vmem>> -> memref<1x128xi32, #tpu.memory_space<vmem>>
      %dma_start3A_42 = tpu.memref_squeeze %dma_start3A_41 : memref<1x128xi32, #tpu.memory_space<vmem>> -> memref<128xi32, #tpu.memory_space<vmem>>
      %dma_start3A_43 = arith.constant 0 : i32
      %dma_start3A_44 = arith.constant 0 : i32
      %dma_start3A_45 = tpu.memref_slice %arg2[%dma_start3A_43, %dma_start3A_44] : memref<10240x128xf32, #tpu.memory_space<hbm>> -> memref<10240x128xf32, #tpu.memory_space<hbm>>
      tpu.enqueue_indirect_dma source(%dma_start3A_45 : memref<10240x128xf32, #tpu.memory_space<hbm>>) target(%arg9 : memref<128x128xf32, #tpu.memory_space<vmem>>) offsets(%dma_start3A_42 : memref<128xi32, #tpu.memory_space<vmem>>) semaphore(%arg13 : memref<!tpu.dma_semaphore, #tpu.memory_space<semaphore_mem>>)
      %dma_wait3A = arith.constant 0 : i32
      %dma_wait3A_46 = tpu.memref_slice %arg6[%mul3A_37, %dma_wait3A] : memref<40x128xi32, #tpu.memory_space<vmem>> -> memref<1x128xi32, #tpu.memory_space<vmem>>
      %dma_wait3A_47 = tpu.memref_squeeze %dma_wait3A_46 : memref<1x128xi32, #tpu.memory_space<vmem>> -> memref<128xi32, #tpu.memory_space<vmem>>
      %dma_wait3A_48 = arith.constant 0 : i32
      %dma_wait3A_49 = arith.constant 0 : i32
      %dma_wait3A_50 = tpu.memref_slice %arg2[%dma_wait3A_48, %dma_wait3A_49] : memref<10240x128xf32, #tpu.memory_space<hbm>> -> memref<10240x128xf32, #tpu.memory_space<hbm>>
      tpu.wait_indirect_dma semaphore(%arg12 : memref<!tpu.dma_semaphore, #tpu.memory_space<semaphore_mem>>) src(%dma_wait3A_50 : memref<10240x128xf32, #tpu.memory_space<hbm>>) dst(%arg8 : memref<128x128xf32, #tpu.memory_space<vmem>>)
      "tpu.region"() ({
        %run_scoped3A = tpu.sem_alloc : memref<!tpu.dma_semaphore, #tpu.memory_space<semaphore_mem>>
        %dma_start3A_65 = arith.constant 0 : i32
        %dma_start3A_66 = tpu.memref_slice %arg7[%mul3A_37, %dma_start3A_65] : memref<40x128xi32, #tpu.memory_space<vmem>> -> memref<1x128xi32, #tpu.memory_space<vmem>>
        %dma_start3A_67 = tpu.memref_squeeze %dma_start3A_66 : memref<1x128xi32, #tpu.memory_space<vmem>> -> memref<128xi32, #tpu.memory_space<vmem>>
        %dma_start3A_68 = arith.constant 0 : i32
        %dma_start3A_69 = arith.constant 0 : i32
        %dma_start3A_70 = tpu.memref_slice %arg11[%dma_start3A_68, %dma_start3A_69] : memref<10240x128xf32, #tpu.memory_space<vmem_shared>> -> memref<10240x128xf32, #tpu.memory_space<vmem_shared>>
        tpu.enqueue_indirect_dma source(%arg8 : memref<128x128xf32, #tpu.memory_space<vmem>>) target(%dma_start3A_70 : memref<10240x128xf32, #tpu.memory_space<vmem_shared>>) offsets(%dma_start3A_67 : memref<128xi32, #tpu.memory_space<vmem>>) semaphore(%run_scoped3A : memref<!tpu.dma_semaphore, #tpu.memory_space<semaphore_mem>>) {add = true}
        %dma_wait3A_71 = arith.constant 0 : i32
        %dma_wait3A_72 = tpu.memref_slice %arg7[%mul3A_37, %dma_wait3A_71] : memref<40x128xi32, #tpu.memory_space<vmem>> -> memref<1x128xi32, #tpu.memory_space<vmem>>
        %dma_wait3A_73 = tpu.memref_squeeze %dma_wait3A_72 : memref<1x128xi32, #tpu.memory_space<vmem>> -> memref<128xi32, #tpu.memory_space<vmem>>
        %dma_wait3A_74 = arith.constant 0 : i32
        %dma_wait3A_75 = arith.constant 0 : i32
        %dma_wait3A_76 = tpu.memref_slice %arg11[%dma_wait3A_74, %dma_wait3A_75] : memref<10240x128xf32, #tpu.memory_space<vmem_shared>> -> memref<10240x128xf32, #tpu.memory_space<vmem_shared>>
        tpu.wait_indirect_dma semaphore(%run_scoped3A : memref<!tpu.dma_semaphore, #tpu.memory_space<semaphore_mem>>) src(%arg8 : memref<128x128xf32, #tpu.memory_space<vmem>>) dst(%dma_wait3A_76 : memref<10240x128xf32, #tpu.memory_space<vmem_shared>>)
        tpu.yield
      }) : () -> ()
      %add3A_51 = arith.constant 2 : i32
      %add3A_52 = arith.addi %mul3A_37, %add3A_51 : i32
      %lt3A = arith.constant 40 : i32
      %lt3A_53 = arith.cmpi slt, %add3A_52, %lt3A : i32
      %convert_element_type3A = arith.extui %lt3A_53 : i1 to i32
      %cond3A = arith.constant 0 : i32
      %cond3A_54 = arith.cmpi ne, %convert_element_type3A, %cond3A : i32
      scf.if %cond3A_54 {
        %add3A_65 = arith.constant 2 : i32
        %add3A_66 = arith.addi %mul3A_37, %add3A_65 : i32
        %dma_start3A_67 = arith.constant 0 : i32
        %dma_start3A_68 = tpu.memref_slice %arg6[%add3A_66, %dma_start3A_67] : memref<40x128xi32, #tpu.memory_space<vmem>> -> memref<1x128xi32, #tpu.memory_space<vmem>>
        %dma_start3A_69 = tpu.memref_squeeze %dma_start3A_68 : memref<1x128xi32, #tpu.memory_space<vmem>> -> memref<128xi32, #tpu.memory_space<vmem>>
        %dma_start3A_70 = arith.constant 0 : i32
        %dma_start3A_71 = arith.constant 0 : i32
        %dma_start3A_72 = tpu.memref_slice %arg2[%dma_start3A_70, %dma_start3A_71] : memref<10240x128xf32, #tpu.memory_space<hbm>> -> memref<10240x128xf32, #tpu.memory_space<hbm>>
        tpu.enqueue_indirect_dma source(%dma_start3A_72 : memref<10240x128xf32, #tpu.memory_space<hbm>>) target(%arg8 : memref<128x128xf32, #tpu.memory_space<vmem>>) offsets(%dma_start3A_69 : memref<128xi32, #tpu.memory_space<vmem>>) semaphore(%arg12 : memref<!tpu.dma_semaphore, #tpu.memory_space<semaphore_mem>>)
      } else {
      }
      %add3A_55 = arith.constant 1 : i32
      %add3A_56 = arith.addi %mul3A_37, %add3A_55 : i32
      %dma_wait3A_57 = arith.constant 0 : i32
      %dma_wait3A_58 = tpu.memref_slice %arg6[%add3A_56, %dma_wait3A_57] : memref<40x128xi32, #tpu.memory_space<vmem>> -> memref<1x128xi32, #tpu.memory_space<vmem>>
      %dma_wait3A_59 = tpu.memref_squeeze %dma_wait3A_58 : memref<1x128xi32, #tpu.memory_space<vmem>> -> memref<128xi32, #tpu.memory_space<vmem>>
      %dma_wait3A_60 = arith.constant 0 : i32
      %dma_wait3A_61 = arith.constant 0 : i32
      %dma_wait3A_62 = tpu.memref_slice %arg2[%dma_wait3A_60, %dma_wait3A_61] : memref<10240x128xf32, #tpu.memory_space<hbm>> -> memref<10240x128xf32, #tpu.memory_space<hbm>>
      tpu.wait_indirect_dma semaphore(%arg13 : memref<!tpu.dma_semaphore, #tpu.memory_space<semaphore_mem>>) src(%dma_wait3A_62 : memref<10240x128xf32, #tpu.memory_space<hbm>>) dst(%arg9 : memref<128x128xf32, #tpu.memory_space<vmem>>)
      %add3A_63 = arith.constant 1 : i32
      %add3A_64 = arith.addi %mul3A_37, %add3A_63 : i32
      "tpu.region"() ({
        %run_scoped3A = tpu.sem_alloc : memref<!tpu.dma_semaphore, #tpu.memory_space<semaphore_mem>>
        %dma_start3A_65 = arith.constant 0 : i32
        %dma_start3A_66 = tpu.memref_slice %arg7[%add3A_64, %dma_start3A_65] : memref<40x128xi32, #tpu.memory_space<vmem>> -> memref<1x128xi32, #tpu.memory_space<vmem>>
        %dma_start3A_67 = tpu.memref_squeeze %dma_start3A_66 : memref<1x128xi32, #tpu.memory_space<vmem>> -> memref<128xi32, #tpu.memory_space<vmem>>
        %dma_start3A_68 = arith.constant 0 : i32
        %dma_start3A_69 = arith.constant 0 : i32
        %dma_start3A_70 = tpu.memref_slice %arg11[%dma_start3A_68, %dma_start3A_69] : memref<10240x128xf32, #tpu.memory_space<vmem_shared>> -> memref<10240x128xf32, #tpu.memory_space<vmem_shared>>
        tpu.enqueue_indirect_dma source(%arg9 : memref<128x128xf32, #tpu.memory_space<vmem>>) target(%dma_start3A_70 : memref<10240x128xf32, #tpu.memory_space<vmem_shared>>) offsets(%dma_start3A_67 : memref<128xi32, #tpu.memory_space<vmem>>) semaphore(%run_scoped3A : memref<!tpu.dma_semaphore, #tpu.memory_space<semaphore_mem>>) {add = true}
        %dma_wait3A_71 = arith.constant 0 : i32
        %dma_wait3A_72 = tpu.memref_slice %arg7[%add3A_64, %dma_wait3A_71] : memref<40x128xi32, #tpu.memory_space<vmem>> -> memref<1x128xi32, #tpu.memory_space<vmem>>
        %dma_wait3A_73 = tpu.memref_squeeze %dma_wait3A_72 : memref<1x128xi32, #tpu.memory_space<vmem>> -> memref<128xi32, #tpu.memory_space<vmem>>
        %dma_wait3A_74 = arith.constant 0 : i32
        %dma_wait3A_75 = arith.constant 0 : i32
        %dma_wait3A_76 = tpu.memref_slice %arg11[%dma_wait3A_74, %dma_wait3A_75] : memref<10240x128xf32, #tpu.memory_space<vmem_shared>> -> memref<10240x128xf32, #tpu.memory_space<vmem_shared>>
        tpu.wait_indirect_dma semaphore(%run_scoped3A : memref<!tpu.dma_semaphore, #tpu.memory_space<semaphore_mem>>) src(%arg9 : memref<128x128xf32, #tpu.memory_space<vmem>>) dst(%dma_wait3A_76 : memref<10240x128xf32, #tpu.memory_space<vmem_shared>>)
        tpu.yield
      }) : () -> ()
    }
    %scan3A_27 = arith.constant 20 : i32
    %barrier3A_28 = arith.constant 0 : index
    tpu.barrier barrier_id(%barrier3A_28)
    %scan3A_29 = arith.constant 0 : i32
    %scan3A_30 = arith.constant 0 : i32
    %scan3A_31 = arith.constant 20 : i32
    %scan3A_32 = arith.addi %scan3A_30, %scan3A_31 : i32
    %scan3A_33 = arith.constant 1 : i32
    scf.for %scan3A_35 = %scan3A_30 to %scan3A_32 step %scan3A_33  : i32 {
      %mul3A_36 = arith.constant 640 : i32
      %mul3A_37 = arith.muli %arg1, %mul3A_36 : i32
      %mul3A_38 = arith.constant 32 : i32
      %mul3A_39 = arith.muli %scan3A_35, %mul3A_38 : i32
      %add3A_40 = arith.addi %mul3A_37, %mul3A_39 : i32
      "tpu.region"() ({
        %run_scoped3A = tpu.sem_alloc : memref<!tpu.dma_semaphore, #tpu.memory_space<semaphore_mem>>
        %dma_start3A_41 = arith.constant 0 : i32
        %dma_start3A_42 = tpu.memref_slice %arg11[%add3A_40, %dma_start3A_41] : memref<10240x128xf32, #tpu.memory_space<vmem_shared>> -> memref<32x128xf32, #tpu.memory_space<vmem_shared>>
        %dma_start3A_43 = arith.constant 0 : i32
        %dma_start3A_44 = tpu.memref_slice %arg11[%add3A_40, %dma_start3A_43] : memref<10240x128xf32, #tpu.memory_space<vmem_shared>> -> memref<32x128xf32, #tpu.memory_space<vmem_shared>>
        tpu.enqueue_dma source(%dma_start3A_44 : memref<32x128xf32, #tpu.memory_space<vmem_shared>>) target(%arg10 : memref<32x128xf32, #tpu.memory_space<vmem>>) target_semaphore(%run_scoped3A : memref<!tpu.dma_semaphore, #tpu.memory_space<semaphore_mem>>)
        %dma_wait3A = arith.constant 0 : i32
        %dma_wait3A_45 = tpu.memref_slice %arg11[%add3A_40, %dma_wait3A] : memref<10240x128xf32, #tpu.memory_space<vmem_shared>> -> memref<32x128xf32, #tpu.memory_space<vmem_shared>>
        %dma_wait3A_46 = arith.constant 0 : i32
        %dma_wait3A_47 = tpu.memref_slice %arg11[%add3A_40, %dma_wait3A_46] : memref<10240x128xf32, #tpu.memory_space<vmem_shared>> -> memref<32x128xf32, #tpu.memory_space<vmem_shared>>
        tpu.wait_dma2 semaphore(%run_scoped3A : memref<!tpu.dma_semaphore, #tpu.memory_space<semaphore_mem>>) src(%dma_wait3A_47 : memref<32x128xf32, #tpu.memory_space<vmem_shared>>) dst(%arg10 : memref<32x128xf32, #tpu.memory_space<vmem>>)
        tpu.yield
      }) : () -> ()
      "tpu.region"() ({
        %run_scoped3A = tpu.sem_alloc : memref<!tpu.dma_semaphore, #tpu.memory_space<semaphore_mem>>
        %dma_start3A_41 = arith.constant 0 : i32
        %dma_start3A_42 = tpu.memref_slice %arg5[%arg0, %add3A_40, %dma_start3A_41] : memref<2x10240x128xf32, #tpu.memory_space<hbm>> -> memref<1x32x128xf32, #tpu.memory_space<hbm>>
        %dma_start3A_43 = tpu.memref_squeeze %dma_start3A_42 : memref<1x32x128xf32, #tpu.memory_space<hbm>> -> memref<32x128xf32, #tpu.memory_space<hbm>>
        %dma_start3A_44 = arith.constant 0 : i32
        %dma_start3A_45 = tpu.memref_slice %arg5[%arg0, %add3A_40, %dma_start3A_44] : memref<2x10240x128xf32, #tpu.memory_space<hbm>> -> memref<1x32x128xf32, #tpu.memory_space<hbm>>
        %dma_start3A_46 = tpu.memref_squeeze %dma_start3A_45 : memref<1x32x128xf32, #tpu.memory_space<hbm>> -> memref<32x128xf32, #tpu.memory_space<hbm>>
        tpu.enqueue_dma source(%arg10 : memref<32x128xf32, #tpu.memory_space<vmem>>) target(%dma_start3A_46 : memref<32x128xf32, #tpu.memory_space<hbm>>) target_semaphore(%run_scoped3A : memref<!tpu.dma_semaphore, #tpu.memory_space<semaphore_mem>>)
        %dma_wait3A = arith.constant 0 : i32
        %dma_wait3A_47 = tpu.memref_slice %arg5[%arg0, %add3A_40, %dma_wait3A] : memref<2x10240x128xf32, #tpu.memory_space<hbm>> -> memref<1x32x128xf32, #tpu.memory_space<hbm>>
        %dma_wait3A_48 = tpu.memref_squeeze %dma_wait3A_47 : memref<1x32x128xf32, #tpu.memory_space<hbm>> -> memref<32x128xf32, #tpu.memory_space<hbm>>
        %dma_wait3A_49 = arith.constant 0 : i32
        %dma_wait3A_50 = tpu.memref_slice %arg5[%arg0, %add3A_40, %dma_wait3A_49] : memref<2x10240x128xf32, #tpu.memory_space<hbm>> -> memref<1x32x128xf32, #tpu.memory_space<hbm>>
        %dma_wait3A_51 = tpu.memref_squeeze %dma_wait3A_50 : memref<1x32x128xf32, #tpu.memory_space<hbm>> -> memref<32x128xf32, #tpu.memory_space<hbm>>
        tpu.wait_dma2 semaphore(%run_scoped3A : memref<!tpu.dma_semaphore, #tpu.memory_space<semaphore_mem>>) src(%arg10 : memref<32x128xf32, #tpu.memory_space<vmem>>) dst(%dma_wait3A_51 : memref<32x128xf32, #tpu.memory_space<hbm>>)
        tpu.yield
      }) : () -> ()
    }
    %scan3A_34 = arith.constant 20 : i32
    return
  }
}

#map = affine_map<(d0, d1) -> (0, 0)>
#map1 = affine_map<(d0, d1) -> (0, 0, 0)>
module attributes {stable_mosaic.version = 14 : i64} {
  func.func @k(%arg0: i32, %arg1: i32, %arg2: memref<10240x128xf32, #tpu.memory_space<hbm>>, %arg3: memref<1280x128xi32, #tpu.memory_space<hbm>>, %arg4: memref<1280x128xi32, #tpu.memory_space<hbm>>, %arg5: memref<2x10240x128xf32, #tpu.memory_space<hbm>>, %arg6: memref<40x128xi32, #tpu.memory_space<vmem>>, %arg7: memref<40x128xi32, #tpu.memory_space<vmem>>, %arg8: memref<128x128xf32, #tpu.memory_space<vmem>>, %arg9: memref<128x128xf32, #tpu.memory_space<vmem>>, %arg10: memref<32x128xf32, #tpu.memory_space<vmem>>, %arg11: memref<10240x128xf32, #tpu.memory_space<vmem_shared>>, %arg12: memref<!tpu.dma_semaphore, #tpu.memory_space<semaphore_mem>>, %arg13: memref<!tpu.dma_semaphore, #tpu.memory_space<semaphore_mem>>) attributes {dimension_semantics = [#tpu.dimension_semantics<core_parallel>, #tpu.dimension_semantics<subcore_parallel>], iteration_bounds = array<i64: 2, 16>, scalar_prefetch = 0 : i64, scratch_operands = 8 : i64, tpu.core_type = #tpu.core_type<sc_vector_subcore>, window_params = [{transform_indices = #map}, {transform_indices = #map}, {transform_indices = #map}, {transform_indices = #map1}]} {
    %mul3A = arith.constant 16 : i32
    %mul3A_0 = arith.muli %arg0, %mul3A : i32
    %add3A = arith.addi %mul3A_0, %arg1 : i32
    %scan3A = arith.constant 0 : i32
    %scan3A_1 = arith.constant 0 : i32
    %scan3A_2 = arith.constant 32 : i32
    %scan3A_3 = arith.addi %scan3A_1, %scan3A_2 : i32
    %scan3A_4 = arith.constant 1 : i32
    scf.for %scan3A_35 = %scan3A_1 to %scan3A_3 step %scan3A_4  : i32 {
      %broadcast_in_dim3A = arith.constant 0.000000e+00 : f32
      %broadcast_in_dim3A_36 = vector.broadcast %broadcast_in_dim3A : f32 to vector<16xf32>
      %swap3A = arith.index_cast %scan3A_35 : i32 to index
      %swap3A_37 = arith.constant 0 : index
      %swap3A_38 = tpu.vector_load %arg10[%swap3A, %swap3A_37] {strides = array<i32>} : memref<32x128xf32, #tpu.memory_space<vmem>>, vector<1x16xf32>,
      %swap3A_39 = vector.shape_cast %swap3A_38 : vector<1x16xf32> to vector<16xf32>
      %swap3A_40 = vector.shape_cast %broadcast_in_dim3A_36 : vector<16xf32> to vector<1x16xf32>
      tpu.vector_store %arg10[%swap3A, %swap3A_37], %swap3A_40 {strides = array<i32>} : memref<32x128xf32, #tpu.memory_space<vmem>>, vector<1x16xf32>,
      %broadcast_in_dim3A_41 = arith.constant 0.000000e+00 : f32
      %broadcast_in_dim3A_42 = vector.broadcast %broadcast_in_dim3A_41 : f32 to vector<16xf32>
      %swap3A_43 = arith.index_cast %scan3A_35 : i32 to index
      %swap3A_44 = arith.constant 16 : index
      %swap3A_45 = tpu.vector_load %arg10[%swap3A_43, %swap3A_44] {strides = array<i32>} : memref<32x128xf32, #tpu.memory_space<vmem>>, vector<1x16xf32>,
      %swap3A_46 = vector.shape_cast %swap3A_45 : vector<1x16xf32> to vector<16xf32>
      %swap3A_47 = vector.shape_cast %broadcast_in_dim3A_42 : vector<16xf32> to vector<1x16xf32>
      tpu.vector_store %arg10[%swap3A_43, %swap3A_44], %swap3A_47 {strides = array<i32>} : memref<32x128xf32, #tpu.memory_space<vmem>>, vector<1x16xf32>,
      %broadcast_in_dim3A_48 = arith.constant 0.000000e+00 : f32
      %broadcast_in_dim3A_49 = vector.broadcast %broadcast_in_dim3A_48 : f32 to vector<16xf32>
      %swap3A_50 = arith.index_cast %scan3A_35 : i32 to index
      %swap3A_51 = arith.constant 32 : index
      %swap3A_52 = tpu.vector_load %arg10[%swap3A_50, %swap3A_51] {strides = array<i32>} : memref<32x128xf32, #tpu.memory_space<vmem>>, vector<1x16xf32>,
      %swap3A_53 = vector.shape_cast %swap3A_52 : vector<1x16xf32> to vector<16xf32>
      %swap3A_54 = vector.shape_cast %broadcast_in_dim3A_49 : vector<16xf32> to vector<1x16xf32>
      tpu.vector_store %arg10[%swap3A_50, %swap3A_51], %swap3A_54 {strides = array<i32>} : memref<32x128xf32, #tpu.memory_space<vmem>>, vector<1x16xf32>,
      %broadcast_in_dim3A_55 = arith.constant 0.000000e+00 : f32
      %broadcast_in_dim3A_56 = vector.broadcast %broadcast_in_dim3A_55 : f32 to vector<16xf32>
      %swap3A_57 = arith.index_cast %scan3A_35 : i32 to index
      %swap3A_58 = arith.constant 48 : index
      %swap3A_59 = tpu.vector_load %arg10[%swap3A_57, %swap3A_58] {strides = array<i32>} : memref<32x128xf32, #tpu.memory_space<vmem>>, vector<1x16xf32>,
      %swap3A_60 = vector.shape_cast %swap3A_59 : vector<1x16xf32> to vector<16xf32>
      %swap3A_61 = vector.shape_cast %broadcast_in_dim3A_56 : vector<16xf32> to vector<1x16xf32>
      tpu.vector_store %arg10[%swap3A_57, %swap3A_58], %swap3A_61 {strides = array<i32>} : memref<32x128xf32, #tpu.memory_space<vmem>>, vector<1x16xf32>,
      %broadcast_in_dim3A_62 = arith.constant 0.000000e+00 : f32
      %broadcast_in_dim3A_63 = vector.broadcast %broadcast_in_dim3A_62 : f32 to vector<16xf32>
      %swap3A_64 = arith.index_cast %scan3A_35 : i32 to index
      %swap3A_65 = arith.constant 64 : index
      %swap3A_66 = tpu.vector_load %arg10[%swap3A_64, %swap3A_65] {strides = array<i32>} : memref<32x128xf32, #tpu.memory_space<vmem>>, vector<1x16xf32>,
      %swap3A_67 = vector.shape_cast %swap3A_66 : vector<1x16xf32> to vector<16xf32>
      %swap3A_68 = vector.shape_cast %broadcast_in_dim3A_63 : vector<16xf32> to vector<1x16xf32>
      tpu.vector_store %arg10[%swap3A_64, %swap3A_65], %swap3A_68 {strides = array<i32>} : memref<32x128xf32, #tpu.memory_space<vmem>>, vector<1x16xf32>,
      %broadcast_in_dim3A_69 = arith.constant 0.000000e+00 : f32
      %broadcast_in_dim3A_70 = vector.broadcast %broadcast_in_dim3A_69 : f32 to vector<16xf32>
      %swap3A_71 = arith.index_cast %scan3A_35 : i32 to index
      %swap3A_72 = arith.constant 80 : index
      %swap3A_73 = tpu.vector_load %arg10[%swap3A_71, %swap3A_72] {strides = array<i32>} : memref<32x128xf32, #tpu.memory_space<vmem>>, vector<1x16xf32>,
      %swap3A_74 = vector.shape_cast %swap3A_73 : vector<1x16xf32> to vector<16xf32>
      %swap3A_75 = vector.shape_cast %broadcast_in_dim3A_70 : vector<16xf32> to vector<1x16xf32>
      tpu.vector_store %arg10[%swap3A_71, %swap3A_72], %swap3A_75 {strides = array<i32>} : memref<32x128xf32, #tpu.memory_space<vmem>>, vector<1x16xf32>,
      %broadcast_in_dim3A_76 = arith.constant 0.000000e+00 : f32
      %broadcast_in_dim3A_77 = vector.broadcast %broadcast_in_dim3A_76 : f32 to vector<16xf32>
      %swap3A_78 = arith.index_cast %scan3A_35 : i32 to index
      %swap3A_79 = arith.constant 96 : index
      %swap3A_80 = tpu.vector_load %arg10[%swap3A_78, %swap3A_79] {strides = array<i32>} : memref<32x128xf32, #tpu.memory_space<vmem>>, vector<1x16xf32>,
      %swap3A_81 = vector.shape_cast %swap3A_80 : vector<1x16xf32> to vector<16xf32>
      %swap3A_82 = vector.shape_cast %broadcast_in_dim3A_77 : vector<16xf32> to vector<1x16xf32>
      tpu.vector_store %arg10[%swap3A_78, %swap3A_79], %swap3A_82 {strides = array<i32>} : memref<32x128xf32, #tpu.memory_space<vmem>>, vector<1x16xf32>,
      %broadcast_in_dim3A_83 = arith.constant 0.000000e+00 : f32
      %broadcast_in_dim3A_84 = vector.broadcast %broadcast_in_dim3A_83 : f32 to vector<16xf32>
      %swap3A_85 = arith.index_cast %scan3A_35 : i32 to index
      %swap3A_86 = arith.constant 112 : index
      %swap3A_87 = tpu.vector_load %arg10[%swap3A_85, %swap3A_86] {strides = array<i32>} : memref<32x128xf32, #tpu.memory_space<vmem>>, vector<1x16xf32>,
      %swap3A_88 = vector.shape_cast %swap3A_87 : vector<1x16xf32> to vector<16xf32>
      %swap3A_89 = vector.shape_cast %broadcast_in_dim3A_84 : vector<16xf32> to vector<1x16xf32>
      tpu.vector_store %arg10[%swap3A_85, %swap3A_86], %swap3A_89 {strides = array<i32>} : memref<32x128xf32, #tpu.memory_space<vmem>>, vector<1x16xf32>,
    }
    %scan3A_5 = arith.constant 32 : i32
    %scan3A_6 = arith.constant 0 : i32
    %scan3A_7 = arith.constant 0 : i32
    %scan3A_8 = arith.constant 20 : i32
    %scan3A_9 = arith.addi %scan3A_7, %scan3A_8 : i32
    %scan3A_10 = arith.constant 1 : i32
    scf.for %scan3A_35 = %scan3A_7 to %scan3A_9 step %scan3A_10  : i32 {
      %mul3A_36 = arith.constant 640 : i32
      %mul3A_37 = arith.muli %arg1, %mul3A_36 : i32
      %mul3A_38 = arith.constant 32 : i32
      %mul3A_39 = arith.muli %scan3A_35, %mul3A_38 : i32
      %add3A_40 = arith.addi %mul3A_37, %mul3A_39 : i32
      "tpu.region"() ({
        %run_scoped3A = tpu.sem_alloc : memref<!tpu.dma_semaphore, #tpu.memory_space<semaphore_mem>>
        %dma_start3A_41 = arith.constant 0 : i32
        %dma_start3A_42 = tpu.memref_slice %arg11[%add3A_40, %dma_start3A_41] : memref<10240x128xf32, #tpu.memory_space<vmem_shared>> -> memref<32x128xf32, #tpu.memory_space<vmem_shared>>
        %dma_start3A_43 = arith.constant 0 : i32
        %dma_start3A_44 = tpu.memref_slice %arg11[%add3A_40, %dma_start3A_43] : memref<10240x128xf32, #tpu.memory_space<vmem_shared>> -> memref<32x128xf32, #tpu.memory_space<vmem_shared>>
        tpu.enqueue_dma source(%arg10 : memref<32x128xf32, #tpu.memory_space<vmem>>) target(%dma_start3A_44 : memref<32x128xf32, #tpu.memory_space<vmem_shared>>) target_semaphore(%run_scoped3A : memref<!tpu.dma_semaphore, #tpu.memory_space<semaphore_mem>>)
        %dma_wait3A = arith.constant 0 : i32
        %dma_wait3A_45 = tpu.memref_slice %arg11[%add3A_40, %dma_wait3A] : memref<10240x128xf32, #tpu.memory_space<vmem_shared>> -> memref<32x128xf32, #tpu.memory_space<vmem_shared>>
        %dma_wait3A_46 = arith.constant 0 : i32
        %dma_wait3A_47 = tpu.memref_slice %arg11[%add3A_40, %dma_wait3A_46] : memref<10240x128xf32, #tpu.memory_space<vmem_shared>> -> memref<32x128xf32, #tpu.memory_space<vmem_shared>>
        tpu.wait_dma2 semaphore(%run_scoped3A : memref<!tpu.dma_semaphore, #tpu.memory_space<semaphore_mem>>) src(%arg10 : memref<32x128xf32, #tpu.memory_space<vmem>>) dst(%dma_wait3A_47 : memref<32x128xf32, #tpu.memory_space<vmem_shared>>)
        tpu.yield
      }) : () -> ()
    }
    %scan3A_11 = arith.constant 20 : i32
    %barrier3A = arith.constant 0 : index
    tpu.barrier barrier_id(%barrier3A)
    %mul3A_12 = arith.constant 40 : i32
    %mul3A_13 = arith.muli %add3A, %mul3A_12 : i32
    "tpu.region"() ({
      %run_scoped3A = tpu.sem_alloc : memref<!tpu.dma_semaphore, #tpu.memory_space<semaphore_mem>>
      %dma_start3A_35 = arith.constant 0 : i32
      %dma_start3A_36 = tpu.memref_slice %arg3[%mul3A_13, %dma_start3A_35] : memref<1280x128xi32, #tpu.memory_space<hbm>> -> memref<40x128xi32, #tpu.memory_space<hbm>>
      %dma_start3A_37 = arith.constant 0 : i32
      %dma_start3A_38 = tpu.memref_slice %arg3[%mul3A_13, %dma_start3A_37] : memref<1280x128xi32, #tpu.memory_space<hbm>> -> memref<40x128xi32, #tpu.memory_space<hbm>>
      tpu.enqueue_dma source(%dma_start3A_38 : memref<40x128xi32, #tpu.memory_space<hbm>>) target(%arg6 : memref<40x128xi32, #tpu.memory_space<vmem>>) target_semaphore(%run_scoped3A : memref<!tpu.dma_semaphore, #tpu.memory_space<semaphore_mem>>)
      %dma_wait3A = arith.constant 0 : i32
      %dma_wait3A_39 = tpu.memref_slice %arg3[%mul3A_13, %dma_wait3A] : memref<1280x128xi32, #tpu.memory_space<hbm>> -> memref<40x128xi32, #tpu.memory_space<hbm>>
      %dma_wait3A_40 = arith.constant 0 : i32
      %dma_wait3A_41 = tpu.memref_slice %arg3[%mul3A_13, %dma_wait3A_40] : memref<1280x128xi32, #tpu.memory_space<hbm>> -> memref<40x128xi32, #tpu.memory_space<hbm>>
      tpu.wait_dma2 semaphore(%run_scoped3A : memref<!tpu.dma_semaphore, #tpu.memory_space<semaphore_mem>>) src(%dma_wait3A_41 : memref<40x128xi32, #tpu.memory_space<hbm>>) dst(%arg6 : memref<40x128xi32, #tpu.memory_space<vmem>>)
      tpu.yield
    }) : () -> ()
    %mul3A_14 = arith.constant 40 : i32
    %mul3A_15 = arith.muli %add3A, %mul3A_14 : i32
    "tpu.region"() ({
      %run_scoped3A = tpu.sem_alloc : memref<!tpu.dma_semaphore, #tpu.memory_space<semaphore_mem>>
      %dma_start3A_35 = arith.constant 0 : i32
      %dma_start3A_36 = tpu.memref_slice %arg4[%mul3A_15, %dma_start3A_35] : memref<1280x128xi32, #tpu.memory_space<hbm>> -> memref<40x128xi32, #tpu.memory_space<hbm>>
      %dma_start3A_37 = arith.constant 0 : i32
      %dma_start3A_38 = tpu.memref_slice %arg4[%mul3A_15, %dma_start3A_37] : memref<1280x128xi32, #tpu.memory_space<hbm>> -> memref<40x128xi32, #tpu.memory_space<hbm>>
      tpu.enqueue_dma source(%dma_start3A_38 : memref<40x128xi32, #tpu.memory_space<hbm>>) target(%arg7 : memref<40x128xi32, #tpu.memory_space<vmem>>) target_semaphore(%run_scoped3A : memref<!tpu.dma_semaphore, #tpu.memory_space<semaphore_mem>>)
      %dma_wait3A = arith.constant 0 : i32
      %dma_wait3A_39 = tpu.memref_slice %arg4[%mul3A_15, %dma_wait3A] : memref<1280x128xi32, #tpu.memory_space<hbm>> -> memref<40x128xi32, #tpu.memory_space<hbm>>
      %dma_wait3A_40 = arith.constant 0 : i32
      %dma_wait3A_41 = tpu.memref_slice %arg4[%mul3A_15, %dma_wait3A_40] : memref<1280x128xi32, #tpu.memory_space<hbm>> -> memref<40x128xi32, #tpu.memory_space<hbm>>
      tpu.wait_dma2 semaphore(%run_scoped3A : memref<!tpu.dma_semaphore, #tpu.memory_space<semaphore_mem>>) src(%dma_wait3A_41 : memref<40x128xi32, #tpu.memory_space<hbm>>) dst(%arg7 : memref<40x128xi32, #tpu.memory_space<vmem>>)
      tpu.yield
    }) : () -> ()
    %dma_start3A = arith.constant 0 : i32
    %dma_start3A_16 = arith.constant 0 : i32
    %dma_start3A_17 = tpu.memref_slice %arg6[%dma_start3A, %dma_start3A_16] : memref<40x128xi32, #tpu.memory_space<vmem>> -> memref<1x128xi32, #tpu.memory_space<vmem>>
    %dma_start3A_18 = tpu.memref_squeeze %dma_start3A_17 : memref<1x128xi32, #tpu.memory_space<vmem>> -> memref<128xi32, #tpu.memory_space<vmem>>
    %dma_start3A_19 = arith.constant 0 : i32
    %dma_start3A_20 = arith.constant 0 : i32
    %dma_start3A_21 = tpu.memref_slice %arg2[%dma_start3A_19, %dma_start3A_20] : memref<10240x128xf32, #tpu.memory_space<hbm>> -> memref<10240x128xf32, #tpu.memory_space<hbm>>
    tpu.enqueue_indirect_dma source(%dma_start3A_21 : memref<10240x128xf32, #tpu.memory_space<hbm>>) target(%arg8 : memref<128x128xf32, #tpu.memory_space<vmem>>) offsets(%dma_start3A_18 : memref<128xi32, #tpu.memory_space<vmem>>) semaphore(%arg12 : memref<!tpu.dma_semaphore, #tpu.memory_space<semaphore_mem>>)
    %scan3A_22 = arith.constant 0 : i32
    %scan3A_23 = arith.constant 0 : i32
    %scan3A_24 = arith.constant 20 : i32
    %scan3A_25 = arith.addi %scan3A_23, %scan3A_24 : i32
    %scan3A_26 = arith.constant 1 : i32
    scf.for %scan3A_35 = %scan3A_23 to %scan3A_25 step %scan3A_26  : i32 {
      %mul3A_36 = arith.constant 2 : i32
      %mul3A_37 = arith.muli %scan3A_35, %mul3A_36 : i32
      %add3A_38 = arith.constant 1 : i32
      %add3A_39 = arith.addi %mul3A_37, %add3A_38 : i32
      %dma_start3A_40 = arith.constant 0 : i32
      %dma_start3A_41 = tpu.memref_slice %arg6[%add3A_39, %dma_start3A_40] : memref<40x128xi32, #tpu.memory_space<vmem>> -> memref<1x128xi32, #tpu.memory_space<vmem>>
      %dma_start3A_42 = tpu.memref_squeeze %dma_start3A_41 : memref<1x128xi32, #tpu.memory_space<vmem>> -> memref<128xi32, #tpu.memory_space<vmem>>
      %dma_start3A_43 = arith.constant 0 : i32
      %dma_start3A_44 = arith.constant 0 : i32
      %dma_start3A_45 = tpu.memref_slice %arg2[%dma_start3A_43, %dma_start3A_44] : memref<10240x128xf32, #tpu.memory_space<hbm>> -> memref<10240x128xf32, #tpu.memory_space<hbm>>
      tpu.enqueue_indirect_dma source(%dma_start3A_45 : memref<10240x128xf32, #tpu.memory_space<hbm>>) target(%arg9 : memref<128x128xf32, #tpu.memory_space<vmem>>) offsets(%dma_start3A_42 : memref<128xi32, #tpu.memory_space<vmem>>) semaphore(%arg13 : memref<!tpu.dma_semaphore, #tpu.memory_space<semaphore_mem>>)
      %dma_wait3A = arith.constant 0 : i32
      %dma_wait3A_46 = tpu.memref_slice %arg6[%mul3A_37, %dma_wait3A] : memref<40x128xi32, #tpu.memory_space<vmem>> -> memref<1x128xi32, #tpu.memory_space<vmem>>
      %dma_wait3A_47 = tpu.memref_squeeze %dma_wait3A_46 : memref<1x128xi32, #tpu.memory_space<vmem>> -> memref<128xi32, #tpu.memory_space<vmem>>
      %dma_wait3A_48 = arith.constant 0 : i32
      %dma_wait3A_49 = arith.constant 0 : i32
      %dma_wait3A_50 = tpu.memref_slice %arg2[%dma_wait3A_48, %dma_wait3A_49] : memref<10240x128xf32, #tpu.memory_space<hbm>> -> memref<10240x128xf32, #tpu.memory_space<hbm>>
      tpu.wait_indirect_dma semaphore(%arg12 : memref<!tpu.dma_semaphore, #tpu.memory_space<semaphore_mem>>) src(%dma_wait3A_50 : memref<10240x128xf32, #tpu.memory_space<hbm>>) dst(%arg8 : memref<128x128xf32, #tpu.memory_space<vmem>>)
      "tpu.region"() ({
        %run_scoped3A = tpu.sem_alloc : memref<!tpu.dma_semaphore, #tpu.memory_space<semaphore_mem>>
        %dma_start3A_65 = arith.constant 0 : i32
        %dma_start3A_66 = tpu.memref_slice %arg7[%mul3A_37, %dma_start3A_65] : memref<40x128xi32, #tpu.memory_space<vmem>> -> memref<1x128xi32, #tpu.memory_space<vmem>>
        %dma_start3A_67 = tpu.memref_squeeze %dma_start3A_66 : memref<1x128xi32, #tpu.memory_space<vmem>> -> memref<128xi32, #tpu.memory_space<vmem>>
        %dma_start3A_68 = arith.constant 0 : i32
        %dma_start3A_69 = arith.constant 0 : i32
        %dma_start3A_70 = tpu.memref_slice %arg11[%dma_start3A_68, %dma_start3A_69] : memref<10240x128xf32, #tpu.memory_space<vmem_shared>> -> memref<10240x128xf32, #tpu.memory_space<vmem_shared>>
        tpu.enqueue_indirect_dma source(%arg8 : memref<128x128xf32, #tpu.memory_space<vmem>>) target(%dma_start3A_70 : memref<10240x128xf32, #tpu.memory_space<vmem_shared>>) offsets(%dma_start3A_67 : memref<128xi32, #tpu.memory_space<vmem>>) semaphore(%run_scoped3A : memref<!tpu.dma_semaphore, #tpu.memory_space<semaphore_mem>>) {add = true}
        %dma_wait3A_71 = arith.constant 0 : i32
        %dma_wait3A_72 = tpu.memref_slice %arg7[%mul3A_37, %dma_wait3A_71] : memref<40x128xi32, #tpu.memory_space<vmem>> -> memref<1x128xi32, #tpu.memory_space<vmem>>
        %dma_wait3A_73 = tpu.memref_squeeze %dma_wait3A_72 : memref<1x128xi32, #tpu.memory_space<vmem>> -> memref<128xi32, #tpu.memory_space<vmem>>
        %dma_wait3A_74 = arith.constant 0 : i32
        %dma_wait3A_75 = arith.constant 0 : i32
        %dma_wait3A_76 = tpu.memref_slice %arg11[%dma_wait3A_74, %dma_wait3A_75] : memref<10240x128xf32, #tpu.memory_space<vmem_shared>> -> memref<10240x128xf32, #tpu.memory_space<vmem_shared>>
        tpu.wait_indirect_dma semaphore(%run_scoped3A : memref<!tpu.dma_semaphore, #tpu.memory_space<semaphore_mem>>) src(%arg8 : memref<128x128xf32, #tpu.memory_space<vmem>>) dst(%dma_wait3A_76 : memref<10240x128xf32, #tpu.memory_space<vmem_shared>>)
        tpu.yield
      }) : () -> ()
      %add3A_51 = arith.constant 2 : i32
      %add3A_52 = arith.addi %mul3A_37, %add3A_51 : i32
      %lt3A = arith.constant 40 : i32
      %lt3A_53 = arith.cmpi slt, %add3A_52, %lt3A : i32
      %convert_element_type3A = arith.extui %lt3A_53 : i1 to i32
      %cond3A = arith.constant 0 : i32
      %cond3A_54 = arith.cmpi ne, %convert_element_type3A, %cond3A : i32
      scf.if %cond3A_54 {
        %add3A_65 = arith.constant 2 : i32
        %add3A_66 = arith.addi %mul3A_37, %add3A_65 : i32
        %dma_start3A_67 = arith.constant 0 : i32
        %dma_start3A_68 = tpu.memref_slice %arg6[%add3A_66, %dma_start3A_67] : memref<40x128xi32, #tpu.memory_space<vmem>> -> memref<1x128xi32, #tpu.memory_space<vmem>>
        %dma_start3A_69 = tpu.memref_squeeze %dma_start3A_68 : memref<1x128xi32, #tpu.memory_space<vmem>> -> memref<128xi32, #tpu.memory_space<vmem>>
        %dma_start3A_70 = arith.constant 0 : i32
        %dma_start3A_71 = arith.constant 0 : i32
        %dma_start3A_72 = tpu.memref_slice %arg2[%dma_start3A_70, %dma_start3A_71] : memref<10240x128xf32, #tpu.memory_space<hbm>> -> memref<10240x128xf32, #tpu.memory_space<hbm>>
        tpu.enqueue_indirect_dma source(%dma_start3A_72 : memref<10240x128xf32, #tpu.memory_space<hbm>>) target(%arg8 : memref<128x128xf32, #tpu.memory_space<vmem>>) offsets(%dma_start3A_69 : memref<128xi32, #tpu.memory_space<vmem>>) semaphore(%arg12 : memref<!tpu.dma_semaphore, #tpu.memory_space<semaphore_mem>>)
      } else {
      }
      %add3A_55 = arith.constant 1 : i32
      %add3A_56 = arith.addi %mul3A_37, %add3A_55 : i32
      %dma_wait3A_57 = arith.constant 0 : i32
      %dma_wait3A_58 = tpu.memref_slice %arg6[%add3A_56, %dma_wait3A_57] : memref<40x128xi32, #tpu.memory_space<vmem>> -> memref<1x128xi32, #tpu.memory_space<vmem>>
      %dma_wait3A_59 = tpu.memref_squeeze %dma_wait3A_58 : memref<1x128xi32, #tpu.memory_space<vmem>> -> memref<128xi32, #tpu.memory_space<vmem>>
      %dma_wait3A_60 = arith.constant 0 : i32
      %dma_wait3A_61 = arith.constant 0 : i32
      %dma_wait3A_62 = tpu.memref_slice %arg2[%dma_wait3A_60, %dma_wait3A_61] : memref<10240x128xf32, #tpu.memory_space<hbm>> -> memref<10240x128xf32, #tpu.memory_space<hbm>>
      tpu.wait_indirect_dma semaphore(%arg13 : memref<!tpu.dma_semaphore, #tpu.memory_space<semaphore_mem>>) src(%dma_wait3A_62 : memref<10240x128xf32, #tpu.memory_space<hbm>>) dst(%arg9 : memref<128x128xf32, #tpu.memory_space<vmem>>)
      %add3A_63 = arith.constant 1 : i32
      %add3A_64 = arith.addi %mul3A_37, %add3A_63 : i32
      "tpu.region"() ({
        %run_scoped3A = tpu.sem_alloc : memref<!tpu.dma_semaphore, #tpu.memory_space<semaphore_mem>>
        %dma_start3A_65 = arith.constant 0 : i32
        %dma_start3A_66 = tpu.memref_slice %arg7[%add3A_64, %dma_start3A_65] : memref<40x128xi32, #tpu.memory_space<vmem>> -> memref<1x128xi32, #tpu.memory_space<vmem>>
        %dma_start3A_67 = tpu.memref_squeeze %dma_start3A_66 : memref<1x128xi32, #tpu.memory_space<vmem>> -> memref<128xi32, #tpu.memory_space<vmem>>
        %dma_start3A_68 = arith.constant 0 : i32
        %dma_start3A_69 = arith.constant 0 : i32
        %dma_start3A_70 = tpu.memref_slice %arg11[%dma_start3A_68, %dma_start3A_69] : memref<10240x128xf32, #tpu.memory_space<vmem_shared>> -> memref<10240x128xf32, #tpu.memory_space<vmem_shared>>
        tpu.enqueue_indirect_dma source(%arg9 : memref<128x128xf32, #tpu.memory_space<vmem>>) target(%dma_start3A_70 : memref<10240x128xf32, #tpu.memory_space<vmem_shared>>) offsets(%dma_start3A_67 : memref<128xi32, #tpu.memory_space<vmem>>) semaphore(%run_scoped3A : memref<!tpu.dma_semaphore, #tpu.memory_space<semaphore_mem>>) {add = true}
        %dma_wait3A_71 = arith.constant 0 : i32
        %dma_wait3A_72 = tpu.memref_slice %arg7[%add3A_64, %dma_wait3A_71] : memref<40x128xi32, #tpu.memory_space<vmem>> -> memref<1x128xi32, #tpu.memory_space<vmem>>
        %dma_wait3A_73 = tpu.memref_squeeze %dma_wait3A_72 : memref<1x128xi32, #tpu.memory_space<vmem>> -> memref<128xi32, #tpu.memory_space<vmem>>
        %dma_wait3A_74 = arith.constant 0 : i32
        %dma_wait3A_75 = arith.constant 0 : i32
        %dma_wait3A_76 = tpu.memref_slice %arg11[%dma_wait3A_74, %dma_wait3A_75] : memref<10240x128xf32, #tpu.memory_space<vmem_shared>> -> memref<10240x128xf32, #tpu.memory_space<vmem_shared>>
        tpu.wait_indirect_dma semaphore(%run_scoped3A : memref<!tpu.dma_semaphore, #tpu.memory_space<semaphore_mem>>) src(%arg9 : memref<128x128xf32, #tpu.memory_space<vmem>>) dst(%dma_wait3A_76 : memref<10240x128xf32, #tpu.memory_space<vmem_shared>>)
        tpu.yield
      }) : () -> ()
    }
    %scan3A_27 = arith.constant 20 : i32
    %barrier3A_28 = arith.constant 0 : index
    tpu.barrier barrier_id(%barrier3A_28)
    %scan3A_29 = arith.constant 0 : i32
    %scan3A_30 = arith.constant 0 : i32
    %scan3A_31 = arith.constant 20 : i32
    %scan3A_32 = arith.addi %scan3A_30, %scan3A_31 : i32
    %scan3A_33 = arith.constant 1 : i32
    scf.for %scan3A_35 = %scan3A_30 to %scan3A_32 step %scan3A_33  : i32 {
      %mul3A_36 = arith.constant 640 : i32
      %mul3A_37 = arith.muli %arg1, %mul3A_36 : i32
      %mul3A_38 = arith.constant 32 : i32
      %mul3A_39 = arith.muli %scan3A_35, %mul3A_38 : i32
      %add3A_40 = arith.addi %mul3A_37, %mul3A_39 : i32
      "tpu.region"() ({
        %run_scoped3A = tpu.sem_alloc : memref<!tpu.dma_semaphore, #tpu.memory_space<semaphore_mem>>
        %dma_start3A_41 = arith.constant 0 : i32
        %dma_start3A_42 = tpu.memref_slice %arg11[%add3A_40, %dma_start3A_41] : memref<10240x128xf32, #tpu.memory_space<vmem_shared>> -> memref<32x128xf32, #tpu.memory_space<vmem_shared>>
        %dma_start3A_43 = arith.constant 0 : i32
        %dma_start3A_44 = tpu.memref_slice %arg11[%add3A_40, %dma_start3A_43] : memref<10240x128xf32, #tpu.memory_space<vmem_shared>> -> memref<32x128xf32, #tpu.memory_space<vmem_shared>>
        tpu.enqueue_dma source(%dma_start3A_44 : memref<32x128xf32, #tpu.memory_space<vmem_shared>>) target(%arg10 : memref<32x128xf32, #tpu.memory_space<vmem>>) target_semaphore(%run_scoped3A : memref<!tpu.dma_semaphore, #tpu.memory_space<semaphore_mem>>)
        %dma_wait3A = arith.constant 0 : i32
        %dma_wait3A_45 = tpu.memref_slice %arg11[%add3A_40, %dma_wait3A] : memref<10240x128xf32, #tpu.memory_space<vmem_shared>> -> memref<32x128xf32, #tpu.memory_space<vmem_shared>>
        %dma_wait3A_46 = arith.constant 0 : i32
        %dma_wait3A_47 = tpu.memref_slice %arg11[%add3A_40, %dma_wait3A_46] : memref<10240x128xf32, #tpu.memory_space<vmem_shared>> -> memref<32x128xf32, #tpu.memory_space<vmem_shared>>
        tpu.wait_dma2 semaphore(%run_scoped3A : memref<!tpu.dma_semaphore, #tpu.memory_space<semaphore_mem>>) src(%dma_wait3A_47 : memref<32x128xf32, #tpu.memory_space<vmem_shared>>) dst(%arg10 : memref<32x128xf32, #tpu.memory_space<vmem>>)
        tpu.yield
      }) : () -> ()
      "tpu.region"() ({
        %run_scoped3A = tpu.sem_alloc : memref<!tpu.dma_semaphore, #tpu.memory_space<semaphore_mem>>
        %dma_start3A_41 = arith.constant 0 : i32
        %dma_start3A_42 = tpu.memref_slice %arg5[%arg0, %add3A_40, %dma_start3A_41] : memref<2x10240x128xf32, #tpu.memory_space<hbm>> -> memref<1x32x128xf32, #tpu.memory_space<hbm>>
        %dma_start3A_43 = tpu.memref_squeeze %dma_start3A_42 : memref<1x32x128xf32, #tpu.memory_space<hbm>> -> memref<32x128xf32, #tpu.memory_space<hbm>>
        %dma_start3A_44 = arith.constant 0 : i32
        %dma_start3A_45 = tpu.memref_slice %arg5[%arg0, %add3A_40, %dma_start3A_44] : memref<2x10240x128xf32, #tpu.memory_space<hbm>> -> memref<1x32x128xf32, #tpu.memory_space<hbm>>
        %dma_start3A_46 = tpu.memref_squeeze %dma_start3A_45 : memref<1x32x128xf32, #tpu.memory_space<hbm>> -> memref<32x128xf32, #tpu.memory_space<hbm>>
        tpu.enqueue_dma source(%arg10 : memref<32x128xf32, #tpu.memory_space<vmem>>) target(%dma_start3A_46 : memref<32x128xf32, #tpu.memory_space<hbm>>) target_semaphore(%run_scoped3A : memref<!tpu.dma_semaphore, #tpu.memory_space<semaphore_mem>>)
        %dma_wait3A = arith.constant 0 : i32
        %dma_wait3A_47 = tpu.memref_slice %arg5[%arg0, %add3A_40, %dma_wait3A] : memref<2x10240x128xf32, #tpu.memory_space<hbm>> -> memref<1x32x128xf32, #tpu.memory_space<hbm>>
        %dma_wait3A_48 = tpu.memref_squeeze %dma_wait3A_47 : memref<1x32x128xf32, #tpu.memory_space<hbm>> -> memref<32x128xf32, #tpu.memory_space<hbm>>
        %dma_wait3A_49 = arith.constant 0 : i32
        %dma_wait3A_50 = tpu.memref_slice %arg5[%arg0, %add3A_40, %dma_wait3A_49] : memref<2x10240x128xf32, #tpu.memory_space<hbm>> -> memref<1x32x128xf32, #tpu.memory_space<hbm>>
        %dma_wait3A_51 = tpu.memref_squeeze %dma_wait3A_50 : memref<1x32x128xf32, #tpu.memory_space<hbm>> -> memref<32x128xf32, #tpu.memory_space<hbm>>
        tpu.wait_dma2 semaphore(%run_scoped3A : memref<!tpu.dma_semaphore, #tpu.memory_space<semaphore_mem>>) src(%arg10 : memref<32x128xf32, #tpu.memory_space<vmem>>) dst(%dma_wait3A_51 : memref<32x128xf32, #tpu.memory_space<hbm>>)
        tpu.yield
      }) : () -> ()
    }
    %scan3A_34 = arith.constant 20 : i32
    return
  }
}

module attributes {stable_mosaic.version = 14 : i64} {
  func.func @body(%arg0: i32, %arg1: memref<512x256xf32, #tpu.memory_space<vmem>>, %arg2: memref<256x128xf32, #tpu.memory_space<vmem>>, %arg3: memref<2x512x128xf32, #tpu.memory_space<vmem>>, %arg4: memref<512x128xf32, #tpu.memory_space<vmem>>) attributes {dimension_semantics = [#tpu.dimension_semantics<arbitrary>], iteration_bounds = array<i64: 20>, scalar_prefetch = 0 : i64, scratch_operands = 0 : i64, tpu.core_type = #tpu.core_type<tc>, window_params = [{transform_indices = @transform_0, window_bounds = array<i64: 512, 256>}, {pipeline_mode = #tpu.pipeline_mode<synchronous>, transform_indices = @transform_1, window_bounds = array<i64: 256, 128>}, {transform_indices = @transform_2, window_bounds = array<i64: 2, 512, 128>}, {transform_indices = @transform_3, window_bounds = array<i64: 512, 128>}]} {
    %get3A = arith.constant 0 : index
    %get3A_0 = arith.constant 0 : index
    %get3A_1 = arith.constant 0 : index
    %get3A_2 = vector.load %arg3[%get3A, %get3A_0, %get3A_1] : memref<2x512x128xf32, #tpu.memory_space<vmem>>, vector<1x512x1xf32>
    %get3A_3 = vector.shape_cast %get3A_2 : vector<1x512x1xf32> to vector<512x1xf32>
    %get3A_4 = arith.constant 1 : index
    %get3A_5 = arith.constant 0 : index
    %get3A_6 = arith.constant 0 : index
    %get3A_7 = vector.load %arg3[%get3A_4, %get3A_5, %get3A_6] : memref<2x512x128xf32, #tpu.memory_space<vmem>>, vector<1x512x1xf32>
    %get3A_8 = vector.shape_cast %get3A_7 : vector<1x512x1xf32> to vector<512x1xf32>
    %add3A = arith.addf %get3A_3, %get3A_8 : vector<512x1xf32>
    %add3A_9 = arith.constant 1.000000e+00 : f32
    %add3A_10 = vector.broadcast %add3A_9 : f32 to vector<512x1xf32>
    %add3A_11 = arith.addf %add3A, %add3A_10 : vector<512x1xf32>
    %rsqrt3A = math.rsqrt %add3A_11 : vector<512x1xf32>
    %get3A_12 = arith.constant 0 : index
    %get3A_13 = arith.constant 0 : index
    %get3A_14 = vector.load %arg1[%get3A_12, %get3A_13] : memref<512x256xf32, #tpu.memory_space<vmem>>, vector<512x256xf32>
    %get3A_15 = arith.constant 0 : index
    %get3A_16 = arith.constant 0 : index
    %get3A_17 = vector.load %arg2[%get3A_15, %get3A_16] : memref<256x128xf32, #tpu.memory_space<vmem>>, vector<256x128xf32>
    %dot_general3A = arith.constant dense<0.000000e+00> : vector<512x128xf32>
    %dot_general3A_18 = tpu.matmul %get3A_14, %get3A_17, %dot_general3A {dimension_numbers = #tpu.dot_dimension_numbers<[1], [0], [0], [1], [0, 0, 1, 1], [], []>, transpose_lhs_hint = false} : vector<512x256xf32>, vector<256x128xf32>, vector<512x128xf32> -> vector<512x128xf32>
    %mul3A = vector.broadcast %rsqrt3A : vector<512x1xf32> to vector<512x128xf32>
    %mul3A_19 = arith.mulf %dot_general3A_18, %mul3A : vector<512x128xf32>
    %swap3A = arith.constant 0 : index
    %swap3A_20 = arith.constant 0 : index
    %swap3A_21 = vector.load %arg4[%swap3A, %swap3A_20] : memref<512x128xf32, #tpu.memory_space<vmem>>, vector<512x128xf32>
    tpu.vector_store %arg4[%swap3A, %swap3A_20], %mul3A_19 {strides = array<i32>} : memref<512x128xf32, #tpu.memory_space<vmem>>, vector<512x128xf32>,
    return
  }
  func.func @transform_0(%arg0: i32) -> (i32, i32) {
    %c0_i32 = arith.constant 0 : i32
    %c0_i32_0 = arith.constant 0 : i32
    return %arg0, %c0_i32 : i32, i32
  }
  func.func @transform_1(%arg0: i32) -> (i32, i32) {
    %c0_i32 = arith.constant 0 : i32
    %c0_i32_0 = arith.constant 0 : i32
    %c0_i32_1 = arith.constant 0 : i32
    return %c0_i32, %c0_i32_0 : i32, i32
  }
  func.func @transform_2(%arg0: i32) -> (i32, i32, i32) {
    %c0_i32 = arith.constant 0 : i32
    %c0_i32_0 = arith.constant 0 : i32
    %c0_i32_1 = arith.constant 0 : i32
    return %c0_i32, %arg0, %c0_i32_0 : i32, i32, i32
  }
  func.func @transform_3(%arg0: i32) -> (i32, i32) {
    %c0_i32 = arith.constant 0 : i32
    %c0_i32_0 = arith.constant 0 : i32
    return %arg0, %c0_i32 : i32, i32
  }
}

module attributes {stable_mosaic.version = 14 : i64} {
  func.func @body(%arg0: i32, %arg1: memref<2x512x128xf32, #tpu.memory_space<vmem>>, %arg2: memref<512x128xf32, #tpu.memory_space<vmem>>, %arg3: memref<2x512x128xf32, #tpu.memory_space<vmem>>, %arg4: memref<512x1xf32, #tpu.memory_space<vmem>>, %arg5: memref<1x128xf32, #tpu.memory_space<vmem>>, %arg6: memref<1x128xf32, #tpu.memory_space<vmem>>, %arg7: memref<512x128xf32, #tpu.memory_space<vmem>>, %arg8: memref<512x1xf32, #tpu.memory_space<vmem>>) attributes {dimension_semantics = [#tpu.dimension_semantics<arbitrary>], iteration_bounds = array<i64: 20>, scalar_prefetch = 0 : i64, scratch_operands = 0 : i64, tpu.core_type = #tpu.core_type<tc>, window_params = [{transform_indices = @transform_0, window_bounds = array<i64: 2, 512, 128>}, {transform_indices = @transform_1, window_bounds = array<i64: 512, 128>}, {transform_indices = @transform_2, window_bounds = array<i64: 2, 512, 128>}, {transform_indices = @transform_3, window_bounds = array<i64: 512, 1>}, {pipeline_mode = #tpu.pipeline_mode<synchronous>, transform_indices = @transform_4, window_bounds = array<i64: 1, 128>}, {pipeline_mode = #tpu.pipeline_mode<synchronous>, transform_indices = @transform_5, window_bounds = array<i64: 1, 128>}, {transform_indices = @transform_6, window_bounds = array<i64: 512, 128>}, {transform_indices = @transform_7, window_bounds = array<i64: 512, 1>}]} {
    %get3A = arith.constant 0 : index
    %get3A_0 = arith.constant 0 : index
    %get3A_1 = arith.constant 0 : index
    %get3A_2 = vector.load %arg3[%get3A, %get3A_0, %get3A_1] : memref<2x512x128xf32, #tpu.memory_space<vmem>>, vector<1x512x1xf32>
    %get3A_3 = vector.shape_cast %get3A_2 : vector<1x512x1xf32> to vector<512x1xf32>
    %get3A_4 = arith.constant 1 : index
    %get3A_5 = arith.constant 0 : index
    %get3A_6 = arith.constant 0 : index
    %get3A_7 = vector.load %arg3[%get3A_4, %get3A_5, %get3A_6] : memref<2x512x128xf32, #tpu.memory_space<vmem>>, vector<1x512x1xf32>
    %get3A_8 = vector.shape_cast %get3A_7 : vector<1x512x1xf32> to vector<512x1xf32>
    %add3A = arith.addf %get3A_3, %get3A_8 : vector<512x1xf32>
    %add3A_9 = arith.constant 1.000000e+00 : f32
    %add3A_10 = vector.broadcast %add3A_9 : f32 to vector<512x1xf32>
    %add3A_11 = arith.addf %add3A, %add3A_10 : vector<512x1xf32>
    %rsqrt3A = math.rsqrt %add3A_11 : vector<512x1xf32>
    %get3A_12 = arith.constant 0 : index
    %get3A_13 = arith.constant 0 : index
    %get3A_14 = vector.load %arg2[%get3A_12, %get3A_13] : memref<512x128xf32, #tpu.memory_space<vmem>>, vector<512x128xf32>
    %get3A_15 = arith.constant 0 : index
    %get3A_16 = arith.constant 0 : index
    %get3A_17 = vector.load %arg4[%get3A_15, %get3A_16] : memref<512x1xf32, #tpu.memory_space<vmem>>, vector<512x1xf32>
    %get3A_18 = arith.constant 0 : index
    %get3A_19 = arith.constant 0 : index
    %get3A_20 = arith.constant 0 : index
    %get3A_21 = vector.load %arg1[%get3A_18, %get3A_19, %get3A_20] : memref<2x512x128xf32, #tpu.memory_space<vmem>>, vector<1x512x128xf32>
    %get3A_22 = vector.shape_cast %get3A_21 : vector<1x512x128xf32> to vector<512x128xf32>
    %get3A_23 = arith.constant 1 : index
    %get3A_24 = arith.constant 0 : index
    %get3A_25 = arith.constant 0 : index
    %get3A_26 = vector.load %arg1[%get3A_23, %get3A_24, %get3A_25] : memref<2x512x128xf32, #tpu.memory_space<vmem>>, vector<1x512x128xf32>
    %get3A_27 = vector.shape_cast %get3A_26 : vector<1x512x128xf32> to vector<512x128xf32>
    %add3A_28 = arith.addf %get3A_22, %get3A_27 : vector<512x128xf32>
    %add3A_29 = arith.addf %add3A_28, %get3A_14 : vector<512x128xf32>
    %mul3A = vector.broadcast %rsqrt3A : vector<512x1xf32> to vector<512x128xf32>
    %mul3A_30 = arith.mulf %mul3A, %add3A_29 : vector<512x128xf32>
    %get3A_31 = arith.constant 0 : index
    %get3A_32 = arith.constant 0 : index
    %get3A_33 = vector.load %arg5[%get3A_31, %get3A_32] : memref<1x128xf32, #tpu.memory_space<vmem>>, vector<1x128xf32>
    %add3A_34 = vector.broadcast %get3A_33 : vector<1x128xf32> to vector<512x128xf32>
    %add3A_35 = arith.addf %mul3A_30, %add3A_34 : vector<512x128xf32>
    %max3A = arith.constant 0.000000e+00 : f32
    %max3A_36 = vector.broadcast %max3A : f32 to vector<512x128xf32>
    %max3A_37 = arith.maximumf %add3A_35, %max3A_36 : vector<512x128xf32>
    %mul3A_38 = vector.broadcast %get3A_17 : vector<512x1xf32> to vector<512x128xf32>
    %mul3A_39 = arith.mulf %mul3A_38, %max3A_37 : vector<512x128xf32>
    %get3A_40 = arith.constant 0 : index
    %get3A_41 = arith.constant 0 : index
    %get3A_42 = vector.load %arg6[%get3A_40, %get3A_41] : memref<1x128xf32, #tpu.memory_space<vmem>>, vector<1x128xf32>
    %mul3A_43 = arith.mulf %get3A_42, %get3A_42 : vector<1x128xf32>
    %reduce_sum3A = vector.shape_cast %mul3A_43 : vector<1x128xf32> to vector<1x1x128xf32>
    %reduce_sum3A_44 = arith.constant dense<0.000000e+00> : vector<1xf32>
    %reduce_sum3A_45 = vector.multi_reduction <add>, %reduce_sum3A, %reduce_sum3A_44 [1, 2] : vector<1x1x128xf32> to vector<1xf32>
    %reduce_sum3A_46 = vector.shape_cast %reduce_sum3A_45 : vector<1xf32> to vector<1x1x1xf32>
    %reduce_sum3A_47 = vector.extract %reduce_sum3A_46[0, 0, 0] : f32 from vector<1x1x1xf32>
    %rsqrt3A_48 = math.rsqrt %reduce_sum3A_47 : f32
    %mul3A_49 = vector.broadcast %get3A_42 : vector<1x128xf32> to vector<512x128xf32>
    %mul3A_50 = arith.mulf %mul3A_39, %mul3A_49 : vector<512x128xf32>
    %reduce_sum3A_51 = arith.constant dense<0.000000e+00> : vector<512xf32>
    %reduce_sum3A_52 = vector.multi_reduction <add>, %mul3A_50, %reduce_sum3A_51 [1] : vector<512x128xf32> to vector<512xf32>
    %broadcast_in_dim3A = vector.shape_cast %reduce_sum3A_52 : vector<512xf32> to vector<512x1xf32>
    %mul3A_53 = vector.broadcast %rsqrt3A_48 : f32 to vector<512x1xf32>
    %mul3A_54 = arith.mulf %broadcast_in_dim3A, %mul3A_53 : vector<512x1xf32>
    %neg3A = arith.constant 0.000000e+00 : f32
    %neg3A_55 = vector.broadcast %neg3A : f32 to vector<512x1xf32>
    %neg3A_56 = arith.subf %neg3A_55, %mul3A_54 : vector<512x1xf32>
    %exp3A = math.exp %neg3A_56 : vector<512x1xf32>
    %add3A_57 = arith.constant 1.000000e+00 : f32
    %add3A_58 = vector.broadcast %add3A_57 : f32 to vector<512x1xf32>
    %add3A_59 = arith.addf %add3A_58, %exp3A : vector<512x1xf32>
    %div3A = arith.constant 1.000000e+00 : f32
    %div3A_60 = vector.broadcast %div3A : f32 to vector<512x1xf32>
    %div3A_61 = arith.divf %div3A_60, %add3A_59 : vector<512x1xf32>
    %gt3A = arith.constant 0.000000e+00 : f32
    %gt3A_62 = vector.broadcast %gt3A : f32 to vector<512x1xf32>
    %gt3A_63 = arith.cmpf ogt, %get3A_17, %gt3A_62 : vector<512x1xf32>
    %jit3A = arith.constant -1.000000e+00 : f32
    %broadcast_in_dim3A_64 = vector.broadcast %jit3A : f32 to vector<512x1xf32>
    %select_n3A = arith.select %gt3A_63, %div3A_61, %broadcast_in_dim3A_64 : vector<512x1xi1>, vector<512x1xf32>
    %mul3A_65 = vector.broadcast %select_n3A : vector<512x1xf32> to vector<512x128xf32>
    %mul3A_66 = arith.mulf %mul3A_39, %mul3A_65 : vector<512x128xf32>
    %swap3A = arith.constant 0 : index
    %swap3A_67 = arith.constant 0 : index
    %swap3A_68 = vector.load %arg7[%swap3A, %swap3A_67] : memref<512x128xf32, #tpu.memory_space<vmem>>, vector<512x128xf32>
    tpu.vector_store %arg7[%swap3A, %swap3A_67], %mul3A_66 {strides = array<i32>} : memref<512x128xf32, #tpu.memory_space<vmem>>, vector<512x128xf32>,
    %swap3A_69 = arith.constant 0 : index
    %swap3A_70 = arith.constant 0 : index
    %swap3A_71 = vector.load %arg8[%swap3A_69, %swap3A_70] : memref<512x1xf32, #tpu.memory_space<vmem>>, vector<512x1xf32>
    tpu.vector_store %arg8[%swap3A_69, %swap3A_70], %select_n3A {strides = array<i32>} : memref<512x1xf32, #tpu.memory_space<vmem>>, vector<512x1xf32>,
    return
  }
  func.func @transform_0(%arg0: i32) -> (i32, i32, i32) {
    %c0_i32 = arith.constant 0 : i32
    %c0_i32_0 = arith.constant 0 : i32
    %c0_i32_1 = arith.constant 0 : i32
    return %c0_i32, %arg0, %c0_i32_0 : i32, i32, i32
  }
  func.func @transform_1(%arg0: i32) -> (i32, i32) {
    %c0_i32 = arith.constant 0 : i32
    %c0_i32_0 = arith.constant 0 : i32
    return %arg0, %c0_i32 : i32, i32
  }
  func.func @transform_2(%arg0: i32) -> (i32, i32, i32) {
    %c0_i32 = arith.constant 0 : i32
    %c0_i32_0 = arith.constant 0 : i32
    %c0_i32_1 = arith.constant 0 : i32
    return %c0_i32, %arg0, %c0_i32_0 : i32, i32, i32
  }
  func.func @transform_3(%arg0: i32) -> (i32, i32) {
    %c0_i32 = arith.constant 0 : i32
    %c0_i32_0 = arith.constant 0 : i32
    return %arg0, %c0_i32 : i32, i32
  }
  func.func @transform_4(%arg0: i32) -> (i32, i32) {
    %c0_i32 = arith.constant 0 : i32
    %c0_i32_0 = arith.constant 0 : i32
    %c0_i32_1 = arith.constant 0 : i32
    return %c0_i32, %c0_i32_0 : i32, i32
  }
  func.func @transform_5(%arg0: i32) -> (i32, i32) {
    %c0_i32 = arith.constant 0 : i32
    %c0_i32_0 = arith.constant 0 : i32
    %c0_i32_1 = arith.constant 0 : i32
    return %c0_i32, %c0_i32_0 : i32, i32
  }
  func.func @transform_6(%arg0: i32) -> (i32, i32) {
    %c0_i32 = arith.constant 0 : i32
    %c0_i32_0 = arith.constant 0 : i32
    return %arg0, %c0_i32 : i32, i32
  }
  func.func @transform_7(%arg0: i32) -> (i32, i32) {
    %c0_i32 = arith.constant 0 : i32
    %c0_i32_0 = arith.constant 0 : i32
    return %arg0, %c0_i32 : i32, i32
  }
}

module attributes {stable_mosaic.version = 14 : i64} {
  func.func @body(%arg0: i32, %arg1: memref<512x1xf32, #tpu.memory_space<vmem>>, %arg2: memref<8x10240xf32, #tpu.memory_space<vmem>>, %arg3: memref<512x1xi32, #tpu.memory_space<vmem>>) attributes {dimension_semantics = [#tpu.dimension_semantics<arbitrary>], iteration_bounds = array<i64: 20>, scalar_prefetch = 0 : i64, scratch_operands = 0 : i64, tpu.core_type = #tpu.core_type<tc>, window_params = [{transform_indices = @transform_0, window_bounds = array<i64: 512, 1>}, {pipeline_mode = #tpu.pipeline_mode<synchronous>, transform_indices = @transform_1, window_bounds = array<i64: 8, 10240>}, {transform_indices = @transform_2, window_bounds = array<i64: 512, 1>}]} {
    %get3A = arith.constant 0 : index
    %get3A_0 = arith.constant 0 : index
    %get3A_1 = vector.load %arg1[%get3A, %get3A_0] : memref<512x1xf32, #tpu.memory_space<vmem>>, vector<512x1xf32>
    %broadcast_in_dim3A = arith.constant 0.000000e+00 : f32
    %broadcast_in_dim3A_2 = vector.broadcast %broadcast_in_dim3A : f32 to vector<512x128xf32>
    %scan3A = arith.constant 0 : i32
    %scan3A_3 = arith.constant 80 : i32
    %scan3A_4 = arith.addi %scan3A, %scan3A_3 : i32
    %scan3A_5 = arith.constant 1 : i32
    %scan3A_6 = scf.for %scan3A_12 = %scan3A to %scan3A_4 step %scan3A_5 iter_args(%scan3A_13 = %broadcast_in_dim3A_2) -> (vector<512x128xf32>)  : i32 {
      %mul3A = arith.constant 128 : i32
      %mul3A_14 = arith.muli %scan3A_12, %mul3A : i32
      %get3A_15 = arith.constant 0 : index
      %get3A_16 = arith.index_cast %mul3A_14 : i32 to index
      %get3A_17 = vector.load %arg2[%get3A_15, %get3A_16] : memref<8x10240xf32, #tpu.memory_space<vmem>>, vector<1x128xf32>
      %gt3A = vector.broadcast %get3A_17 : vector<1x128xf32> to vector<512x128xf32>
      %gt3A_18 = vector.broadcast %get3A_1 : vector<512x1xf32> to vector<512x128xf32>
      %gt3A_19 = arith.cmpf ogt, %gt3A, %gt3A_18 : vector<512x128xf32>
      %convert_element_type3A_20 = arith.extui %gt3A_19 : vector<512x128xi1> to vector<512x128xi32>
      %convert_element_type3A_21 = arith.sitofp %convert_element_type3A_20 : vector<512x128xi32> to vector<512x128xf32>
      %add3A = arith.addf %scan3A_13, %convert_element_type3A_21 : vector<512x128xf32>
      scf.yield %add3A : vector<512x128xf32>
    }
    %scan3A_7 = arith.constant 80 : i32
    %reduce_sum3A = arith.constant dense<0.000000e+00> : vector<512xf32>
    %reduce_sum3A_8 = vector.multi_reduction <add>, %scan3A_6, %reduce_sum3A [1] : vector<512x128xf32> to vector<512xf32>
    %broadcast_in_dim3A_9 = vector.shape_cast %reduce_sum3A_8 : vector<512xf32> to vector<512x1xf32>
    %convert_element_type3A = arith.fptosi %broadcast_in_dim3A_9 : vector<512x1xf32> to vector<512x1xi32>
    %swap3A = arith.constant 0 : index
    %swap3A_10 = arith.constant 0 : index
    %swap3A_11 = vector.load %arg3[%swap3A, %swap3A_10] : memref<512x1xi32, #tpu.memory_space<vmem>>, vector<512x1xi32>
    tpu.vector_store %arg3[%swap3A, %swap3A_10], %convert_element_type3A {strides = array<i32>} : memref<512x1xi32, #tpu.memory_space<vmem>>, vector<512x1xi32>,
    return
  }
  func.func @transform_0(%arg0: i32) -> (i32, i32) {
    %c0_i32 = arith.constant 0 : i32
    %c0_i32_0 = arith.constant 0 : i32
    return %arg0, %c0_i32 : i32, i32
  }
  func.func @transform_1(%arg0: i32) -> (i32, i32) {
    %c0_i32 = arith.constant 0 : i32
    %c0_i32_0 = arith.constant 0 : i32
    %c0_i32_1 = arith.constant 0 : i32
    return %c0_i32, %c0_i32_0 : i32, i32
  }
  func.func @transform_2(%arg0: i32) -> (i32, i32) {
    %c0_i32 = arith.constant 0 : i32
    %c0_i32_0 = arith.constant 0 : i32
    return %arg0, %c0_i32 : i32, i32
  }
}

module attributes {stable_mosaic.version = 14 : i64} {
  func.func @body(%arg0: memref<10240x128xf32, #tpu.memory_space<vmem>>, %arg1: memref<10240x1xi32, #tpu.memory_space<vmem>>, %arg2: memref<10240x128xf32, #tpu.memory_space<vmem>>, %arg3: memref<10240x1xf32, #tpu.memory_space<vmem>>, %arg4: memref<1x256xf32, #tpu.memory_space<vmem>>) attributes {dimension_semantics = [], scalar_prefetch = 0 : i64, scratch_operands = 0 : i64, tpu.core_type = #tpu.core_type<tc>} {
    %get3A = arith.constant 0 : index
    %get3A_0 = arith.constant 0 : index
    %get3A_1 = vector.load %arg1[%get3A, %get3A_0] : memref<10240x1xi32, #tpu.memory_space<vmem>>, vector<10240x1xi32>
    %lt3A = arith.constant 5000 : i32
    %lt3A_2 = vector.broadcast %lt3A : i32 to vector<10240x1xi32>
    %lt3A_3 = arith.cmpi slt, %get3A_1, %lt3A_2 : vector<10240x1xi32>
    %convert_element_type3A = arith.extui %lt3A_3 : vector<10240x1xi1> to vector<10240x1xi32>
    %convert_element_type3A_4 = arith.sitofp %convert_element_type3A : vector<10240x1xi32> to vector<10240x1xf32>
    %get3A_5 = arith.constant 0 : index
    %get3A_6 = arith.constant 0 : index
    %get3A_7 = vector.load %arg0[%get3A_5, %get3A_6] : memref<10240x128xf32, #tpu.memory_space<vmem>>, vector<10240x128xf32>
    %mul3A = vector.broadcast %convert_element_type3A_4 : vector<10240x1xf32> to vector<10240x128xf32>
    %mul3A_8 = arith.mulf %get3A_7, %mul3A : vector<10240x128xf32>
    %swap3A = arith.constant 0 : index
    %swap3A_9 = arith.constant 0 : index
    %swap3A_10 = vector.load %arg2[%swap3A, %swap3A_9] : memref<10240x128xf32, #tpu.memory_space<vmem>>, vector<10240x128xf32>
    tpu.vector_store %arg2[%swap3A, %swap3A_9], %mul3A_8 {strides = array<i32>} : memref<10240x128xf32, #tpu.memory_space<vmem>>, vector<10240x128xf32>,
    %swap3A_11 = arith.constant 0 : index
    %swap3A_12 = arith.constant 0 : index
    %swap3A_13 = vector.load %arg3[%swap3A_11, %swap3A_12] : memref<10240x1xf32, #tpu.memory_space<vmem>>, vector<10240x1xf32>
    tpu.vector_store %arg3[%swap3A_11, %swap3A_12], %convert_element_type3A_4 {strides = array<i32>} : memref<10240x1xf32, #tpu.memory_space<vmem>>, vector<10240x1xf32>,
    %gt3A = arith.constant 0.000000e+00 : f32
    %gt3A_14 = vector.broadcast %gt3A : f32 to vector<10240x1xf32>
    %gt3A_15 = arith.cmpf ogt, %convert_element_type3A_4, %gt3A_14 : vector<10240x1xf32>
    %jit3A = arith.constant -3.000000e+38 : f32
    %broadcast_in_dim3A = vector.shape_cast %gt3A_15 : vector<10240x1xi1> to vector<10240x1xi1>
    %broadcast_in_dim3A_16 = vector.broadcast %broadcast_in_dim3A : vector<10240x1xi1> to vector<10240x128xi1>
    %broadcast_in_dim3A_17 = vector.broadcast %jit3A : f32 to vector<10240x128xf32>
    %select_n3A = arith.select %broadcast_in_dim3A_16, %mul3A_8, %broadcast_in_dim3A_17 : vector<10240x128xi1>, vector<10240x128xf32>
    %reduce_max3A = arith.constant dense<0xFF800000> : vector<128xf32>
    %reduce_max3A_18 = vector.multi_reduction <maximumf>, %select_n3A, %reduce_max3A [0] : vector<10240x128xf32> to vector<128xf32>
    %broadcast_in_dim3A_19 = vector.shape_cast %reduce_max3A_18 : vector<128xf32> to vector<1x128xf32>
    %reduce_sum3A = arith.constant dense<0.000000e+00> : vector<128xf32>
    %reduce_sum3A_20 = vector.multi_reduction <add>, %mul3A_8, %reduce_sum3A [0] : vector<10240x128xf32> to vector<128xf32>
    %broadcast_in_dim3A_21 = vector.shape_cast %reduce_sum3A_20 : vector<128xf32> to vector<1x128xf32>
    %mul3A_22 = arith.constant 2.000000e-04 : f32
    %mul3A_23 = vector.broadcast %mul3A_22 : f32 to vector<1x128xf32>
    %mul3A_24 = arith.mulf %broadcast_in_dim3A_21, %mul3A_23 : vector<1x128xf32>
    %concatenate3A = tpu.concatenate %broadcast_in_dim3A_19, %mul3A_24 in 1 : vector<1x128xf32>, vector<1x128xf32> -> vector<1x256xf32>
    %swap3A_25 = arith.constant 0 : index
    %swap3A_26 = arith.constant 0 : index
    %swap3A_27 = vector.load %arg4[%swap3A_25, %swap3A_26] : memref<1x256xf32, #tpu.memory_space<vmem>>, vector<1x256xf32>
    tpu.vector_store %arg4[%swap3A_25, %swap3A_26], %concatenate3A {strides = array<i32>} : memref<1x256xf32, #tpu.memory_space<vmem>>, vector<1x256xf32>,
    return
  }
}

module attributes {stable_mosaic.version = 14 : i64} {
  func.func @body(%arg0: i32, %arg1: memref<512x128xf32, #tpu.memory_space<vmem>>, %arg2: memref<128x128xf32, #tpu.memory_space<vmem>>, %arg3: memref<2x512x128xf32, #tpu.memory_space<vmem>>, %arg4: memref<512x128xf32, #tpu.memory_space<vmem>>) attributes {dimension_semantics = [#tpu.dimension_semantics<arbitrary>], iteration_bounds = array<i64: 20>, scalar_prefetch = 0 : i64, scratch_operands = 0 : i64, tpu.core_type = #tpu.core_type<tc>, window_params = [{transform_indices = @transform_0, window_bounds = array<i64: 512, 128>}, {pipeline_mode = #tpu.pipeline_mode<synchronous>, transform_indices = @transform_1, window_bounds = array<i64: 128, 128>}, {transform_indices = @transform_2, window_bounds = array<i64: 2, 512, 128>}, {transform_indices = @transform_3, window_bounds = array<i64: 512, 128>}]} {
    %get3A = arith.constant 0 : index
    %get3A_0 = arith.constant 0 : index
    %get3A_1 = arith.constant 0 : index
    %get3A_2 = vector.load %arg3[%get3A, %get3A_0, %get3A_1] : memref<2x512x128xf32, #tpu.memory_space<vmem>>, vector<1x512x1xf32>
    %get3A_3 = vector.shape_cast %get3A_2 : vector<1x512x1xf32> to vector<512x1xf32>
    %get3A_4 = arith.constant 1 : index
    %get3A_5 = arith.constant 0 : index
    %get3A_6 = arith.constant 0 : index
    %get3A_7 = vector.load %arg3[%get3A_4, %get3A_5, %get3A_6] : memref<2x512x128xf32, #tpu.memory_space<vmem>>, vector<1x512x1xf32>
    %get3A_8 = vector.shape_cast %get3A_7 : vector<1x512x1xf32> to vector<512x1xf32>
    %add3A = arith.addf %get3A_3, %get3A_8 : vector<512x1xf32>
    %add3A_9 = arith.constant 1.000000e+00 : f32
    %add3A_10 = vector.broadcast %add3A_9 : f32 to vector<512x1xf32>
    %add3A_11 = arith.addf %add3A, %add3A_10 : vector<512x1xf32>
    %rsqrt3A = math.rsqrt %add3A_11 : vector<512x1xf32>
    %get3A_12 = arith.constant 0 : index
    %get3A_13 = arith.constant 0 : index
    %get3A_14 = vector.load %arg1[%get3A_12, %get3A_13] : memref<512x128xf32, #tpu.memory_space<vmem>>, vector<512x128xf32>
    %get3A_15 = arith.constant 0 : index
    %get3A_16 = arith.constant 0 : index
    %get3A_17 = vector.load %arg2[%get3A_15, %get3A_16] : memref<128x128xf32, #tpu.memory_space<vmem>>, vector<128x128xf32>
    %dot_general3A = arith.constant dense<0.000000e+00> : vector<512x128xf32>
    %dot_general3A_18 = tpu.matmul %get3A_14, %get3A_17, %dot_general3A {dimension_numbers = #tpu.dot_dimension_numbers<[1], [0], [0], [1], [0, 0, 1, 1], [], []>, transpose_lhs_hint = false} : vector<512x128xf32>, vector<128x128xf32>, vector<512x128xf32> -> vector<512x128xf32>
    %mul3A = vector.broadcast %rsqrt3A : vector<512x1xf32> to vector<512x128xf32>
    %mul3A_19 = arith.mulf %dot_general3A_18, %mul3A : vector<512x128xf32>
    %swap3A = arith.constant 0 : index
    %swap3A_20 = arith.constant 0 : index
    %swap3A_21 = vector.load %arg4[%swap3A, %swap3A_20] : memref<512x128xf32, #tpu.memory_space<vmem>>, vector<512x128xf32>
    tpu.vector_store %arg4[%swap3A, %swap3A_20], %mul3A_19 {strides = array<i32>} : memref<512x128xf32, #tpu.memory_space<vmem>>, vector<512x128xf32>,
    return
  }
  func.func @transform_0(%arg0: i32) -> (i32, i32) {
    %c0_i32 = arith.constant 0 : i32
    %c0_i32_0 = arith.constant 0 : i32
    return %arg0, %c0_i32 : i32, i32
  }
  func.func @transform_1(%arg0: i32) -> (i32, i32) {
    %c0_i32 = arith.constant 0 : i32
    %c0_i32_0 = arith.constant 0 : i32
    %c0_i32_1 = arith.constant 0 : i32
    return %c0_i32, %c0_i32_0 : i32, i32
  }
  func.func @transform_2(%arg0: i32) -> (i32, i32, i32) {
    %c0_i32 = arith.constant 0 : i32
    %c0_i32_0 = arith.constant 0 : i32
    %c0_i32_1 = arith.constant 0 : i32
    return %c0_i32, %arg0, %c0_i32_0 : i32, i32, i32
  }
  func.func @transform_3(%arg0: i32) -> (i32, i32) {
    %c0_i32 = arith.constant 0 : i32
    %c0_i32_0 = arith.constant 0 : i32
    return %arg0, %c0_i32 : i32, i32
  }
}

module attributes {stable_mosaic.version = 14 : i64} {
  func.func @body(%arg0: memref<10240x128xf32, #tpu.memory_space<vmem>>, %arg1: memref<10240x1xi32, #tpu.memory_space<vmem>>, %arg2: memref<10240x128xf32, #tpu.memory_space<vmem>>, %arg3: memref<10240x1xf32, #tpu.memory_space<vmem>>, %arg4: memref<1x256xf32, #tpu.memory_space<vmem>>) attributes {dimension_semantics = [], scalar_prefetch = 0 : i64, scratch_operands = 0 : i64, tpu.core_type = #tpu.core_type<tc>} {
    %get3A = arith.constant 0 : index
    %get3A_0 = arith.constant 0 : index
    %get3A_1 = vector.load %arg1[%get3A, %get3A_0] : memref<10240x1xi32, #tpu.memory_space<vmem>>, vector<10240x1xi32>
    %lt3A = arith.constant 2500 : i32
    %lt3A_2 = vector.broadcast %lt3A : i32 to vector<10240x1xi32>
    %lt3A_3 = arith.cmpi slt, %get3A_1, %lt3A_2 : vector<10240x1xi32>
    %convert_element_type3A = arith.extui %lt3A_3 : vector<10240x1xi1> to vector<10240x1xi32>
    %convert_element_type3A_4 = arith.sitofp %convert_element_type3A : vector<10240x1xi32> to vector<10240x1xf32>
    %get3A_5 = arith.constant 0 : index
    %get3A_6 = arith.constant 0 : index
    %get3A_7 = vector.load %arg0[%get3A_5, %get3A_6] : memref<10240x128xf32, #tpu.memory_space<vmem>>, vector<10240x128xf32>
    %mul3A = vector.broadcast %convert_element_type3A_4 : vector<10240x1xf32> to vector<10240x128xf32>
    %mul3A_8 = arith.mulf %get3A_7, %mul3A : vector<10240x128xf32>
    %swap3A = arith.constant 0 : index
    %swap3A_9 = arith.constant 0 : index
    %swap3A_10 = vector.load %arg2[%swap3A, %swap3A_9] : memref<10240x128xf32, #tpu.memory_space<vmem>>, vector<10240x128xf32>
    tpu.vector_store %arg2[%swap3A, %swap3A_9], %mul3A_8 {strides = array<i32>} : memref<10240x128xf32, #tpu.memory_space<vmem>>, vector<10240x128xf32>,
    %swap3A_11 = arith.constant 0 : index
    %swap3A_12 = arith.constant 0 : index
    %swap3A_13 = vector.load %arg3[%swap3A_11, %swap3A_12] : memref<10240x1xf32, #tpu.memory_space<vmem>>, vector<10240x1xf32>
    tpu.vector_store %arg3[%swap3A_11, %swap3A_12], %convert_element_type3A_4 {strides = array<i32>} : memref<10240x1xf32, #tpu.memory_space<vmem>>, vector<10240x1xf32>,
    %gt3A = arith.constant 0.000000e+00 : f32
    %gt3A_14 = vector.broadcast %gt3A : f32 to vector<10240x1xf32>
    %gt3A_15 = arith.cmpf ogt, %convert_element_type3A_4, %gt3A_14 : vector<10240x1xf32>
    %jit3A = arith.constant -3.000000e+38 : f32
    %broadcast_in_dim3A = vector.shape_cast %gt3A_15 : vector<10240x1xi1> to vector<10240x1xi1>
    %broadcast_in_dim3A_16 = vector.broadcast %broadcast_in_dim3A : vector<10240x1xi1> to vector<10240x128xi1>
    %broadcast_in_dim3A_17 = vector.broadcast %jit3A : f32 to vector<10240x128xf32>
    %select_n3A = arith.select %broadcast_in_dim3A_16, %mul3A_8, %broadcast_in_dim3A_17 : vector<10240x128xi1>, vector<10240x128xf32>
    %reduce_max3A = arith.constant dense<0xFF800000> : vector<128xf32>
    %reduce_max3A_18 = vector.multi_reduction <maximumf>, %select_n3A, %reduce_max3A [0] : vector<10240x128xf32> to vector<128xf32>
    %broadcast_in_dim3A_19 = vector.shape_cast %reduce_max3A_18 : vector<128xf32> to vector<1x128xf32>
    %reduce_sum3A = arith.constant dense<0.000000e+00> : vector<128xf32>
    %reduce_sum3A_20 = vector.multi_reduction <add>, %mul3A_8, %reduce_sum3A [0] : vector<10240x128xf32> to vector<128xf32>
    %broadcast_in_dim3A_21 = vector.shape_cast %reduce_sum3A_20 : vector<128xf32> to vector<1x128xf32>
    %mul3A_22 = arith.constant 4.000000e-04 : f32
    %mul3A_23 = vector.broadcast %mul3A_22 : f32 to vector<1x128xf32>
    %mul3A_24 = arith.mulf %broadcast_in_dim3A_21, %mul3A_23 : vector<1x128xf32>
    %concatenate3A = tpu.concatenate %broadcast_in_dim3A_19, %mul3A_24 in 1 : vector<1x128xf32>, vector<1x128xf32> -> vector<1x256xf32>
    %swap3A_25 = arith.constant 0 : index
    %swap3A_26 = arith.constant 0 : index
    %swap3A_27 = vector.load %arg4[%swap3A_25, %swap3A_26] : memref<1x256xf32, #tpu.memory_space<vmem>>, vector<1x256xf32>
    tpu.vector_store %arg4[%swap3A_25, %swap3A_26], %concatenate3A {strides = array<i32>} : memref<1x256xf32, #tpu.memory_space<vmem>>, vector<1x256xf32>,
    return
  }
}

module attributes {stable_mosaic.version = 14 : i64} {
  func.func @body(%arg0: memref<10240x128xf32, #tpu.memory_space<vmem>>, %arg1: memref<10240x1xi32, #tpu.memory_space<vmem>>, %arg2: memref<10240x128xf32, #tpu.memory_space<vmem>>, %arg3: memref<10240x1xf32, #tpu.memory_space<vmem>>, %arg4: memref<1x256xf32, #tpu.memory_space<vmem>>) attributes {dimension_semantics = [], scalar_prefetch = 0 : i64, scratch_operands = 0 : i64, tpu.core_type = #tpu.core_type<tc>} {
    %get3A = arith.constant 0 : index
    %get3A_0 = arith.constant 0 : index
    %get3A_1 = vector.load %arg1[%get3A, %get3A_0] : memref<10240x1xi32, #tpu.memory_space<vmem>>, vector<10240x1xi32>
    %lt3A = arith.constant 1250 : i32
    %lt3A_2 = vector.broadcast %lt3A : i32 to vector<10240x1xi32>
    %lt3A_3 = arith.cmpi slt, %get3A_1, %lt3A_2 : vector<10240x1xi32>
    %convert_element_type3A = arith.extui %lt3A_3 : vector<10240x1xi1> to vector<10240x1xi32>
    %convert_element_type3A_4 = arith.sitofp %convert_element_type3A : vector<10240x1xi32> to vector<10240x1xf32>
    %get3A_5 = arith.constant 0 : index
    %get3A_6 = arith.constant 0 : index
    %get3A_7 = vector.load %arg0[%get3A_5, %get3A_6] : memref<10240x128xf32, #tpu.memory_space<vmem>>, vector<10240x128xf32>
    %mul3A = vector.broadcast %convert_element_type3A_4 : vector<10240x1xf32> to vector<10240x128xf32>
    %mul3A_8 = arith.mulf %get3A_7, %mul3A : vector<10240x128xf32>
    %swap3A = arith.constant 0 : index
    %swap3A_9 = arith.constant 0 : index
    %swap3A_10 = vector.load %arg2[%swap3A, %swap3A_9] : memref<10240x128xf32, #tpu.memory_space<vmem>>, vector<10240x128xf32>
    tpu.vector_store %arg2[%swap3A, %swap3A_9], %mul3A_8 {strides = array<i32>} : memref<10240x128xf32, #tpu.memory_space<vmem>>, vector<10240x128xf32>,
    %swap3A_11 = arith.constant 0 : index
    %swap3A_12 = arith.constant 0 : index
    %swap3A_13 = vector.load %arg3[%swap3A_11, %swap3A_12] : memref<10240x1xf32, #tpu.memory_space<vmem>>, vector<10240x1xf32>
    tpu.vector_store %arg3[%swap3A_11, %swap3A_12], %convert_element_type3A_4 {strides = array<i32>} : memref<10240x1xf32, #tpu.memory_space<vmem>>, vector<10240x1xf32>,
    %gt3A = arith.constant 0.000000e+00 : f32
    %gt3A_14 = vector.broadcast %gt3A : f32 to vector<10240x1xf32>
    %gt3A_15 = arith.cmpf ogt, %convert_element_type3A_4, %gt3A_14 : vector<10240x1xf32>
    %jit3A = arith.constant -3.000000e+38 : f32
    %broadcast_in_dim3A = vector.shape_cast %gt3A_15 : vector<10240x1xi1> to vector<10240x1xi1>
    %broadcast_in_dim3A_16 = vector.broadcast %broadcast_in_dim3A : vector<10240x1xi1> to vector<10240x128xi1>
    %broadcast_in_dim3A_17 = vector.broadcast %jit3A : f32 to vector<10240x128xf32>
    %select_n3A = arith.select %broadcast_in_dim3A_16, %mul3A_8, %broadcast_in_dim3A_17 : vector<10240x128xi1>, vector<10240x128xf32>
    %reduce_max3A = arith.constant dense<0xFF800000> : vector<128xf32>
    %reduce_max3A_18 = vector.multi_reduction <maximumf>, %select_n3A, %reduce_max3A [0] : vector<10240x128xf32> to vector<128xf32>
    %broadcast_in_dim3A_19 = vector.shape_cast %reduce_max3A_18 : vector<128xf32> to vector<1x128xf32>
    %reduce_sum3A = arith.constant dense<0.000000e+00> : vector<128xf32>
    %reduce_sum3A_20 = vector.multi_reduction <add>, %mul3A_8, %reduce_sum3A [0] : vector<10240x128xf32> to vector<128xf32>
    %broadcast_in_dim3A_21 = vector.shape_cast %reduce_sum3A_20 : vector<128xf32> to vector<1x128xf32>
    %mul3A_22 = arith.constant 8.000000e-04 : f32
    %mul3A_23 = vector.broadcast %mul3A_22 : f32 to vector<1x128xf32>
    %mul3A_24 = arith.mulf %broadcast_in_dim3A_21, %mul3A_23 : vector<1x128xf32>
    %concatenate3A = tpu.concatenate %broadcast_in_dim3A_19, %mul3A_24 in 1 : vector<1x128xf32>, vector<1x128xf32> -> vector<1x256xf32>
    %swap3A_25 = arith.constant 0 : index
    %swap3A_26 = arith.constant 0 : index
    %swap3A_27 = vector.load %arg4[%swap3A_25, %swap3A_26] : memref<1x256xf32, #tpu.memory_space<vmem>>, vector<1x256xf32>
    tpu.vector_store %arg4[%swap3A_25, %swap3A_26], %concatenate3A {strides = array<i32>} : memref<1x256xf32, #tpu.memory_space<vmem>>, vector<1x256xf32>,
    return
  }
}

module attributes {stable_mosaic.version = 14 : i64} {
  func.func @body(%arg0: memref<1x256xf32, #tpu.memory_space<vmem>>, %arg1: memref<1x256xf32, #tpu.memory_space<vmem>>, %arg2: memref<1x256xf32, #tpu.memory_space<vmem>>, %arg3: memref<256x128xf32, #tpu.memory_space<vmem>>, %arg4: memref<1x128xf32, #tpu.memory_space<vmem>>, %arg5: memref<128x64xf32, #tpu.memory_space<vmem>>, %arg6: memref<1x64xf32, #tpu.memory_space<vmem>>, %arg7: memref<64x10xf32, #tpu.memory_space<vmem>>, %arg8: memref<1x10xf32, #tpu.memory_space<vmem>>, %arg9: memref<1x10xf32, #tpu.memory_space<vmem>>) attributes {dimension_semantics = [], scalar_prefetch = 0 : i64, scratch_operands = 0 : i64, tpu.core_type = #tpu.core_type<tc>} {
    %get3A = arith.constant 0 : index
    %get3A_0 = arith.constant 0 : index
    %get3A_1 = vector.load %arg0[%get3A, %get3A_0] : memref<1x256xf32, #tpu.memory_space<vmem>>, vector<1x256xf32>
    %max3A = arith.constant 0.000000e+00 : f32
    %max3A_2 = vector.broadcast %max3A : f32 to vector<1x256xf32>
    %max3A_3 = arith.maximumf %get3A_1, %max3A_2 : vector<1x256xf32>
    %get3A_4 = arith.constant 0 : index
    %get3A_5 = arith.constant 0 : index
    %get3A_6 = vector.load %arg1[%get3A_4, %get3A_5] : memref<1x256xf32, #tpu.memory_space<vmem>>, vector<1x256xf32>
    %max3A_7 = arith.constant 0.000000e+00 : f32
    %max3A_8 = vector.broadcast %max3A_7 : f32 to vector<1x256xf32>
    %max3A_9 = arith.maximumf %get3A_6, %max3A_8 : vector<1x256xf32>
    %add3A = arith.addf %max3A_3, %max3A_9 : vector<1x256xf32>
    %get3A_10 = arith.constant 0 : index
    %get3A_11 = arith.constant 0 : index
    %get3A_12 = vector.load %arg2[%get3A_10, %get3A_11] : memref<1x256xf32, #tpu.memory_space<vmem>>, vector<1x256xf32>
    %max3A_13 = arith.constant 0.000000e+00 : f32
    %max3A_14 = vector.broadcast %max3A_13 : f32 to vector<1x256xf32>
    %max3A_15 = arith.maximumf %get3A_12, %max3A_14 : vector<1x256xf32>
    %add3A_16 = arith.addf %add3A, %max3A_15 : vector<1x256xf32>
    %get3A_17 = arith.constant 0 : index
    %get3A_18 = arith.constant 0 : index
    %get3A_19 = vector.load %arg3[%get3A_17, %get3A_18] : memref<256x128xf32, #tpu.memory_space<vmem>>, vector<256x128xf32>
    %dot_general3A = arith.constant dense<0.000000e+00> : vector<1x128xf32>
    %dot_general3A_20 = tpu.matmul %add3A_16, %get3A_19, %dot_general3A {dimension_numbers = #tpu.dot_dimension_numbers<[1], [0], [0], [1], [0, 0, 1, 1], [], []>, transpose_lhs_hint = false} : vector<1x256xf32>, vector<256x128xf32>, vector<1x128xf32> -> vector<1x128xf32>
    %get3A_21 = arith.constant 0 : index
    %get3A_22 = arith.constant 0 : index
    %get3A_23 = vector.load %arg4[%get3A_21, %get3A_22] : memref<1x128xf32, #tpu.memory_space<vmem>>, vector<1x128xf32>
    %add3A_24 = arith.addf %dot_general3A_20, %get3A_23 : vector<1x128xf32>
    %max3A_25 = arith.constant 0.000000e+00 : f32
    %max3A_26 = vector.broadcast %max3A_25 : f32 to vector<1x128xf32>
    %max3A_27 = arith.maximumf %add3A_24, %max3A_26 : vector<1x128xf32>
    %get3A_28 = arith.constant 0 : index
    %get3A_29 = arith.constant 0 : index
    %get3A_30 = vector.load %arg5[%get3A_28, %get3A_29] : memref<128x64xf32, #tpu.memory_space<vmem>>, vector<128x64xf32>
    %dot_general3A_31 = arith.constant dense<0.000000e+00> : vector<1x64xf32>
    %dot_general3A_32 = tpu.matmul %max3A_27, %get3A_30, %dot_general3A_31 {dimension_numbers = #tpu.dot_dimension_numbers<[1], [0], [0], [1], [0, 0, 1, 1], [], []>, transpose_lhs_hint = false} : vector<1x128xf32>, vector<128x64xf32>, vector<1x64xf32> -> vector<1x64xf32>
    %get3A_33 = arith.constant 0 : index
    %get3A_34 = arith.constant 0 : index
    %get3A_35 = vector.load %arg6[%get3A_33, %get3A_34] : memref<1x64xf32, #tpu.memory_space<vmem>>, vector<1x64xf32>
    %add3A_36 = arith.addf %dot_general3A_32, %get3A_35 : vector<1x64xf32>
    %max3A_37 = arith.constant 0.000000e+00 : f32
    %max3A_38 = vector.broadcast %max3A_37 : f32 to vector<1x64xf32>
    %max3A_39 = arith.maximumf %add3A_36, %max3A_38 : vector<1x64xf32>
    %get3A_40 = arith.constant 0 : index
    %get3A_41 = arith.constant 0 : index
    %get3A_42 = vector.load %arg7[%get3A_40, %get3A_41] : memref<64x10xf32, #tpu.memory_space<vmem>>, vector<64x10xf32>
    %dot_general3A_43 = arith.constant dense<0.000000e+00> : vector<1x10xf32>
    %dot_general3A_44 = tpu.matmul %max3A_39, %get3A_42, %dot_general3A_43 {dimension_numbers = #tpu.dot_dimension_numbers<[1], [0], [0], [1], [0, 0, 1, 1], [], []>, transpose_lhs_hint = false} : vector<1x64xf32>, vector<64x10xf32>, vector<1x10xf32> -> vector<1x10xf32>
    %get3A_45 = arith.constant 0 : index
    %get3A_46 = arith.constant 0 : index
    %get3A_47 = vector.load %arg8[%get3A_45, %get3A_46] : memref<1x10xf32, #tpu.memory_space<vmem>>, vector<1x10xf32>
    %add3A_48 = arith.addf %dot_general3A_44, %get3A_47 : vector<1x10xf32>
    %reduce_max3A = arith.constant dense<0xFF800000> : vector<1xf32>
    %reduce_max3A_49 = vector.multi_reduction <maximumf>, %add3A_48, %reduce_max3A [1] : vector<1x10xf32> to vector<1xf32>
    %broadcast_in_dim3A = vector.shape_cast %reduce_max3A_49 : vector<1xf32> to vector<1x1xf32>
    %sub3A = vector.broadcast %broadcast_in_dim3A : vector<1x1xf32> to vector<1x10xf32>
    %sub3A_50 = arith.subf %add3A_48, %sub3A : vector<1x10xf32>
    %exp3A = math.exp %sub3A_50 : vector<1x10xf32>
    %sub3A_51 = vector.broadcast %broadcast_in_dim3A : vector<1x1xf32> to vector<1x10xf32>
    %sub3A_52 = arith.subf %add3A_48, %sub3A_51 : vector<1x10xf32>
    %reduce_sum3A = arith.constant dense<0.000000e+00> : vector<1xf32>
    %reduce_sum3A_53 = vector.multi_reduction <add>, %exp3A, %reduce_sum3A [1] : vector<1x10xf32> to vector<1xf32>
    %broadcast_in_dim3A_54 = vector.shape_cast %reduce_sum3A_53 : vector<1xf32> to vector<1x1xf32>
    %log3A = math.log %broadcast_in_dim3A_54 : vector<1x1xf32>
    %sub3A_55 = vector.broadcast %log3A : vector<1x1xf32> to vector<1x10xf32>
    %sub3A_56 = arith.subf %sub3A_52, %sub3A_55 : vector<1x10xf32>
    %swap3A = arith.constant 0 : index
    %swap3A_57 = arith.constant 0 : index
    %swap3A_58 = vector.load %arg9[%swap3A, %swap3A_57] : memref<1x10xf32, #tpu.memory_space<vmem>>, vector<1x10xf32>
    tpu.vector_store %arg9[%swap3A, %swap3A_57], %sub3A_56 {strides = array<i32>} : memref<1x10xf32, #tpu.memory_space<vmem>>, vector<1x10xf32>,
    return
  }
}

</mosaic_0001>

<sc_bundles>
// kernel: kernel.21.cloned.1.call-start
scs
__scs_entry_jumppad:
0x0: {  	(pc) =	sbr.rel $0x88, $3  }
0x1: {  	(tag) =	ssettag $0x0;
	lr =	simm.s32 $0x1  }
0x2: {  	[smem:$0x3F90] =	sst lr;
	_ =	strace $0xD0000000  }
0x3: {  	_ = 	snop  }
0x4: {  	_ = 	snop  }
0x5: {  	_ = 	snop  }
0x6: {  	_ = 	snop  }
0x7: {  	_ = 	snop  }
__scs_overlays_trampoline_lowered:
0x8: {  	[smem:$0x3F9F] =	sst s0  }
0x9: {  	[smem:$0x3FA0] =	sst s1  }
0xa: {  	[smem:$0x3FA1] =	sst s2  }
0xb: {  	[smem:$0x3FA2] =	sst s3  }
0xc: {  	[smem:$0x3FA3] =	sst s4  }
0xd: {  	[smem:$0x3FA4] =	sst s5  }
0xe: {  	[smem:$0x3FA5] =	sst s6  }
0xf: {  	[smem:$0x3FA6] =	sst s7  }
0x10: {  	[smem:$0x3FA7] =	sst s8  }
0x11: {  	[smem:$0x3FA8] =	sst s9;
	s0 =	simm.s32 @!p0 $0x0  }
0x12: {  	s1 =	sld [smem:$0x3F8E];
	s0 =	simm.s32 @p0 $0x1  }
0x13: {  	[smem:$0x3FA9] =	sst s0;
	s0 =	simm.s32 @!p1 $0x0  }
0x14: {  	s2 =	sld [smem:$0x3F8D];
	s0 =	simm.s32 @p1 $0x1  }
0x15: {  	[smem:$0x3FAA] =	sst s0;
	s0 =	simm.s32 @!p2 $0x0  }
0x16: {  	s3 =	sld [smem:$0x3FDB];
	s0 =	simm.s32 @p2 $0x1  }
0x17: {  	s4 =	simm.s32 $0x1BF5;
	[smem:$0x3FAC] =	sst s0  }
0x18: {  	s0 =	sld [smem:$0x3F8F];
	_ =	swait.ge [sflag:s4], $0x0  }
0x19: {  	s7 =	sld [smem:$0x3F90]  }
0x1a: {  	s8 =	sadd.s32 $0xFFFFE003, lr  }
0x1b: {  	s9 =	sadd.s32 $0xFFFFFEF7, lr;
	s5 =	simm.s32 $0xFFFFFFFF;
	p2 =	slt.u32 s8, $0xFFFFF086  }
0x1c: {  	p1 =	slt.u32 s9, $0xF7A;
	s5 =	simm.s32 @!p2 $0x0  }
0x1d: {  	s5 =	simm.s32 @p1 $0x1;
	p0 =	seq.s32 s7, s2  }
0x1e: {  	s7 =	smul.u32 @!p0 $0xF7A, s2;
	p2 =	seq.s32 @!p0 s5, $0x0  }
0x1f: {  	s9 =	smul.u32 $0xF7A, s1;
	s8 =	simm.s32 @!p0 $0x1BF5;
	p2 =	por !p2, p0  }
0x20: {  	[sflag:s8] =	ssyncset.s32 @!p0 $0xFFFFF086;
	s6 =	sadd.s32 @!p0 s3, s7;
	s7 =	simm.s32 @!p0 $0x108  }
0x21: {  	s3 =	sadd.s32 s3, s9;
	s6 =	sadd.s32 @!p0 $0x88, s6;
	s7 =	simm.s32 @p2 $0x1082  }
0x22: {  	[simem:s7], [sflag:s8] =	dma.local @!p0 [hbm:s6], $0xF7A  }
0x23: {  	s9 =	sor.u32 $0xD0000000, s2;
	s6 =	simm.s32 $0x108;
	_ =	swait.ge @!p0 [sflag:s8], $0x0  }
0x24: {  	s3 =	sadd.s32 $0x88, s3;
	s6 =	simm.s32 @!p1 $0x1082;
	[sflag:s4] =	ssyncset.s32 $0xFFFFF086  }
0x25: {  	[simem:s6], [sflag:s4] =	dma.local [hbm:s3], $0xF7A  }
0x26: {  	[smem:$0x3F90] =	sst s1;
	(tag) =	ssettag s2;
	_ =	strace s9  }
0x27: {  	s1 =	sld [smem:$0x3FA0]  }
0x28: {  	s2 =	sld [smem:$0x3FA1]  }
0x29: {  	s4 =	sld [smem:$0x3FA3]  }
0x2a: {  	p0 =	seq.s32 s5, $0x0;
	s5 =	sld [smem:$0x3FA4]  }
0x2b: {  	s6 =	sld [smem:$0x3FA5]  }
0x2c: {  	s7 =	sld [smem:$0x3FA6]  }
0x2d: {  	s3 =	simm.s32 $0x108;
	s8 =	sld [smem:$0x3FA7]  }
0x2e: {  	s3 =	simm.s32 @!p0 $0x1082;
	s9 =	sld [smem:$0x3FA8]  }
0x2f: {  	lr =	sadd.s32 s0, s3;
	s0 =	sld [smem:$0x3F9F]  }
0x30: {  	s3 =	sld [smem:$0x3FA2]  }
0x31: {  	[smem:$0x3FAB] =	sst s10  }
0x32: {  	s10 =	sld [smem:$0x3FA9];
	_ =	sdelay $0x3  }
0x33: {  	p0 =	seq.s32 s10, $0x1;
	s10 =	sld [smem:$0x3FAB];
	_ =	sdelay $0x3  }
0x34: {  	[smem:$0x3FAB] =	sst s10  }
0x35: {  	s10 =	sld [smem:$0x3FAA];
	_ =	sdelay $0x3  }
0x36: {  	p1 =	seq.s32 s10, $0x1;
	s10 =	sld [smem:$0x3FAB];
	_ =	sdelay $0x3  }
0x37: {  	[smem:$0x3FAB] =	sst s10  }
0x38: {  	s10 =	sld [smem:$0x3FAC]  }
0x39: {  	_ = 	snop;
	(pc) =	sbr.ind lr, $3  }
0x3a: {  	_ = 	snop  }
0x3b: {  	_ = 	snop  }
0x3c: {  	p2 =	seq.s32 s10, $0x1;
	s10 =	sld [smem:$0x3FAB]  }
0x3d: {  	_ =	shalt  }
0x3e: {  	_ =	shalt  }
0x3f: {  	_ =	shalt  }
0x40: {  	_ =	shalt  }
0x41: {  	_ =	shalt  }
0x42: {  	_ =	shalt  }
0x43: {  	_ =	shalt  }
0x44: {  	_ =	shalt  }
0x45: {  	_ =	shalt  }
0x46: {  	_ =	shalt  }
0x47: {  	_ =	shalt  }
0x48: {  	_ =	shalt  }
0x49: {  	_ =	shalt  }
0x4a: {  	_ =	shalt  }
0x4b: {  	_ =	shalt  }
0x4c: {  	_ =	shalt  }
0x4d: {  	_ =	shalt  }
0x4e: {  	_ =	shalt  }
0x4f: {  	_ =	shalt  }
0x50: {  	_ =	shalt  }
0x51: {  	_ =	shalt  }
0x52: {  	_ =	shalt  }
0x53: {  	_ =	shalt  }
0x54: {  	_ =	shalt  }
0x55: {  	_ =	shalt  }
0x56: {  	_ =	shalt  }
0x57: {  	_ =	shalt  }
0x58: {  	_ =	shalt  }
0x59: {  	_ =	shalt  }
0x5a: {  	_ =	shalt  }
0x5b: {  	_ =	shalt  }
0x5c: {  	_ =	shalt  }
0x5d: {  	_ =	shalt  }
0x5e: {  	_ =	shalt  }
0x5f: {  	_ =	shalt  }
0x60: {  	_ =	shalt  }
0x61: {  	_ =	shalt  }
0x62: {  	_ =	shalt  }
0x63: {  	_ =	shalt  }
0x64: {  	_ =	shalt  }
0x65: {  	_ =	shalt  }
0x66: {  	_ =	shalt  }
0x67: {  	_ =	shalt  }
0x68: {  	_ =	shalt  }
0x69: {  	_ =	shalt  }
0x6a: {  	_ =	shalt  }
0x6b: {  	_ =	shalt  }
0x6c: {  	_ =	shalt  }
0x6d: {  	_ =	shalt  }
0x6e: {  	_ =	shalt  }
0x6f: {  	_ =	shalt  }
0x70: {  	_ =	shalt  }
0x71: {  	_ =	shalt  }
0x72: {  	_ =	shalt  }
0x73: {  	_ =	shalt  }
0x74: {  	_ =	shalt  }
0x75: {  	_ =	shalt  }
0x76: {  	_ =	shalt  }
0x77: {  	_ =	shalt  }
0x78: {  	_ =	shalt  }
0x79: {  	_ =	shalt  }
0x7a: {  	_ =	shalt  }
0x7b: {  	_ =	shalt  }
0x7c: {  	_ =	shalt  }
0x7d: {  	_ =	shalt  }
0x7e: {  	_ =	shalt  }
0x7f: {  	_ =	shalt  }
0x80: {  	_ =	shalt  }
0x81: {  	_ =	shalt  }
0x82: {  	_ =	shalt  }
0x83: {  	_ =	shalt  }
0x84: {  	_ =	shalt  }
0x85: {  	_ =	shalt  }
0x86: {  	_ =	shalt  }
0x87: {  	_ =	shalt  }
.Lfunc_end0:
.L_simem_size_0:
called_computation_lowered:
.L_overlay_start_0:
0x88: {  	s2 =	sld [smem:$0x3FD9]  }
0x89: {  	s3 =	sld [smem:$0x3FFE];
	_ =	sdelay $0x1  }
0x8a: {  	s1 =	srdreg.scid  }
0x8b: {  	s0 =	sand.u32 $0x1, s1  }
0x8c: {  	s16 =	sshll.u32 s0, $0xA;
	s2 =	sadd.s32 s3, s2  }
0x8d: {  	s2 =	sadd.s32 s2, s16  }
0x8e: {  	[smem:$0x3FB7] =	sst s2  }
0x8f: {  	_ = 	snop  }
0x90: {  	(tm) =	ssettm $0x1  }
0x91: {  	s17 =	sld [smem:$0x3FFB];
	_ =	sdelay $0x3  }
0x92: {  	_ =	strace s17  }
0x93: {  	s2 =	sld [smem:$0x3FFC];
	_ =	sdelay $0x3  }
0x94: {  	_ =	strace s2  }
0x95: {  	s2 =	sld [smem:$0x3FFD];
	_ =	sdelay $0x3  }
0x96: {  	_ =	strace s2  }
0x97: {  	_ =	strace $0x8FFFFFFF  }
0x98: {  	s18 =	sld [smem:$0x3FDB];
	_ =	sdelay $0x1  }
0x99: {  	s19 =	simm.s32 $_scs_section_size  }
0x9a: {  	s4 =	simm.s32 $_size__tile_overlayer_lowered;
	s5 =	simm.s32 $_tile_overlayer_lowered  }
0x9b: {  	s22 =	simm.s32 $0x1BFF;
	s21 =	sshll.u32 s5, $0x1;
	s2 =	sadd.s32 s19, s18  }
0x9c: {  	s6 =	simm.s32 $0x0;
	s20 =	sshll.u32 s4, $0x1;
	s4 =	sadd.s32 s21, s2  }
0x9d: {  	[timem:s6], [sflag:s22] =	dma.local [hbm:s4], s20  }
0x9e: {  	_ =	swait.ge [sflag:s22], s20  }
0x9f: {  	s3 =	ssub.s32 $0x0, s20;
	[sflag:s22] =	ssyncset.done $0x0  }
0xa0: {  	[sflag:s22] =	ssyncadd.s32 s3;
	_ =	sdelay $0x1  }
0xa1: {  	s23 =	simm.s32 $0x1B8B  }
0xa2: {  	_ =	swait.ge [sflag:s23], $0x1  }
0xa3: {  	[sflag:s23] =	ssyncset.done $0x0  }
0xa4: {  	s25 =	simm.s32 $0x1B8E;
	s24 =	sld [smem:$0x3FFE];
	[sflag:s23] =	ssyncadd.s32 $0xFFFFFFFF  }
0xa5: {  	s26 =	simm.s32 $execute0_lowered;
	[smem:$0x3FD2] =	sst s25  }
0xa6: {  	s4 =	sshll.u32 s26, $0x1;
	_ =	strace $0x80000046;
	[dreg:$0x1] =	wrdreg $0xFFFFFFFF  }
0xa7: {  	s28 =	simm.s32 $_size_execute0_lowered;
	s2 =	sadd.s32 s2, s4;
	[dreg:$0x0] =	wrdreg $0x0  }
0xa8: {  	s4 =	sshll.u32 s28, $0x1;
	[dreg:$0x2] =	wrdreg s2  }
0xa9: {  	[dreg:$0x3] =	wrdreg s4  }
0xaa: {  	[dreg:$0x4] =	wrdreg $0xC0  }
0xab: {  	_ =	task [dreg:s6], $0x5FFFF  }
0xac: {  	[dreg:$0x1] =	wrdreg $0xFFFFFFFF  }
0xad: {  	[dreg:$0x0] =	wrdreg $0x60  }
0xae: {  	[dreg:$0x2] =	wrdreg s24  }
0xaf: {  	[dreg:$0x3] =	wrdreg $0x64000  }
0xb0: {  	[dreg:$0x4] =	wrdreg $0x9  }
0xb1: {  	_ =	task.clear_ibuf [dreg:s6], $0x5FFFF;
	_ =	strace $0x90000046  }
0xb2: {  	s29 =	simm.s32 $0x9;
	_ =	strace $0x80000048  }
0xb3: {  	_ =	swait.ge [sflag:s29], $0x1  }
0xb4: {  	[sflag:s29] =	ssyncadd.s32 $0xFFFFFFFF  }
0xb5: {  	_ =	strace $0x90000048  }
0xb6: {  	_ =	sfence  }
0xb7: {  	s30 =	sld [smem:$0x0];
	_ =	sdelay $0x2  }
0xb8: {  	s31 =	sshll.u32 s1, $0xD;
	s1 =	sshrl.u32 s1, $0x2  }
0xb9: {  	s3 =	sand.u32 $0x4000, s31;
	s1 =	sadd.s32 s1, s30  }
0xba: {  	s0 =	sor.u32 s3, s0;
	s1 =	sshll.u32 s1, $0x11  }
0xbb: {  	s0 =	sor.u32 s1, s0  }
0xbc: {  	s0 =	sadd.s32 $0x8F2B, s0  }
0xbd: {  	[sflag:s0] =	ssyncadd.remote.s32 $0x1  }
0xbe: {  	_ =	sfence.sel $0xFFFF  }
0xbf: {  	[dreg:$0x0] =	wrdreg $0xFFFFFFFF;
	(pc) =	sbr.abs _section_cstart, $3  }
0xc0: {  	[dreg:$0x1] =	wrdreg $0xFFFFFFFF  }
0xc1: {  	_ =	task.clear_ibuf [dreg:s6], $0x2FFFF;
	_ =	strace $0x9FFFFFFF  }
0xc2: {  	(tm) =	ssettm $0x7FFFFFFF  }
0xc3: {  	_ =	shalt  }
tec
execute0_lowered:
.L_overlay_start_1:
0x0: {  	(tag) =	ssettag $0x1  }
0x1: {  	s0 =	srdreg.scid;
	s4 =	rddreg [dreg:$0x0]  }
0x2: {  	s7 =	stileid.u32;
	s2 =	rddreg [dreg:$0x1]  }
0x3: {  	s3 =	simm.s32 $0x0;
	s28 =	simm.s32 $0x5400;
	s29 =	simm.s32 $0x1  }
0x4: {  	s30 =	simm.s32 $0x80;
	s31 =	simm.s32 $0x1400;
	s0 =	sand.u32 $0x1, s0  }
0x5: {  	[smem:$0x7FF] =	sst s3;
	s6 =	smul.u32 $0x14000, s7;
	s1 =	sshll.u32 s0, $0x4  }
0x6: {  	s5 =	smul.u32 $0x140000, s0;
	_ =	strace $0x80000047;
	s0 =	ssub.s32 $0x2, s0  }
0x7: {  	s1 =	sor.u32 s7, s1;
	s7 =	smul.u32 $0x50000, s7;
	s26 =	sshrl.u32 s0, $0x1  }
0x8: {  	s1 =	smul.u32 $0x280, s1;
	s5 =	sadd.s32 s6, s5;
	s0 =	ssub.s32 s0, s26  }
0x9: {  	s5 =	sshrl.u32 s5, $0x3;
	s7 =	sshrl.u32 s7, $0x2;
	s0 =	smax.u32 s0, $0x1  }
0xa: {  	s1 =	sadd.s32 s1, s4;
	s4 =	sadd.s32 s5, s4;
	s5 =	sadd.s32 s7, s2  }
0xb: {  	[dreg:$0x4] =	wrdreg s0;
	s1 =	sadd.s32 $0x9600, s1;
	s7 =	sadd.s32 $0x1000, s5  }
0xc: {  	s8 =	sadd.s32 $0x2000, s5;
	s9 =	sadd.s32 $0x3000, s5;
	s10 =	sadd.s32 $0x4000, s5  }
0xd: {  	s11 =	sadd.s32 $0x5000, s5;
	s12 =	sadd.s32 $0x6000, s5;
	s13 =	sadd.s32 $0x7000, s5  }
0xe: {  	s14 =	sadd.s32 $0x8000, s5;
	s15 =	sadd.s32 $0x9000, s5;
	s16 =	sadd.s32 $0xA000, s5  }
0xf: {  	s17 =	sadd.s32 $0xB000, s5;
	s18 =	sadd.s32 $0xC000, s5;
	s19 =	sadd.s32 $0xD000, s5  }
0x10: {  	s20 =	sadd.s32 $0xE000, s5;
	s21 =	sadd.s32 $0xF000, s5;
	s22 =	sadd.s32 $0x10000, s5  }
0x11: {  	s23 =	sadd.s32 $0x11000, s5;
	s24 =	sadd.s32 $0x12000, s5;
	s25 =	sadd.s32 $0xE600, s4  }
0x12: {  	v0 =	vimm.f32 $1.000000000e+00;
	v1 =	vimm.f32 $0.0e+00;
	s26 =	sadd.s32 $0x13000, s5;
	[dreg:$0x3] =	wrdreg s1;
	s1 =	simm.s32 $0x0  }
.LBB2_1:
0x13: {  	s0 =	simm.s32 $0x0;
	s4 =	simm.s32 $0x200  }
.LBB2_2:
0x14: {  	p0 =	sne.s32 s4, $0xFE00;
	[tilespmem:s0+$0x1470] =	vst v0  }
0x15: {  	[tilespmem:s0+$0x1400] =	vst v0  }
0x16: {  	[tilespmem:s0+$0x1410] =	vst v0  }
.Ltmp0:
0x17: {  	[tilespmem:s0+$0x1420] =	vst v0;
	(pc) =	sbr.rel @p0 .LBB2_2-.Ltmp0, $4  }
0x18: {  	[tilespmem:s0+$0x1430] =	vst v0  }
0x19: {  	[tilespmem:s0+$0x1440] =	vst v0  }
0x1a: {  	[tilespmem:s0+$0x1450] =	vst v0  }
0x1b: {  	[tilespmem:s0+$0x1460] =	vst v0;
	s0 =	sshra.s32 s4, $0x2;
	s4 =	sadd.s32 $0x200, s4  }
0x1c: {  	[tilespmem:s0+$0x1470] =	vst v0  }
0x1d: {  	[tilespmem:s0+$0x1400] =	vst v0  }
0x1e: {  	[tilespmem:s0+$0x1410] =	vst v0  }
0x1f: {  	[tilespmem:s0+$0x1420] =	vst v0  }
0x20: {  	[tilespmem:s0+$0x1430] =	vst v0  }
0x21: {  	[tilespmem:s0+$0x1440] =	vst v0  }
0x22: {  	[tilespmem:s0+$0x1450] =	vst v0  }
0x23: {  	[tilespmem:s0+$0x1460] =	vst v0;
	s0 =	simm.s32 $0x0;
	s4 =	simm.s32 $0x200  }
.LBB2_4:
0x24: {  	p0 =	sne.s32 s4, $0x3E00;
	[tilespmem:s0+$0x5470] =	vst v1  }
0x25: {  	[tilespmem:s0+$0x5400] =	vst v1  }
0x26: {  	[tilespmem:s0+$0x5410] =	vst v1  }
.Ltmp1:
0x27: {  	[tilespmem:s0+$0x5420] =	vst v1;
	(pc) =	sbr.rel @p0 .LBB2_4-.Ltmp1, $4  }
0x28: {  	[tilespmem:s0+$0x5430] =	vst v1  }
0x29: {  	[tilespmem:s0+$0x5440] =	vst v1  }
0x2a: {  	[tilespmem:s0+$0x5450] =	vst v1  }
0x2b: {  	[tilespmem:s0+$0x5460] =	vst v1;
	s0 =	sshra.s32 s4, $0x2;
	s4 =	sadd.s32 $0x200, s4  }
0x2c: {  	[tilespmem:s0+$0x5470] =	vst v1  }
0x2d: {  	[tilespmem:s0+$0x5400] =	vst v1  }
0x2e: {  	[tilespmem:s0+$0x5410] =	vst v1  }
0x2f: {  	[tilespmem:s0+$0x5420] =	vst v1  }
0x30: {  	[tilespmem:s0+$0x5430] =	vst v1  }
0x31: {  	[tilespmem:s0+$0x5440] =	vst v1  }
0x32: {  	[tilespmem:s0+$0x5450] =	vst v1  }
0x33: {  	[tilespmem:s0+$0x5460] =	vst v1  }
0x34: {  	[spmem:s5] =	stream.linear.scatter [tilespmem:s28], [sflag:$0x1], $0x1000, $0x38;
	[tilespmem:$0x1A400] =	vst v63  }
0x35: {  	_ =	swait.ge [sflag:s29], $0x1000  }
0x36: {  	[sflag:s29] =	ssyncset.done $0x0  }
0x37: {  	[sflag:s29] =	ssyncadd.s32 $0xFFFFF000  }
0x38: {  	[spmem:s7] =	stream.linear.scatter [tilespmem:s28], [sflag:$0x1], $0x1000, $0x38;
	[tilespmem:$0x1A400] =	vst v63  }
0x39: {  	_ =	swait.ge [sflag:s29], $0x1000  }
0x3a: {  	[sflag:s29] =	ssyncset.done $0x0  }
0x3b: {  	[sflag:s29] =	ssyncadd.s32 $0xFFFFF000  }
0x3c: {  	[spmem:s8] =	stream.linear.scatter [tilespmem:s28], [sflag:$0x1], $0x1000, $0x38;
	[tilespmem:$0x1A400] =	vst v63  }
0x3d: {  	_ =	swait.ge [sflag:s29], $0x1000  }
0x3e: {  	[sflag:s29] =	ssyncset.done $0x0  }
0x3f: {  	[sflag:s29] =	ssyncadd.s32 $0xFFFFF000  }
0x40: {  	[spmem:s9] =	stream.linear.scatter [tilespmem:s28], [sflag:$0x1], $0x1000, $0x38;
	[tilespmem:$0x1A400] =	vst v63  }
0x41: {  	_ =	swait.ge [sflag:s29], $0x1000  }
0x42: {  	[sflag:s29] =	ssyncset.done $0x0  }
0x43: {  	[sflag:s29] =	ssyncadd.s32 $0xFFFFF000  }
0x44: {  	[spmem:s10] =	stream.linear.scatter [tilespmem:s28], [sflag:$0x1], $0x1000, $0x38;
	[tilespmem:$0x1A400] =	vst v63  }
0x45: {  	_ =	swait.ge [sflag:s29], $0x1000  }
0x46: {  	[sflag:s29] =	ssyncset.done $0x0  }
0x47: {  	[sflag:s29] =	ssyncadd.s32 $0xFFFFF000  }
0x48: {  	[spmem:s11] =	stream.linear.scatter [tilespmem:s28], [sflag:$0x1], $0x1000, $0x38;
	[tilespmem:$0x1A400] =	vst v63  }
0x49: {  	_ =	swait.ge [sflag:s29], $0x1000  }
0x4a: {  	[sflag:s29] =	ssyncset.done $0x0  }
0x4b: {  	[sflag:s29] =	ssyncadd.s32 $0xFFFFF000  }
0x4c: {  	[spmem:s12] =	stream.linear.scatter [tilespmem:s28], [sflag:$0x1], $0x1000, $0x38;
	[tilespmem:$0x1A400] =	vst v63  }
0x4d: {  	_ =	swait.ge [sflag:s29], $0x1000  }
0x4e: {  	[sflag:s29] =	ssyncset.done $0x0  }
0x4f: {  	[sflag:s29] =	ssyncadd.s32 $0xFFFFF000  }
0x50: {  	[spmem:s13] =	stream.linear.scatter [tilespmem:s28], [sflag:$0x1], $0x1000, $0x38;
	[tilespmem:$0x1A400] =	vst v63  }
0x51: {  	_ =	swait.ge [sflag:s29], $0x1000  }
0x52: {  	[sflag:s29] =	ssyncset.done $0x0  }
0x53: {  	[sflag:s29] =	ssyncadd.s32 $0xFFFFF000  }
0x54: {  	[spmem:s14] =	stream.linear.scatter [tilespmem:s28], [sflag:$0x1], $0x1000, $0x38;
	[tilespmem:$0x1A400] =	vst v63  }
0x55: {  	_ =	swait.ge [sflag:s29], $0x1000  }
0x56: {  	[sflag:s29] =	ssyncset.done $0x0  }
0x57: {  	[sflag:s29] =	ssyncadd.s32 $0xFFFFF000  }
0x58: {  	[spmem:s15] =	stream.linear.scatter [tilespmem:s28], [sflag:$0x1], $0x1000, $0x38;
	[tilespmem:$0x1A400] =	vst v63  }
0x59: {  	_ =	swait.ge [sflag:s29], $0x1000  }
0x5a: {  	[sflag:s29] =	ssyncset.done $0x0  }
0x5b: {  	[sflag:s29] =	ssyncadd.s32 $0xFFFFF000  }
0x5c: {  	[spmem:s16] =	stream.linear.scatter [tilespmem:s28], [sflag:$0x1], $0x1000, $0x38;
	[tilespmem:$0x1A400] =	vst v63  }
0x5d: {  	_ =	swait.ge [sflag:s29], $0x1000  }
0x5e: {  	[sflag:s29] =	ssyncset.done $0x0  }
0x5f: {  	[sflag:s29] =	ssyncadd.s32 $0xFFFFF000  }
0x60: {  	[spmem:s17] =	stream.linear.scatter [tilespmem:s28], [sflag:$0x1], $0x1000, $0x38;
	[tilespmem:$0x1A400] =	vst v63  }
0x61: {  	_ =	swait.ge [sflag:s29], $0x1000  }
0x62: {  	[sflag:s29] =	ssyncset.done $0x0  }
0x63: {  	[sflag:s29] =	ssyncadd.s32 $0xFFFFF000  }
0x64: {  	[spmem:s18] =	stream.linear.scatter [tilespmem:s28], [sflag:$0x1], $0x1000, $0x38;
	[tilespmem:$0x1A400] =	vst v63  }
0x65: {  	_ =	swait.ge [sflag:s29], $0x1000  }
0x66: {  	[sflag:s29] =	ssyncset.done $0x0  }
0x67: {  	[sflag:s29] =	ssyncadd.s32 $0xFFFFF000  }
0x68: {  	[spmem:s19] =	stream.linear.scatter [tilespmem:s28], [sflag:$0x1], $0x1000, $0x38;
	[tilespmem:$0x1A400] =	vst v63  }
0x69: {  	_ =	swait.ge [sflag:s29], $0x1000  }
0x6a: {  	[sflag:s29] =	ssyncset.done $0x0  }
0x6b: {  	[sflag:s29] =	ssyncadd.s32 $0xFFFFF000  }
0x6c: {  	[spmem:s20] =	stream.linear.scatter [tilespmem:s28], [sflag:$0x1], $0x1000, $0x38;
	[tilespmem:$0x1A400] =	vst v63  }
0x6d: {  	_ =	swait.ge [sflag:s29], $0x1000  }
0x6e: {  	[sflag:s29] =	ssyncset.done $0x0  }
0x6f: {  	[sflag:s29] =	ssyncadd.s32 $0xFFFFF000  }
0x70: {  	[spmem:s21] =	stream.linear.scatter [tilespmem:s28], [sflag:$0x1], $0x1000, $0x38;
	[tilespmem:$0x1A400] =	vst v63  }
0x71: {  	_ =	swait.ge [sflag:s29], $0x1000  }
0x72: {  	[sflag:s29] =	ssyncset.done $0x0  }
0x73: {  	[sflag:s29] =	ssyncadd.s32 $0xFFFFF000  }
0x74: {  	[spmem:s22] =	stream.linear.scatter [tilespmem:s28], [sflag:$0x1], $0x1000, $0x38;
	[tilespmem:$0x1A400] =	vst v63  }
0x75: {  	_ =	swait.ge [sflag:s29], $0x1000  }
0x76: {  	[sflag:s29] =	ssyncset.done $0x0  }
0x77: {  	[sflag:s29] =	ssyncadd.s32 $0xFFFFF000  }
0x78: {  	[spmem:s23] =	stream.linear.scatter [tilespmem:s28], [sflag:$0x1], $0x1000, $0x38;
	[tilespmem:$0x1A400] =	vst v63  }
0x79: {  	_ =	swait.ge [sflag:s29], $0x1000  }
0x7a: {  	[sflag:s29] =	ssyncset.done $0x0  }
0x7b: {  	[sflag:s29] =	ssyncadd.s32 $0xFFFFF000  }
0x7c: {  	[spmem:s24] =	stream.linear.scatter [tilespmem:s28], [sflag:$0x1], $0x1000, $0x38;
	[tilespmem:$0x1A400] =	vst v63  }
0x7d: {  	_ =	swait.ge [sflag:s29], $0x1000  }
0x7e: {  	[sflag:s29] =	ssyncset.done $0x0  }
0x7f: {  	[sflag:s29] =	ssyncadd.s32 $0xFFFFF000  }
0x80: {  	[spmem:s26] =	stream.linear.scatter [tilespmem:s28], [sflag:$0x1], $0x1000, $0x38;
	[tilespmem:$0x1A400] =	vst v63  }
0x81: {  	_ =	swait.ge [sflag:s29], $0x1000  }
0x82: {  	[sflag:s29] =	ssyncset.done $0x0  }
0x83: {  	[sflag:s29] =	ssyncadd.s32 $0xFFFFF000  }
0x84: {  	[bflag:$0x0] =	sbarrier.arrive $0xFFFF  }
0x85: {  	s6 =	simm.s32 $0x0;
	s4 =	rddreg [dreg:$0x3]  }
0x86: {  	[tilespmem:s6], [sflag:$0x1] =	stream.linear.gather [hbm4b:s4+s6], $0x1400, $0x38;
	[tilespmem:$0x1A400] =	vst v63  }
0x87: {  	_ =	swait.ge [sflag:s29], $0x1400  }
0x88: {  	[sflag:s29] =	ssyncset.done $0x0  }
0x89: {  	s6 =	simm.s32 $0x0;
	[sflag:s29] =	ssyncadd.s32 $0xFFFFEC00  }
0x8a: {  	[spmem:s2] =	stream.indirect.scatter.add.f32 [tilespmem:s31], [sflag:$0x1], $0x80, s6, s30, $0xb8;
	[tilespmem:$0x1A400] =	vst v63  }
0x8b: {  	_ =	swait.ge [sflag:s29], $0x4000  }
0x8c: {  	s0 =	simm.s32 $0x200;
	[sflag:s29] =	ssyncset.done $0x0  }
.LBB2_6:
0x8d: {  	s4 =	sshra.s32 s0, $0x2;
	[sflag:s29] =	ssyncadd.s32 $0xFFFFC000;
	p0 =	sne.s32 s0, $0x4E00  }
0x8e: {  	[spmem:s2] =	stream.indirect.scatter.add.f32 [tilespmem:s31], [sflag:$0x1], $0x80, s4, s30, $0xb8;
	[tilespmem:$0x1A400] =	vst v63  }
.Ltmp2:
0x8f: {  	_ = 	snop;
	(pc) =	sbr.rel @p0 .LBB2_6-.Ltmp2, $4  }
0x90: {  	_ = 	snop  }
0x91: {  	s0 =	sadd.s32 $0x200, s0  }
0x92: {  	_ =	swait.ge [sflag:s29], $0x4000  }
0x93: {  	[sflag:s29] =	ssyncset.done $0x0  }
0x94: {  	[sflag:s29] =	ssyncadd.s32 $0xFFFFC000  }
0x95: {  	[bflag:$0x0] =	sbarrier.arrive $0xFFFF  }
0x96: {  	[tilespmem:s28], [sflag:$0x1] =	stream.linear.gather [spmem:s5], $0x1000, $0x38;
	[tilespmem:$0x1A400] =	vst v63  }
0x97: {  	_ =	swait.ge [sflag:s29], $0x1000  }
0x98: {  	[sflag:s29] =	ssyncset.done $0x0  }
0x99: {  	s0 =	sadd.s32 $0x0, s25;
	[sflag:s29] =	ssyncadd.s32 $0xFFFFF000  }
0x9a: {  	[hbm4b:s0+s3] =	stream.linear.scatter [tilespmem:s28], [sflag:$0x1], $0x1000, $0x38;
	[tilespmem:$0x1A400] =	vst v63  }
0x9b: {  	_ =	swait.ge [sflag:s29], $0x1000  }
0x9c: {  	s4 =	smov.u32 s5;
	s0 =	simm.s32 $0x200;
	[sflag:s29] =	ssyncset.done $0x0  }
.LBB2_8:
0x9d: {  	p0 =	sne.s32 s0, $0x2600;
	[sflag:s29] =	ssyncadd.s32 $0xFFFFF000;
	s4 =	sadd.s32 $0x1000, s4  }
0x9e: {  	[tilespmem:s28], [sflag:$0x1] =	stream.linear.gather [spmem:s4], $0x1000, $0x38;
	[tilespmem:$0x1A400] =	vst v63  }
0x9f: {  	s6 =	smov.u32 s0;
	s0 =	sadd.s32 $0x200, s0;
	_ =	swait.ge [sflag:s29], $0x1000  }
.Ltmp3:
0xa0: {  	[sflag:s29] =	ssyncset.done $0x0;
	(pc) =	sbr.rel @p0 .LBB2_8-.Ltmp3, $4  }
0xa1: {  	s6 =	sadd.s32 s6, s25;
	[sflag:s29] =	ssyncadd.s32 $0xFFFFF000  }
0xa2: {  	[hbm4b:s6+s3] =	stream.linear.scatter [tilespmem:s28], [sflag:$0x1], $0x1000, $0x38;
	[tilespmem:$0x1A400] =	vst v63  }
0xa3: {  	_ =	swait.ge [sflag:s29], $0x1000  }
0xa4: {  	[sflag:s29] =	ssyncset.done $0x0  }
0xa5: {  	s1 =	sadd.s32 $0x1, s1;
	s0 =	rddreg [dreg:$0x4]  }
0xa6: {  	p0 =	sne.s32 s1, s0  }
.Ltmp4:
0xa7: {  	_ = 	snop;
	(pc) =	sbr.rel @p0 .LBB2_1-.Ltmp4, $2  }
0xa8: {  	_ =	sdelay $0x2  }
0xa9: {  	[sflag:s29] =	ssyncadd.s32 $0xFFFFF000  }
0xaa: {  	_ =	sfence.sel $0x180000  }
0xab: {  	[bflag:$0x0] =	sbarrier.arrive $0xFFFF  }
0xac: {  	_ =	strace $0x90000047  }
0xad: {  	s0 =	stileid.u32;
	[bflag:$0x2] =	sbarrier.arrive $0xFFFF  }
0xae: {  	p0 =	sne.s32 s0, $0x0;
	s0 =	rddreg [dreg:$0x2]  }
0xaf: {  	s0 =	sadd.s32 @!p0 $0x100000, s0  }
0xb0: {  	[sflag:s0] =	ssyncadd.tile.s32 @!p0 $0x1;
	_ =	shalt  }
.Lfunc_end2:
_tile_overlayer_lowered:
.L_overlay_start_2:
0xb1: {  	(tag) =	ssettag $0x2  }
0xb2: {  	s0 =	rddreg [dreg:$0x0];
	s2 =	stileid.u32  }
0xb3: {  	s1 =	rddreg [dreg:$0x1];
	p0 =	sne.s32 s2, $0x0  }
0xb4: {  	s3 =	rddreg [dreg:$0x2];
	[bflag:$0x3] =	sbarrier.arrive $0xFFFF;
	s2 =	simm.s32 @!p0 $0x1C01  }
0xb5: {  	[timem:s3], [sflag:s2] =	dma.local @!p0 [hbm:s0], s1  }
0xb6: {  	s0 =	simm.s32 @!p0 $0x1  }
0xb7: {  	_ =	swait.ge @!p0 [sflag:s0], s1  }
0xb8: {  	s1 =	ssub.s32 @!p0 $0x0, s1;
	[sflag:s0] =	ssyncset.done @!p0 $0x0  }
0xb9: {  	[sflag:s0] =	ssyncadd.s32 @!p0 s1  }
0xba: {  	[bflag:$0x3] =	sbarrier.arrive $0xFFFF  }
0xbb: {  	_ =	shalt  }

// kernel: kernel.24.cloned.1.call-start
scs
__scs_entry_jumppad:
0x0: {  	(pc) =	sbr.rel $0x88, $3  }
0x1: {  	(tag) =	ssettag $0x0;
	lr =	simm.s32 $0x1  }
0x2: {  	[smem:$0x3F90] =	sst lr;
	_ =	strace $0xD0000000  }
0x3: {  	_ = 	snop  }
0x4: {  	_ = 	snop  }
0x5: {  	_ = 	snop  }
0x6: {  	_ = 	snop  }
0x7: {  	_ = 	snop  }
__scs_overlays_trampoline_lowered:
0x8: {  	[smem:$0x3F9F] =	sst s0  }
0x9: {  	[smem:$0x3FA0] =	sst s1  }
0xa: {  	[smem:$0x3FA1] =	sst s2  }
0xb: {  	[smem:$0x3FA2] =	sst s3  }
0xc: {  	[smem:$0x3FA3] =	sst s4  }
0xd: {  	[smem:$0x3FA4] =	sst s5  }
0xe: {  	[smem:$0x3FA5] =	sst s6  }
0xf: {  	[smem:$0x3FA6] =	sst s7  }
0x10: {  	[smem:$0x3FA7] =	sst s8  }
0x11: {  	[smem:$0x3FA8] =	sst s9;
	s0 =	simm.s32 @!p0 $0x0  }
0x12: {  	s1 =	sld [smem:$0x3F8E];
	s0 =	simm.s32 @p0 $0x1  }
0x13: {  	[smem:$0x3FA9] =	sst s0;
	s0 =	simm.s32 @!p1 $0x0  }
0x14: {  	s2 =	sld [smem:$0x3F8D];
	s0 =	simm.s32 @p1 $0x1  }
0x15: {  	[smem:$0x3FAA] =	sst s0;
	s0 =	simm.s32 @!p2 $0x0  }
0x16: {  	s3 =	sld [smem:$0x3FDB];
	s0 =	simm.s32 @p2 $0x1  }
0x17: {  	s4 =	simm.s32 $0x1BF5;
	[smem:$0x3FAC] =	sst s0  }
0x18: {  	s0 =	sld [smem:$0x3F8F];
	_ =	swait.ge [sflag:s4], $0x0  }
0x19: {  	s7 =	sld [smem:$0x3F90]  }
0x1a: {  	s8 =	sadd.s32 $0xFFFFE003, lr  }
0x1b: {  	s9 =	sadd.s32 $0xFFFFFEF7, lr;
	s5 =	simm.s32 $0xFFFFFFFF;
	p2 =	slt.u32 s8, $0xFFFFF086  }
0x1c: {  	p1 =	slt.u32 s9, $0xF7A;
	s5 =	simm.s32 @!p2 $0x0  }
0x1d: {  	s5 =	simm.s32 @p1 $0x1;
	p0 =	seq.s32 s7, s2  }
0x1e: {  	s7 =	smul.u32 @!p0 $0xF7A, s2;
	p2 =	seq.s32 @!p0 s5, $0x0  }
0x1f: {  	s9 =	smul.u32 $0xF7A, s1;
	s8 =	simm.s32 @!p0 $0x1BF5;
	p2 =	por !p2, p0  }
0x20: {  	[sflag:s8] =	ssyncset.s32 @!p0 $0xFFFFF086;
	s6 =	sadd.s32 @!p0 s3, s7;
	s7 =	simm.s32 @!p0 $0x108  }
0x21: {  	s3 =	sadd.s32 s3, s9;
	s6 =	sadd.s32 @!p0 $0x88, s6;
	s7 =	simm.s32 @p2 $0x1082  }
0x22: {  	[simem:s7], [sflag:s8] =	dma.local @!p0 [hbm:s6], $0xF7A  }
0x23: {  	s9 =	sor.u32 $0xD0000000, s2;
	s6 =	simm.s32 $0x108;
	_ =	swait.ge @!p0 [sflag:s8], $0x0  }
0x24: {  	s3 =	sadd.s32 $0x88, s3;
	s6 =	simm.s32 @!p1 $0x1082;
	[sflag:s4] =	ssyncset.s32 $0xFFFFF086  }
0x25: {  	[simem:s6], [sflag:s4] =	dma.local [hbm:s3], $0xF7A  }
0x26: {  	[smem:$0x3F90] =	sst s1;
	(tag) =	ssettag s2;
	_ =	strace s9  }
0x27: {  	s1 =	sld [smem:$0x3FA0]  }
0x28: {  	s2 =	sld [smem:$0x3FA1]  }
0x29: {  	s4 =	sld [smem:$0x3FA3]  }
0x2a: {  	p0 =	seq.s32 s5, $0x0;
	s5 =	sld [smem:$0x3FA4]  }
0x2b: {  	s6 =	sld [smem:$0x3FA5]  }
0x2c: {  	s7 =	sld [smem:$0x3FA6]  }
0x2d: {  	s3 =	simm.s32 $0x108;
	s8 =	sld [smem:$0x3FA7]  }
0x2e: {  	s3 =	simm.s32 @!p0 $0x1082;
	s9 =	sld [smem:$0x3FA8]  }
0x2f: {  	lr =	sadd.s32 s0, s3;
	s0 =	sld [smem:$0x3F9F]  }
0x30: {  	s3 =	sld [smem:$0x3FA2]  }
0x31: {  	[smem:$0x3FAB] =	sst s10  }
0x32: {  	s10 =	sld [smem:$0x3FA9];
	_ =	sdelay $0x3  }
0x33: {  	p0 =	seq.s32 s10, $0x1;
	s10 =	sld [smem:$0x3FAB];
	_ =	sdelay $0x3  }
0x34: {  	[smem:$0x3FAB] =	sst s10  }
0x35: {  	s10 =	sld [smem:$0x3FAA];
	_ =	sdelay $0x3  }
0x36: {  	p1 =	seq.s32 s10, $0x1;
	s10 =	sld [smem:$0x3FAB];
	_ =	sdelay $0x3  }
0x37: {  	[smem:$0x3FAB] =	sst s10  }
0x38: {  	s10 =	sld [smem:$0x3FAC]  }
0x39: {  	_ = 	snop;
	(pc) =	sbr.ind lr, $3  }
0x3a: {  	_ = 	snop  }
0x3b: {  	_ = 	snop  }
0x3c: {  	p2 =	seq.s32 s10, $0x1;
	s10 =	sld [smem:$0x3FAB]  }
0x3d: {  	_ =	shalt  }
0x3e: {  	_ =	shalt  }
0x3f: {  	_ =	shalt  }
0x40: {  	_ =	shalt  }
0x41: {  	_ =	shalt  }
0x42: {  	_ =	shalt  }
0x43: {  	_ =	shalt  }
0x44: {  	_ =	shalt  }
0x45: {  	_ =	shalt  }
0x46: {  	_ =	shalt  }
0x47: {  	_ =	shalt  }
0x48: {  	_ =	shalt  }
0x49: {  	_ =	shalt  }
0x4a: {  	_ =	shalt  }
0x4b: {  	_ =	shalt  }
0x4c: {  	_ =	shalt  }
0x4d: {  	_ =	shalt  }
0x4e: {  	_ =	shalt  }
0x4f: {  	_ =	shalt  }
0x50: {  	_ =	shalt  }
0x51: {  	_ =	shalt  }
0x52: {  	_ =	shalt  }
0x53: {  	_ =	shalt  }
0x54: {  	_ =	shalt  }
0x55: {  	_ =	shalt  }
0x56: {  	_ =	shalt  }
0x57: {  	_ =	shalt  }
0x58: {  	_ =	shalt  }
0x59: {  	_ =	shalt  }
0x5a: {  	_ =	shalt  }
0x5b: {  	_ =	shalt  }
0x5c: {  	_ =	shalt  }
0x5d: {  	_ =	shalt  }
0x5e: {  	_ =	shalt  }
0x5f: {  	_ =	shalt  }
0x60: {  	_ =	shalt  }
0x61: {  	_ =	shalt  }
0x62: {  	_ =	shalt  }
0x63: {  	_ =	shalt  }
0x64: {  	_ =	shalt  }
0x65: {  	_ =	shalt  }
0x66: {  	_ =	shalt  }
0x67: {  	_ =	shalt  }
0x68: {  	_ =	shalt  }
0x69: {  	_ =	shalt  }
0x6a: {  	_ =	shalt  }
0x6b: {  	_ =	shalt  }
0x6c: {  	_ =	shalt  }
0x6d: {  	_ =	shalt  }
0x6e: {  	_ =	shalt  }
0x6f: {  	_ =	shalt  }
0x70: {  	_ =	shalt  }
0x71: {  	_ =	shalt  }
0x72: {  	_ =	shalt  }
0x73: {  	_ =	shalt  }
0x74: {  	_ =	shalt  }
0x75: {  	_ =	shalt  }
0x76: {  	_ =	shalt  }
0x77: {  	_ =	shalt  }
0x78: {  	_ =	shalt  }
0x79: {  	_ =	shalt  }
0x7a: {  	_ =	shalt  }
0x7b: {  	_ =	shalt  }
0x7c: {  	_ =	shalt  }
0x7d: {  	_ =	shalt  }
0x7e: {  	_ =	shalt  }
0x7f: {  	_ =	shalt  }
0x80: {  	_ =	shalt  }
0x81: {  	_ =	shalt  }
0x82: {  	_ =	shalt  }
0x83: {  	_ =	shalt  }
0x84: {  	_ =	shalt  }
0x85: {  	_ =	shalt  }
0x86: {  	_ =	shalt  }
0x87: {  	_ =	shalt  }
.Lfunc_end0:
.L_simem_size_0:
called_computation.1_lowered:
.L_overlay_start_0:
0x88: {  	s2 =	sld [smem:$0x3FD9]  }
0x89: {  	s3 =	sld [smem:$0x3FFE];
	_ =	sdelay $0x1  }
0x8a: {  	s1 =	srdreg.scid  }
0x8b: {  	s0 =	sand.u32 $0x1, s1  }
0x8c: {  	s16 =	sshll.u32 s0, $0xA;
	s2 =	sadd.s32 s3, s2  }
0x8d: {  	s2 =	sadd.s32 s2, s16  }
0x8e: {  	[smem:$0x3FB7] =	sst s2  }
0x8f: {  	_ = 	snop  }
0x90: {  	(tm) =	ssettm $0x1  }
0x91: {  	s17 =	sld [smem:$0x3FFB];
	_ =	sdelay $0x3  }
0x92: {  	_ =	strace s17  }
0x93: {  	s2 =	sld [smem:$0x3FFC];
	_ =	sdelay $0x3  }
0x94: {  	_ =	strace s2  }
0x95: {  	s2 =	sld [smem:$0x3FFD];
	_ =	sdelay $0x3  }
0x96: {  	_ =	strace s2  }
0x97: {  	_ =	strace $0x8FFFFFFF  }
0x98: {  	s18 =	sld [smem:$0x3FDB];
	_ =	sdelay $0x1  }
0x99: {  	s19 =	simm.s32 $_scs_section_size  }
0x9a: {  	s4 =	simm.s32 $_size__tile_overlayer_lowered;
	s5 =	simm.s32 $_tile_overlayer_lowered  }
0x9b: {  	s22 =	simm.s32 $0x1BFF;
	s21 =	sshll.u32 s5, $0x1;
	s2 =	sadd.s32 s19, s18  }
0x9c: {  	s6 =	simm.s32 $0x0;
	s20 =	sshll.u32 s4, $0x1;
	s4 =	sadd.s32 s21, s2  }
0x9d: {  	[timem:s6], [sflag:s22] =	dma.local [hbm:s4], s20  }
0x9e: {  	_ =	swait.ge [sflag:s22], s20  }
0x9f: {  	s3 =	ssub.s32 $0x0, s20;
	[sflag:s22] =	ssyncset.done $0x0  }
0xa0: {  	[sflag:s22] =	ssyncadd.s32 s3;
	_ =	sdelay $0x1  }
0xa1: {  	s23 =	simm.s32 $0x1B8B  }
0xa2: {  	_ =	swait.ge [sflag:s23], $0x1  }
0xa3: {  	[sflag:s23] =	ssyncset.done $0x0  }
0xa4: {  	s25 =	simm.s32 $0x1B8E;
	s24 =	sld [smem:$0x3FFE];
	[sflag:s23] =	ssyncadd.s32 $0xFFFFFFFF  }
0xa5: {  	s26 =	simm.s32 $execute0_lowered;
	[smem:$0x3FD2] =	sst s25  }
0xa6: {  	s4 =	sshll.u32 s26, $0x1;
	_ =	strace $0x80000049;
	[dreg:$0x1] =	wrdreg $0xFFFFFFFF  }
0xa7: {  	s28 =	simm.s32 $_size_execute0_lowered;
	s2 =	sadd.s32 s2, s4;
	[dreg:$0x0] =	wrdreg $0x0  }
0xa8: {  	s4 =	sshll.u32 s28, $0x1;
	[dreg:$0x2] =	wrdreg s2  }
0xa9: {  	[dreg:$0x3] =	wrdreg s4  }
0xaa: {  	[dreg:$0x4] =	wrdreg $0xC0  }
0xab: {  	_ =	task [dreg:s6], $0x5FFFF  }
0xac: {  	[dreg:$0x1] =	wrdreg $0xFFFFFFFF  }
0xad: {  	[dreg:$0x0] =	wrdreg $0x60  }
0xae: {  	[dreg:$0x2] =	wrdreg s24  }
0xaf: {  	[dreg:$0x3] =	wrdreg $0xB8000  }
0xb0: {  	[dreg:$0x4] =	wrdreg $0x9  }
0xb1: {  	_ =	task.clear_ibuf [dreg:s6], $0x5FFFF;
	_ =	strace $0x90000049  }
0xb2: {  	s29 =	simm.s32 $0x9;
	_ =	strace $0x8000004B  }
0xb3: {  	_ =	swait.ge [sflag:s29], $0x1  }
0xb4: {  	[sflag:s29] =	ssyncadd.s32 $0xFFFFFFFF  }
0xb5: {  	_ =	strace $0x9000004B  }
0xb6: {  	_ =	sfence  }
0xb7: {  	s30 =	sld [smem:$0x0];
	_ =	sdelay $0x2  }
0xb8: {  	s31 =	sshll.u32 s1, $0xD;
	s1 =	sshrl.u32 s1, $0x2  }
0xb9: {  	s3 =	sand.u32 $0x4000, s31;
	s1 =	sadd.s32 s1, s30  }
0xba: {  	s0 =	sor.u32 s3, s0;
	s1 =	sshll.u32 s1, $0x11  }
0xbb: {  	s0 =	sor.u32 s1, s0  }
0xbc: {  	s0 =	sadd.s32 $0x8F2B, s0  }
0xbd: {  	[sflag:s0] =	ssyncadd.remote.s32 $0x1  }
0xbe: {  	_ =	sfence.sel $0xFFFF  }
0xbf: {  	[dreg:$0x0] =	wrdreg $0xFFFFFFFF;
	(pc) =	sbr.abs _section_cstart, $3  }
0xc0: {  	[dreg:$0x1] =	wrdreg $0xFFFFFFFF  }
0xc1: {  	_ =	task.clear_ibuf [dreg:s6], $0x2FFFF;
	_ =	strace $0x9FFFFFFF  }
0xc2: {  	(tm) =	ssettm $0x7FFFFFFF  }
0xc3: {  	_ =	shalt  }
tec
execute0_lowered:
.L_overlay_start_1:
0x0: {  	(tag) =	ssettag $0x1  }
0x1: {  	s0 =	rddreg [dreg:$0x0]  }
0x2: {  	s1 =	rddreg [dreg:$0x1];
	s2 =	srdreg.scid;
	s3 =	simm.s32 $0x0  }
0x3: {  	s8 =	stileid.u32;
	s30 =	simm.s32 $0xA800;
	s31 =	simm.s32 $0x3  }
0x4: {  	s9 =	simm.s32 $0x0;
	s2 =	sand.u32 $0x1, s2;
	s7 =	smul.u32 $0x14000, s8  }
0x5: {  	[smem:$0x7FF] =	sst s3;
	s16 =	smul.u32 $0x50000, s8;
	s4 =	sshll.u32 s2, $0x4  }
0x6: {  	s5 =	smul.u32 $0x140000, s2;
	_ =	strace $0x8000004A;
	s2 =	ssub.s32 $0x2, s2  }
0x7: {  	s6 =	sor.u32 s8, s4;
	s4 =	sadd.s32 $0x5E600, s0;
	s17 =	sshrl.u32 s2, $0x1  }
0x8: {  	s18 =	sshrl.u32 s16, $0x2;
	s8 =	simm.s32 $0x2;
	s6 =	smul.u32 $0x280, s6  }
0x9: {  	s5 =	sadd.s32 s7, s5;
	s2 =	ssub.s32 s2, s17;
	s11 =	sadd.s32 s18, s1  }
0xa: {  	s7 =	simm.s32 $0x1;
	s5 =	sshrl.u32 s5, $0x3;
	s2 =	smax.u32 s2, $0x1  }
0xb: {  	s21 =	sadd.s32 $0x1000, s11;
	s22 =	sadd.s32 $0x2000, s11;
	[dreg:$0x5] =	wrdreg s2  }
0xc: {  	s23 =	sadd.s32 $0x3000, s11;
	s24 =	sadd.s32 $0x4000, s11;
	[dreg:$0x6] =	wrdreg s21  }
0xd: {  	s25 =	sadd.s32 $0x5000, s11;
	s26 =	sadd.s32 $0x6000, s11;
	[dreg:$0x7] =	wrdreg s22  }
0xe: {  	s15 =	sadd.s32 $0x7000, s11;
	s16 =	sadd.s32 $0x8000, s11;
	[dreg:$0x8] =	wrdreg s23  }
0xf: {  	s17 =	sadd.s32 $0x9000, s11;
	s18 =	sadd.s32 $0xA000, s11;
	[dreg:$0x9] =	wrdreg s24  }
0x10: {  	s28 =	sadd.s32 $0x12000, s11;
	s29 =	sadd.s32 $0x13000, s11;
	[dreg:$0xa] =	wrdreg s25  }
0x11: {  	s6 =	sadd.s32 s6, s0;
	s0 =	sadd.s32 s5, s0;
	[dreg:$0xb] =	wrdreg s26  }
0x12: {  	s21 =	sadd.s32 $0xD000, s11;
	s22 =	sadd.s32 $0xE000, s11;
	s23 =	sadd.s32 $0xF000, s11  }
0x13: {  	s24 =	sadd.s32 $0x10000, s11;
	s26 =	sadd.s32 $0x11000, s11;
	s2 =	simm.s32 $0x80  }
0x14: {  	s19 =	sadd.s32 $0x4600, s6;
	s20 =	sadd.s32 $0x9600, s6;
	s25 =	sadd.s32 $0x86600, s0  }
0x15: {  	s0 =	simm.s32 $0x2800;
	s6 =	simm.s32 $0x6800;
	[dreg:$0x3] =	wrdreg s19  }
0x16: {  	v0 =	vimm.f32 $0.0e+00;
	[dreg:$0x4] =	wrdreg s20;
	s19 =	sadd.s32 $0xB000, s11;
	s20 =	sadd.s32 $0xC000, s11  }
.LBB2_1:
0x17: {  	s10 =	simm.s32 $0x0;
	s5 =	simm.s32 $0x200  }
.LBB2_2:
0x18: {  	p0 =	sne.s32 s5, $0x3E00;
	[tilespmem:s10+$0xA870] =	vst v0  }
0x19: {  	[tilespmem:s10+$0xA800] =	vst v0  }
0x1a: {  	[tilespmem:s10+$0xA810] =	vst v0  }
.Ltmp0:
0x1b: {  	[tilespmem:s10+$0xA820] =	vst v0;
	(pc) =	sbr.rel @p0 .LBB2_2-.Ltmp0, $4  }
0x1c: {  	[tilespmem:s10+$0xA830] =	vst v0  }
0x1d: {  	[tilespmem:s10+$0xA840] =	vst v0  }
0x1e: {  	[tilespmem:s10+$0xA850] =	vst v0  }
0x1f: {  	[tilespmem:s10+$0xA860] =	vst v0;
	s10 =	sshra.s32 s5, $0x2;
	s5 =	sadd.s32 $0x200, s5  }
0x20: {  	[tilespmem:s10+$0xA870] =	vst v0  }
0x21: {  	[tilespmem:s10+$0xA800] =	vst v0  }
0x22: {  	[tilespmem:s10+$0xA810] =	vst v0  }
0x23: {  	[tilespmem:s10+$0xA820] =	vst v0  }
0x24: {  	[tilespmem:s10+$0xA830] =	vst v0  }
0x25: {  	[tilespmem:s10+$0xA840] =	vst v0  }
0x26: {  	[tilespmem:s10+$0xA850] =	vst v0  }
0x27: {  	[tilespmem:s10+$0xA860] =	vst v0  }
0x28: {  	[spmem:s11] =	stream.linear.scatter [tilespmem:s30], [sflag:$0x3], $0x1000, $0x38;
	[tilespmem:$0x1F800] =	vst v63  }
0x29: {  	_ =	swait.ge [sflag:s31], $0x1000  }
0x2a: {  	[sflag:s31] =	ssyncset.done $0x0  }
0x2b: {  	s5 =	rddreg [dreg:$0x6];
	[sflag:s31] =	ssyncadd.s32 $0xFFFFF000  }
0x2c: {  	[spmem:s5] =	stream.linear.scatter [tilespmem:s30], [sflag:$0x3], $0x1000, $0x38;
	[tilespmem:$0x1F800] =	vst v63  }
0x2d: {  	_ =	swait.ge [sflag:s31], $0x1000  }
0x2e: {  	[sflag:s31] =	ssyncset.done $0x0  }
0x2f: {  	s12 =	rddreg [dreg:$0x7];
	[sflag:s31] =	ssyncadd.s32 $0xFFFFF000  }
0x30: {  	[spmem:s12] =	stream.linear.scatter [tilespmem:s30], [sflag:$0x3], $0x1000, $0x38;
	[tilespmem:$0x1F800] =	vst v63  }
0x31: {  	_ =	swait.ge [sflag:s31], $0x1000  }
0x32: {  	[sflag:s31] =	ssyncset.done $0x0  }
0x33: {  	s13 =	rddreg [dreg:$0x8];
	[sflag:s31] =	ssyncadd.s32 $0xFFFFF000  }
0x34: {  	[spmem:s13] =	stream.linear.scatter [tilespmem:s30], [sflag:$0x3], $0x1000, $0x38;
	[tilespmem:$0x1F800] =	vst v63  }
0x35: {  	_ =	swait.ge [sflag:s31], $0x1000  }
0x36: {  	[sflag:s31] =	ssyncset.done $0x0  }
0x37: {  	s14 =	rddreg [dreg:$0x9];
	[sflag:s31] =	ssyncadd.s32 $0xFFFFF000  }
0x38: {  	[spmem:s14] =	stream.linear.scatter [tilespmem:s30], [sflag:$0x3], $0x1000, $0x38;
	[tilespmem:$0x1F800] =	vst v63  }
0x39: {  	_ =	swait.ge [sflag:s31], $0x1000  }
0x3a: {  	[sflag:s31] =	ssyncset.done $0x0  }
0x3b: {  	s10 =	rddreg [dreg:$0xa];
	[sflag:s31] =	ssyncadd.s32 $0xFFFFF000  }
0x3c: {  	[spmem:s10] =	stream.linear.scatter [tilespmem:s30], [sflag:$0x3], $0x1000, $0x38;
	[tilespmem:$0x1F800] =	vst v63  }
0x3d: {  	_ =	swait.ge [sflag:s31], $0x1000  }
0x3e: {  	[sflag:s31] =	ssyncset.done $0x0  }
0x3f: {  	s12 =	rddreg [dreg:$0xb];
	[sflag:s31] =	ssyncadd.s32 $0xFFFFF000  }
0x40: {  	[spmem:s12] =	stream.linear.scatter [tilespmem:s30], [sflag:$0x3], $0x1000, $0x38;
	[tilespmem:$0x1F800] =	vst v63  }
0x41: {  	_ =	swait.ge [sflag:s31], $0x1000  }
0x42: {  	[sflag:s31] =	ssyncset.done $0x0  }
0x43: {  	[sflag:s31] =	ssyncadd.s32 $0xFFFFF000  }
0x44: {  	[spmem:s15] =	stream.linear.scatter [tilespmem:s30], [sflag:$0x3], $0x1000, $0x38;
	[tilespmem:$0x1F800] =	vst v63  }
0x45: {  	_ =	swait.ge [sflag:s31], $0x1000  }
0x46: {  	[sflag:s31] =	ssyncset.done $0x0  }
0x47: {  	[sflag:s31] =	ssyncadd.s32 $0xFFFFF000  }
0x48: {  	[spmem:s16] =	stream.linear.scatter [tilespmem:s30], [sflag:$0x3], $0x1000, $0x38;
	[tilespmem:$0x1F800] =	vst v63  }
0x49: {  	_ =	swait.ge [sflag:s31], $0x1000  }
0x4a: {  	[sflag:s31] =	ssyncset.done $0x0  }
0x4b: {  	[sflag:s31] =	ssyncadd.s32 $0xFFFFF000  }
0x4c: {  	[spmem:s17] =	stream.linear.scatter [tilespmem:s30], [sflag:$0x3], $0x1000, $0x38;
	[tilespmem:$0x1F800] =	vst v63  }
0x4d: {  	_ =	swait.ge [sflag:s31], $0x1000  }
0x4e: {  	[sflag:s31] =	ssyncset.done $0x0  }
0x4f: {  	[sflag:s31] =	ssyncadd.s32 $0xFFFFF000  }
0x50: {  	[spmem:s18] =	stream.linear.scatter [tilespmem:s30], [sflag:$0x3], $0x1000, $0x38;
	[tilespmem:$0x1F800] =	vst v63  }
0x51: {  	_ =	swait.ge [sflag:s31], $0x1000  }
0x52: {  	[sflag:s31] =	ssyncset.done $0x0  }
0x53: {  	[sflag:s31] =	ssyncadd.s32 $0xFFFFF000  }
0x54: {  	[spmem:s19] =	stream.linear.scatter [tilespmem:s30], [sflag:$0x3], $0x1000, $0x38;
	[tilespmem:$0x1F800] =	vst v63  }
0x55: {  	_ =	swait.ge [sflag:s31], $0x1000  }
0x56: {  	[sflag:s31] =	ssyncset.done $0x0  }
0x57: {  	[sflag:s31] =	ssyncadd.s32 $0xFFFFF000  }
0x58: {  	[spmem:s20] =	stream.linear.scatter [tilespmem:s30], [sflag:$0x3], $0x1000, $0x38;
	[tilespmem:$0x1F800] =	vst v63  }
0x59: {  	_ =	swait.ge [sflag:s31], $0x1000  }
0x5a: {  	[sflag:s31] =	ssyncset.done $0x0  }
0x5b: {  	[sflag:s31] =	ssyncadd.s32 $0xFFFFF000  }
0x5c: {  	[spmem:s21] =	stream.linear.scatter [tilespmem:s30], [sflag:$0x3], $0x1000, $0x38;
	[tilespmem:$0x1F800] =	vst v63  }
0x5d: {  	_ =	swait.ge [sflag:s31], $0x1000  }
0x5e: {  	[sflag:s31] =	ssyncset.done $0x0  }
0x5f: {  	[sflag:s31] =	ssyncadd.s32 $0xFFFFF000  }
0x60: {  	[spmem:s22] =	stream.linear.scatter [tilespmem:s30], [sflag:$0x3], $0x1000, $0x38;
	[tilespmem:$0x1F800] =	vst v63  }
0x61: {  	_ =	swait.ge [sflag:s31], $0x1000  }
0x62: {  	[sflag:s31] =	ssyncset.done $0x0  }
0x63: {  	[sflag:s31] =	ssyncadd.s32 $0xFFFFF000  }
0x64: {  	[spmem:s23] =	stream.linear.scatter [tilespmem:s30], [sflag:$0x3], $0x1000, $0x38;
	[tilespmem:$0x1F800] =	vst v63  }
0x65: {  	_ =	swait.ge [sflag:s31], $0x1000  }
0x66: {  	[sflag:s31] =	ssyncset.done $0x0  }
0x67: {  	[sflag:s31] =	ssyncadd.s32 $0xFFFFF000  }
0x68: {  	[spmem:s24] =	stream.linear.scatter [tilespmem:s30], [sflag:$0x3], $0x1000, $0x38;
	[tilespmem:$0x1F800] =	vst v63  }
0x69: {  	_ =	swait.ge [sflag:s31], $0x1000  }
0x6a: {  	[sflag:s31] =	ssyncset.done $0x0  }
0x6b: {  	[sflag:s31] =	ssyncadd.s32 $0xFFFFF000  }
0x6c: {  	[spmem:s26] =	stream.linear.scatter [tilespmem:s30], [sflag:$0x3], $0x1000, $0x38;
	[tilespmem:$0x1F800] =	vst v63  }
0x6d: {  	_ =	swait.ge [sflag:s31], $0x1000  }
0x6e: {  	[sflag:s31] =	ssyncset.done $0x0  }
0x6f: {  	[sflag:s31] =	ssyncadd.s32 $0xFFFFF000  }
0x70: {  	[spmem:s28] =	stream.linear.scatter [tilespmem:s30], [sflag:$0x3], $0x1000, $0x38;
	[tilespmem:$0x1F800] =	vst v63  }
0x71: {  	_ =	swait.ge [sflag:s31], $0x1000  }
0x72: {  	[sflag:s31] =	ssyncset.done $0x0  }
0x73: {  	[sflag:s31] =	ssyncadd.s32 $0xFFFFF000  }
0x74: {  	[spmem:s29] =	stream.linear.scatter [tilespmem:s30], [sflag:$0x3], $0x1000, $0x38;
	[tilespmem:$0x1F800] =	vst v63  }
0x75: {  	_ =	swait.ge [sflag:s31], $0x1000  }
0x76: {  	[sflag:s31] =	ssyncset.done $0x0  }
0x77: {  	[sflag:s31] =	ssyncadd.s32 $0xFFFFF000  }
0x78: {  	[bflag:$0x0] =	sbarrier.arrive $0xFFFF  }
0x79: {  	s5 =	simm.s32 $0x0;
	s13 =	rddreg [dreg:$0x3]  }
0x7a: {  	[tilespmem:s5], [sflag:$0x3] =	stream.linear.gather [hbm4b:s13+s5], $0x1400, $0x38;
	[tilespmem:$0x1F800] =	vst v63  }
0x7b: {  	_ =	swait.ge [sflag:s31], $0x1400  }
0x7c: {  	[sflag:s31] =	ssyncset.done $0x0  }
0x7d: {  	s12 =	simm.s32 $0x1400;
	s14 =	rddreg [dreg:$0x4];
	[sflag:s31] =	ssyncadd.s32 $0xFFFFEC00  }
0x7e: {  	[tilespmem:s12], [sflag:$0x3] =	stream.linear.gather [hbm4b:s14+s5], $0x1400, $0x38;
	[tilespmem:$0x1F800] =	vst v63  }
0x7f: {  	_ =	swait.ge [sflag:s31], $0x1400  }
0x80: {  	[sflag:s31] =	ssyncset.done $0x0  }
0x81: {  	[sflag:s31] =	ssyncadd.s32 $0xFFFFEC00  }
0x82: {  	[tilespmem:s0], [sflag:$0x1] =	stream.indirect.gather [hbm4b:s4+s2], $0x80, s5, s2, $0xb8;
	[tilespmem:$0x1F800] =	vst v63  }
0x83: {  	s10 =	simm.s32 $0x80  }
0x84: {  	[tilespmem:s6], [sflag:$0x2] =	stream.indirect.gather [hbm4b:s4+s2], $0x80, s10, s2, $0xb8;
	[tilespmem:$0x1F800] =	vst v63  }
0x85: {  	_ =	swait.ge [sflag:s7], $0x4000  }
0x86: {  	[sflag:s7] =	ssyncset.done $0x0  }
0x87: {  	s12 =	simm.s32 $0x1400;
	[sflag:s7] =	ssyncadd.s32 $0xFFFFC000  }
0x88: {  	[spmem:s1] =	stream.indirect.scatter.add.f32 [tilespmem:s0], [sflag:$0x3], $0x80, s12, s2, $0xb8;
	[tilespmem:$0x1F800] =	vst v63  }
0x89: {  	_ =	swait.ge [sflag:s31], $0x4000  }
0x8a: {  	[sflag:s31] =	ssyncset.done $0x0  }
0x8b: {  	s13 =	simm.s32 $0x100;
	[sflag:s31] =	ssyncadd.s32 $0xFFFFC000  }
0x8c: {  	[tilespmem:s0], [sflag:$0x1] =	stream.indirect.gather [hbm4b:s4+s2], $0x80, s13, s2, $0xb8;
	[tilespmem:$0x1F800] =	vst v63  }
0x8d: {  	_ =	swait.ge [sflag:s8], $0x4000  }
0x8e: {  	[sflag:s8] =	ssyncset.done $0x0  }
0x8f: {  	s14 =	simm.s32 $0x1480;
	[sflag:s8] =	ssyncadd.s32 $0xFFFFC000  }
0x90: {  	[spmem:s1] =	stream.indirect.scatter.add.f32 [tilespmem:s6], [sflag:$0x3], $0x80, s14, s2, $0xb8;
	[tilespmem:$0x1F800] =	vst v63  }
0x91: {  	_ =	swait.ge [sflag:s31], $0x4000  }
0x92: {  	s5 =	simm.s32 $0x800;
	s10 =	simm.s32 $0x100;
	[sflag:s31] =	ssyncset.done $0x0  }
.LBB2_4:
0x93: {  	s12 =	sadd.s32 $0x80, s10  }
0x94: {  	[sflag:s31] =	ssyncadd.s32 $0xFFFFC000;
	s13 =	smov.u32 s5;
	s14 =	sadd.s32 $0x400, s5  }
0x95: {  	[tilespmem:s6], [sflag:$0x2] =	stream.indirect.gather [hbm4b:s4+s2], $0x80, s12, s2, $0xb8;
	[tilespmem:$0x1F800] =	vst v63  }
0x96: {  	p0 =	sne.s32 s5, $0x4800;
	_ =	swait.ge [sflag:s7], $0x4000  }
0x97: {  	[sflag:s7] =	ssyncset.done $0x0  }
0x98: {  	s5 =	sadd.s32 $0x1400, s10;
	[sflag:s7] =	ssyncadd.s32 $0xFFFFC000  }
0x99: {  	[spmem:s1] =	stream.indirect.scatter.add.f32 [tilespmem:s0], [sflag:$0x3], $0x80, s5, s2, $0xb8;
	[tilespmem:$0x1F800] =	vst v63  }
0x9a: {  	_ =	swait.ge [sflag:s31], $0x4000  }
0x9b: {  	[sflag:s31] =	ssyncset.done $0x0  }
0x9c: {  	s5 =	sadd.s32 $0x100, s10;
	[sflag:s31] =	ssyncadd.s32 $0xFFFFC000  }
0x9d: {  	[tilespmem:s0], [sflag:$0x1] =	stream.indirect.gather [hbm4b:s4+s2], $0x80, s5, s2, $0xb8;
	[tilespmem:$0x1F800] =	vst v63  }
0x9e: {  	_ =	swait.ge [sflag:s8], $0x4000  }
.Ltmp1:
0x9f: {  	[sflag:s8] =	ssyncset.done $0x0;
	(pc) =	sbr.rel @p0 .LBB2_4-.Ltmp1, $4  }
0xa0: {  	s5 =	sadd.s32 $0x1480, s10;
	[sflag:s8] =	ssyncadd.s32 $0xFFFFC000  }
0xa1: {  	[spmem:s1] =	stream.indirect.scatter.add.f32 [tilespmem:s6], [sflag:$0x3], $0x80, s5, s2, $0xb8;
	[tilespmem:$0x1F800] =	vst v63  }
0xa2: {  	_ =	swait.ge [sflag:s31], $0x4000  }
0xa3: {  	s10 =	sshra.s32 s13, $0x2;
	s5 =	smov.u32 s14;
	[sflag:s31] =	ssyncset.done $0x0  }
0xa4: {  	s5 =	sadd.s32 $0x80, s10;
	[sflag:s31] =	ssyncadd.s32 $0xFFFFC000  }
0xa5: {  	[tilespmem:s6], [sflag:$0x2] =	stream.indirect.gather [hbm4b:s4+s2], $0x80, s5, s2, $0xb8;
	[tilespmem:$0x1F800] =	vst v63  }
0xa6: {  	_ =	swait.ge [sflag:s7], $0x4000  }
0xa7: {  	[sflag:s7] =	ssyncset.done $0x0  }
0xa8: {  	s12 =	sadd.s32 $0x1400, s10;
	[sflag:s7] =	ssyncadd.s32 $0xFFFFC000  }
0xa9: {  	[spmem:s1] =	stream.indirect.scatter.add.f32 [tilespmem:s0], [sflag:$0x3], $0x80, s12, s2, $0xb8;
	[tilespmem:$0x1F800] =	vst v63  }
0xaa: {  	_ =	swait.ge [sflag:s31], $0x4000  }
0xab: {  	[sflag:s31] =	ssyncset.done $0x0  }
0xac: {  	s13 =	sadd.s32 $0x100, s10;
	[sflag:s31] =	ssyncadd.s32 $0xFFFFC000  }
0xad: {  	[tilespmem:s0], [sflag:$0x1] =	stream.indirect.gather [hbm4b:s4+s2], $0x80, s13, s2, $0xb8;
	[tilespmem:$0x1F800] =	vst v63  }
0xae: {  	_ =	swait.ge [sflag:s8], $0x4000  }
0xaf: {  	[sflag:s8] =	ssyncset.done $0x0  }
0xb0: {  	s14 =	sadd.s32 $0x1480, s10;
	[sflag:s8] =	ssyncadd.s32 $0xFFFFC000  }
0xb1: {  	[spmem:s1] =	stream.indirect.scatter.add.f32 [tilespmem:s6], [sflag:$0x3], $0x80, s14, s2, $0xb8;
	[tilespmem:$0x1F800] =	vst v63  }
0xb2: {  	_ =	swait.ge [sflag:s31], $0x4000  }
0xb3: {  	[sflag:s31] =	ssyncset.done $0x0  }
0xb4: {  	s10 =	simm.s32 $0x1380;
	[sflag:s31] =	ssyncadd.s32 $0xFFFFC000  }
0xb5: {  	[tilespmem:s6], [sflag:$0x2] =	stream.indirect.gather [hbm4b:s4+s2], $0x80, s10, s2, $0xb8;
	[tilespmem:$0x1F800] =	vst v63  }
0xb6: {  	_ =	swait.ge [sflag:s7], $0x4000  }
0xb7: {  	[sflag:s7] =	ssyncset.done $0x0  }
0xb8: {  	s12 =	simm.s32 $0x2700;
	[sflag:s7] =	ssyncadd.s32 $0xFFFFC000  }
0xb9: {  	[spmem:s1] =	stream.indirect.scatter.add.f32 [tilespmem:s0], [sflag:$0x3], $0x80, s12, s2, $0xb8;
	[tilespmem:$0x1F800] =	vst v63  }
0xba: {  	_ =	swait.ge [sflag:s31], $0x4000  }
0xbb: {  	[sflag:s31] =	ssyncset.done $0x0  }
0xbc: {  	[sflag:s31] =	ssyncadd.s32 $0xFFFFC000  }
0xbd: {  	_ =	swait.ge [sflag:s8], $0x4000  }
0xbe: {  	[sflag:s8] =	ssyncset.done $0x0  }
0xbf: {  	s13 =	simm.s32 $0x2780;
	[sflag:s8] =	ssyncadd.s32 $0xFFFFC000  }
0xc0: {  	[spmem:s1] =	stream.indirect.scatter.add.f32 [tilespmem:s6], [sflag:$0x3], $0x80, s13, s2, $0xb8;
	[tilespmem:$0x1F800] =	vst v63  }
0xc1: {  	_ =	swait.ge [sflag:s31], $0x4000  }
0xc2: {  	[sflag:s31] =	ssyncset.done $0x0  }
0xc3: {  	[sflag:s31] =	ssyncadd.s32 $0xFFFFC000  }
0xc4: {  	[bflag:$0x0] =	sbarrier.arrive $0xFFFF  }
0xc5: {  	[tilespmem:s30], [sflag:$0x3] =	stream.linear.gather [spmem:s11], $0x1000, $0x38;
	[tilespmem:$0x1F800] =	vst v63  }
0xc6: {  	_ =	swait.ge [sflag:s31], $0x1000  }
0xc7: {  	[sflag:s31] =	ssyncset.done $0x0  }
0xc8: {  	s14 =	sadd.s32 $0x0, s25;
	[sflag:s31] =	ssyncadd.s32 $0xFFFFF000  }
0xc9: {  	[hbm4b:s14+s3] =	stream.linear.scatter [tilespmem:s30], [sflag:$0x3], $0x1000, $0x38;
	[tilespmem:$0x1F800] =	vst v63  }
0xca: {  	_ =	swait.ge [sflag:s31], $0x1000  }
0xcb: {  	s5 =	smov.u32 s11;
	s10 =	simm.s32 $0x200;
	[sflag:s31] =	ssyncset.done $0x0  }
.LBB2_6:
0xcc: {  	p0 =	sne.s32 s10, $0x2600;
	[sflag:s31] =	ssyncadd.s32 $0xFFFFF000;
	s5 =	sadd.s32 $0x1000, s5  }
0xcd: {  	[tilespmem:s30], [sflag:$0x3] =	stream.linear.gather [spmem:s5], $0x1000, $0x38;
	[tilespmem:$0x1F800] =	vst v63  }
0xce: {  	s12 =	smov.u32 s10;
	s10 =	sadd.s32 $0x200, s10;
	_ =	swait.ge [sflag:s31], $0x1000  }
.Ltmp2:
0xcf: {  	[sflag:s31] =	ssyncset.done $0x0;
	(pc) =	sbr.rel @p0 .LBB2_6-.Ltmp2, $4  }
0xd0: {  	s12 =	sadd.s32 s12, s25;
	[sflag:s31] =	ssyncadd.s32 $0xFFFFF000  }
0xd1: {  	[hbm4b:s12+s3] =	stream.linear.scatter [tilespmem:s30], [sflag:$0x3], $0x1000, $0x38;
	[tilespmem:$0x1F800] =	vst v63  }
0xd2: {  	_ =	swait.ge [sflag:s31], $0x1000  }
0xd3: {  	[sflag:s31] =	ssyncset.done $0x0  }
0xd4: {  	s9 =	sadd.s32 $0x1, s9;
	s5 =	rddreg [dreg:$0x5]  }
0xd5: {  	p0 =	sne.s32 s9, s5  }
.Ltmp3:
0xd6: {  	_ = 	snop;
	(pc) =	sbr.rel @p0 .LBB2_1-.Ltmp3, $2  }
0xd7: {  	_ =	sdelay $0x2  }
0xd8: {  	[sflag:s31] =	ssyncadd.s32 $0xFFFFF000  }
0xd9: {  	_ =	sfence.sel $0x180000  }
0xda: {  	[bflag:$0x0] =	sbarrier.arrive $0xFFFF  }
0xdb: {  	_ =	strace $0x9000004A  }
0xdc: {  	s0 =	stileid.u32;
	[bflag:$0x2] =	sbarrier.arrive $0xFFFF  }
0xdd: {  	p0 =	sne.s32 s0, $0x0;
	s0 =	rddreg [dreg:$0x2]  }
0xde: {  	s0 =	sadd.s32 @!p0 $0x100000, s0  }
0xdf: {  	[sflag:s0] =	ssyncadd.tile.s32 @!p0 $0x1;
	_ =	shalt  }
.Lfunc_end2:
_tile_overlayer_lowered:
.L_overlay_start_2:
0xe0: {  	(tag) =	ssettag $0x2  }
0xe1: {  	s0 =	rddreg [dreg:$0x0];
	s2 =	stileid.u32  }
0xe2: {  	s1 =	rddreg [dreg:$0x1];
	p0 =	sne.s32 s2, $0x0  }
0xe3: {  	s3 =	rddreg [dreg:$0x2];
	[bflag:$0x3] =	sbarrier.arrive $0xFFFF;
	s2 =	simm.s32 @!p0 $0x1C03  }
0xe4: {  	[timem:s3], [sflag:s2] =	dma.local @!p0 [hbm:s0], s1  }
0xe5: {  	s0 =	simm.s32 @!p0 $0x3  }
0xe6: {  	_ =	swait.ge @!p0 [sflag:s0], s1  }
0xe7: {  	s1 =	ssub.s32 @!p0 $0x0, s1;
	[sflag:s0] =	ssyncset.done @!p0 $0x0  }
0xe8: {  	[sflag:s0] =	ssyncadd.s32 @!p0 s1  }
0xe9: {  	[bflag:$0x3] =	sbarrier.arrive $0xFFFF  }
0xea: {  	_ =	shalt  }

// kernel: kernel.27.cloned.1.call-start
scs
__scs_entry_jumppad:
0x0: {  	(pc) =	sbr.rel $0x88, $3  }
0x1: {  	(tag) =	ssettag $0x0;
	lr =	simm.s32 $0x1  }
0x2: {  	[smem:$0x3F90] =	sst lr;
	_ =	strace $0xD0000000  }
0x3: {  	_ = 	snop  }
0x4: {  	_ = 	snop  }
0x5: {  	_ = 	snop  }
0x6: {  	_ = 	snop  }
0x7: {  	_ = 	snop  }
__scs_overlays_trampoline_lowered:
0x8: {  	[smem:$0x3F9F] =	sst s0  }
0x9: {  	[smem:$0x3FA0] =	sst s1  }
0xa: {  	[smem:$0x3FA1] =	sst s2  }
0xb: {  	[smem:$0x3FA2] =	sst s3  }
0xc: {  	[smem:$0x3FA3] =	sst s4  }
0xd: {  	[smem:$0x3FA4] =	sst s5  }
0xe: {  	[smem:$0x3FA5] =	sst s6  }
0xf: {  	[smem:$0x3FA6] =	sst s7  }
0x10: {  	[smem:$0x3FA7] =	sst s8  }
0x11: {  	[smem:$0x3FA8] =	sst s9;
	s0 =	simm.s32 @!p0 $0x0  }
0x12: {  	s1 =	sld [smem:$0x3F8E];
	s0 =	simm.s32 @p0 $0x1  }
0x13: {  	[smem:$0x3FA9] =	sst s0;
	s0 =	simm.s32 @!p1 $0x0  }
0x14: {  	s2 =	sld [smem:$0x3F8D];
	s0 =	simm.s32 @p1 $0x1  }
0x15: {  	[smem:$0x3FAA] =	sst s0;
	s0 =	simm.s32 @!p2 $0x0  }
0x16: {  	s3 =	sld [smem:$0x3FDB];
	s0 =	simm.s32 @p2 $0x1  }
0x17: {  	s4 =	simm.s32 $0x1BF5;
	[smem:$0x3FAC] =	sst s0  }
0x18: {  	s0 =	sld [smem:$0x3F8F];
	_ =	swait.ge [sflag:s4], $0x0  }
0x19: {  	s7 =	sld [smem:$0x3F90]  }
0x1a: {  	s8 =	sadd.s32 $0xFFFFE003, lr  }
0x1b: {  	s9 =	sadd.s32 $0xFFFFFEF7, lr;
	s5 =	simm.s32 $0xFFFFFFFF;
	p2 =	slt.u32 s8, $0xFFFFF086  }
0x1c: {  	p1 =	slt.u32 s9, $0xF7A;
	s5 =	simm.s32 @!p2 $0x0  }
0x1d: {  	s5 =	simm.s32 @p1 $0x1;
	p0 =	seq.s32 s7, s2  }
0x1e: {  	s7 =	smul.u32 @!p0 $0xF7A, s2;
	p2 =	seq.s32 @!p0 s5, $0x0  }
0x1f: {  	s9 =	smul.u32 $0xF7A, s1;
	s8 =	simm.s32 @!p0 $0x1BF5;
	p2 =	por !p2, p0  }
0x20: {  	[sflag:s8] =	ssyncset.s32 @!p0 $0xFFFFF086;
	s6 =	sadd.s32 @!p0 s3, s7;
	s7 =	simm.s32 @!p0 $0x108  }
0x21: {  	s3 =	sadd.s32 s3, s9;
	s6 =	sadd.s32 @!p0 $0x88, s6;
	s7 =	simm.s32 @p2 $0x1082  }
0x22: {  	[simem:s7], [sflag:s8] =	dma.local @!p0 [hbm:s6], $0xF7A  }
0x23: {  	s9 =	sor.u32 $0xD0000000, s2;
	s6 =	simm.s32 $0x108;
	_ =	swait.ge @!p0 [sflag:s8], $0x0  }
0x24: {  	s3 =	sadd.s32 $0x88, s3;
	s6 =	simm.s32 @!p1 $0x1082;
	[sflag:s4] =	ssyncset.s32 $0xFFFFF086  }
0x25: {  	[simem:s6], [sflag:s4] =	dma.local [hbm:s3], $0xF7A  }
0x26: {  	[smem:$0x3F90] =	sst s1;
	(tag) =	ssettag s2;
	_ =	strace s9  }
0x27: {  	s1 =	sld [smem:$0x3FA0]  }
0x28: {  	s2 =	sld [smem:$0x3FA1]  }
0x29: {  	s4 =	sld [smem:$0x3FA3]  }
0x2a: {  	p0 =	seq.s32 s5, $0x0;
	s5 =	sld [smem:$0x3FA4]  }
0x2b: {  	s6 =	sld [smem:$0x3FA5]  }
0x2c: {  	s7 =	sld [smem:$0x3FA6]  }
0x2d: {  	s3 =	simm.s32 $0x108;
	s8 =	sld [smem:$0x3FA7]  }
0x2e: {  	s3 =	simm.s32 @!p0 $0x1082;
	s9 =	sld [smem:$0x3FA8]  }
0x2f: {  	lr =	sadd.s32 s0, s3;
	s0 =	sld [smem:$0x3F9F]  }
0x30: {  	s3 =	sld [smem:$0x3FA2]  }
0x31: {  	[smem:$0x3FAB] =	sst s10  }
0x32: {  	s10 =	sld [smem:$0x3FA9];
	_ =	sdelay $0x3  }
0x33: {  	p0 =	seq.s32 s10, $0x1;
	s10 =	sld [smem:$0x3FAB];
	_ =	sdelay $0x3  }
0x34: {  	[smem:$0x3FAB] =	sst s10  }
0x35: {  	s10 =	sld [smem:$0x3FAA];
	_ =	sdelay $0x3  }
0x36: {  	p1 =	seq.s32 s10, $0x1;
	s10 =	sld [smem:$0x3FAB];
	_ =	sdelay $0x3  }
0x37: {  	[smem:$0x3FAB] =	sst s10  }
0x38: {  	s10 =	sld [smem:$0x3FAC]  }
0x39: {  	_ = 	snop;
	(pc) =	sbr.ind lr, $3  }
0x3a: {  	_ = 	snop  }
0x3b: {  	_ = 	snop  }
0x3c: {  	p2 =	seq.s32 s10, $0x1;
	s10 =	sld [smem:$0x3FAB]  }
0x3d: {  	_ =	shalt  }
0x3e: {  	_ =	shalt  }
0x3f: {  	_ =	shalt  }
0x40: {  	_ =	shalt  }
0x41: {  	_ =	shalt  }
0x42: {  	_ =	shalt  }
0x43: {  	_ =	shalt  }
0x44: {  	_ =	shalt  }
0x45: {  	_ =	shalt  }
0x46: {  	_ =	shalt  }
0x47: {  	_ =	shalt  }
0x48: {  	_ =	shalt  }
0x49: {  	_ =	shalt  }
0x4a: {  	_ =	shalt  }
0x4b: {  	_ =	shalt  }
0x4c: {  	_ =	shalt  }
0x4d: {  	_ =	shalt  }
0x4e: {  	_ =	shalt  }
0x4f: {  	_ =	shalt  }
0x50: {  	_ =	shalt  }
0x51: {  	_ =	shalt  }
0x52: {  	_ =	shalt  }
0x53: {  	_ =	shalt  }
0x54: {  	_ =	shalt  }
0x55: {  	_ =	shalt  }
0x56: {  	_ =	shalt  }
0x57: {  	_ =	shalt  }
0x58: {  	_ =	shalt  }
0x59: {  	_ =	shalt  }
0x5a: {  	_ =	shalt  }
0x5b: {  	_ =	shalt  }
0x5c: {  	_ =	shalt  }
0x5d: {  	_ =	shalt  }
0x5e: {  	_ =	shalt  }
0x5f: {  	_ =	shalt  }
0x60: {  	_ =	shalt  }
0x61: {  	_ =	shalt  }
0x62: {  	_ =	shalt  }
0x63: {  	_ =	shalt  }
0x64: {  	_ =	shalt  }
0x65: {  	_ =	shalt  }
0x66: {  	_ =	shalt  }
0x67: {  	_ =	shalt  }
0x68: {  	_ =	shalt  }
0x69: {  	_ =	shalt  }
0x6a: {  	_ =	shalt  }
0x6b: {  	_ =	shalt  }
0x6c: {  	_ =	shalt  }
0x6d: {  	_ =	shalt  }
0x6e: {  	_ =	shalt  }
0x6f: {  	_ =	shalt  }
0x70: {  	_ =	shalt  }
0x71: {  	_ =	shalt  }
0x72: {  	_ =	shalt  }
0x73: {  	_ =	shalt  }
0x74: {  	_ =	shalt  }
0x75: {  	_ =	shalt  }
0x76: {  	_ =	shalt  }
0x77: {  	_ =	shalt  }
0x78: {  	_ =	shalt  }
0x79: {  	_ =	shalt  }
0x7a: {  	_ =	shalt  }
0x7b: {  	_ =	shalt  }
0x7c: {  	_ =	shalt  }
0x7d: {  	_ =	shalt  }
0x7e: {  	_ =	shalt  }
0x7f: {  	_ =	shalt  }
0x80: {  	_ =	shalt  }
0x81: {  	_ =	shalt  }
0x82: {  	_ =	shalt  }
0x83: {  	_ =	shalt  }
0x84: {  	_ =	shalt  }
0x85: {  	_ =	shalt  }
0x86: {  	_ =	shalt  }
0x87: {  	_ =	shalt  }
.Lfunc_end0:
.L_simem_size_0:
called_computation.2_lowered:
.L_overlay_start_0:
0x88: {  	s2 =	sld [smem:$0x3FD9]  }
0x89: {  	s3 =	sld [smem:$0x3FFE];
	_ =	sdelay $0x1  }
0x8a: {  	s1 =	srdreg.scid  }
0x8b: {  	s0 =	sand.u32 $0x1, s1  }
0x8c: {  	s16 =	sshll.u32 s0, $0xA;
	s2 =	sadd.s32 s3, s2  }
0x8d: {  	s2 =	sadd.s32 s2, s16  }
0x8e: {  	[smem:$0x3FB7] =	sst s2  }
0x8f: {  	_ = 	snop  }
0x90: {  	(tm) =	ssettm $0x1  }
0x91: {  	s17 =	sld [smem:$0x3FFB];
	_ =	sdelay $0x3  }
0x92: {  	_ =	strace s17  }
0x93: {  	s2 =	sld [smem:$0x3FFC];
	_ =	sdelay $0x3  }
0x94: {  	_ =	strace s2  }
0x95: {  	s2 =	sld [smem:$0x3FFD];
	_ =	sdelay $0x3  }
0x96: {  	_ =	strace s2  }
0x97: {  	_ =	strace $0x8FFFFFFF  }
0x98: {  	s18 =	sld [smem:$0x3FDB];
	_ =	sdelay $0x1  }
0x99: {  	s19 =	simm.s32 $_scs_section_size  }
0x9a: {  	s4 =	simm.s32 $_size__tile_overlayer_lowered;
	s5 =	simm.s32 $_tile_overlayer_lowered  }
0x9b: {  	s22 =	simm.s32 $0x1BFF;
	s21 =	sshll.u32 s5, $0x1;
	s2 =	sadd.s32 s19, s18  }
0x9c: {  	s6 =	simm.s32 $0x0;
	s20 =	sshll.u32 s4, $0x1;
	s4 =	sadd.s32 s21, s2  }
0x9d: {  	[timem:s6], [sflag:s22] =	dma.local [hbm:s4], s20  }
0x9e: {  	_ =	swait.ge [sflag:s22], s20  }
0x9f: {  	s3 =	ssub.s32 $0x0, s20;
	[sflag:s22] =	ssyncset.done $0x0  }
0xa0: {  	[sflag:s22] =	ssyncadd.s32 s3;
	_ =	sdelay $0x1  }
0xa1: {  	s23 =	simm.s32 $0x1B8B  }
0xa2: {  	_ =	swait.ge [sflag:s23], $0x1  }
0xa3: {  	[sflag:s23] =	ssyncset.done $0x0  }
0xa4: {  	s25 =	simm.s32 $0x1B8E;
	s24 =	sld [smem:$0x3FFE];
	[sflag:s23] =	ssyncadd.s32 $0xFFFFFFFF  }
0xa5: {  	s26 =	simm.s32 $execute0_lowered;
	[smem:$0x3FD2] =	sst s25  }
0xa6: {  	s4 =	sshll.u32 s26, $0x1;
	_ =	strace $0x8000004C;
	[dreg:$0x1] =	wrdreg $0xFFFFFFFF  }
0xa7: {  	s28 =	simm.s32 $_size_execute0_lowered;
	s2 =	sadd.s32 s2, s4;
	[dreg:$0x0] =	wrdreg $0x0  }
0xa8: {  	s4 =	sshll.u32 s28, $0x1;
	[dreg:$0x2] =	wrdreg s2  }
0xa9: {  	[dreg:$0x3] =	wrdreg s4  }
0xaa: {  	[dreg:$0x4] =	wrdreg $0xC0  }
0xab: {  	_ =	task [dreg:s6], $0x5FFFF  }
0xac: {  	[dreg:$0x1] =	wrdreg $0xFFFFFFFF  }
0xad: {  	[dreg:$0x0] =	wrdreg $0x60  }
0xae: {  	[dreg:$0x2] =	wrdreg s24  }
0xaf: {  	[dreg:$0x3] =	wrdreg $0xB8000  }
0xb0: {  	[dreg:$0x4] =	wrdreg $0x9  }
0xb1: {  	_ =	task.clear_ibuf [dreg:s6], $0x5FFFF;
	_ =	strace $0x9000004C  }
0xb2: {  	s29 =	simm.s32 $0x9;
	_ =	strace $0x8000004E  }
0xb3: {  	_ =	swait.ge [sflag:s29], $0x1  }
0xb4: {  	[sflag:s29] =	ssyncadd.s32 $0xFFFFFFFF  }
0xb5: {  	_ =	strace $0x9000004E  }
0xb6: {  	_ =	sfence  }
0xb7: {  	s30 =	sld [smem:$0x0];
	_ =	sdelay $0x2  }
0xb8: {  	s31 =	sshll.u32 s1, $0xD;
	s1 =	sshrl.u32 s1, $0x2  }
0xb9: {  	s3 =	sand.u32 $0x4000, s31;
	s1 =	sadd.s32 s1, s30  }
0xba: {  	s0 =	sor.u32 s3, s0;
	s1 =	sshll.u32 s1, $0x11  }
0xbb: {  	s0 =	sor.u32 s1, s0  }
0xbc: {  	s0 =	sadd.s32 $0x8F2B, s0  }
0xbd: {  	[sflag:s0] =	ssyncadd.remote.s32 $0x1  }
0xbe: {  	_ =	sfence.sel $0xFFFF  }
0xbf: {  	[dreg:$0x0] =	wrdreg $0xFFFFFFFF;
	(pc) =	sbr.abs _section_cstart, $3  }
0xc0: {  	[dreg:$0x1] =	wrdreg $0xFFFFFFFF  }
0xc1: {  	_ =	task.clear_ibuf [dreg:s6], $0x2FFFF;
	_ =	strace $0x9FFFFFFF  }
0xc2: {  	(tm) =	ssettm $0x7FFFFFFF  }
0xc3: {  	_ =	shalt  }
tec
execute0_lowered:
.L_overlay_start_1:
0x0: {  	(tag) =	ssettag $0x1  }
0x1: {  	s0 =	rddreg [dreg:$0x0]  }
0x2: {  	s1 =	rddreg [dreg:$0x1];
	s2 =	srdreg.scid;
	s3 =	simm.s32 $0x0  }
0x3: {  	s8 =	stileid.u32;
	s30 =	simm.s32 $0xA800;
	s31 =	simm.s32 $0x3  }
0x4: {  	s9 =	simm.s32 $0x0;
	s2 =	sand.u32 $0x1, s2;
	s7 =	smul.u32 $0x14000, s8  }
0x5: {  	[smem:$0x7FF] =	sst s3;
	s16 =	smul.u32 $0x50000, s8;
	s4 =	sshll.u32 s2, $0x4  }
0x6: {  	s5 =	smul.u32 $0x140000, s2;
	_ =	strace $0x8000004D;
	s2 =	ssub.s32 $0x2, s2  }
0x7: {  	s6 =	sor.u32 s8, s4;
	s4 =	sadd.s32 $0xE600, s0;
	s17 =	sshrl.u32 s2, $0x1  }
0x8: {  	s18 =	sshrl.u32 s16, $0x2;
	s8 =	simm.s32 $0x2;
	s6 =	smul.u32 $0x280, s6  }
0x9: {  	s5 =	sadd.s32 s7, s5;
	s2 =	ssub.s32 s2, s17;
	s11 =	sadd.s32 s18, s1  }
0xa: {  	s7 =	simm.s32 $0x1;
	s5 =	sshrl.u32 s5, $0x3;
	s2 =	smax.u32 s2, $0x1  }
0xb: {  	s21 =	sadd.s32 $0x1000, s11;
	s22 =	sadd.s32 $0x2000, s11;
	[dreg:$0x5] =	wrdreg s2  }
0xc: {  	s23 =	sadd.s32 $0x3000, s11;
	s24 =	sadd.s32 $0x4000, s11;
	[dreg:$0x6] =	wrdreg s21  }
0xd: {  	s25 =	sadd.s32 $0x5000, s11;
	s26 =	sadd.s32 $0x6000, s11;
	[dreg:$0x7] =	wrdreg s22  }
0xe: {  	s15 =	sadd.s32 $0x7000, s11;
	s16 =	sadd.s32 $0x8000, s11;
	[dreg:$0x8] =	wrdreg s23  }
0xf: {  	s17 =	sadd.s32 $0x9000, s11;
	s18 =	sadd.s32 $0xA000, s11;
	[dreg:$0x9] =	wrdreg s24  }
0x10: {  	s28 =	sadd.s32 $0x12000, s11;
	s29 =	sadd.s32 $0x13000, s11;
	[dreg:$0xa] =	wrdreg s25  }
0x11: {  	s6 =	sadd.s32 s6, s0;
	s0 =	sadd.s32 s5, s0;
	[dreg:$0xb] =	wrdreg s26  }
0x12: {  	s21 =	sadd.s32 $0xD000, s11;
	s22 =	sadd.s32 $0xE000, s11;
	s23 =	sadd.s32 $0xF000, s11  }
0x13: {  	s24 =	sadd.s32 $0x10000, s11;
	s26 =	sadd.s32 $0x11000, s11;
	s2 =	simm.s32 $0x80  }
0x14: {  	s19 =	sadd.s32 $0x4600, s6;
	s20 =	sadd.s32 $0x9600, s6;
	s25 =	sadd.s32 $0x36600, s0  }
0x15: {  	s0 =	simm.s32 $0x2800;
	s6 =	simm.s32 $0x6800;
	[dreg:$0x3] =	wrdreg s19  }
0x16: {  	v0 =	vimm.f32 $0.0e+00;
	[dreg:$0x4] =	wrdreg s20;
	s19 =	sadd.s32 $0xB000, s11;
	s20 =	sadd.s32 $0xC000, s11  }
.LBB2_1:
0x17: {  	s10 =	simm.s32 $0x0;
	s5 =	simm.s32 $0x200  }
.LBB2_2:
0x18: {  	p0 =	sne.s32 s5, $0x3E00;
	[tilespmem:s10+$0xA870] =	vst v0  }
0x19: {  	[tilespmem:s10+$0xA800] =	vst v0  }
0x1a: {  	[tilespmem:s10+$0xA810] =	vst v0  }
.Ltmp0:
0x1b: {  	[tilespmem:s10+$0xA820] =	vst v0;
	(pc) =	sbr.rel @p0 .LBB2_2-.Ltmp0, $4  }
0x1c: {  	[tilespmem:s10+$0xA830] =	vst v0  }
0x1d: {  	[tilespmem:s10+$0xA840] =	vst v0  }
0x1e: {  	[tilespmem:s10+$0xA850] =	vst v0  }
0x1f: {  	[tilespmem:s10+$0xA860] =	vst v0;
	s10 =	sshra.s32 s5, $0x2;
	s5 =	sadd.s32 $0x200, s5  }
0x20: {  	[tilespmem:s10+$0xA870] =	vst v0  }
0x21: {  	[tilespmem:s10+$0xA800] =	vst v0  }
0x22: {  	[tilespmem:s10+$0xA810] =	vst v0  }
0x23: {  	[tilespmem:s10+$0xA820] =	vst v0  }
0x24: {  	[tilespmem:s10+$0xA830] =	vst v0  }
0x25: {  	[tilespmem:s10+$0xA840] =	vst v0  }
0x26: {  	[tilespmem:s10+$0xA850] =	vst v0  }
0x27: {  	[tilespmem:s10+$0xA860] =	vst v0  }
0x28: {  	[spmem:s11] =	stream.linear.scatter [tilespmem:s30], [sflag:$0x3], $0x1000, $0x38;
	[tilespmem:$0x1F800] =	vst v63  }
0x29: {  	_ =	swait.ge [sflag:s31], $0x1000  }
0x2a: {  	[sflag:s31] =	ssyncset.done $0x0  }
0x2b: {  	s5 =	rddreg [dreg:$0x6];
	[sflag:s31] =	ssyncadd.s32 $0xFFFFF000  }
0x2c: {  	[spmem:s5] =	stream.linear.scatter [tilespmem:s30], [sflag:$0x3], $0x1000, $0x38;
	[tilespmem:$0x1F800] =	vst v63  }
0x2d: {  	_ =	swait.ge [sflag:s31], $0x1000  }
0x2e: {  	[sflag:s31] =	ssyncset.done $0x0  }
0x2f: {  	s12 =	rddreg [dreg:$0x7];
	[sflag:s31] =	ssyncadd.s32 $0xFFFFF000  }
0x30: {  	[spmem:s12] =	stream.linear.scatter [tilespmem:s30], [sflag:$0x3], $0x1000, $0x38;
	[tilespmem:$0x1F800] =	vst v63  }
0x31: {  	_ =	swait.ge [sflag:s31], $0x1000  }
0x32: {  	[sflag:s31] =	ssyncset.done $0x0  }
0x33: {  	s13 =	rddreg [dreg:$0x8];
	[sflag:s31] =	ssyncadd.s32 $0xFFFFF000  }
0x34: {  	[spmem:s13] =	stream.linear.scatter [tilespmem:s30], [sflag:$0x3], $0x1000, $0x38;
	[tilespmem:$0x1F800] =	vst v63  }
0x35: {  	_ =	swait.ge [sflag:s31], $0x1000  }
0x36: {  	[sflag:s31] =	ssyncset.done $0x0  }
0x37: {  	s14 =	rddreg [dreg:$0x9];
	[sflag:s31] =	ssyncadd.s32 $0xFFFFF000  }
0x38: {  	[spmem:s14] =	stream.linear.scatter [tilespmem:s30], [sflag:$0x3], $0x1000, $0x38;
	[tilespmem:$0x1F800] =	vst v63  }
0x39: {  	_ =	swait.ge [sflag:s31], $0x1000  }
0x3a: {  	[sflag:s31] =	ssyncset.done $0x0  }
0x3b: {  	s10 =	rddreg [dreg:$0xa];
	[sflag:s31] =	ssyncadd.s32 $0xFFFFF000  }
0x3c: {  	[spmem:s10] =	stream.linear.scatter [tilespmem:s30], [sflag:$0x3], $0x1000, $0x38;
	[tilespmem:$0x1F800] =	vst v63  }
0x3d: {  	_ =	swait.ge [sflag:s31], $0x1000  }
0x3e: {  	[sflag:s31] =	ssyncset.done $0x0  }
0x3f: {  	s12 =	rddreg [dreg:$0xb];
	[sflag:s31] =	ssyncadd.s32 $0xFFFFF000  }
0x40: {  	[spmem:s12] =	stream.linear.scatter [tilespmem:s30], [sflag:$0x3], $0x1000, $0x38;
	[tilespmem:$0x1F800] =	vst v63  }
0x41: {  	_ =	swait.ge [sflag:s31], $0x1000  }
0x42: {  	[sflag:s31] =	ssyncset.done $0x0  }
0x43: {  	[sflag:s31] =	ssyncadd.s32 $0xFFFFF000  }
0x44: {  	[spmem:s15] =	stream.linear.scatter [tilespmem:s30], [sflag:$0x3], $0x1000, $0x38;
	[tilespmem:$0x1F800] =	vst v63  }
0x45: {  	_ =	swait.ge [sflag:s31], $0x1000  }
0x46: {  	[sflag:s31] =	ssyncset.done $0x0  }
0x47: {  	[sflag:s31] =	ssyncadd.s32 $0xFFFFF000  }
0x48: {  	[spmem:s16] =	stream.linear.scatter [tilespmem:s30], [sflag:$0x3], $0x1000, $0x38;
	[tilespmem:$0x1F800] =	vst v63  }
0x49: {  	_ =	swait.ge [sflag:s31], $0x1000  }
0x4a: {  	[sflag:s31] =	ssyncset.done $0x0  }
0x4b: {  	[sflag:s31] =	ssyncadd.s32 $0xFFFFF000  }
0x4c: {  	[spmem:s17] =	stream.linear.scatter [tilespmem:s30], [sflag:$0x3], $0x1000, $0x38;
	[tilespmem:$0x1F800] =	vst v63  }
0x4d: {  	_ =	swait.ge [sflag:s31], $0x1000  }
0x4e: {  	[sflag:s31] =	ssyncset.done $0x0  }
0x4f: {  	[sflag:s31] =	ssyncadd.s32 $0xFFFFF000  }
0x50: {  	[spmem:s18] =	stream.linear.scatter [tilespmem:s30], [sflag:$0x3], $0x1000, $0x38;
	[tilespmem:$0x1F800] =	vst v63  }
0x51: {  	_ =	swait.ge [sflag:s31], $0x1000  }
0x52: {  	[sflag:s31] =	ssyncset.done $0x0  }
0x53: {  	[sflag:s31] =	ssyncadd.s32 $0xFFFFF000  }
0x54: {  	[spmem:s19] =	stream.linear.scatter [tilespmem:s30], [sflag:$0x3], $0x1000, $0x38;
	[tilespmem:$0x1F800] =	vst v63  }
0x55: {  	_ =	swait.ge [sflag:s31], $0x1000  }
0x56: {  	[sflag:s31] =	ssyncset.done $0x0  }
0x57: {  	[sflag:s31] =	ssyncadd.s32 $0xFFFFF000  }
0x58: {  	[spmem:s20] =	stream.linear.scatter [tilespmem:s30], [sflag:$0x3], $0x1000, $0x38;
	[tilespmem:$0x1F800] =	vst v63  }
0x59: {  	_ =	swait.ge [sflag:s31], $0x1000  }
0x5a: {  	[sflag:s31] =	ssyncset.done $0x0  }
0x5b: {  	[sflag:s31] =	ssyncadd.s32 $0xFFFFF000  }
0x5c: {  	[spmem:s21] =	stream.linear.scatter [tilespmem:s30], [sflag:$0x3], $0x1000, $0x38;
	[tilespmem:$0x1F800] =	vst v63  }
0x5d: {  	_ =	swait.ge [sflag:s31], $0x1000  }
0x5e: {  	[sflag:s31] =	ssyncset.done $0x0  }
0x5f: {  	[sflag:s31] =	ssyncadd.s32 $0xFFFFF000  }
0x60: {  	[spmem:s22] =	stream.linear.scatter [tilespmem:s30], [sflag:$0x3], $0x1000, $0x38;
	[tilespmem:$0x1F800] =	vst v63  }
0x61: {  	_ =	swait.ge [sflag:s31], $0x1000  }
0x62: {  	[sflag:s31] =	ssyncset.done $0x0  }
0x63: {  	[sflag:s31] =	ssyncadd.s32 $0xFFFFF000  }
0x64: {  	[spmem:s23] =	stream.linear.scatter [tilespmem:s30], [sflag:$0x3], $0x1000, $0x38;
	[tilespmem:$0x1F800] =	vst v63  }
0x65: {  	_ =	swait.ge [sflag:s31], $0x1000  }
0x66: {  	[sflag:s31] =	ssyncset.done $0x0  }
0x67: {  	[sflag:s31] =	ssyncadd.s32 $0xFFFFF000  }
0x68: {  	[spmem:s24] =	stream.linear.scatter [tilespmem:s30], [sflag:$0x3], $0x1000, $0x38;
	[tilespmem:$0x1F800] =	vst v63  }
0x69: {  	_ =	swait.ge [sflag:s31], $0x1000  }
0x6a: {  	[sflag:s31] =	ssyncset.done $0x0  }
0x6b: {  	[sflag:s31] =	ssyncadd.s32 $0xFFFFF000  }
0x6c: {  	[spmem:s26] =	stream.linear.scatter [tilespmem:s30], [sflag:$0x3], $0x1000, $0x38;
	[tilespmem:$0x1F800] =	vst v63  }
0x6d: {  	_ =	swait.ge [sflag:s31], $0x1000  }
0x6e: {  	[sflag:s31] =	ssyncset.done $0x0  }
0x6f: {  	[sflag:s31] =	ssyncadd.s32 $0xFFFFF000  }
0x70: {  	[spmem:s28] =	stream.linear.scatter [tilespmem:s30], [sflag:$0x3], $0x1000, $0x38;
	[tilespmem:$0x1F800] =	vst v63  }
0x71: {  	_ =	swait.ge [sflag:s31], $0x1000  }
0x72: {  	[sflag:s31] =	ssyncset.done $0x0  }
0x73: {  	[sflag:s31] =	ssyncadd.s32 $0xFFFFF000  }
0x74: {  	[spmem:s29] =	stream.linear.scatter [tilespmem:s30], [sflag:$0x3], $0x1000, $0x38;
	[tilespmem:$0x1F800] =	vst v63  }
0x75: {  	_ =	swait.ge [sflag:s31], $0x1000  }
0x76: {  	[sflag:s31] =	ssyncset.done $0x0  }
0x77: {  	[sflag:s31] =	ssyncadd.s32 $0xFFFFF000  }
0x78: {  	[bflag:$0x0] =	sbarrier.arrive $0xFFFF  }
0x79: {  	s5 =	simm.s32 $0x0;
	s13 =	rddreg [dreg:$0x3]  }
0x7a: {  	[tilespmem:s5], [sflag:$0x3] =	stream.linear.gather [hbm4b:s13+s5], $0x1400, $0x38;
	[tilespmem:$0x1F800] =	vst v63  }
0x7b: {  	_ =	swait.ge [sflag:s31], $0x1400  }
0x7c: {  	[sflag:s31] =	ssyncset.done $0x0  }
0x7d: {  	s12 =	simm.s32 $0x1400;
	s14 =	rddreg [dreg:$0x4];
	[sflag:s31] =	ssyncadd.s32 $0xFFFFEC00  }
0x7e: {  	[tilespmem:s12], [sflag:$0x3] =	stream.linear.gather [hbm4b:s14+s5], $0x1400, $0x38;
	[tilespmem:$0x1F800] =	vst v63  }
0x7f: {  	_ =	swait.ge [sflag:s31], $0x1400  }
0x80: {  	[sflag:s31] =	ssyncset.done $0x0  }
0x81: {  	[sflag:s31] =	ssyncadd.s32 $0xFFFFEC00  }
0x82: {  	[tilespmem:s0], [sflag:$0x1] =	stream.indirect.gather [hbm4b:s4+s2], $0x80, s5, s2, $0xb8;
	[tilespmem:$0x1F800] =	vst v63  }
0x83: {  	s10 =	simm.s32 $0x80  }
0x84: {  	[tilespmem:s6], [sflag:$0x2] =	stream.indirect.gather [hbm4b:s4+s2], $0x80, s10, s2, $0xb8;
	[tilespmem:$0x1F800] =	vst v63  }
0x85: {  	_ =	swait.ge [sflag:s7], $0x4000  }
0x86: {  	[sflag:s7] =	ssyncset.done $0x0  }
0x87: {  	s12 =	simm.s32 $0x1400;
	[sflag:s7] =	ssyncadd.s32 $0xFFFFC000  }
0x88: {  	[spmem:s1] =	stream.indirect.scatter.add.f32 [tilespmem:s0], [sflag:$0x3], $0x80, s12, s2, $0xb8;
	[tilespmem:$0x1F800] =	vst v63  }
0x89: {  	_ =	swait.ge [sflag:s31], $0x4000  }
0x8a: {  	[sflag:s31] =	ssyncset.done $0x0  }
0x8b: {  	s13 =	simm.s32 $0x100;
	[sflag:s31] =	ssyncadd.s32 $0xFFFFC000  }
0x8c: {  	[tilespmem:s0], [sflag:$0x1] =	stream.indirect.gather [hbm4b:s4+s2], $0x80, s13, s2, $0xb8;
	[tilespmem:$0x1F800] =	vst v63  }
0x8d: {  	_ =	swait.ge [sflag:s8], $0x4000  }
0x8e: {  	[sflag:s8] =	ssyncset.done $0x0  }
0x8f: {  	s14 =	simm.s32 $0x1480;
	[sflag:s8] =	ssyncadd.s32 $0xFFFFC000  }
0x90: {  	[spmem:s1] =	stream.indirect.scatter.add.f32 [tilespmem:s6], [sflag:$0x3], $0x80, s14, s2, $0xb8;
	[tilespmem:$0x1F800] =	vst v63  }
0x91: {  	_ =	swait.ge [sflag:s31], $0x4000  }
0x92: {  	s5 =	simm.s32 $0x800;
	s10 =	simm.s32 $0x100;
	[sflag:s31] =	ssyncset.done $0x0  }
.LBB2_4:
0x93: {  	s12 =	sadd.s32 $0x80, s10  }
0x94: {  	[sflag:s31] =	ssyncadd.s32 $0xFFFFC000;
	s13 =	smov.u32 s5;
	s14 =	sadd.s32 $0x400, s5  }
0x95: {  	[tilespmem:s6], [sflag:$0x2] =	stream.indirect.gather [hbm4b:s4+s2], $0x80, s12, s2, $0xb8;
	[tilespmem:$0x1F800] =	vst v63  }
0x96: {  	p0 =	sne.s32 s5, $0x4800;
	_ =	swait.ge [sflag:s7], $0x4000  }
0x97: {  	[sflag:s7] =	ssyncset.done $0x0  }
0x98: {  	s5 =	sadd.s32 $0x1400, s10;
	[sflag:s7] =	ssyncadd.s32 $0xFFFFC000  }
0x99: {  	[spmem:s1] =	stream.indirect.scatter.add.f32 [tilespmem:s0], [sflag:$0x3], $0x80, s5, s2, $0xb8;
	[tilespmem:$0x1F800] =	vst v63  }
0x9a: {  	_ =	swait.ge [sflag:s31], $0x4000  }
0x9b: {  	[sflag:s31] =	ssyncset.done $0x0  }
0x9c: {  	s5 =	sadd.s32 $0x100, s10;
	[sflag:s31] =	ssyncadd.s32 $0xFFFFC000  }
0x9d: {  	[tilespmem:s0], [sflag:$0x1] =	stream.indirect.gather [hbm4b:s4+s2], $0x80, s5, s2, $0xb8;
	[tilespmem:$0x1F800] =	vst v63  }
0x9e: {  	_ =	swait.ge [sflag:s8], $0x4000  }
.Ltmp1:
0x9f: {  	[sflag:s8] =	ssyncset.done $0x0;
	(pc) =	sbr.rel @p0 .LBB2_4-.Ltmp1, $4  }
0xa0: {  	s5 =	sadd.s32 $0x1480, s10;
	[sflag:s8] =	ssyncadd.s32 $0xFFFFC000  }
0xa1: {  	[spmem:s1] =	stream.indirect.scatter.add.f32 [tilespmem:s6], [sflag:$0x3], $0x80, s5, s2, $0xb8;
	[tilespmem:$0x1F800] =	vst v63  }
0xa2: {  	_ =	swait.ge [sflag:s31], $0x4000  }
0xa3: {  	s10 =	sshra.s32 s13, $0x2;
	s5 =	smov.u32 s14;
	[sflag:s31] =	ssyncset.done $0x0  }
0xa4: {  	s5 =	sadd.s32 $0x80, s10;
	[sflag:s31] =	ssyncadd.s32 $0xFFFFC000  }
0xa5: {  	[tilespmem:s6], [sflag:$0x2] =	stream.indirect.gather [hbm4b:s4+s2], $0x80, s5, s2, $0xb8;
	[tilespmem:$0x1F800] =	vst v63  }
0xa6: {  	_ =	swait.ge [sflag:s7], $0x4000  }
0xa7: {  	[sflag:s7] =	ssyncset.done $0x0  }
0xa8: {  	s12 =	sadd.s32 $0x1400, s10;
	[sflag:s7] =	ssyncadd.s32 $0xFFFFC000  }
0xa9: {  	[spmem:s1] =	stream.indirect.scatter.add.f32 [tilespmem:s0], [sflag:$0x3], $0x80, s12, s2, $0xb8;
	[tilespmem:$0x1F800] =	vst v63  }
0xaa: {  	_ =	swait.ge [sflag:s31], $0x4000  }
0xab: {  	[sflag:s31] =	ssyncset.done $0x0  }
0xac: {  	s13 =	sadd.s32 $0x100, s10;
	[sflag:s31] =	ssyncadd.s32 $0xFFFFC000  }
0xad: {  	[tilespmem:s0], [sflag:$0x1] =	stream.indirect.gather [hbm4b:s4+s2], $0x80, s13, s2, $0xb8;
	[tilespmem:$0x1F800] =	vst v63  }
0xae: {  	_ =	swait.ge [sflag:s8], $0x4000  }
0xaf: {  	[sflag:s8] =	ssyncset.done $0x0  }
0xb0: {  	s14 =	sadd.s32 $0x1480, s10;
	[sflag:s8] =	ssyncadd.s32 $0xFFFFC000  }
0xb1: {  	[spmem:s1] =	stream.indirect.scatter.add.f32 [tilespmem:s6], [sflag:$0x3], $0x80, s14, s2, $0xb8;
	[tilespmem:$0x1F800] =	vst v63  }
0xb2: {  	_ =	swait.ge [sflag:s31], $0x4000  }
0xb3: {  	[sflag:s31] =	ssyncset.done $0x0  }
0xb4: {  	s10 =	simm.s32 $0x1380;
	[sflag:s31] =	ssyncadd.s32 $0xFFFFC000  }
0xb5: {  	[tilespmem:s6], [sflag:$0x2] =	stream.indirect.gather [hbm4b:s4+s2], $0x80, s10, s2, $0xb8;
	[tilespmem:$0x1F800] =	vst v63  }
0xb6: {  	_ =	swait.ge [sflag:s7], $0x4000  }
0xb7: {  	[sflag:s7] =	ssyncset.done $0x0  }
0xb8: {  	s12 =	simm.s32 $0x2700;
	[sflag:s7] =	ssyncadd.s32 $0xFFFFC000  }
0xb9: {  	[spmem:s1] =	stream.indirect.scatter.add.f32 [tilespmem:s0], [sflag:$0x3], $0x80, s12, s2, $0xb8;
	[tilespmem:$0x1F800] =	vst v63  }
0xba: {  	_ =	swait.ge [sflag:s31], $0x4000  }
0xbb: {  	[sflag:s31] =	ssyncset.done $0x0  }
0xbc: {  	[sflag:s31] =	ssyncadd.s32 $0xFFFFC000  }
0xbd: {  	_ =	swait.ge [sflag:s8], $0x4000  }
0xbe: {  	[sflag:s8] =	ssyncset.done $0x0  }
0xbf: {  	s13 =	simm.s32 $0x2780;
	[sflag:s8] =	ssyncadd.s32 $0xFFFFC000  }
0xc0: {  	[spmem:s1] =	stream.indirect.scatter.add.f32 [tilespmem:s6], [sflag:$0x3], $0x80, s13, s2, $0xb8;
	[tilespmem:$0x1F800] =	vst v63  }
0xc1: {  	_ =	swait.ge [sflag:s31], $0x4000  }
0xc2: {  	[sflag:s31] =	ssyncset.done $0x0  }
0xc3: {  	[sflag:s31] =	ssyncadd.s32 $0xFFFFC000  }
0xc4: {  	[bflag:$0x0] =	sbarrier.arrive $0xFFFF  }
0xc5: {  	[tilespmem:s30], [sflag:$0x3] =	stream.linear.gather [spmem:s11], $0x1000, $0x38;
	[tilespmem:$0x1F800] =	vst v63  }
0xc6: {  	_ =	swait.ge [sflag:s31], $0x1000  }
0xc7: {  	[sflag:s31] =	ssyncset.done $0x0  }
0xc8: {  	s14 =	sadd.s32 $0x0, s25;
	[sflag:s31] =	ssyncadd.s32 $0xFFFFF000  }
0xc9: {  	[hbm4b:s14+s3] =	stream.linear.scatter [tilespmem:s30], [sflag:$0x3], $0x1000, $0x38;
	[tilespmem:$0x1F800] =	vst v63  }
0xca: {  	_ =	swait.ge [sflag:s31], $0x1000  }
0xcb: {  	s5 =	smov.u32 s11;
	s10 =	simm.s32 $0x200;
	[sflag:s31] =	ssyncset.done $0x0  }
.LBB2_6:
0xcc: {  	p0 =	sne.s32 s10, $0x2600;
	[sflag:s31] =	ssyncadd.s32 $0xFFFFF000;
	s5 =	sadd.s32 $0x1000, s5  }
0xcd: {  	[tilespmem:s30], [sflag:$0x3] =	stream.linear.gather [spmem:s5], $0x1000, $0x38;
	[tilespmem:$0x1F800] =	vst v63  }
0xce: {  	s12 =	smov.u32 s10;
	s10 =	sadd.s32 $0x200, s10;
	_ =	swait.ge [sflag:s31], $0x1000  }
.Ltmp2:
0xcf: {  	[sflag:s31] =	ssyncset.done $0x0;
	(pc) =	sbr.rel @p0 .LBB2_6-.Ltmp2, $4  }
0xd0: {  	s12 =	sadd.s32 s12, s25;
	[sflag:s31] =	ssyncadd.s32 $0xFFFFF000  }
0xd1: {  	[hbm4b:s12+s3] =	stream.linear.scatter [tilespmem:s30], [sflag:$0x3], $0x1000, $0x38;
	[tilespmem:$0x1F800] =	vst v63  }
0xd2: {  	_ =	swait.ge [sflag:s31], $0x1000  }
0xd3: {  	[sflag:s31] =	ssyncset.done $0x0  }
0xd4: {  	s9 =	sadd.s32 $0x1, s9;
	s5 =	rddreg [dreg:$0x5]  }
0xd5: {  	p0 =	sne.s32 s9, s5  }
.Ltmp3:
0xd6: {  	_ = 	snop;
	(pc) =	sbr.rel @p0 .LBB2_1-.Ltmp3, $2  }
0xd7: {  	_ =	sdelay $0x2  }
0xd8: {  	[sflag:s31] =	ssyncadd.s32 $0xFFFFF000  }
0xd9: {  	_ =	sfence.sel $0x180000  }
0xda: {  	[bflag:$0x0] =	sbarrier.arrive $0xFFFF  }
0xdb: {  	_ =	strace $0x9000004D  }
0xdc: {  	s0 =	stileid.u32;
	[bflag:$0x2] =	sbarrier.arrive $0xFFFF  }
0xdd: {  	p0 =	sne.s32 s0, $0x0;
	s0 =	rddreg [dreg:$0x2]  }
0xde: {  	s0 =	sadd.s32 @!p0 $0x100000, s0  }
0xdf: {  	[sflag:s0] =	ssyncadd.tile.s32 @!p0 $0x1;
	_ =	shalt  }
.Lfunc_end2:
_tile_overlayer_lowered:
.L_overlay_start_2:
0xe0: {  	(tag) =	ssettag $0x2  }
0xe1: {  	s0 =	rddreg [dreg:$0x0];
	s2 =	stileid.u32  }
0xe2: {  	s1 =	rddreg [dreg:$0x1];
	p0 =	sne.s32 s2, $0x0  }
0xe3: {  	s3 =	rddreg [dreg:$0x2];
	[bflag:$0x3] =	sbarrier.arrive $0xFFFF;
	s2 =	simm.s32 @!p0 $0x1C03  }
0xe4: {  	[timem:s3], [sflag:s2] =	dma.local @!p0 [hbm:s0], s1  }
0xe5: {  	s0 =	simm.s32 @!p0 $0x3  }
0xe6: {  	_ =	swait.ge @!p0 [sflag:s0], s1  }
0xe7: {  	s1 =	ssub.s32 @!p0 $0x0, s1;
	[sflag:s0] =	ssyncset.done @!p0 $0x0  }
0xe8: {  	[sflag:s0] =	ssyncadd.s32 @!p0 s1  }
0xe9: {  	[bflag:$0x3] =	sbarrier.arrive $0xFFFF  }
0xea: {  	_ =	shalt  }

// kernel: kernel.30.cloned.1.call-start
scs
__scs_entry_jumppad:
0x0: {  	(pc) =	sbr.rel $0x88, $3  }
0x1: {  	(tag) =	ssettag $0x0;
	lr =	simm.s32 $0x1  }
0x2: {  	[smem:$0x3F90] =	sst lr;
	_ =	strace $0xD0000000  }
0x3: {  	_ = 	snop  }
0x4: {  	_ = 	snop  }
0x5: {  	_ = 	snop  }
0x6: {  	_ = 	snop  }
0x7: {  	_ = 	snop  }
__scs_overlays_trampoline_lowered:
0x8: {  	[smem:$0x3F9F] =	sst s0  }
0x9: {  	[smem:$0x3FA0] =	sst s1  }
0xa: {  	[smem:$0x3FA1] =	sst s2  }
0xb: {  	[smem:$0x3FA2] =	sst s3  }
0xc: {  	[smem:$0x3FA3] =	sst s4  }
0xd: {  	[smem:$0x3FA4] =	sst s5  }
0xe: {  	[smem:$0x3FA5] =	sst s6  }
0xf: {  	[smem:$0x3FA6] =	sst s7  }
0x10: {  	[smem:$0x3FA7] =	sst s8  }
0x11: {  	[smem:$0x3FA8] =	sst s9;
	s0 =	simm.s32 @!p0 $0x0  }
0x12: {  	s1 =	sld [smem:$0x3F8E];
	s0 =	simm.s32 @p0 $0x1  }
0x13: {  	[smem:$0x3FA9] =	sst s0;
	s0 =	simm.s32 @!p1 $0x0  }
0x14: {  	s2 =	sld [smem:$0x3F8D];
	s0 =	simm.s32 @p1 $0x1  }
0x15: {  	[smem:$0x3FAA] =	sst s0;
	s0 =	simm.s32 @!p2 $0x0  }
0x16: {  	s3 =	sld [smem:$0x3FDB];
	s0 =	simm.s32 @p2 $0x1  }
0x17: {  	s4 =	simm.s32 $0x1BF5;
	[smem:$0x3FAC] =	sst s0  }
0x18: {  	s0 =	sld [smem:$0x3F8F];
	_ =	swait.ge [sflag:s4], $0x0  }
0x19: {  	s7 =	sld [smem:$0x3F90]  }
0x1a: {  	s8 =	sadd.s32 $0xFFFFE003, lr  }
0x1b: {  	s9 =	sadd.s32 $0xFFFFFEF7, lr;
	s5 =	simm.s32 $0xFFFFFFFF;
	p2 =	slt.u32 s8, $0xFFFFF086  }
0x1c: {  	p1 =	slt.u32 s9, $0xF7A;
	s5 =	simm.s32 @!p2 $0x0  }
0x1d: {  	s5 =	simm.s32 @p1 $0x1;
	p0 =	seq.s32 s7, s2  }
0x1e: {  	s7 =	smul.u32 @!p0 $0xF7A, s2;
	p2 =	seq.s32 @!p0 s5, $0x0  }
0x1f: {  	s9 =	smul.u32 $0xF7A, s1;
	s8 =	simm.s32 @!p0 $0x1BF5;
	p2 =	por !p2, p0  }
0x20: {  	[sflag:s8] =	ssyncset.s32 @!p0 $0xFFFFF086;
	s6 =	sadd.s32 @!p0 s3, s7;
	s7 =	simm.s32 @!p0 $0x108  }
0x21: {  	s3 =	sadd.s32 s3, s9;
	s6 =	sadd.s32 @!p0 $0x88, s6;
	s7 =	simm.s32 @p2 $0x1082  }
0x22: {  	[simem:s7], [sflag:s8] =	dma.local @!p0 [hbm:s6], $0xF7A  }
0x23: {  	s9 =	sor.u32 $0xD0000000, s2;
	s6 =	simm.s32 $0x108;
	_ =	swait.ge @!p0 [sflag:s8], $0x0  }
0x24: {  	s3 =	sadd.s32 $0x88, s3;
	s6 =	simm.s32 @!p1 $0x1082;
	[sflag:s4] =	ssyncset.s32 $0xFFFFF086  }
0x25: {  	[simem:s6], [sflag:s4] =	dma.local [hbm:s3], $0xF7A  }
0x26: {  	[smem:$0x3F90] =	sst s1;
	(tag) =	ssettag s2;
	_ =	strace s9  }
0x27: {  	s1 =	sld [smem:$0x3FA0]  }
0x28: {  	s2 =	sld [smem:$0x3FA1]  }
0x29: {  	s4 =	sld [smem:$0x3FA3]  }
0x2a: {  	p0 =	seq.s32 s5, $0x0;
	s5 =	sld [smem:$0x3FA4]  }
0x2b: {  	s6 =	sld [smem:$0x3FA5]  }
0x2c: {  	s7 =	sld [smem:$0x3FA6]  }
0x2d: {  	s3 =	simm.s32 $0x108;
	s8 =	sld [smem:$0x3FA7]  }
0x2e: {  	s3 =	simm.s32 @!p0 $0x1082;
	s9 =	sld [smem:$0x3FA8]  }
0x2f: {  	lr =	sadd.s32 s0, s3;
	s0 =	sld [smem:$0x3F9F]  }
0x30: {  	s3 =	sld [smem:$0x3FA2]  }
0x31: {  	[smem:$0x3FAB] =	sst s10  }
0x32: {  	s10 =	sld [smem:$0x3FA9];
	_ =	sdelay $0x3  }
0x33: {  	p0 =	seq.s32 s10, $0x1;
	s10 =	sld [smem:$0x3FAB];
	_ =	sdelay $0x3  }
0x34: {  	[smem:$0x3FAB] =	sst s10  }
0x35: {  	s10 =	sld [smem:$0x3FAA];
	_ =	sdelay $0x3  }
0x36: {  	p1 =	seq.s32 s10, $0x1;
	s10 =	sld [smem:$0x3FAB];
	_ =	sdelay $0x3  }
0x37: {  	[smem:$0x3FAB] =	sst s10  }
0x38: {  	s10 =	sld [smem:$0x3FAC]  }
0x39: {  	_ = 	snop;
	(pc) =	sbr.ind lr, $3  }
0x3a: {  	_ = 	snop  }
0x3b: {  	_ = 	snop  }
0x3c: {  	p2 =	seq.s32 s10, $0x1;
	s10 =	sld [smem:$0x3FAB]  }
0x3d: {  	_ =	shalt  }
0x3e: {  	_ =	shalt  }
0x3f: {  	_ =	shalt  }
0x40: {  	_ =	shalt  }
0x41: {  	_ =	shalt  }
0x42: {  	_ =	shalt  }
0x43: {  	_ =	shalt  }
0x44: {  	_ =	shalt  }
0x45: {  	_ =	shalt  }
0x46: {  	_ =	shalt  }
0x47: {  	_ =	shalt  }
0x48: {  	_ =	shalt  }
0x49: {  	_ =	shalt  }
0x4a: {  	_ =	shalt  }
0x4b: {  	_ =	shalt  }
0x4c: {  	_ =	shalt  }
0x4d: {  	_ =	shalt  }
0x4e: {  	_ =	shalt  }
0x4f: {  	_ =	shalt  }
0x50: {  	_ =	shalt  }
0x51: {  	_ =	shalt  }
0x52: {  	_ =	shalt  }
0x53: {  	_ =	shalt  }
0x54: {  	_ =	shalt  }
0x55: {  	_ =	shalt  }
0x56: {  	_ =	shalt  }
0x57: {  	_ =	shalt  }
0x58: {  	_ =	shalt  }
0x59: {  	_ =	shalt  }
0x5a: {  	_ =	shalt  }
0x5b: {  	_ =	shalt  }
0x5c: {  	_ =	shalt  }
0x5d: {  	_ =	shalt  }
0x5e: {  	_ =	shalt  }
0x5f: {  	_ =	shalt  }
0x60: {  	_ =	shalt  }
0x61: {  	_ =	shalt  }
0x62: {  	_ =	shalt  }
0x63: {  	_ =	shalt  }
0x64: {  	_ =	shalt  }
0x65: {  	_ =	shalt  }
0x66: {  	_ =	shalt  }
0x67: {  	_ =	shalt  }
0x68: {  	_ =	shalt  }
0x69: {  	_ =	shalt  }
0x6a: {  	_ =	shalt  }
0x6b: {  	_ =	shalt  }
0x6c: {  	_ =	shalt  }
0x6d: {  	_ =	shalt  }
0x6e: {  	_ =	shalt  }
0x6f: {  	_ =	shalt  }
0x70: {  	_ =	shalt  }
0x71: {  	_ =	shalt  }
0x72: {  	_ =	shalt  }
0x73: {  	_ =	shalt  }
0x74: {  	_ =	shalt  }
0x75: {  	_ =	shalt  }
0x76: {  	_ =	shalt  }
0x77: {  	_ =	shalt  }
0x78: {  	_ =	shalt  }
0x79: {  	_ =	shalt  }
0x7a: {  	_ =	shalt  }
0x7b: {  	_ =	shalt  }
0x7c: {  	_ =	shalt  }
0x7d: {  	_ =	shalt  }
0x7e: {  	_ =	shalt  }
0x7f: {  	_ =	shalt  }
0x80: {  	_ =	shalt  }
0x81: {  	_ =	shalt  }
0x82: {  	_ =	shalt  }
0x83: {  	_ =	shalt  }
0x84: {  	_ =	shalt  }
0x85: {  	_ =	shalt  }
0x86: {  	_ =	shalt  }
0x87: {  	_ =	shalt  }
.Lfunc_end0:
.L_simem_size_0:
called_computation.3_lowered:
.L_overlay_start_0:
0x88: {  	s2 =	sld [smem:$0x3FD9]  }
0x89: {  	s3 =	sld [smem:$0x3FFE];
	_ =	sdelay $0x1  }
0x8a: {  	s1 =	srdreg.scid  }
0x8b: {  	s0 =	sand.u32 $0x1, s1  }
0x8c: {  	s16 =	sshll.u32 s0, $0xA;
	s2 =	sadd.s32 s3, s2  }
0x8d: {  	s2 =	sadd.s32 s2, s16  }
0x8e: {  	[smem:$0x3FB7] =	sst s2  }
0x8f: {  	_ = 	snop  }
0x90: {  	(tm) =	ssettm $0x1  }
0x91: {  	s17 =	sld [smem:$0x3FFB];
	_ =	sdelay $0x3  }
0x92: {  	_ =	strace s17  }
0x93: {  	s2 =	sld [smem:$0x3FFC];
	_ =	sdelay $0x3  }
0x94: {  	_ =	strace s2  }
0x95: {  	s2 =	sld [smem:$0x3FFD];
	_ =	sdelay $0x3  }
0x96: {  	_ =	strace s2  }
0x97: {  	_ =	strace $0x8FFFFFFF  }
0x98: {  	s18 =	sld [smem:$0x3FDB];
	_ =	sdelay $0x1  }
0x99: {  	s19 =	simm.s32 $_scs_section_size  }
0x9a: {  	s4 =	simm.s32 $_size__tile_overlayer_lowered;
	s5 =	simm.s32 $_tile_overlayer_lowered  }
0x9b: {  	s22 =	simm.s32 $0x1BFF;
	s21 =	sshll.u32 s5, $0x1;
	s2 =	sadd.s32 s19, s18  }
0x9c: {  	s6 =	simm.s32 $0x0;
	s20 =	sshll.u32 s4, $0x1;
	s4 =	sadd.s32 s21, s2  }
0x9d: {  	[timem:s6], [sflag:s22] =	dma.local [hbm:s4], s20  }
0x9e: {  	_ =	swait.ge [sflag:s22], s20  }
0x9f: {  	s3 =	ssub.s32 $0x0, s20;
	[sflag:s22] =	ssyncset.done $0x0  }
0xa0: {  	[sflag:s22] =	ssyncadd.s32 s3;
	_ =	sdelay $0x1  }
0xa1: {  	s23 =	simm.s32 $0x1B8B  }
0xa2: {  	_ =	swait.ge [sflag:s23], $0x1  }
0xa3: {  	[sflag:s23] =	ssyncset.done $0x0  }
0xa4: {  	s25 =	simm.s32 $0x1B8E;
	s24 =	sld [smem:$0x3FFE];
	[sflag:s23] =	ssyncadd.s32 $0xFFFFFFFF  }
0xa5: {  	s26 =	simm.s32 $execute0_lowered;
	[smem:$0x3FD2] =	sst s25  }
0xa6: {  	s4 =	sshll.u32 s26, $0x1;
	_ =	strace $0x8000004F;
	[dreg:$0x1] =	wrdreg $0xFFFFFFFF  }
0xa7: {  	s28 =	simm.s32 $_size_execute0_lowered;
	s2 =	sadd.s32 s2, s4;
	[dreg:$0x0] =	wrdreg $0x0  }
0xa8: {  	s4 =	sshll.u32 s28, $0x1;
	[dreg:$0x2] =	wrdreg s2  }
0xa9: {  	[dreg:$0x3] =	wrdreg s4  }
0xaa: {  	[dreg:$0x4] =	wrdreg $0xC0  }
0xab: {  	_ =	task [dreg:s6], $0x5FFFF  }
0xac: {  	[dreg:$0x1] =	wrdreg $0xFFFFFFFF  }
0xad: {  	[dreg:$0x0] =	wrdreg $0x60  }
0xae: {  	[dreg:$0x2] =	wrdreg s24  }
0xaf: {  	[dreg:$0x3] =	wrdreg $0xB8000  }
0xb0: {  	[dreg:$0x4] =	wrdreg $0x9  }
0xb1: {  	_ =	task.clear_ibuf [dreg:s6], $0x5FFFF;
	_ =	strace $0x9000004F  }
0xb2: {  	s29 =	simm.s32 $0x9;
	_ =	strace $0x80000051  }
0xb3: {  	_ =	swait.ge [sflag:s29], $0x1  }
0xb4: {  	[sflag:s29] =	ssyncadd.s32 $0xFFFFFFFF  }
0xb5: {  	_ =	strace $0x90000051  }
0xb6: {  	_ =	sfence  }
0xb7: {  	s30 =	sld [smem:$0x0];
	_ =	sdelay $0x2  }
0xb8: {  	s31 =	sshll.u32 s1, $0xD;
	s1 =	sshrl.u32 s1, $0x2  }
0xb9: {  	s3 =	sand.u32 $0x4000, s31;
	s1 =	sadd.s32 s1, s30  }
0xba: {  	s0 =	sor.u32 s3, s0;
	s1 =	sshll.u32 s1, $0x11  }
0xbb: {  	s0 =	sor.u32 s1, s0  }
0xbc: {  	s0 =	sadd.s32 $0x8F2B, s0  }
0xbd: {  	[sflag:s0] =	ssyncadd.remote.s32 $0x1  }
0xbe: {  	_ =	sfence.sel $0xFFFF  }
0xbf: {  	[dreg:$0x0] =	wrdreg $0xFFFFFFFF;
	(pc) =	sbr.abs _section_cstart, $3  }
0xc0: {  	[dreg:$0x1] =	wrdreg $0xFFFFFFFF  }
0xc1: {  	_ =	task.clear_ibuf [dreg:s6], $0x2FFFF;
	_ =	strace $0x9FFFFFFF  }
0xc2: {  	(tm) =	ssettm $0x7FFFFFFF  }
0xc3: {  	_ =	shalt  }
tec
execute0_lowered:
.L_overlay_start_1:
0x0: {  	(tag) =	ssettag $0x1  }
0x1: {  	s0 =	rddreg [dreg:$0x0]  }
0x2: {  	s1 =	rddreg [dreg:$0x1];
	s2 =	srdreg.scid;
	s3 =	simm.s32 $0x0  }
0x3: {  	s8 =	stileid.u32;
	s30 =	simm.s32 $0xA800;
	s31 =	simm.s32 $0x3  }
0x4: {  	s9 =	simm.s32 $0x0;
	s2 =	sand.u32 $0x1, s2;
	s7 =	smul.u32 $0x14000, s8  }
0x5: {  	[smem:$0x7FF] =	sst s3;
	s16 =	smul.u32 $0x50000, s8;
	s4 =	sshll.u32 s2, $0x4  }
0x6: {  	s5 =	smul.u32 $0x140000, s2;
	_ =	strace $0x80000050;
	s2 =	ssub.s32 $0x2, s2  }
0x7: {  	s6 =	sor.u32 s8, s4;
	s4 =	sadd.s32 $0xE600, s0;
	s17 =	sshrl.u32 s2, $0x1  }
0x8: {  	s18 =	sshrl.u32 s16, $0x2;
	s8 =	simm.s32 $0x2;
	s6 =	smul.u32 $0x280, s6  }
0x9: {  	s5 =	sadd.s32 s7, s5;
	s2 =	ssub.s32 s2, s17;
	s11 =	sadd.s32 s18, s1  }
0xa: {  	s7 =	simm.s32 $0x1;
	s5 =	sshrl.u32 s5, $0x3;
	s2 =	smax.u32 s2, $0x1  }
0xb: {  	s21 =	sadd.s32 $0x1000, s11;
	s22 =	sadd.s32 $0x2000, s11;
	[dreg:$0x5] =	wrdreg s2  }
0xc: {  	s23 =	sadd.s32 $0x3000, s11;
	s24 =	sadd.s32 $0x4000, s11;
	[dreg:$0x6] =	wrdreg s21  }
0xd: {  	s25 =	sadd.s32 $0x5000, s11;
	s26 =	sadd.s32 $0x6000, s11;
	[dreg:$0x7] =	wrdreg s22  }
0xe: {  	s15 =	sadd.s32 $0x7000, s11;
	s16 =	sadd.s32 $0x8000, s11;
	[dreg:$0x8] =	wrdreg s23  }
0xf: {  	s17 =	sadd.s32 $0x9000, s11;
	s18 =	sadd.s32 $0xA000, s11;
	[dreg:$0x9] =	wrdreg s24  }
0x10: {  	s28 =	sadd.s32 $0x12000, s11;
	s29 =	sadd.s32 $0x13000, s11;
	[dreg:$0xa] =	wrdreg s25  }
0x11: {  	s6 =	sadd.s32 s6, s0;
	s0 =	sadd.s32 s5, s0;
	[dreg:$0xb] =	wrdreg s26  }
0x12: {  	s21 =	sadd.s32 $0xD000, s11;
	s22 =	sadd.s32 $0xE000, s11;
	s23 =	sadd.s32 $0xF000, s11  }
0x13: {  	s24 =	sadd.s32 $0x10000, s11;
	s26 =	sadd.s32 $0x11000, s11;
	s2 =	simm.s32 $0x80  }
0x14: {  	s19 =	sadd.s32 $0x4600, s6;
	s20 =	sadd.s32 $0x9600, s6;
	s25 =	sadd.s32 $0x86600, s0  }
0x15: {  	s0 =	simm.s32 $0x2800;
	s6 =	simm.s32 $0x6800;
	[dreg:$0x3] =	wrdreg s19  }
0x16: {  	v0 =	vimm.f32 $0.0e+00;
	[dreg:$0x4] =	wrdreg s20;
	s19 =	sadd.s32 $0xB000, s11;
	s20 =	sadd.s32 $0xC000, s11  }
.LBB2_1:
0x17: {  	s10 =	simm.s32 $0x0;
	s5 =	simm.s32 $0x200  }
.LBB2_2:
0x18: {  	p0 =	sne.s32 s5, $0x3E00;
	[tilespmem:s10+$0xA870] =	vst v0  }
0x19: {  	[tilespmem:s10+$0xA800] =	vst v0  }
0x1a: {  	[tilespmem:s10+$0xA810] =	vst v0  }
.Ltmp0:
0x1b: {  	[tilespmem:s10+$0xA820] =	vst v0;
	(pc) =	sbr.rel @p0 .LBB2_2-.Ltmp0, $4  }
0x1c: {  	[tilespmem:s10+$0xA830] =	vst v0  }
0x1d: {  	[tilespmem:s10+$0xA840] =	vst v0  }
0x1e: {  	[tilespmem:s10+$0xA850] =	vst v0  }
0x1f: {  	[tilespmem:s10+$0xA860] =	vst v0;
	s10 =	sshra.s32 s5, $0x2;
	s5 =	sadd.s32 $0x200, s5  }
0x20: {  	[tilespmem:s10+$0xA870] =	vst v0  }
0x21: {  	[tilespmem:s10+$0xA800] =	vst v0  }
0x22: {  	[tilespmem:s10+$0xA810] =	vst v0  }
0x23: {  	[tilespmem:s10+$0xA820] =	vst v0  }
0x24: {  	[tilespmem:s10+$0xA830] =	vst v0  }
0x25: {  	[tilespmem:s10+$0xA840] =	vst v0  }
0x26: {  	[tilespmem:s10+$0xA850] =	vst v0  }
0x27: {  	[tilespmem:s10+$0xA860] =	vst v0  }
0x28: {  	[spmem:s11] =	stream.linear.scatter [tilespmem:s30], [sflag:$0x3], $0x1000, $0x38;
	[tilespmem:$0x1F800] =	vst v63  }
0x29: {  	_ =	swait.ge [sflag:s31], $0x1000  }
0x2a: {  	[sflag:s31] =	ssyncset.done $0x0  }
0x2b: {  	s5 =	rddreg [dreg:$0x6];
	[sflag:s31] =	ssyncadd.s32 $0xFFFFF000  }
0x2c: {  	[spmem:s5] =	stream.linear.scatter [tilespmem:s30], [sflag:$0x3], $0x1000, $0x38;
	[tilespmem:$0x1F800] =	vst v63  }
0x2d: {  	_ =	swait.ge [sflag:s31], $0x1000  }
0x2e: {  	[sflag:s31] =	ssyncset.done $0x0  }
0x2f: {  	s12 =	rddreg [dreg:$0x7];
	[sflag:s31] =	ssyncadd.s32 $0xFFFFF000  }
0x30: {  	[spmem:s12] =	stream.linear.scatter [tilespmem:s30], [sflag:$0x3], $0x1000, $0x38;
	[tilespmem:$0x1F800] =	vst v63  }
0x31: {  	_ =	swait.ge [sflag:s31], $0x1000  }
0x32: {  	[sflag:s31] =	ssyncset.done $0x0  }
0x33: {  	s13 =	rddreg [dreg:$0x8];
	[sflag:s31] =	ssyncadd.s32 $0xFFFFF000  }
0x34: {  	[spmem:s13] =	stream.linear.scatter [tilespmem:s30], [sflag:$0x3], $0x1000, $0x38;
	[tilespmem:$0x1F800] =	vst v63  }
0x35: {  	_ =	swait.ge [sflag:s31], $0x1000  }
0x36: {  	[sflag:s31] =	ssyncset.done $0x0  }
0x37: {  	s14 =	rddreg [dreg:$0x9];
	[sflag:s31] =	ssyncadd.s32 $0xFFFFF000  }
0x38: {  	[spmem:s14] =	stream.linear.scatter [tilespmem:s30], [sflag:$0x3], $0x1000, $0x38;
	[tilespmem:$0x1F800] =	vst v63  }
0x39: {  	_ =	swait.ge [sflag:s31], $0x1000  }
0x3a: {  	[sflag:s31] =	ssyncset.done $0x0  }
0x3b: {  	s10 =	rddreg [dreg:$0xa];
	[sflag:s31] =	ssyncadd.s32 $0xFFFFF000  }
0x3c: {  	[spmem:s10] =	stream.linear.scatter [tilespmem:s30], [sflag:$0x3], $0x1000, $0x38;
	[tilespmem:$0x1F800] =	vst v63  }
0x3d: {  	_ =	swait.ge [sflag:s31], $0x1000  }
0x3e: {  	[sflag:s31] =	ssyncset.done $0x0  }
0x3f: {  	s12 =	rddreg [dreg:$0xb];
	[sflag:s31] =	ssyncadd.s32 $0xFFFFF000  }
0x40: {  	[spmem:s12] =	stream.linear.scatter [tilespmem:s30], [sflag:$0x3], $0x1000, $0x38;
	[tilespmem:$0x1F800] =	vst v63  }
0x41: {  	_ =	swait.ge [sflag:s31], $0x1000  }
0x42: {  	[sflag:s31] =	ssyncset.done $0x0  }
0x43: {  	[sflag:s31] =	ssyncadd.s32 $0xFFFFF000  }
0x44: {  	[spmem:s15] =	stream.linear.scatter [tilespmem:s30], [sflag:$0x3], $0x1000, $0x38;
	[tilespmem:$0x1F800] =	vst v63  }
0x45: {  	_ =	swait.ge [sflag:s31], $0x1000  }
0x46: {  	[sflag:s31] =	ssyncset.done $0x0  }
0x47: {  	[sflag:s31] =	ssyncadd.s32 $0xFFFFF000  }
0x48: {  	[spmem:s16] =	stream.linear.scatter [tilespmem:s30], [sflag:$0x3], $0x1000, $0x38;
	[tilespmem:$0x1F800] =	vst v63  }
0x49: {  	_ =	swait.ge [sflag:s31], $0x1000  }
0x4a: {  	[sflag:s31] =	ssyncset.done $0x0  }
0x4b: {  	[sflag:s31] =	ssyncadd.s32 $0xFFFFF000  }
0x4c: {  	[spmem:s17] =	stream.linear.scatter [tilespmem:s30], [sflag:$0x3], $0x1000, $0x38;
	[tilespmem:$0x1F800] =	vst v63  }
0x4d: {  	_ =	swait.ge [sflag:s31], $0x1000  }
0x4e: {  	[sflag:s31] =	ssyncset.done $0x0  }
0x4f: {  	[sflag:s31] =	ssyncadd.s32 $0xFFFFF000  }
0x50: {  	[spmem:s18] =	stream.linear.scatter [tilespmem:s30], [sflag:$0x3], $0x1000, $0x38;
	[tilespmem:$0x1F800] =	vst v63  }
0x51: {  	_ =	swait.ge [sflag:s31], $0x1000  }
0x52: {  	[sflag:s31] =	ssyncset.done $0x0  }
0x53: {  	[sflag:s31] =	ssyncadd.s32 $0xFFFFF000  }
0x54: {  	[spmem:s19] =	stream.linear.scatter [tilespmem:s30], [sflag:$0x3], $0x1000, $0x38;
	[tilespmem:$0x1F800] =	vst v63  }
0x55: {  	_ =	swait.ge [sflag:s31], $0x1000  }
0x56: {  	[sflag:s31] =	ssyncset.done $0x0  }
0x57: {  	[sflag:s31] =	ssyncadd.s32 $0xFFFFF000  }
0x58: {  	[spmem:s20] =	stream.linear.scatter [tilespmem:s30], [sflag:$0x3], $0x1000, $0x38;
	[tilespmem:$0x1F800] =	vst v63  }
0x59: {  	_ =	swait.ge [sflag:s31], $0x1000  }
0x5a: {  	[sflag:s31] =	ssyncset.done $0x0  }
0x5b: {  	[sflag:s31] =	ssyncadd.s32 $0xFFFFF000  }
0x5c: {  	[spmem:s21] =	stream.linear.scatter [tilespmem:s30], [sflag:$0x3], $0x1000, $0x38;
	[tilespmem:$0x1F800] =	vst v63  }
0x5d: {  	_ =	swait.ge [sflag:s31], $0x1000  }
0x5e: {  	[sflag:s31] =	ssyncset.done $0x0  }
0x5f: {  	[sflag:s31] =	ssyncadd.s32 $0xFFFFF000  }
0x60: {  	[spmem:s22] =	stream.linear.scatter [tilespmem:s30], [sflag:$0x3], $0x1000, $0x38;
	[tilespmem:$0x1F800] =	vst v63  }
0x61: {  	_ =	swait.ge [sflag:s31], $0x1000  }
0x62: {  	[sflag:s31] =	ssyncset.done $0x0  }
0x63: {  	[sflag:s31] =	ssyncadd.s32 $0xFFFFF000  }
0x64: {  	[spmem:s23] =	stream.linear.scatter [tilespmem:s30], [sflag:$0x3], $0x1000, $0x38;
	[tilespmem:$0x1F800] =	vst v63  }
0x65: {  	_ =	swait.ge [sflag:s31], $0x1000  }
0x66: {  	[sflag:s31] =	ssyncset.done $0x0  }
0x67: {  	[sflag:s31] =	ssyncadd.s32 $0xFFFFF000  }
0x68: {  	[spmem:s24] =	stream.linear.scatter [tilespmem:s30], [sflag:$0x3], $0x1000, $0x38;
	[tilespmem:$0x1F800] =	vst v63  }
0x69: {  	_ =	swait.ge [sflag:s31], $0x1000  }
0x6a: {  	[sflag:s31] =	ssyncset.done $0x0  }
0x6b: {  	[sflag:s31] =	ssyncadd.s32 $0xFFFFF000  }
0x6c: {  	[spmem:s26] =	stream.linear.scatter [tilespmem:s30], [sflag:$0x3], $0x1000, $0x38;
	[tilespmem:$0x1F800] =	vst v63  }
0x6d: {  	_ =	swait.ge [sflag:s31], $0x1000  }
0x6e: {  	[sflag:s31] =	ssyncset.done $0x0  }
0x6f: {  	[sflag:s31] =	ssyncadd.s32 $0xFFFFF000  }
0x70: {  	[spmem:s28] =	stream.linear.scatter [tilespmem:s30], [sflag:$0x3], $0x1000, $0x38;
	[tilespmem:$0x1F800] =	vst v63  }
0x71: {  	_ =	swait.ge [sflag:s31], $0x1000  }
0x72: {  	[sflag:s31] =	ssyncset.done $0x0  }
0x73: {  	[sflag:s31] =	ssyncadd.s32 $0xFFFFF000  }
0x74: {  	[spmem:s29] =	stream.linear.scatter [tilespmem:s30], [sflag:$0x3], $0x1000, $0x38;
	[tilespmem:$0x1F800] =	vst v63  }
0x75: {  	_ =	swait.ge [sflag:s31], $0x1000  }
0x76: {  	[sflag:s31] =	ssyncset.done $0x0  }
0x77: {  	[sflag:s31] =	ssyncadd.s32 $0xFFFFF000  }
0x78: {  	[bflag:$0x0] =	sbarrier.arrive $0xFFFF  }
0x79: {  	s5 =	simm.s32 $0x0;
	s13 =	rddreg [dreg:$0x3]  }
0x7a: {  	[tilespmem:s5], [sflag:$0x3] =	stream.linear.gather [hbm4b:s13+s5], $0x1400, $0x38;
	[tilespmem:$0x1F800] =	vst v63  }
0x7b: {  	_ =	swait.ge [sflag:s31], $0x1400  }
0x7c: {  	[sflag:s31] =	ssyncset.done $0x0  }
0x7d: {  	s12 =	simm.s32 $0x1400;
	s14 =	rddreg [dreg:$0x4];
	[sflag:s31] =	ssyncadd.s32 $0xFFFFEC00  }
0x7e: {  	[tilespmem:s12], [sflag:$0x3] =	stream.linear.gather [hbm4b:s14+s5], $0x1400, $0x38;
	[tilespmem:$0x1F800] =	vst v63  }
0x7f: {  	_ =	swait.ge [sflag:s31], $0x1400  }
0x80: {  	[sflag:s31] =	ssyncset.done $0x0  }
0x81: {  	[sflag:s31] =	ssyncadd.s32 $0xFFFFEC00  }
0x82: {  	[tilespmem:s0], [sflag:$0x1] =	stream.indirect.gather [hbm4b:s4+s2], $0x80, s5, s2, $0xb8;
	[tilespmem:$0x1F800] =	vst v63  }
0x83: {  	s10 =	simm.s32 $0x80  }
0x84: {  	[tilespmem:s6], [sflag:$0x2] =	stream.indirect.gather [hbm4b:s4+s2], $0x80, s10, s2, $0xb8;
	[tilespmem:$0x1F800] =	vst v63  }
0x85: {  	_ =	swait.ge [sflag:s7], $0x4000  }
0x86: {  	[sflag:s7] =	ssyncset.done $0x0  }
0x87: {  	s12 =	simm.s32 $0x1400;
	[sflag:s7] =	ssyncadd.s32 $0xFFFFC000  }
0x88: {  	[spmem:s1] =	stream.indirect.scatter.add.f32 [tilespmem:s0], [sflag:$0x3], $0x80, s12, s2, $0xb8;
	[tilespmem:$0x1F800] =	vst v63  }
0x89: {  	_ =	swait.ge [sflag:s31], $0x4000  }
0x8a: {  	[sflag:s31] =	ssyncset.done $0x0  }
0x8b: {  	s13 =	simm.s32 $0x100;
	[sflag:s31] =	ssyncadd.s32 $0xFFFFC000  }
0x8c: {  	[tilespmem:s0], [sflag:$0x1] =	stream.indirect.gather [hbm4b:s4+s2], $0x80, s13, s2, $0xb8;
	[tilespmem:$0x1F800] =	vst v63  }
0x8d: {  	_ =	swait.ge [sflag:s8], $0x4000  }
0x8e: {  	[sflag:s8] =	ssyncset.done $0x0  }
0x8f: {  	s14 =	simm.s32 $0x1480;
	[sflag:s8] =	ssyncadd.s32 $0xFFFFC000  }
0x90: {  	[spmem:s1] =	stream.indirect.scatter.add.f32 [tilespmem:s6], [sflag:$0x3], $0x80, s14, s2, $0xb8;
	[tilespmem:$0x1F800] =	vst v63  }
0x91: {  	_ =	swait.ge [sflag:s31], $0x4000  }
0x92: {  	s5 =	simm.s32 $0x800;
	s10 =	simm.s32 $0x100;
	[sflag:s31] =	ssyncset.done $0x0  }
.LBB2_4:
0x93: {  	s12 =	sadd.s32 $0x80, s10  }
0x94: {  	[sflag:s31] =	ssyncadd.s32 $0xFFFFC000;
	s13 =	smov.u32 s5;
	s14 =	sadd.s32 $0x400, s5  }
0x95: {  	[tilespmem:s6], [sflag:$0x2] =	stream.indirect.gather [hbm4b:s4+s2], $0x80, s12, s2, $0xb8;
	[tilespmem:$0x1F800] =	vst v63  }
0x96: {  	p0 =	sne.s32 s5, $0x4800;
	_ =	swait.ge [sflag:s7], $0x4000  }
0x97: {  	[sflag:s7] =	ssyncset.done $0x0  }
0x98: {  	s5 =	sadd.s32 $0x1400, s10;
	[sflag:s7] =	ssyncadd.s32 $0xFFFFC000  }
0x99: {  	[spmem:s1] =	stream.indirect.scatter.add.f32 [tilespmem:s0], [sflag:$0x3], $0x80, s5, s2, $0xb8;
	[tilespmem:$0x1F800] =	vst v63  }
0x9a: {  	_ =	swait.ge [sflag:s31], $0x4000  }
0x9b: {  	[sflag:s31] =	ssyncset.done $0x0  }
0x9c: {  	s5 =	sadd.s32 $0x100, s10;
	[sflag:s31] =	ssyncadd.s32 $0xFFFFC000  }
0x9d: {  	[tilespmem:s0], [sflag:$0x1] =	stream.indirect.gather [hbm4b:s4+s2], $0x80, s5, s2, $0xb8;
	[tilespmem:$0x1F800] =	vst v63  }
0x9e: {  	_ =	swait.ge [sflag:s8], $0x4000  }
.Ltmp1:
0x9f: {  	[sflag:s8] =	ssyncset.done $0x0;
	(pc) =	sbr.rel @p0 .LBB2_4-.Ltmp1, $4  }
0xa0: {  	s5 =	sadd.s32 $0x1480, s10;
	[sflag:s8] =	ssyncadd.s32 $0xFFFFC000  }
0xa1: {  	[spmem:s1] =	stream.indirect.scatter.add.f32 [tilespmem:s6], [sflag:$0x3], $0x80, s5, s2, $0xb8;
	[tilespmem:$0x1F800] =	vst v63  }
0xa2: {  	_ =	swait.ge [sflag:s31], $0x4000  }
0xa3: {  	s10 =	sshra.s32 s13, $0x2;
	s5 =	smov.u32 s14;
	[sflag:s31] =	ssyncset.done $0x0  }
0xa4: {  	s5 =	sadd.s32 $0x80, s10;
	[sflag:s31] =	ssyncadd.s32 $0xFFFFC000  }
0xa5: {  	[tilespmem:s6], [sflag:$0x2] =	stream.indirect.gather [hbm4b:s4+s2], $0x80, s5, s2, $0xb8;
	[tilespmem:$0x1F800] =	vst v63  }
0xa6: {  	_ =	swait.ge [sflag:s7], $0x4000  }
0xa7: {  	[sflag:s7] =	ssyncset.done $0x0  }
0xa8: {  	s12 =	sadd.s32 $0x1400, s10;
	[sflag:s7] =	ssyncadd.s32 $0xFFFFC000  }
0xa9: {  	[spmem:s1] =	stream.indirect.scatter.add.f32 [tilespmem:s0], [sflag:$0x3], $0x80, s12, s2, $0xb8;
	[tilespmem:$0x1F800] =	vst v63  }
0xaa: {  	_ =	swait.ge [sflag:s31], $0x4000  }
0xab: {  	[sflag:s31] =	ssyncset.done $0x0  }
0xac: {  	s13 =	sadd.s32 $0x100, s10;
	[sflag:s31] =	ssyncadd.s32 $0xFFFFC000  }
0xad: {  	[tilespmem:s0], [sflag:$0x1] =	stream.indirect.gather [hbm4b:s4+s2], $0x80, s13, s2, $0xb8;
	[tilespmem:$0x1F800] =	vst v63  }
0xae: {  	_ =	swait.ge [sflag:s8], $0x4000  }
0xaf: {  	[sflag:s8] =	ssyncset.done $0x0  }
0xb0: {  	s14 =	sadd.s32 $0x1480, s10;
	[sflag:s8] =	ssyncadd.s32 $0xFFFFC000  }
0xb1: {  	[spmem:s1] =	stream.indirect.scatter.add.f32 [tilespmem:s6], [sflag:$0x3], $0x80, s14, s2, $0xb8;
	[tilespmem:$0x1F800] =	vst v63  }
0xb2: {  	_ =	swait.ge [sflag:s31], $0x4000  }
0xb3: {  	[sflag:s31] =	ssyncset.done $0x0  }
0xb4: {  	s10 =	simm.s32 $0x1380;
	[sflag:s31] =	ssyncadd.s32 $0xFFFFC000  }
0xb5: {  	[tilespmem:s6], [sflag:$0x2] =	stream.indirect.gather [hbm4b:s4+s2], $0x80, s10, s2, $0xb8;
	[tilespmem:$0x1F800] =	vst v63  }
0xb6: {  	_ =	swait.ge [sflag:s7], $0x4000  }
0xb7: {  	[sflag:s7] =	ssyncset.done $0x0  }
0xb8: {  	s12 =	simm.s32 $0x2700;
	[sflag:s7] =	ssyncadd.s32 $0xFFFFC000  }
0xb9: {  	[spmem:s1] =	stream.indirect.scatter.add.f32 [tilespmem:s0], [sflag:$0x3], $0x80, s12, s2, $0xb8;
	[tilespmem:$0x1F800] =	vst v63  }
0xba: {  	_ =	swait.ge [sflag:s31], $0x4000  }
0xbb: {  	[sflag:s31] =	ssyncset.done $0x0  }
0xbc: {  	[sflag:s31] =	ssyncadd.s32 $0xFFFFC000  }
0xbd: {  	_ =	swait.ge [sflag:s8], $0x4000  }
0xbe: {  	[sflag:s8] =	ssyncset.done $0x0  }
0xbf: {  	s13 =	simm.s32 $0x2780;
	[sflag:s8] =	ssyncadd.s32 $0xFFFFC000  }
0xc0: {  	[spmem:s1] =	stream.indirect.scatter.add.f32 [tilespmem:s6], [sflag:$0x3], $0x80, s13, s2, $0xb8;
	[tilespmem:$0x1F800] =	vst v63  }
0xc1: {  	_ =	swait.ge [sflag:s31], $0x4000  }
0xc2: {  	[sflag:s31] =	ssyncset.done $0x0  }
0xc3: {  	[sflag:s31] =	ssyncadd.s32 $0xFFFFC000  }
0xc4: {  	[bflag:$0x0] =	sbarrier.arrive $0xFFFF  }
0xc5: {  	[tilespmem:s30], [sflag:$0x3] =	stream.linear.gather [spmem:s11], $0x1000, $0x38;
	[tilespmem:$0x1F800] =	vst v63  }
0xc6: {  	_ =	swait.ge [sflag:s31], $0x1000  }
0xc7: {  	[sflag:s31] =	ssyncset.done $0x0  }
0xc8: {  	s14 =	sadd.s32 $0x0, s25;
	[sflag:s31] =	ssyncadd.s32 $0xFFFFF000  }
0xc9: {  	[hbm4b:s14+s3] =	stream.linear.scatter [tilespmem:s30], [sflag:$0x3], $0x1000, $0x38;
	[tilespmem:$0x1F800] =	vst v63  }
0xca: {  	_ =	swait.ge [sflag:s31], $0x1000  }
0xcb: {  	s5 =	smov.u32 s11;
	s10 =	simm.s32 $0x200;
	[sflag:s31] =	ssyncset.done $0x0  }
.LBB2_6:
0xcc: {  	p0 =	sne.s32 s10, $0x2600;
	[sflag:s31] =	ssyncadd.s32 $0xFFFFF000;
	s5 =	sadd.s32 $0x1000, s5  }
0xcd: {  	[tilespmem:s30], [sflag:$0x3] =	stream.linear.gather [spmem:s5], $0x1000, $0x38;
	[tilespmem:$0x1F800] =	vst v63  }
0xce: {  	s12 =	smov.u32 s10;
	s10 =	sadd.s32 $0x200, s10;
	_ =	swait.ge [sflag:s31], $0x1000  }
.Ltmp2:
0xcf: {  	[sflag:s31] =	ssyncset.done $0x0;
	(pc) =	sbr.rel @p0 .LBB2_6-.Ltmp2, $4  }
0xd0: {  	s12 =	sadd.s32 s12, s25;
	[sflag:s31] =	ssyncadd.s32 $0xFFFFF000  }
0xd1: {  	[hbm4b:s12+s3] =	stream.linear.scatter [tilespmem:s30], [sflag:$0x3], $0x1000, $0x38;
	[tilespmem:$0x1F800] =	vst v63  }
0xd2: {  	_ =	swait.ge [sflag:s31], $0x1000  }
0xd3: {  	[sflag:s31] =	ssyncset.done $0x0  }
0xd4: {  	s9 =	sadd.s32 $0x1, s9;
	s5 =	rddreg [dreg:$0x5]  }
0xd5: {  	p0 =	sne.s32 s9, s5  }
.Ltmp3:
0xd6: {  	_ = 	snop;
	(pc) =	sbr.rel @p0 .LBB2_1-.Ltmp3, $2  }
0xd7: {  	_ =	sdelay $0x2  }
0xd8: {  	[sflag:s31] =	ssyncadd.s32 $0xFFFFF000  }
0xd9: {  	_ =	sfence.sel $0x180000  }
0xda: {  	[bflag:$0x0] =	sbarrier.arrive $0xFFFF  }
0xdb: {  	_ =	strace $0x90000050  }
0xdc: {  	s0 =	stileid.u32;
	[bflag:$0x2] =	sbarrier.arrive $0xFFFF  }
0xdd: {  	p0 =	sne.s32 s0, $0x0;
	s0 =	rddreg [dreg:$0x2]  }
0xde: {  	s0 =	sadd.s32 @!p0 $0x100000, s0  }
0xdf: {  	[sflag:s0] =	ssyncadd.tile.s32 @!p0 $0x1;
	_ =	shalt  }
.Lfunc_end2:
_tile_overlayer_lowered:
.L_overlay_start_2:
0xe0: {  	(tag) =	ssettag $0x2  }
0xe1: {  	s0 =	rddreg [dreg:$0x0];
	s2 =	stileid.u32  }
0xe2: {  	s1 =	rddreg [dreg:$0x1];
	p0 =	sne.s32 s2, $0x0  }
0xe3: {  	s3 =	rddreg [dreg:$0x2];
	[bflag:$0x3] =	sbarrier.arrive $0xFFFF;
	s2 =	simm.s32 @!p0 $0x1C03  }
0xe4: {  	[timem:s3], [sflag:s2] =	dma.local @!p0 [hbm:s0], s1  }
0xe5: {  	s0 =	simm.s32 @!p0 $0x3  }
0xe6: {  	_ =	swait.ge @!p0 [sflag:s0], s1  }
0xe7: {  	s1 =	ssub.s32 @!p0 $0x0, s1;
	[sflag:s0] =	ssyncset.done @!p0 $0x0  }
0xe8: {  	[sflag:s0] =	ssyncadd.s32 @!p0 s1  }
0xe9: {  	[bflag:$0x3] =	sbarrier.arrive $0xFFFF  }
0xea: {  	_ =	shalt  }

// kernel: kernel.33.cloned.1.call-start
scs
__scs_entry_jumppad:
0x0: {  	(pc) =	sbr.rel $0x88, $3  }
0x1: {  	(tag) =	ssettag $0x0;
	lr =	simm.s32 $0x1  }
0x2: {  	[smem:$0x3F90] =	sst lr;
	_ =	strace $0xD0000000  }
0x3: {  	_ = 	snop  }
0x4: {  	_ = 	snop  }
0x5: {  	_ = 	snop  }
0x6: {  	_ = 	snop  }
0x7: {  	_ = 	snop  }
__scs_overlays_trampoline_lowered:
0x8: {  	[smem:$0x3F9F] =	sst s0  }
0x9: {  	[smem:$0x3FA0] =	sst s1  }
0xa: {  	[smem:$0x3FA1] =	sst s2  }
0xb: {  	[smem:$0x3FA2] =	sst s3  }
0xc: {  	[smem:$0x3FA3] =	sst s4  }
0xd: {  	[smem:$0x3FA4] =	sst s5  }
0xe: {  	[smem:$0x3FA5] =	sst s6  }
0xf: {  	[smem:$0x3FA6] =	sst s7  }
0x10: {  	[smem:$0x3FA7] =	sst s8  }
0x11: {  	[smem:$0x3FA8] =	sst s9;
	s0 =	simm.s32 @!p0 $0x0  }
0x12: {  	s1 =	sld [smem:$0x3F8E];
	s0 =	simm.s32 @p0 $0x1  }
0x13: {  	[smem:$0x3FA9] =	sst s0;
	s0 =	simm.s32 @!p1 $0x0  }
0x14: {  	s2 =	sld [smem:$0x3F8D];
	s0 =	simm.s32 @p1 $0x1  }
0x15: {  	[smem:$0x3FAA] =	sst s0;
	s0 =	simm.s32 @!p2 $0x0  }
0x16: {  	s3 =	sld [smem:$0x3FDB];
	s0 =	simm.s32 @p2 $0x1  }
0x17: {  	s4 =	simm.s32 $0x1BF5;
	[smem:$0x3FAC] =	sst s0  }
0x18: {  	s0 =	sld [smem:$0x3F8F];
	_ =	swait.ge [sflag:s4], $0x0  }
0x19: {  	s7 =	sld [smem:$0x3F90]  }
0x1a: {  	s8 =	sadd.s32 $0xFFFFE003, lr  }
0x1b: {  	s9 =	sadd.s32 $0xFFFFFEF7, lr;
	s5 =	simm.s32 $0xFFFFFFFF;
	p2 =	slt.u32 s8, $0xFFFFF086  }
0x1c: {  	p1 =	slt.u32 s9, $0xF7A;
	s5 =	simm.s32 @!p2 $0x0  }
0x1d: {  	s5 =	simm.s32 @p1 $0x1;
	p0 =	seq.s32 s7, s2  }
0x1e: {  	s7 =	smul.u32 @!p0 $0xF7A, s2;
	p2 =	seq.s32 @!p0 s5, $0x0  }
0x1f: {  	s9 =	smul.u32 $0xF7A, s1;
	s8 =	simm.s32 @!p0 $0x1BF5;
	p2 =	por !p2, p0  }
0x20: {  	[sflag:s8] =	ssyncset.s32 @!p0 $0xFFFFF086;
	s6 =	sadd.s32 @!p0 s3, s7;
	s7 =	simm.s32 @!p0 $0x108  }
0x21: {  	s3 =	sadd.s32 s3, s9;
	s6 =	sadd.s32 @!p0 $0x88, s6;
	s7 =	simm.s32 @p2 $0x1082  }
0x22: {  	[simem:s7], [sflag:s8] =	dma.local @!p0 [hbm:s6], $0xF7A  }
0x23: {  	s9 =	sor.u32 $0xD0000000, s2;
	s6 =	simm.s32 $0x108;
	_ =	swait.ge @!p0 [sflag:s8], $0x0  }
0x24: {  	s3 =	sadd.s32 $0x88, s3;
	s6 =	simm.s32 @!p1 $0x1082;
	[sflag:s4] =	ssyncset.s32 $0xFFFFF086  }
0x25: {  	[simem:s6], [sflag:s4] =	dma.local [hbm:s3], $0xF7A  }
0x26: {  	[smem:$0x3F90] =	sst s1;
	(tag) =	ssettag s2;
	_ =	strace s9  }
0x27: {  	s1 =	sld [smem:$0x3FA0]  }
0x28: {  	s2 =	sld [smem:$0x3FA1]  }
0x29: {  	s4 =	sld [smem:$0x3FA3]  }
0x2a: {  	p0 =	seq.s32 s5, $0x0;
	s5 =	sld [smem:$0x3FA4]  }
0x2b: {  	s6 =	sld [smem:$0x3FA5]  }
0x2c: {  	s7 =	sld [smem:$0x3FA6]  }
0x2d: {  	s3 =	simm.s32 $0x108;
	s8 =	sld [smem:$0x3FA7]  }
0x2e: {  	s3 =	simm.s32 @!p0 $0x1082;
	s9 =	sld [smem:$0x3FA8]  }
0x2f: {  	lr =	sadd.s32 s0, s3;
	s0 =	sld [smem:$0x3F9F]  }
0x30: {  	s3 =	sld [smem:$0x3FA2]  }
0x31: {  	[smem:$0x3FAB] =	sst s10  }
0x32: {  	s10 =	sld [smem:$0x3FA9];
	_ =	sdelay $0x3  }
0x33: {  	p0 =	seq.s32 s10, $0x1;
	s10 =	sld [smem:$0x3FAB];
	_ =	sdelay $0x3  }
0x34: {  	[smem:$0x3FAB] =	sst s10  }
0x35: {  	s10 =	sld [smem:$0x3FAA];
	_ =	sdelay $0x3  }
0x36: {  	p1 =	seq.s32 s10, $0x1;
	s10 =	sld [smem:$0x3FAB];
	_ =	sdelay $0x3  }
0x37: {  	[smem:$0x3FAB] =	sst s10  }
0x38: {  	s10 =	sld [smem:$0x3FAC]  }
0x39: {  	_ = 	snop;
	(pc) =	sbr.ind lr, $3  }
0x3a: {  	_ = 	snop  }
0x3b: {  	_ = 	snop  }
0x3c: {  	p2 =	seq.s32 s10, $0x1;
	s10 =	sld [smem:$0x3FAB]  }
0x3d: {  	_ =	shalt  }
0x3e: {  	_ =	shalt  }
0x3f: {  	_ =	shalt  }
0x40: {  	_ =	shalt  }
0x41: {  	_ =	shalt  }
0x42: {  	_ =	shalt  }
0x43: {  	_ =	shalt  }
0x44: {  	_ =	shalt  }
0x45: {  	_ =	shalt  }
0x46: {  	_ =	shalt  }
0x47: {  	_ =	shalt  }
0x48: {  	_ =	shalt  }
0x49: {  	_ =	shalt  }
0x4a: {  	_ =	shalt  }
0x4b: {  	_ =	shalt  }
0x4c: {  	_ =	shalt  }
0x4d: {  	_ =	shalt  }
0x4e: {  	_ =	shalt  }
0x4f: {  	_ =	shalt  }
0x50: {  	_ =	shalt  }
0x51: {  	_ =	shalt  }
0x52: {  	_ =	shalt  }
0x53: {  	_ =	shalt  }
0x54: {  	_ =	shalt  }
0x55: {  	_ =	shalt  }
0x56: {  	_ =	shalt  }
0x57: {  	_ =	shalt  }
0x58: {  	_ =	shalt  }
0x59: {  	_ =	shalt  }
0x5a: {  	_ =	shalt  }
0x5b: {  	_ =	shalt  }
0x5c: {  	_ =	shalt  }
0x5d: {  	_ =	shalt  }
0x5e: {  	_ =	shalt  }
0x5f: {  	_ =	shalt  }
0x60: {  	_ =	shalt  }
0x61: {  	_ =	shalt  }
0x62: {  	_ =	shalt  }
0x63: {  	_ =	shalt  }
0x64: {  	_ =	shalt  }
0x65: {  	_ =	shalt  }
0x66: {  	_ =	shalt  }
0x67: {  	_ =	shalt  }
0x68: {  	_ =	shalt  }
0x69: {  	_ =	shalt  }
0x6a: {  	_ =	shalt  }
0x6b: {  	_ =	shalt  }
0x6c: {  	_ =	shalt  }
0x6d: {  	_ =	shalt  }
0x6e: {  	_ =	shalt  }
0x6f: {  	_ =	shalt  }
0x70: {  	_ =	shalt  }
0x71: {  	_ =	shalt  }
0x72: {  	_ =	shalt  }
0x73: {  	_ =	shalt  }
0x74: {  	_ =	shalt  }
0x75: {  	_ =	shalt  }
0x76: {  	_ =	shalt  }
0x77: {  	_ =	shalt  }
0x78: {  	_ =	shalt  }
0x79: {  	_ =	shalt  }
0x7a: {  	_ =	shalt  }
0x7b: {  	_ =	shalt  }
0x7c: {  	_ =	shalt  }
0x7d: {  	_ =	shalt  }
0x7e: {  	_ =	shalt  }
0x7f: {  	_ =	shalt  }
0x80: {  	_ =	shalt  }
0x81: {  	_ =	shalt  }
0x82: {  	_ =	shalt  }
0x83: {  	_ =	shalt  }
0x84: {  	_ =	shalt  }
0x85: {  	_ =	shalt  }
0x86: {  	_ =	shalt  }
0x87: {  	_ =	shalt  }
.Lfunc_end0:
.L_simem_size_0:
called_computation.4_lowered:
.L_overlay_start_0:
0x88: {  	s2 =	sld [smem:$0x3FD9]  }
0x89: {  	s3 =	sld [smem:$0x3FFE];
	_ =	sdelay $0x1  }
0x8a: {  	s1 =	srdreg.scid  }
0x8b: {  	s0 =	sand.u32 $0x1, s1  }
0x8c: {  	s16 =	sshll.u32 s0, $0xA;
	s2 =	sadd.s32 s3, s2  }
0x8d: {  	s2 =	sadd.s32 s2, s16  }
0x8e: {  	[smem:$0x3FB7] =	sst s2  }
0x8f: {  	_ = 	snop  }
0x90: {  	(tm) =	ssettm $0x1  }
0x91: {  	s17 =	sld [smem:$0x3FFB];
	_ =	sdelay $0x3  }
0x92: {  	_ =	strace s17  }
0x93: {  	s2 =	sld [smem:$0x3FFC];
	_ =	sdelay $0x3  }
0x94: {  	_ =	strace s2  }
0x95: {  	s2 =	sld [smem:$0x3FFD];
	_ =	sdelay $0x3  }
0x96: {  	_ =	strace s2  }
0x97: {  	_ =	strace $0x8FFFFFFF  }
0x98: {  	s18 =	sld [smem:$0x3FDB];
	_ =	sdelay $0x1  }
0x99: {  	s19 =	simm.s32 $_scs_section_size  }
0x9a: {  	s4 =	simm.s32 $_size__tile_overlayer_lowered;
	s5 =	simm.s32 $_tile_overlayer_lowered  }
0x9b: {  	s22 =	simm.s32 $0x1BFF;
	s21 =	sshll.u32 s5, $0x1;
	s2 =	sadd.s32 s19, s18  }
0x9c: {  	s6 =	simm.s32 $0x0;
	s20 =	sshll.u32 s4, $0x1;
	s4 =	sadd.s32 s21, s2  }
0x9d: {  	[timem:s6], [sflag:s22] =	dma.local [hbm:s4], s20  }
0x9e: {  	_ =	swait.ge [sflag:s22], s20  }
0x9f: {  	s3 =	ssub.s32 $0x0, s20;
	[sflag:s22] =	ssyncset.done $0x0  }
0xa0: {  	[sflag:s22] =	ssyncadd.s32 s3;
	_ =	sdelay $0x1  }
0xa1: {  	s23 =	simm.s32 $0x1B8B  }
0xa2: {  	_ =	swait.ge [sflag:s23], $0x1  }
0xa3: {  	[sflag:s23] =	ssyncset.done $0x0  }
0xa4: {  	s25 =	simm.s32 $0x1B8E;
	s24 =	sld [smem:$0x3FFE];
	[sflag:s23] =	ssyncadd.s32 $0xFFFFFFFF  }
0xa5: {  	s26 =	simm.s32 $execute0_lowered;
	[smem:$0x3FD2] =	sst s25  }
0xa6: {  	s4 =	sshll.u32 s26, $0x1;
	_ =	strace $0x80000052;
	[dreg:$0x1] =	wrdreg $0xFFFFFFFF  }
0xa7: {  	s28 =	simm.s32 $_size_execute0_lowered;
	s2 =	sadd.s32 s2, s4;
	[dreg:$0x0] =	wrdreg $0x0  }
0xa8: {  	s4 =	sshll.u32 s28, $0x1;
	[dreg:$0x2] =	wrdreg s2  }
0xa9: {  	[dreg:$0x3] =	wrdreg s4  }
0xaa: {  	[dreg:$0x4] =	wrdreg $0xC0  }
0xab: {  	_ =	task [dreg:s6], $0x5FFFF  }
0xac: {  	[dreg:$0x1] =	wrdreg $0xFFFFFFFF  }
0xad: {  	[dreg:$0x0] =	wrdreg $0x60  }
0xae: {  	[dreg:$0x2] =	wrdreg s24  }
0xaf: {  	[dreg:$0x3] =	wrdreg $0xB8000  }
0xb0: {  	[dreg:$0x4] =	wrdreg $0x9  }
0xb1: {  	_ =	task.clear_ibuf [dreg:s6], $0x5FFFF;
	_ =	strace $0x90000052  }
0xb2: {  	s29 =	simm.s32 $0x9;
	_ =	strace $0x80000054  }
0xb3: {  	_ =	swait.ge [sflag:s29], $0x1  }
0xb4: {  	[sflag:s29] =	ssyncadd.s32 $0xFFFFFFFF  }
0xb5: {  	_ =	strace $0x90000054  }
0xb6: {  	_ =	sfence  }
0xb7: {  	s30 =	sld [smem:$0x0];
	_ =	sdelay $0x2  }
0xb8: {  	s31 =	sshll.u32 s1, $0xD;
	s1 =	sshrl.u32 s1, $0x2  }
0xb9: {  	s3 =	sand.u32 $0x4000, s31;
	s1 =	sadd.s32 s1, s30  }
0xba: {  	s0 =	sor.u32 s3, s0;
	s1 =	sshll.u32 s1, $0x11  }
0xbb: {  	s0 =	sor.u32 s1, s0  }
0xbc: {  	s0 =	sadd.s32 $0x8F2B, s0  }
0xbd: {  	[sflag:s0] =	ssyncadd.remote.s32 $0x1  }
0xbe: {  	_ =	sfence.sel $0xFFFF  }
0xbf: {  	[dreg:$0x0] =	wrdreg $0xFFFFFFFF;
	(pc) =	sbr.abs _section_cstart, $3  }
0xc0: {  	[dreg:$0x1] =	wrdreg $0xFFFFFFFF  }
0xc1: {  	_ =	task.clear_ibuf [dreg:s6], $0x2FFFF;
	_ =	strace $0x9FFFFFFF  }
0xc2: {  	(tm) =	ssettm $0x7FFFFFFF  }
0xc3: {  	_ =	shalt  }
tec
execute0_lowered:
.L_overlay_start_1:
0x0: {  	(tag) =	ssettag $0x1  }
0x1: {  	s0 =	rddreg [dreg:$0x0]  }
0x2: {  	s1 =	rddreg [dreg:$0x1];
	s2 =	srdreg.scid;
	s3 =	simm.s32 $0x0  }
0x3: {  	s8 =	stileid.u32;
	s30 =	simm.s32 $0xA800;
	s31 =	simm.s32 $0x3  }
0x4: {  	s9 =	simm.s32 $0x0;
	s2 =	sand.u32 $0x1, s2;
	s7 =	smul.u32 $0x14000, s8  }
0x5: {  	[smem:$0x7FF] =	sst s3;
	s16 =	smul.u32 $0x50000, s8;
	s4 =	sshll.u32 s2, $0x4  }
0x6: {  	s5 =	smul.u32 $0x140000, s2;
	_ =	strace $0x80000053;
	s2 =	ssub.s32 $0x2, s2  }
0x7: {  	s6 =	sor.u32 s8, s4;
	s4 =	sadd.s32 $0xE600, s0;
	s17 =	sshrl.u32 s2, $0x1  }
0x8: {  	s18 =	sshrl.u32 s16, $0x2;
	s8 =	simm.s32 $0x2;
	s6 =	smul.u32 $0x280, s6  }
0x9: {  	s5 =	sadd.s32 s7, s5;
	s2 =	ssub.s32 s2, s17;
	s11 =	sadd.s32 s18, s1  }
0xa: {  	s7 =	simm.s32 $0x1;
	s5 =	sshrl.u32 s5, $0x3;
	s2 =	smax.u32 s2, $0x1  }
0xb: {  	s21 =	sadd.s32 $0x1000, s11;
	s22 =	sadd.s32 $0x2000, s11;
	[dreg:$0x5] =	wrdreg s2  }
0xc: {  	s23 =	sadd.s32 $0x3000, s11;
	s24 =	sadd.s32 $0x4000, s11;
	[dreg:$0x6] =	wrdreg s21  }
0xd: {  	s25 =	sadd.s32 $0x5000, s11;
	s26 =	sadd.s32 $0x6000, s11;
	[dreg:$0x7] =	wrdreg s22  }
0xe: {  	s15 =	sadd.s32 $0x7000, s11;
	s16 =	sadd.s32 $0x8000, s11;
	[dreg:$0x8] =	wrdreg s23  }
0xf: {  	s17 =	sadd.s32 $0x9000, s11;
	s18 =	sadd.s32 $0xA000, s11;
	[dreg:$0x9] =	wrdreg s24  }
0x10: {  	s28 =	sadd.s32 $0x12000, s11;
	s29 =	sadd.s32 $0x13000, s11;
	[dreg:$0xa] =	wrdreg s25  }
0x11: {  	s6 =	sadd.s32 s6, s0;
	s0 =	sadd.s32 s5, s0;
	[dreg:$0xb] =	wrdreg s26  }
0x12: {  	s21 =	sadd.s32 $0xD000, s11;
	s22 =	sadd.s32 $0xE000, s11;
	s23 =	sadd.s32 $0xF000, s11  }
0x13: {  	s24 =	sadd.s32 $0x10000, s11;
	s26 =	sadd.s32 $0x11000, s11;
	s2 =	simm.s32 $0x80  }
0x14: {  	s19 =	sadd.s32 $0x4600, s6;
	s20 =	sadd.s32 $0x9600, s6;
	s25 =	sadd.s32 $0x36600, s0  }
0x15: {  	s0 =	simm.s32 $0x2800;
	s6 =	simm.s32 $0x6800;
	[dreg:$0x3] =	wrdreg s19  }
0x16: {  	v0 =	vimm.f32 $0.0e+00;
	[dreg:$0x4] =	wrdreg s20;
	s19 =	sadd.s32 $0xB000, s11;
	s20 =	sadd.s32 $0xC000, s11  }
.LBB2_1:
0x17: {  	s10 =	simm.s32 $0x0;
	s5 =	simm.s32 $0x200  }
.LBB2_2:
0x18: {  	p0 =	sne.s32 s5, $0x3E00;
	[tilespmem:s10+$0xA870] =	vst v0  }
0x19: {  	[tilespmem:s10+$0xA800] =	vst v0  }
0x1a: {  	[tilespmem:s10+$0xA810] =	vst v0  }
.Ltmp0:
0x1b: {  	[tilespmem:s10+$0xA820] =	vst v0;
	(pc) =	sbr.rel @p0 .LBB2_2-.Ltmp0, $4  }
0x1c: {  	[tilespmem:s10+$0xA830] =	vst v0  }
0x1d: {  	[tilespmem:s10+$0xA840] =	vst v0  }
0x1e: {  	[tilespmem:s10+$0xA850] =	vst v0  }
0x1f: {  	[tilespmem:s10+$0xA860] =	vst v0;
	s10 =	sshra.s32 s5, $0x2;
	s5 =	sadd.s32 $0x200, s5  }
0x20: {  	[tilespmem:s10+$0xA870] =	vst v0  }
0x21: {  	[tilespmem:s10+$0xA800] =	vst v0  }
0x22: {  	[tilespmem:s10+$0xA810] =	vst v0  }
0x23: {  	[tilespmem:s10+$0xA820] =	vst v0  }
0x24: {  	[tilespmem:s10+$0xA830] =	vst v0  }
0x25: {  	[tilespmem:s10+$0xA840] =	vst v0  }
0x26: {  	[tilespmem:s10+$0xA850] =	vst v0  }
0x27: {  	[tilespmem:s10+$0xA860] =	vst v0  }
0x28: {  	[spmem:s11] =	stream.linear.scatter [tilespmem:s30], [sflag:$0x3], $0x1000, $0x38;
	[tilespmem:$0x1F800] =	vst v63  }
0x29: {  	_ =	swait.ge [sflag:s31], $0x1000  }
0x2a: {  	[sflag:s31] =	ssyncset.done $0x0  }
0x2b: {  	s5 =	rddreg [dreg:$0x6];
	[sflag:s31] =	ssyncadd.s32 $0xFFFFF000  }
0x2c: {  	[spmem:s5] =	stream.linear.scatter [tilespmem:s30], [sflag:$0x3], $0x1000, $0x38;
	[tilespmem:$0x1F800] =	vst v63  }
0x2d: {  	_ =	swait.ge [sflag:s31], $0x1000  }
0x2e: {  	[sflag:s31] =	ssyncset.done $0x0  }
0x2f: {  	s12 =	rddreg [dreg:$0x7];
	[sflag:s31] =	ssyncadd.s32 $0xFFFFF000  }
0x30: {  	[spmem:s12] =	stream.linear.scatter [tilespmem:s30], [sflag:$0x3], $0x1000, $0x38;
	[tilespmem:$0x1F800] =	vst v63  }
0x31: {  	_ =	swait.ge [sflag:s31], $0x1000  }
0x32: {  	[sflag:s31] =	ssyncset.done $0x0  }
0x33: {  	s13 =	rddreg [dreg:$0x8];
	[sflag:s31] =	ssyncadd.s32 $0xFFFFF000  }
0x34: {  	[spmem:s13] =	stream.linear.scatter [tilespmem:s30], [sflag:$0x3], $0x1000, $0x38;
	[tilespmem:$0x1F800] =	vst v63  }
0x35: {  	_ =	swait.ge [sflag:s31], $0x1000  }
0x36: {  	[sflag:s31] =	ssyncset.done $0x0  }
0x37: {  	s14 =	rddreg [dreg:$0x9];
	[sflag:s31] =	ssyncadd.s32 $0xFFFFF000  }
0x38: {  	[spmem:s14] =	stream.linear.scatter [tilespmem:s30], [sflag:$0x3], $0x1000, $0x38;
	[tilespmem:$0x1F800] =	vst v63  }
0x39: {  	_ =	swait.ge [sflag:s31], $0x1000  }
0x3a: {  	[sflag:s31] =	ssyncset.done $0x0  }
0x3b: {  	s10 =	rddreg [dreg:$0xa];
	[sflag:s31] =	ssyncadd.s32 $0xFFFFF000  }
0x3c: {  	[spmem:s10] =	stream.linear.scatter [tilespmem:s30], [sflag:$0x3], $0x1000, $0x38;
	[tilespmem:$0x1F800] =	vst v63  }
0x3d: {  	_ =	swait.ge [sflag:s31], $0x1000  }
0x3e: {  	[sflag:s31] =	ssyncset.done $0x0  }
0x3f: {  	s12 =	rddreg [dreg:$0xb];
	[sflag:s31] =	ssyncadd.s32 $0xFFFFF000  }
0x40: {  	[spmem:s12] =	stream.linear.scatter [tilespmem:s30], [sflag:$0x3], $0x1000, $0x38;
	[tilespmem:$0x1F800] =	vst v63  }
0x41: {  	_ =	swait.ge [sflag:s31], $0x1000  }
0x42: {  	[sflag:s31] =	ssyncset.done $0x0  }
0x43: {  	[sflag:s31] =	ssyncadd.s32 $0xFFFFF000  }
0x44: {  	[spmem:s15] =	stream.linear.scatter [tilespmem:s30], [sflag:$0x3], $0x1000, $0x38;
	[tilespmem:$0x1F800] =	vst v63  }
0x45: {  	_ =	swait.ge [sflag:s31], $0x1000  }
0x46: {  	[sflag:s31] =	ssyncset.done $0x0  }
0x47: {  	[sflag:s31] =	ssyncadd.s32 $0xFFFFF000  }
0x48: {  	[spmem:s16] =	stream.linear.scatter [tilespmem:s30], [sflag:$0x3], $0x1000, $0x38;
	[tilespmem:$0x1F800] =	vst v63  }
0x49: {  	_ =	swait.ge [sflag:s31], $0x1000  }
0x4a: {  	[sflag:s31] =	ssyncset.done $0x0  }
0x4b: {  	[sflag:s31] =	ssyncadd.s32 $0xFFFFF000  }
0x4c: {  	[spmem:s17] =	stream.linear.scatter [tilespmem:s30], [sflag:$0x3], $0x1000, $0x38;
	[tilespmem:$0x1F800] =	vst v63  }
0x4d: {  	_ =	swait.ge [sflag:s31], $0x1000  }
0x4e: {  	[sflag:s31] =	ssyncset.done $0x0  }
0x4f: {  	[sflag:s31] =	ssyncadd.s32 $0xFFFFF000  }
0x50: {  	[spmem:s18] =	stream.linear.scatter [tilespmem:s30], [sflag:$0x3], $0x1000, $0x38;
	[tilespmem:$0x1F800] =	vst v63  }
0x51: {  	_ =	swait.ge [sflag:s31], $0x1000  }
0x52: {  	[sflag:s31] =	ssyncset.done $0x0  }
0x53: {  	[sflag:s31] =	ssyncadd.s32 $0xFFFFF000  }
0x54: {  	[spmem:s19] =	stream.linear.scatter [tilespmem:s30], [sflag:$0x3], $0x1000, $0x38;
	[tilespmem:$0x1F800] =	vst v63  }
0x55: {  	_ =	swait.ge [sflag:s31], $0x1000  }
0x56: {  	[sflag:s31] =	ssyncset.done $0x0  }
0x57: {  	[sflag:s31] =	ssyncadd.s32 $0xFFFFF000  }
0x58: {  	[spmem:s20] =	stream.linear.scatter [tilespmem:s30], [sflag:$0x3], $0x1000, $0x38;
	[tilespmem:$0x1F800] =	vst v63  }
0x59: {  	_ =	swait.ge [sflag:s31], $0x1000  }
0x5a: {  	[sflag:s31] =	ssyncset.done $0x0  }
0x5b: {  	[sflag:s31] =	ssyncadd.s32 $0xFFFFF000  }
0x5c: {  	[spmem:s21] =	stream.linear.scatter [tilespmem:s30], [sflag:$0x3], $0x1000, $0x38;
	[tilespmem:$0x1F800] =	vst v63  }
0x5d: {  	_ =	swait.ge [sflag:s31], $0x1000  }
0x5e: {  	[sflag:s31] =	ssyncset.done $0x0  }
0x5f: {  	[sflag:s31] =	ssyncadd.s32 $0xFFFFF000  }
0x60: {  	[spmem:s22] =	stream.linear.scatter [tilespmem:s30], [sflag:$0x3], $0x1000, $0x38;
	[tilespmem:$0x1F800] =	vst v63  }
0x61: {  	_ =	swait.ge [sflag:s31], $0x1000  }
0x62: {  	[sflag:s31] =	ssyncset.done $0x0  }
0x63: {  	[sflag:s31] =	ssyncadd.s32 $0xFFFFF000  }
0x64: {  	[spmem:s23] =	stream.linear.scatter [tilespmem:s30], [sflag:$0x3], $0x1000, $0x38;
	[tilespmem:$0x1F800] =	vst v63  }
0x65: {  	_ =	swait.ge [sflag:s31], $0x1000  }
0x66: {  	[sflag:s31] =	ssyncset.done $0x0  }
0x67: {  	[sflag:s31] =	ssyncadd.s32 $0xFFFFF000  }
0x68: {  	[spmem:s24] =	stream.linear.scatter [tilespmem:s30], [sflag:$0x3], $0x1000, $0x38;
	[tilespmem:$0x1F800] =	vst v63  }
0x69: {  	_ =	swait.ge [sflag:s31], $0x1000  }
0x6a: {  	[sflag:s31] =	ssyncset.done $0x0  }
0x6b: {  	[sflag:s31] =	ssyncadd.s32 $0xFFFFF000  }
0x6c: {  	[spmem:s26] =	stream.linear.scatter [tilespmem:s30], [sflag:$0x3], $0x1000, $0x38;
	[tilespmem:$0x1F800] =	vst v63  }
0x6d: {  	_ =	swait.ge [sflag:s31], $0x1000  }
0x6e: {  	[sflag:s31] =	ssyncset.done $0x0  }
0x6f: {  	[sflag:s31] =	ssyncadd.s32 $0xFFFFF000  }
0x70: {  	[spmem:s28] =	stream.linear.scatter [tilespmem:s30], [sflag:$0x3], $0x1000, $0x38;
	[tilespmem:$0x1F800] =	vst v63  }
0x71: {  	_ =	swait.ge [sflag:s31], $0x1000  }
0x72: {  	[sflag:s31] =	ssyncset.done $0x0  }
0x73: {  	[sflag:s31] =	ssyncadd.s32 $0xFFFFF000  }
0x74: {  	[spmem:s29] =	stream.linear.scatter [tilespmem:s30], [sflag:$0x3], $0x1000, $0x38;
	[tilespmem:$0x1F800] =	vst v63  }
0x75: {  	_ =	swait.ge [sflag:s31], $0x1000  }
0x76: {  	[sflag:s31] =	ssyncset.done $0x0  }
0x77: {  	[sflag:s31] =	ssyncadd.s32 $0xFFFFF000  }
0x78: {  	[bflag:$0x0] =	sbarrier.arrive $0xFFFF  }
0x79: {  	s5 =	simm.s32 $0x0;
	s13 =	rddreg [dreg:$0x3]  }
0x7a: {  	[tilespmem:s5], [sflag:$0x3] =	stream.linear.gather [hbm4b:s13+s5], $0x1400, $0x38;
	[tilespmem:$0x1F800] =	vst v63  }
0x7b: {  	_ =	swait.ge [sflag:s31], $0x1400  }
0x7c: {  	[sflag:s31] =	ssyncset.done $0x0  }
0x7d: {  	s12 =	simm.s32 $0x1400;
	s14 =	rddreg [dreg:$0x4];
	[sflag:s31] =	ssyncadd.s32 $0xFFFFEC00  }
0x7e: {  	[tilespmem:s12], [sflag:$0x3] =	stream.linear.gather [hbm4b:s14+s5], $0x1400, $0x38;
	[tilespmem:$0x1F800] =	vst v63  }
0x7f: {  	_ =	swait.ge [sflag:s31], $0x1400  }
0x80: {  	[sflag:s31] =	ssyncset.done $0x0  }
0x81: {  	[sflag:s31] =	ssyncadd.s32 $0xFFFFEC00  }
0x82: {  	[tilespmem:s0], [sflag:$0x1] =	stream.indirect.gather [hbm4b:s4+s2], $0x80, s5, s2, $0xb8;
	[tilespmem:$0x1F800] =	vst v63  }
0x83: {  	s10 =	simm.s32 $0x80  }
0x84: {  	[tilespmem:s6], [sflag:$0x2] =	stream.indirect.gather [hbm4b:s4+s2], $0x80, s10, s2, $0xb8;
	[tilespmem:$0x1F800] =	vst v63  }
0x85: {  	_ =	swait.ge [sflag:s7], $0x4000  }
0x86: {  	[sflag:s7] =	ssyncset.done $0x0  }
0x87: {  	s12 =	simm.s32 $0x1400;
	[sflag:s7] =	ssyncadd.s32 $0xFFFFC000  }
0x88: {  	[spmem:s1] =	stream.indirect.scatter.add.f32 [tilespmem:s0], [sflag:$0x3], $0x80, s12, s2, $0xb8;
	[tilespmem:$0x1F800] =	vst v63  }
0x89: {  	_ =	swait.ge [sflag:s31], $0x4000  }
0x8a: {  	[sflag:s31] =	ssyncset.done $0x0  }
0x8b: {  	s13 =	simm.s32 $0x100;
	[sflag:s31] =	ssyncadd.s32 $0xFFFFC000  }
0x8c: {  	[tilespmem:s0], [sflag:$0x1] =	stream.indirect.gather [hbm4b:s4+s2], $0x80, s13, s2, $0xb8;
	[tilespmem:$0x1F800] =	vst v63  }
0x8d: {  	_ =	swait.ge [sflag:s8], $0x4000  }
0x8e: {  	[sflag:s8] =	ssyncset.done $0x0  }
0x8f: {  	s14 =	simm.s32 $0x1480;
	[sflag:s8] =	ssyncadd.s32 $0xFFFFC000  }
0x90: {  	[spmem:s1] =	stream.indirect.scatter.add.f32 [tilespmem:s6], [sflag:$0x3], $0x80, s14, s2, $0xb8;
	[tilespmem:$0x1F800] =	vst v63  }
0x91: {  	_ =	swait.ge [sflag:s31], $0x4000  }
0x92: {  	s5 =	simm.s32 $0x800;
	s10 =	simm.s32 $0x100;
	[sflag:s31] =	ssyncset.done $0x0  }
.LBB2_4:
0x93: {  	s12 =	sadd.s32 $0x80, s10  }
0x94: {  	[sflag:s31] =	ssyncadd.s32 $0xFFFFC000;
	s13 =	smov.u32 s5;
	s14 =	sadd.s32 $0x400, s5  }
0x95: {  	[tilespmem:s6], [sflag:$0x2] =	stream.indirect.gather [hbm4b:s4+s2], $0x80, s12, s2, $0xb8;
	[tilespmem:$0x1F800] =	vst v63  }
0x96: {  	p0 =	sne.s32 s5, $0x4800;
	_ =	swait.ge [sflag:s7], $0x4000  }
0x97: {  	[sflag:s7] =	ssyncset.done $0x0  }
0x98: {  	s5 =	sadd.s32 $0x1400, s10;
	[sflag:s7] =	ssyncadd.s32 $0xFFFFC000  }
0x99: {  	[spmem:s1] =	stream.indirect.scatter.add.f32 [tilespmem:s0], [sflag:$0x3], $0x80, s5, s2, $0xb8;
	[tilespmem:$0x1F800] =	vst v63  }
0x9a: {  	_ =	swait.ge [sflag:s31], $0x4000  }
0x9b: {  	[sflag:s31] =	ssyncset.done $0x0  }
0x9c: {  	s5 =	sadd.s32 $0x100, s10;
	[sflag:s31] =	ssyncadd.s32 $0xFFFFC000  }
0x9d: {  	[tilespmem:s0], [sflag:$0x1] =	stream.indirect.gather [hbm4b:s4+s2], $0x80, s5, s2, $0xb8;
	[tilespmem:$0x1F800] =	vst v63  }
0x9e: {  	_ =	swait.ge [sflag:s8], $0x4000  }
.Ltmp1:
0x9f: {  	[sflag:s8] =	ssyncset.done $0x0;
	(pc) =	sbr.rel @p0 .LBB2_4-.Ltmp1, $4  }
0xa0: {  	s5 =	sadd.s32 $0x1480, s10;
	[sflag:s8] =	ssyncadd.s32 $0xFFFFC000  }
0xa1: {  	[spmem:s1] =	stream.indirect.scatter.add.f32 [tilespmem:s6], [sflag:$0x3], $0x80, s5, s2, $0xb8;
	[tilespmem:$0x1F800] =	vst v63  }
0xa2: {  	_ =	swait.ge [sflag:s31], $0x4000  }
0xa3: {  	s10 =	sshra.s32 s13, $0x2;
	s5 =	smov.u32 s14;
	[sflag:s31] =	ssyncset.done $0x0  }
0xa4: {  	s5 =	sadd.s32 $0x80, s10;
	[sflag:s31] =	ssyncadd.s32 $0xFFFFC000  }
0xa5: {  	[tilespmem:s6], [sflag:$0x2] =	stream.indirect.gather [hbm4b:s4+s2], $0x80, s5, s2, $0xb8;
	[tilespmem:$0x1F800] =	vst v63  }
0xa6: {  	_ =	swait.ge [sflag:s7], $0x4000  }
0xa7: {  	[sflag:s7] =	ssyncset.done $0x0  }
0xa8: {  	s12 =	sadd.s32 $0x1400, s10;
	[sflag:s7] =	ssyncadd.s32 $0xFFFFC000  }
0xa9: {  	[spmem:s1] =	stream.indirect.scatter.add.f32 [tilespmem:s0], [sflag:$0x3], $0x80, s12, s2, $0xb8;
	[tilespmem:$0x1F800] =	vst v63  }
0xaa: {  	_ =	swait.ge [sflag:s31], $0x4000  }
0xab: {  	[sflag:s31] =	ssyncset.done $0x0  }
0xac: {  	s13 =	sadd.s32 $0x100, s10;
	[sflag:s31] =	ssyncadd.s32 $0xFFFFC000  }
0xad: {  	[tilespmem:s0], [sflag:$0x1] =	stream.indirect.gather [hbm4b:s4+s2], $0x80, s13, s2, $0xb8;
	[tilespmem:$0x1F800] =	vst v63  }
0xae: {  	_ =	swait.ge [sflag:s8], $0x4000  }
0xaf: {  	[sflag:s8] =	ssyncset.done $0x0  }
0xb0: {  	s14 =	sadd.s32 $0x1480, s10;
	[sflag:s8] =	ssyncadd.s32 $0xFFFFC000  }
0xb1: {  	[spmem:s1] =	stream.indirect.scatter.add.f32 [tilespmem:s6], [sflag:$0x3], $0x80, s14, s2, $0xb8;
	[tilespmem:$0x1F800] =	vst v63  }
0xb2: {  	_ =	swait.ge [sflag:s31], $0x4000  }
0xb3: {  	[sflag:s31] =	ssyncset.done $0x0  }
0xb4: {  	s10 =	simm.s32 $0x1380;
	[sflag:s31] =	ssyncadd.s32 $0xFFFFC000  }
0xb5: {  	[tilespmem:s6], [sflag:$0x2] =	stream.indirect.gather [hbm4b:s4+s2], $0x80, s10, s2, $0xb8;
	[tilespmem:$0x1F800] =	vst v63  }
0xb6: {  	_ =	swait.ge [sflag:s7], $0x4000  }
0xb7: {  	[sflag:s7] =	ssyncset.done $0x0  }
0xb8: {  	s12 =	simm.s32 $0x2700;
	[sflag:s7] =	ssyncadd.s32 $0xFFFFC000  }
0xb9: {  	[spmem:s1] =	stream.indirect.scatter.add.f32 [tilespmem:s0], [sflag:$0x3], $0x80, s12, s2, $0xb8;
	[tilespmem:$0x1F800] =	vst v63  }
0xba: {  	_ =	swait.ge [sflag:s31], $0x4000  }
0xbb: {  	[sflag:s31] =	ssyncset.done $0x0  }
0xbc: {  	[sflag:s31] =	ssyncadd.s32 $0xFFFFC000  }
0xbd: {  	_ =	swait.ge [sflag:s8], $0x4000  }
0xbe: {  	[sflag:s8] =	ssyncset.done $0x0  }
0xbf: {  	s13 =	simm.s32 $0x2780;
	[sflag:s8] =	ssyncadd.s32 $0xFFFFC000  }
0xc0: {  	[spmem:s1] =	stream.indirect.scatter.add.f32 [tilespmem:s6], [sflag:$0x3], $0x80, s13, s2, $0xb8;
	[tilespmem:$0x1F800] =	vst v63  }
0xc1: {  	_ =	swait.ge [sflag:s31], $0x4000  }
0xc2: {  	[sflag:s31] =	ssyncset.done $0x0  }
0xc3: {  	[sflag:s31] =	ssyncadd.s32 $0xFFFFC000  }
0xc4: {  	[bflag:$0x0] =	sbarrier.arrive $0xFFFF  }
0xc5: {  	[tilespmem:s30], [sflag:$0x3] =	stream.linear.gather [spmem:s11], $0x1000, $0x38;
	[tilespmem:$0x1F800] =	vst v63  }
0xc6: {  	_ =	swait.ge [sflag:s31], $0x1000  }
0xc7: {  	[sflag:s31] =	ssyncset.done $0x0  }
0xc8: {  	s14 =	sadd.s32 $0x0, s25;
	[sflag:s31] =	ssyncadd.s32 $0xFFFFF000  }
0xc9: {  	[hbm4b:s14+s3] =	stream.linear.scatter [tilespmem:s30], [sflag:$0x3], $0x1000, $0x38;
	[tilespmem:$0x1F800] =	vst v63  }
0xca: {  	_ =	swait.ge [sflag:s31], $0x1000  }
0xcb: {  	s5 =	smov.u32 s11;
	s10 =	simm.s32 $0x200;
	[sflag:s31] =	ssyncset.done $0x0  }
.LBB2_6:
0xcc: {  	p0 =	sne.s32 s10, $0x2600;
	[sflag:s31] =	ssyncadd.s32 $0xFFFFF000;
	s5 =	sadd.s32 $0x1000, s5  }
0xcd: {  	[tilespmem:s30], [sflag:$0x3] =	stream.linear.gather [spmem:s5], $0x1000, $0x38;
	[tilespmem:$0x1F800] =	vst v63  }
0xce: {  	s12 =	smov.u32 s10;
	s10 =	sadd.s32 $0x200, s10;
	_ =	swait.ge [sflag:s31], $0x1000  }
.Ltmp2:
0xcf: {  	[sflag:s31] =	ssyncset.done $0x0;
	(pc) =	sbr.rel @p0 .LBB2_6-.Ltmp2, $4  }
0xd0: {  	s12 =	sadd.s32 s12, s25;
	[sflag:s31] =	ssyncadd.s32 $0xFFFFF000  }
0xd1: {  	[hbm4b:s12+s3] =	stream.linear.scatter [tilespmem:s30], [sflag:$0x3], $0x1000, $0x38;
	[tilespmem:$0x1F800] =	vst v63  }
0xd2: {  	_ =	swait.ge [sflag:s31], $0x1000  }
0xd3: {  	[sflag:s31] =	ssyncset.done $0x0  }
0xd4: {  	s9 =	sadd.s32 $0x1, s9;
	s5 =	rddreg [dreg:$0x5]  }
0xd5: {  	p0 =	sne.s32 s9, s5  }
.Ltmp3:
0xd6: {  	_ = 	snop;
	(pc) =	sbr.rel @p0 .LBB2_1-.Ltmp3, $2  }
0xd7: {  	_ =	sdelay $0x2  }
0xd8: {  	[sflag:s31] =	ssyncadd.s32 $0xFFFFF000  }
0xd9: {  	_ =	sfence.sel $0x180000  }
0xda: {  	[bflag:$0x0] =	sbarrier.arrive $0xFFFF  }
0xdb: {  	_ =	strace $0x90000053  }
0xdc: {  	s0 =	stileid.u32;
	[bflag:$0x2] =	sbarrier.arrive $0xFFFF  }
0xdd: {  	p0 =	sne.s32 s0, $0x0;
	s0 =	rddreg [dreg:$0x2]  }
0xde: {  	s0 =	sadd.s32 @!p0 $0x100000, s0  }
0xdf: {  	[sflag:s0] =	ssyncadd.tile.s32 @!p0 $0x1;
	_ =	shalt  }
.Lfunc_end2:
_tile_overlayer_lowered:
.L_overlay_start_2:
0xe0: {  	(tag) =	ssettag $0x2  }
0xe1: {  	s0 =	rddreg [dreg:$0x0];
	s2 =	stileid.u32  }
0xe2: {  	s1 =	rddreg [dreg:$0x1];
	p0 =	sne.s32 s2, $0x0  }
0xe3: {  	s3 =	rddreg [dreg:$0x2];
	[bflag:$0x3] =	sbarrier.arrive $0xFFFF;
	s2 =	simm.s32 @!p0 $0x1C03  }
0xe4: {  	[timem:s3], [sflag:s2] =	dma.local @!p0 [hbm:s0], s1  }
0xe5: {  	s0 =	simm.s32 @!p0 $0x3  }
0xe6: {  	_ =	swait.ge @!p0 [sflag:s0], s1  }
0xe7: {  	s1 =	ssub.s32 @!p0 $0x0, s1;
	[sflag:s0] =	ssyncset.done @!p0 $0x0  }
0xe8: {  	[sflag:s0] =	ssyncadd.s32 @!p0 s1  }
0xe9: {  	[bflag:$0x3] =	sbarrier.arrive $0xFFFF  }
0xea: {  	_ =	shalt  }

// kernel: kernel.36.cloned.1.call-start
scs
__scs_entry_jumppad:
0x0: {  	(pc) =	sbr.rel $0x88, $3  }
0x1: {  	(tag) =	ssettag $0x0;
	lr =	simm.s32 $0x1  }
0x2: {  	[smem:$0x3F90] =	sst lr;
	_ =	strace $0xD0000000  }
0x3: {  	_ = 	snop  }
0x4: {  	_ = 	snop  }
0x5: {  	_ = 	snop  }
0x6: {  	_ = 	snop  }
0x7: {  	_ = 	snop  }
__scs_overlays_trampoline_lowered:
0x8: {  	[smem:$0x3F9F] =	sst s0  }
0x9: {  	[smem:$0x3FA0] =	sst s1  }
0xa: {  	[smem:$0x3FA1] =	sst s2  }
0xb: {  	[smem:$0x3FA2] =	sst s3  }
0xc: {  	[smem:$0x3FA3] =	sst s4  }
0xd: {  	[smem:$0x3FA4] =	sst s5  }
0xe: {  	[smem:$0x3FA5] =	sst s6  }
0xf: {  	[smem:$0x3FA6] =	sst s7  }
0x10: {  	[smem:$0x3FA7] =	sst s8  }
0x11: {  	[smem:$0x3FA8] =	sst s9;
	s0 =	simm.s32 @!p0 $0x0  }
0x12: {  	s1 =	sld [smem:$0x3F8E];
	s0 =	simm.s32 @p0 $0x1  }
0x13: {  	[smem:$0x3FA9] =	sst s0;
	s0 =	simm.s32 @!p1 $0x0  }
0x14: {  	s2 =	sld [smem:$0x3F8D];
	s0 =	simm.s32 @p1 $0x1  }
0x15: {  	[smem:$0x3FAA] =	sst s0;
	s0 =	simm.s32 @!p2 $0x0  }
0x16: {  	s3 =	sld [smem:$0x3FDB];
	s0 =	simm.s32 @p2 $0x1  }
0x17: {  	s4 =	simm.s32 $0x1BF5;
	[smem:$0x3FAC] =	sst s0  }
0x18: {  	s0 =	sld [smem:$0x3F8F];
	_ =	swait.ge [sflag:s4], $0x0  }
0x19: {  	s7 =	sld [smem:$0x3F90]  }
0x1a: {  	s8 =	sadd.s32 $0xFFFFE003, lr  }
0x1b: {  	s9 =	sadd.s32 $0xFFFFFEF7, lr;
	s5 =	simm.s32 $0xFFFFFFFF;
	p2 =	slt.u32 s8, $0xFFFFF086  }
0x1c: {  	p1 =	slt.u32 s9, $0xF7A;
	s5 =	simm.s32 @!p2 $0x0  }
0x1d: {  	s5 =	simm.s32 @p1 $0x1;
	p0 =	seq.s32 s7, s2  }
0x1e: {  	s7 =	smul.u32 @!p0 $0xF7A, s2;
	p2 =	seq.s32 @!p0 s5, $0x0  }
0x1f: {  	s9 =	smul.u32 $0xF7A, s1;
	s8 =	simm.s32 @!p0 $0x1BF5;
	p2 =	por !p2, p0  }
0x20: {  	[sflag:s8] =	ssyncset.s32 @!p0 $0xFFFFF086;
	s6 =	sadd.s32 @!p0 s3, s7;
	s7 =	simm.s32 @!p0 $0x108  }
0x21: {  	s3 =	sadd.s32 s3, s9;
	s6 =	sadd.s32 @!p0 $0x88, s6;
	s7 =	simm.s32 @p2 $0x1082  }
0x22: {  	[simem:s7], [sflag:s8] =	dma.local @!p0 [hbm:s6], $0xF7A  }
0x23: {  	s9 =	sor.u32 $0xD0000000, s2;
	s6 =	simm.s32 $0x108;
	_ =	swait.ge @!p0 [sflag:s8], $0x0  }
0x24: {  	s3 =	sadd.s32 $0x88, s3;
	s6 =	simm.s32 @!p1 $0x1082;
	[sflag:s4] =	ssyncset.s32 $0xFFFFF086  }
0x25: {  	[simem:s6], [sflag:s4] =	dma.local [hbm:s3], $0xF7A  }
0x26: {  	[smem:$0x3F90] =	sst s1;
	(tag) =	ssettag s2;
	_ =	strace s9  }
0x27: {  	s1 =	sld [smem:$0x3FA0]  }
0x28: {  	s2 =	sld [smem:$0x3FA1]  }
0x29: {  	s4 =	sld [smem:$0x3FA3]  }
0x2a: {  	p0 =	seq.s32 s5, $0x0;
	s5 =	sld [smem:$0x3FA4]  }
0x2b: {  	s6 =	sld [smem:$0x3FA5]  }
0x2c: {  	s7 =	sld [smem:$0x3FA6]  }
0x2d: {  	s3 =	simm.s32 $0x108;
	s8 =	sld [smem:$0x3FA7]  }
0x2e: {  	s3 =	simm.s32 @!p0 $0x1082;
	s9 =	sld [smem:$0x3FA8]  }
0x2f: {  	lr =	sadd.s32 s0, s3;
	s0 =	sld [smem:$0x3F9F]  }
0x30: {  	s3 =	sld [smem:$0x3FA2]  }
0x31: {  	[smem:$0x3FAB] =	sst s10  }
0x32: {  	s10 =	sld [smem:$0x3FA9];
	_ =	sdelay $0x3  }
0x33: {  	p0 =	seq.s32 s10, $0x1;
	s10 =	sld [smem:$0x3FAB];
	_ =	sdelay $0x3  }
0x34: {  	[smem:$0x3FAB] =	sst s10  }
0x35: {  	s10 =	sld [smem:$0x3FAA];
	_ =	sdelay $0x3  }
0x36: {  	p1 =	seq.s32 s10, $0x1;
	s10 =	sld [smem:$0x3FAB];
	_ =	sdelay $0x3  }
0x37: {  	[smem:$0x3FAB] =	sst s10  }
0x38: {  	s10 =	sld [smem:$0x3FAC]  }
0x39: {  	_ = 	snop;
	(pc) =	sbr.ind lr, $3  }
0x3a: {  	_ = 	snop  }
0x3b: {  	_ = 	snop  }
0x3c: {  	p2 =	seq.s32 s10, $0x1;
	s10 =	sld [smem:$0x3FAB]  }
0x3d: {  	_ =	shalt  }
0x3e: {  	_ =	shalt  }
0x3f: {  	_ =	shalt  }
0x40: {  	_ =	shalt  }
0x41: {  	_ =	shalt  }
0x42: {  	_ =	shalt  }
0x43: {  	_ =	shalt  }
0x44: {  	_ =	shalt  }
0x45: {  	_ =	shalt  }
0x46: {  	_ =	shalt  }
0x47: {  	_ =	shalt  }
0x48: {  	_ =	shalt  }
0x49: {  	_ =	shalt  }
0x4a: {  	_ =	shalt  }
0x4b: {  	_ =	shalt  }
0x4c: {  	_ =	shalt  }
0x4d: {  	_ =	shalt  }
0x4e: {  	_ =	shalt  }
0x4f: {  	_ =	shalt  }
0x50: {  	_ =	shalt  }
0x51: {  	_ =	shalt  }
0x52: {  	_ =	shalt  }
0x53: {  	_ =	shalt  }
0x54: {  	_ =	shalt  }
0x55: {  	_ =	shalt  }
0x56: {  	_ =	shalt  }
0x57: {  	_ =	shalt  }
0x58: {  	_ =	shalt  }
0x59: {  	_ =	shalt  }
0x5a: {  	_ =	shalt  }
0x5b: {  	_ =	shalt  }
0x5c: {  	_ =	shalt  }
0x5d: {  	_ =	shalt  }
0x5e: {  	_ =	shalt  }
0x5f: {  	_ =	shalt  }
0x60: {  	_ =	shalt  }
0x61: {  	_ =	shalt  }
0x62: {  	_ =	shalt  }
0x63: {  	_ =	shalt  }
0x64: {  	_ =	shalt  }
0x65: {  	_ =	shalt  }
0x66: {  	_ =	shalt  }
0x67: {  	_ =	shalt  }
0x68: {  	_ =	shalt  }
0x69: {  	_ =	shalt  }
0x6a: {  	_ =	shalt  }
0x6b: {  	_ =	shalt  }
0x6c: {  	_ =	shalt  }
0x6d: {  	_ =	shalt  }
0x6e: {  	_ =	shalt  }
0x6f: {  	_ =	shalt  }
0x70: {  	_ =	shalt  }
0x71: {  	_ =	shalt  }
0x72: {  	_ =	shalt  }
0x73: {  	_ =	shalt  }
0x74: {  	_ =	shalt  }
0x75: {  	_ =	shalt  }
0x76: {  	_ =	shalt  }
0x77: {  	_ =	shalt  }
0x78: {  	_ =	shalt  }
0x79: {  	_ =	shalt  }
0x7a: {  	_ =	shalt  }
0x7b: {  	_ =	shalt  }
0x7c: {  	_ =	shalt  }
0x7d: {  	_ =	shalt  }
0x7e: {  	_ =	shalt  }
0x7f: {  	_ =	shalt  }
0x80: {  	_ =	shalt  }
0x81: {  	_ =	shalt  }
0x82: {  	_ =	shalt  }
0x83: {  	_ =	shalt  }
0x84: {  	_ =	shalt  }
0x85: {  	_ =	shalt  }
0x86: {  	_ =	shalt  }
0x87: {  	_ =	shalt  }
.Lfunc_end0:
.L_simem_size_0:
called_computation.5_lowered:
.L_overlay_start_0:
0x88: {  	s2 =	sld [smem:$0x3FD9]  }
0x89: {  	s3 =	sld [smem:$0x3FFE];
	_ =	sdelay $0x1  }
0x8a: {  	s1 =	srdreg.scid  }
0x8b: {  	s0 =	sand.u32 $0x1, s1  }
0x8c: {  	s16 =	sshll.u32 s0, $0xA;
	s2 =	sadd.s32 s3, s2  }
0x8d: {  	s2 =	sadd.s32 s2, s16  }
0x8e: {  	[smem:$0x3FB7] =	sst s2  }
0x8f: {  	_ = 	snop  }
0x90: {  	(tm) =	ssettm $0x1  }
0x91: {  	s17 =	sld [smem:$0x3FFB];
	_ =	sdelay $0x3  }
0x92: {  	_ =	strace s17  }
0x93: {  	s2 =	sld [smem:$0x3FFC];
	_ =	sdelay $0x3  }
0x94: {  	_ =	strace s2  }
0x95: {  	s2 =	sld [smem:$0x3FFD];
	_ =	sdelay $0x3  }
0x96: {  	_ =	strace s2  }
0x97: {  	_ =	strace $0x8FFFFFFF  }
0x98: {  	s18 =	sld [smem:$0x3FDB];
	_ =	sdelay $0x1  }
0x99: {  	s19 =	simm.s32 $_scs_section_size  }
0x9a: {  	s4 =	simm.s32 $_size__tile_overlayer_lowered;
	s5 =	simm.s32 $_tile_overlayer_lowered  }
0x9b: {  	s22 =	simm.s32 $0x1BFF;
	s21 =	sshll.u32 s5, $0x1;
	s2 =	sadd.s32 s19, s18  }
0x9c: {  	s6 =	simm.s32 $0x0;
	s20 =	sshll.u32 s4, $0x1;
	s4 =	sadd.s32 s21, s2  }
0x9d: {  	[timem:s6], [sflag:s22] =	dma.local [hbm:s4], s20  }
0x9e: {  	_ =	swait.ge [sflag:s22], s20  }
0x9f: {  	s3 =	ssub.s32 $0x0, s20;
	[sflag:s22] =	ssyncset.done $0x0  }
0xa0: {  	[sflag:s22] =	ssyncadd.s32 s3;
	_ =	sdelay $0x1  }
0xa1: {  	s23 =	simm.s32 $0x1B8B  }
0xa2: {  	_ =	swait.ge [sflag:s23], $0x1  }
0xa3: {  	[sflag:s23] =	ssyncset.done $0x0  }
0xa4: {  	s25 =	simm.s32 $0x1B8E;
	s24 =	sld [smem:$0x3FFE];
	[sflag:s23] =	ssyncadd.s32 $0xFFFFFFFF  }
0xa5: {  	s26 =	simm.s32 $execute0_lowered;
	[smem:$0x3FD2] =	sst s25  }
0xa6: {  	s4 =	sshll.u32 s26, $0x1;
	_ =	strace $0x80000055;
	[dreg:$0x1] =	wrdreg $0xFFFFFFFF  }
0xa7: {  	s28 =	simm.s32 $_size_execute0_lowered;
	s2 =	sadd.s32 s2, s4;
	[dreg:$0x0] =	wrdreg $0x0  }
0xa8: {  	s4 =	sshll.u32 s28, $0x1;
	[dreg:$0x2] =	wrdreg s2  }
0xa9: {  	[dreg:$0x3] =	wrdreg s4  }
0xaa: {  	[dreg:$0x4] =	wrdreg $0xC0  }
0xab: {  	_ =	task [dreg:s6], $0x5FFFF  }
0xac: {  	[dreg:$0x1] =	wrdreg $0xFFFFFFFF  }
0xad: {  	[dreg:$0x0] =	wrdreg $0x60  }
0xae: {  	[dreg:$0x2] =	wrdreg s24  }
0xaf: {  	[dreg:$0x3] =	wrdreg $0xB8000  }
0xb0: {  	[dreg:$0x4] =	wrdreg $0x9  }
0xb1: {  	_ =	task.clear_ibuf [dreg:s6], $0x5FFFF;
	_ =	strace $0x90000055  }
0xb2: {  	s29 =	simm.s32 $0x9;
	_ =	strace $0x80000057  }
0xb3: {  	_ =	swait.ge [sflag:s29], $0x1  }
0xb4: {  	[sflag:s29] =	ssyncadd.s32 $0xFFFFFFFF  }
0xb5: {  	_ =	strace $0x90000057  }
0xb6: {  	_ =	sfence  }
0xb7: {  	s30 =	sld [smem:$0x0];
	_ =	sdelay $0x2  }
0xb8: {  	s31 =	sshll.u32 s1, $0xD;
	s1 =	sshrl.u32 s1, $0x2  }
0xb9: {  	s3 =	sand.u32 $0x4000, s31;
	s1 =	sadd.s32 s1, s30  }
0xba: {  	s0 =	sor.u32 s3, s0;
	s1 =	sshll.u32 s1, $0x11  }
0xbb: {  	s0 =	sor.u32 s1, s0  }
0xbc: {  	s0 =	sadd.s32 $0x8F2B, s0  }
0xbd: {  	[sflag:s0] =	ssyncadd.remote.s32 $0x1  }
0xbe: {  	_ =	sfence.sel $0xFFFF  }
0xbf: {  	[dreg:$0x0] =	wrdreg $0xFFFFFFFF;
	(pc) =	sbr.abs _section_cstart, $3  }
0xc0: {  	[dreg:$0x1] =	wrdreg $0xFFFFFFFF  }
0xc1: {  	_ =	task.clear_ibuf [dreg:s6], $0x2FFFF;
	_ =	strace $0x9FFFFFFF  }
0xc2: {  	(tm) =	ssettm $0x7FFFFFFF  }
0xc3: {  	_ =	shalt  }
tec
execute0_lowered:
.L_overlay_start_1:
0x0: {  	(tag) =	ssettag $0x1  }
0x1: {  	s0 =	rddreg [dreg:$0x0]  }
0x2: {  	s1 =	rddreg [dreg:$0x1];
	s2 =	srdreg.scid;
	s3 =	simm.s32 $0x0  }
0x3: {  	s8 =	stileid.u32;
	s30 =	simm.s32 $0xA800;
	s31 =	simm.s32 $0x3  }
0x4: {  	s9 =	simm.s32 $0x0;
	s2 =	sand.u32 $0x1, s2;
	s7 =	smul.u32 $0x14000, s8  }
0x5: {  	[smem:$0x7FF] =	sst s3;
	s16 =	smul.u32 $0x50000, s8;
	s4 =	sshll.u32 s2, $0x4  }
0x6: {  	s5 =	smul.u32 $0x140000, s2;
	_ =	strace $0x80000056;
	s2 =	ssub.s32 $0x2, s2  }
0x7: {  	s6 =	sor.u32 s8, s4;
	s4 =	sadd.s32 $0xE600, s0;
	s17 =	sshrl.u32 s2, $0x1  }
0x8: {  	s18 =	sshrl.u32 s16, $0x2;
	s8 =	simm.s32 $0x2;
	s6 =	smul.u32 $0x280, s6  }
0x9: {  	s5 =	sadd.s32 s7, s5;
	s2 =	ssub.s32 s2, s17;
	s11 =	sadd.s32 s18, s1  }
0xa: {  	s7 =	simm.s32 $0x1;
	s5 =	sshrl.u32 s5, $0x3;
	s2 =	smax.u32 s2, $0x1  }
0xb: {  	s21 =	sadd.s32 $0x1000, s11;
	s22 =	sadd.s32 $0x2000, s11;
	[dreg:$0x5] =	wrdreg s2  }
0xc: {  	s23 =	sadd.s32 $0x3000, s11;
	s24 =	sadd.s32 $0x4000, s11;
	[dreg:$0x6] =	wrdreg s21  }
0xd: {  	s25 =	sadd.s32 $0x5000, s11;
	s26 =	sadd.s32 $0x6000, s11;
	[dreg:$0x7] =	wrdreg s22  }
0xe: {  	s15 =	sadd.s32 $0x7000, s11;
	s16 =	sadd.s32 $0x8000, s11;
	[dreg:$0x8] =	wrdreg s23  }
0xf: {  	s17 =	sadd.s32 $0x9000, s11;
	s18 =	sadd.s32 $0xA000, s11;
	[dreg:$0x9] =	wrdreg s24  }
0x10: {  	s28 =	sadd.s32 $0x12000, s11;
	s29 =	sadd.s32 $0x13000, s11;
	[dreg:$0xa] =	wrdreg s25  }
0x11: {  	s6 =	sadd.s32 s6, s0;
	s0 =	sadd.s32 s5, s0;
	[dreg:$0xb] =	wrdreg s26  }
0x12: {  	s21 =	sadd.s32 $0xD000, s11;
	s22 =	sadd.s32 $0xE000, s11;
	s23 =	sadd.s32 $0xF000, s11  }
0x13: {  	s24 =	sadd.s32 $0x10000, s11;
	s26 =	sadd.s32 $0x11000, s11;
	s2 =	simm.s32 $0x80  }
0x14: {  	s19 =	sadd.s32 $0x4600, s6;
	s20 =	sadd.s32 $0x9600, s6;
	s25 =	sadd.s32 $0x86600, s0  }
0x15: {  	s0 =	simm.s32 $0x2800;
	s6 =	simm.s32 $0x6800;
	[dreg:$0x3] =	wrdreg s19  }
0x16: {  	v0 =	vimm.f32 $0.0e+00;
	[dreg:$0x4] =	wrdreg s20;
	s19 =	sadd.s32 $0xB000, s11;
	s20 =	sadd.s32 $0xC000, s11  }
.LBB2_1:
0x17: {  	s10 =	simm.s32 $0x0;
	s5 =	simm.s32 $0x200  }
.LBB2_2:
0x18: {  	p0 =	sne.s32 s5, $0x3E00;
	[tilespmem:s10+$0xA870] =	vst v0  }
0x19: {  	[tilespmem:s10+$0xA800] =	vst v0  }
0x1a: {  	[tilespmem:s10+$0xA810] =	vst v0  }
.Ltmp0:
0x1b: {  	[tilespmem:s10+$0xA820] =	vst v0;
	(pc) =	sbr.rel @p0 .LBB2_2-.Ltmp0, $4  }
0x1c: {  	[tilespmem:s10+$0xA830] =	vst v0  }
0x1d: {  	[tilespmem:s10+$0xA840] =	vst v0  }
0x1e: {  	[tilespmem:s10+$0xA850] =	vst v0  }
0x1f: {  	[tilespmem:s10+$0xA860] =	vst v0;
	s10 =	sshra.s32 s5, $0x2;
	s5 =	sadd.s32 $0x200, s5  }
0x20: {  	[tilespmem:s10+$0xA870] =	vst v0  }
0x21: {  	[tilespmem:s10+$0xA800] =	vst v0  }
0x22: {  	[tilespmem:s10+$0xA810] =	vst v0  }
0x23: {  	[tilespmem:s10+$0xA820] =	vst v0  }
0x24: {  	[tilespmem:s10+$0xA830] =	vst v0  }
0x25: {  	[tilespmem:s10+$0xA840] =	vst v0  }
0x26: {  	[tilespmem:s10+$0xA850] =	vst v0  }
0x27: {  	[tilespmem:s10+$0xA860] =	vst v0  }
0x28: {  	[spmem:s11] =	stream.linear.scatter [tilespmem:s30], [sflag:$0x3], $0x1000, $0x38;
	[tilespmem:$0x1F800] =	vst v63  }
0x29: {  	_ =	swait.ge [sflag:s31], $0x1000  }
0x2a: {  	[sflag:s31] =	ssyncset.done $0x0  }
0x2b: {  	s5 =	rddreg [dreg:$0x6];
	[sflag:s31] =	ssyncadd.s32 $0xFFFFF000  }
0x2c: {  	[spmem:s5] =	stream.linear.scatter [tilespmem:s30], [sflag:$0x3], $0x1000, $0x38;
	[tilespmem:$0x1F800] =	vst v63  }
0x2d: {  	_ =	swait.ge [sflag:s31], $0x1000  }
0x2e: {  	[sflag:s31] =	ssyncset.done $0x0  }
0x2f: {  	s12 =	rddreg [dreg:$0x7];
	[sflag:s31] =	ssyncadd.s32 $0xFFFFF000  }
0x30: {  	[spmem:s12] =	stream.linear.scatter [tilespmem:s30], [sflag:$0x3], $0x1000, $0x38;
	[tilespmem:$0x1F800] =	vst v63  }
0x31: {  	_ =	swait.ge [sflag:s31], $0x1000  }
0x32: {  	[sflag:s31] =	ssyncset.done $0x0  }
0x33: {  	s13 =	rddreg [dreg:$0x8];
	[sflag:s31] =	ssyncadd.s32 $0xFFFFF000  }
0x34: {  	[spmem:s13] =	stream.linear.scatter [tilespmem:s30], [sflag:$0x3], $0x1000, $0x38;
	[tilespmem:$0x1F800] =	vst v63  }
0x35: {  	_ =	swait.ge [sflag:s31], $0x1000  }
0x36: {  	[sflag:s31] =	ssyncset.done $0x0  }
0x37: {  	s14 =	rddreg [dreg:$0x9];
	[sflag:s31] =	ssyncadd.s32 $0xFFFFF000  }
0x38: {  	[spmem:s14] =	stream.linear.scatter [tilespmem:s30], [sflag:$0x3], $0x1000, $0x38;
	[tilespmem:$0x1F800] =	vst v63  }
0x39: {  	_ =	swait.ge [sflag:s31], $0x1000  }
0x3a: {  	[sflag:s31] =	ssyncset.done $0x0  }
0x3b: {  	s10 =	rddreg [dreg:$0xa];
	[sflag:s31] =	ssyncadd.s32 $0xFFFFF000  }
0x3c: {  	[spmem:s10] =	stream.linear.scatter [tilespmem:s30], [sflag:$0x3], $0x1000, $0x38;
	[tilespmem:$0x1F800] =	vst v63  }
0x3d: {  	_ =	swait.ge [sflag:s31], $0x1000  }
0x3e: {  	[sflag:s31] =	ssyncset.done $0x0  }
0x3f: {  	s12 =	rddreg [dreg:$0xb];
	[sflag:s31] =	ssyncadd.s32 $0xFFFFF000  }
0x40: {  	[spmem:s12] =	stream.linear.scatter [tilespmem:s30], [sflag:$0x3], $0x1000, $0x38;
	[tilespmem:$0x1F800] =	vst v63  }
0x41: {  	_ =	swait.ge [sflag:s31], $0x1000  }
0x42: {  	[sflag:s31] =	ssyncset.done $0x0  }
0x43: {  	[sflag:s31] =	ssyncadd.s32 $0xFFFFF000  }
0x44: {  	[spmem:s15] =	stream.linear.scatter [tilespmem:s30], [sflag:$0x3], $0x1000, $0x38;
	[tilespmem:$0x1F800] =	vst v63  }
0x45: {  	_ =	swait.ge [sflag:s31], $0x1000  }
0x46: {  	[sflag:s31] =	ssyncset.done $0x0  }
0x47: {  	[sflag:s31] =	ssyncadd.s32 $0xFFFFF000  }
0x48: {  	[spmem:s16] =	stream.linear.scatter [tilespmem:s30], [sflag:$0x3], $0x1000, $0x38;
	[tilespmem:$0x1F800] =	vst v63  }
0x49: {  	_ =	swait.ge [sflag:s31], $0x1000  }
0x4a: {  	[sflag:s31] =	ssyncset.done $0x0  }
0x4b: {  	[sflag:s31] =	ssyncadd.s32 $0xFFFFF000  }
0x4c: {  	[spmem:s17] =	stream.linear.scatter [tilespmem:s30], [sflag:$0x3], $0x1000, $0x38;
	[tilespmem:$0x1F800] =	vst v63  }
0x4d: {  	_ =	swait.ge [sflag:s31], $0x1000  }
0x4e: {  	[sflag:s31] =	ssyncset.done $0x0  }
0x4f: {  	[sflag:s31] =	ssyncadd.s32 $0xFFFFF000  }
0x50: {  	[spmem:s18] =	stream.linear.scatter [tilespmem:s30], [sflag:$0x3], $0x1000, $0x38;
	[tilespmem:$0x1F800] =	vst v63  }
0x51: {  	_ =	swait.ge [sflag:s31], $0x1000  }
0x52: {  	[sflag:s31] =	ssyncset.done $0x0  }
0x53: {  	[sflag:s31] =	ssyncadd.s32 $0xFFFFF000  }
0x54: {  	[spmem:s19] =	stream.linear.scatter [tilespmem:s30], [sflag:$0x3], $0x1000, $0x38;
	[tilespmem:$0x1F800] =	vst v63  }
0x55: {  	_ =	swait.ge [sflag:s31], $0x1000  }
0x56: {  	[sflag:s31] =	ssyncset.done $0x0  }
0x57: {  	[sflag:s31] =	ssyncadd.s32 $0xFFFFF000  }
0x58: {  	[spmem:s20] =	stream.linear.scatter [tilespmem:s30], [sflag:$0x3], $0x1000, $0x38;
	[tilespmem:$0x1F800] =	vst v63  }
0x59: {  	_ =	swait.ge [sflag:s31], $0x1000  }
0x5a: {  	[sflag:s31] =	ssyncset.done $0x0  }
0x5b: {  	[sflag:s31] =	ssyncadd.s32 $0xFFFFF000  }
0x5c: {  	[spmem:s21] =	stream.linear.scatter [tilespmem:s30], [sflag:$0x3], $0x1000, $0x38;
	[tilespmem:$0x1F800] =	vst v63  }
0x5d: {  	_ =	swait.ge [sflag:s31], $0x1000  }
0x5e: {  	[sflag:s31] =	ssyncset.done $0x0  }
0x5f: {  	[sflag:s31] =	ssyncadd.s32 $0xFFFFF000  }
0x60: {  	[spmem:s22] =	stream.linear.scatter [tilespmem:s30], [sflag:$0x3], $0x1000, $0x38;
	[tilespmem:$0x1F800] =	vst v63  }
0x61: {  	_ =	swait.ge [sflag:s31], $0x1000  }
0x62: {  	[sflag:s31] =	ssyncset.done $0x0  }
0x63: {  	[sflag:s31] =	ssyncadd.s32 $0xFFFFF000  }
0x64: {  	[spmem:s23] =	stream.linear.scatter [tilespmem:s30], [sflag:$0x3], $0x1000, $0x38;
	[tilespmem:$0x1F800] =	vst v63  }
0x65: {  	_ =	swait.ge [sflag:s31], $0x1000  }
0x66: {  	[sflag:s31] =	ssyncset.done $0x0  }
0x67: {  	[sflag:s31] =	ssyncadd.s32 $0xFFFFF000  }
0x68: {  	[spmem:s24] =	stream.linear.scatter [tilespmem:s30], [sflag:$0x3], $0x1000, $0x38;
	[tilespmem:$0x1F800] =	vst v63  }
0x69: {  	_ =	swait.ge [sflag:s31], $0x1000  }
0x6a: {  	[sflag:s31] =	ssyncset.done $0x0  }
0x6b: {  	[sflag:s31] =	ssyncadd.s32 $0xFFFFF000  }
0x6c: {  	[spmem:s26] =	stream.linear.scatter [tilespmem:s30], [sflag:$0x3], $0x1000, $0x38;
	[tilespmem:$0x1F800] =	vst v63  }
0x6d: {  	_ =	swait.ge [sflag:s31], $0x1000  }
0x6e: {  	[sflag:s31] =	ssyncset.done $0x0  }
0x6f: {  	[sflag:s31] =	ssyncadd.s32 $0xFFFFF000  }
0x70: {  	[spmem:s28] =	stream.linear.scatter [tilespmem:s30], [sflag:$0x3], $0x1000, $0x38;
	[tilespmem:$0x1F800] =	vst v63  }
0x71: {  	_ =	swait.ge [sflag:s31], $0x1000  }
0x72: {  	[sflag:s31] =	ssyncset.done $0x0  }
0x73: {  	[sflag:s31] =	ssyncadd.s32 $0xFFFFF000  }
0x74: {  	[spmem:s29] =	stream.linear.scatter [tilespmem:s30], [sflag:$0x3], $0x1000, $0x38;
	[tilespmem:$0x1F800] =	vst v63  }
0x75: {  	_ =	swait.ge [sflag:s31], $0x1000  }
0x76: {  	[sflag:s31] =	ssyncset.done $0x0  }
0x77: {  	[sflag:s31] =	ssyncadd.s32 $0xFFFFF000  }
0x78: {  	[bflag:$0x0] =	sbarrier.arrive $0xFFFF  }
0x79: {  	s5 =	simm.s32 $0x0;
	s13 =	rddreg [dreg:$0x3]  }
0x7a: {  	[tilespmem:s5], [sflag:$0x3] =	stream.linear.gather [hbm4b:s13+s5], $0x1400, $0x38;
	[tilespmem:$0x1F800] =	vst v63  }
0x7b: {  	_ =	swait.ge [sflag:s31], $0x1400  }
0x7c: {  	[sflag:s31] =	ssyncset.done $0x0  }
0x7d: {  	s12 =	simm.s32 $0x1400;
	s14 =	rddreg [dreg:$0x4];
	[sflag:s31] =	ssyncadd.s32 $0xFFFFEC00  }
0x7e: {  	[tilespmem:s12], [sflag:$0x3] =	stream.linear.gather [hbm4b:s14+s5], $0x1400, $0x38;
	[tilespmem:$0x1F800] =	vst v63  }
0x7f: {  	_ =	swait.ge [sflag:s31], $0x1400  }
0x80: {  	[sflag:s31] =	ssyncset.done $0x0  }
0x81: {  	[sflag:s31] =	ssyncadd.s32 $0xFFFFEC00  }
0x82: {  	[tilespmem:s0], [sflag:$0x1] =	stream.indirect.gather [hbm4b:s4+s2], $0x80, s5, s2, $0xb8;
	[tilespmem:$0x1F800] =	vst v63  }
0x83: {  	s10 =	simm.s32 $0x80  }
0x84: {  	[tilespmem:s6], [sflag:$0x2] =	stream.indirect.gather [hbm4b:s4+s2], $0x80, s10, s2, $0xb8;
	[tilespmem:$0x1F800] =	vst v63  }
0x85: {  	_ =	swait.ge [sflag:s7], $0x4000  }
0x86: {  	[sflag:s7] =	ssyncset.done $0x0  }
0x87: {  	s12 =	simm.s32 $0x1400;
	[sflag:s7] =	ssyncadd.s32 $0xFFFFC000  }
0x88: {  	[spmem:s1] =	stream.indirect.scatter.add.f32 [tilespmem:s0], [sflag:$0x3], $0x80, s12, s2, $0xb8;
	[tilespmem:$0x1F800] =	vst v63  }
0x89: {  	_ =	swait.ge [sflag:s31], $0x4000  }
0x8a: {  	[sflag:s31] =	ssyncset.done $0x0  }
0x8b: {  	s13 =	simm.s32 $0x100;
	[sflag:s31] =	ssyncadd.s32 $0xFFFFC000  }
0x8c: {  	[tilespmem:s0], [sflag:$0x1] =	stream.indirect.gather [hbm4b:s4+s2], $0x80, s13, s2, $0xb8;
	[tilespmem:$0x1F800] =	vst v63  }
0x8d: {  	_ =	swait.ge [sflag:s8], $0x4000  }
0x8e: {  	[sflag:s8] =	ssyncset.done $0x0  }
0x8f: {  	s14 =	simm.s32 $0x1480;
	[sflag:s8] =	ssyncadd.s32 $0xFFFFC000  }
0x90: {  	[spmem:s1] =	stream.indirect.scatter.add.f32 [tilespmem:s6], [sflag:$0x3], $0x80, s14, s2, $0xb8;
	[tilespmem:$0x1F800] =	vst v63  }
0x91: {  	_ =	swait.ge [sflag:s31], $0x4000  }
0x92: {  	s5 =	simm.s32 $0x800;
	s10 =	simm.s32 $0x100;
	[sflag:s31] =	ssyncset.done $0x0  }
.LBB2_4:
0x93: {  	s12 =	sadd.s32 $0x80, s10  }
0x94: {  	[sflag:s31] =	ssyncadd.s32 $0xFFFFC000;
	s13 =	smov.u32 s5;
	s14 =	sadd.s32 $0x400, s5  }
0x95: {  	[tilespmem:s6], [sflag:$0x2] =	stream.indirect.gather [hbm4b:s4+s2], $0x80, s12, s2, $0xb8;
	[tilespmem:$0x1F800] =	vst v63  }
0x96: {  	p0 =	sne.s32 s5, $0x4800;
	_ =	swait.ge [sflag:s7], $0x4000  }
0x97: {  	[sflag:s7] =	ssyncset.done $0x0  }
0x98: {  	s5 =	sadd.s32 $0x1400, s10;
	[sflag:s7] =	ssyncadd.s32 $0xFFFFC000  }
0x99: {  	[spmem:s1] =	stream.indirect.scatter.add.f32 [tilespmem:s0], [sflag:$0x3], $0x80, s5, s2, $0xb8;
	[tilespmem:$0x1F800] =	vst v63  }
0x9a: {  	_ =	swait.ge [sflag:s31], $0x4000  }
0x9b: {  	[sflag:s31] =	ssyncset.done $0x0  }
0x9c: {  	s5 =	sadd.s32 $0x100, s10;
	[sflag:s31] =	ssyncadd.s32 $0xFFFFC000  }
0x9d: {  	[tilespmem:s0], [sflag:$0x1] =	stream.indirect.gather [hbm4b:s4+s2], $0x80, s5, s2, $0xb8;
	[tilespmem:$0x1F800] =	vst v63  }
0x9e: {  	_ =	swait.ge [sflag:s8], $0x4000  }
.Ltmp1:
0x9f: {  	[sflag:s8] =	ssyncset.done $0x0;
	(pc) =	sbr.rel @p0 .LBB2_4-.Ltmp1, $4  }
0xa0: {  	s5 =	sadd.s32 $0x1480, s10;
	[sflag:s8] =	ssyncadd.s32 $0xFFFFC000  }
0xa1: {  	[spmem:s1] =	stream.indirect.scatter.add.f32 [tilespmem:s6], [sflag:$0x3], $0x80, s5, s2, $0xb8;
	[tilespmem:$0x1F800] =	vst v63  }
0xa2: {  	_ =	swait.ge [sflag:s31], $0x4000  }
0xa3: {  	s10 =	sshra.s32 s13, $0x2;
	s5 =	smov.u32 s14;
	[sflag:s31] =	ssyncset.done $0x0  }
0xa4: {  	s5 =	sadd.s32 $0x80, s10;
	[sflag:s31] =	ssyncadd.s32 $0xFFFFC000  }
0xa5: {  	[tilespmem:s6], [sflag:$0x2] =	stream.indirect.gather [hbm4b:s4+s2], $0x80, s5, s2, $0xb8;
	[tilespmem:$0x1F800] =	vst v63  }
0xa6: {  	_ =	swait.ge [sflag:s7], $0x4000  }
0xa7: {  	[sflag:s7] =	ssyncset.done $0x0  }
0xa8: {  	s12 =	sadd.s32 $0x1400, s10;
	[sflag:s7] =	ssyncadd.s32 $0xFFFFC000  }
0xa9: {  	[spmem:s1] =	stream.indirect.scatter.add.f32 [tilespmem:s0], [sflag:$0x3], $0x80, s12, s2, $0xb8;
	[tilespmem:$0x1F800] =	vst v63  }
0xaa: {  	_ =	swait.ge [sflag:s31], $0x4000  }
0xab: {  	[sflag:s31] =	ssyncset.done $0x0  }
0xac: {  	s13 =	sadd.s32 $0x100, s10;
	[sflag:s31] =	ssyncadd.s32 $0xFFFFC000  }
0xad: {  	[tilespmem:s0], [sflag:$0x1] =	stream.indirect.gather [hbm4b:s4+s2], $0x80, s13, s2, $0xb8;
	[tilespmem:$0x1F800] =	vst v63  }
0xae: {  	_ =	swait.ge [sflag:s8], $0x4000  }
0xaf: {  	[sflag:s8] =	ssyncset.done $0x0  }
0xb0: {  	s14 =	sadd.s32 $0x1480, s10;
	[sflag:s8] =	ssyncadd.s32 $0xFFFFC000  }
0xb1: {  	[spmem:s1] =	stream.indirect.scatter.add.f32 [tilespmem:s6], [sflag:$0x3], $0x80, s14, s2, $0xb8;
	[tilespmem:$0x1F800] =	vst v63  }
0xb2: {  	_ =	swait.ge [sflag:s31], $0x4000  }
0xb3: {  	[sflag:s31] =	ssyncset.done $0x0  }
0xb4: {  	s10 =	simm.s32 $0x1380;
	[sflag:s31] =	ssyncadd.s32 $0xFFFFC000  }
0xb5: {  	[tilespmem:s6], [sflag:$0x2] =	stream.indirect.gather [hbm4b:s4+s2], $0x80, s10, s2, $0xb8;
	[tilespmem:$0x1F800] =	vst v63  }
0xb6: {  	_ =	swait.ge [sflag:s7], $0x4000  }
0xb7: {  	[sflag:s7] =	ssyncset.done $0x0  }
0xb8: {  	s12 =	simm.s32 $0x2700;
	[sflag:s7] =	ssyncadd.s32 $0xFFFFC000  }
0xb9: {  	[spmem:s1] =	stream.indirect.scatter.add.f32 [tilespmem:s0], [sflag:$0x3], $0x80, s12, s2, $0xb8;
	[tilespmem:$0x1F800] =	vst v63  }
0xba: {  	_ =	swait.ge [sflag:s31], $0x4000  }
0xbb: {  	[sflag:s31] =	ssyncset.done $0x0  }
0xbc: {  	[sflag:s31] =	ssyncadd.s32 $0xFFFFC000  }
0xbd: {  	_ =	swait.ge [sflag:s8], $0x4000  }
0xbe: {  	[sflag:s8] =	ssyncset.done $0x0  }
0xbf: {  	s13 =	simm.s32 $0x2780;
	[sflag:s8] =	ssyncadd.s32 $0xFFFFC000  }
0xc0: {  	[spmem:s1] =	stream.indirect.scatter.add.f32 [tilespmem:s6], [sflag:$0x3], $0x80, s13, s2, $0xb8;
	[tilespmem:$0x1F800] =	vst v63  }
0xc1: {  	_ =	swait.ge [sflag:s31], $0x4000  }
0xc2: {  	[sflag:s31] =	ssyncset.done $0x0  }
0xc3: {  	[sflag:s31] =	ssyncadd.s32 $0xFFFFC000  }
0xc4: {  	[bflag:$0x0] =	sbarrier.arrive $0xFFFF  }
0xc5: {  	[tilespmem:s30], [sflag:$0x3] =	stream.linear.gather [spmem:s11], $0x1000, $0x38;
	[tilespmem:$0x1F800] =	vst v63  }
0xc6: {  	_ =	swait.ge [sflag:s31], $0x1000  }
0xc7: {  	[sflag:s31] =	ssyncset.done $0x0  }
0xc8: {  	s14 =	sadd.s32 $0x0, s25;
	[sflag:s31] =	ssyncadd.s32 $0xFFFFF000  }
0xc9: {  	[hbm4b:s14+s3] =	stream.linear.scatter [tilespmem:s30], [sflag:$0x3], $0x1000, $0x38;
	[tilespmem:$0x1F800] =	vst v63  }
0xca: {  	_ =	swait.ge [sflag:s31], $0x1000  }
0xcb: {  	s5 =	smov.u32 s11;
	s10 =	simm.s32 $0x200;
	[sflag:s31] =	ssyncset.done $0x0  }
.LBB2_6:
0xcc: {  	p0 =	sne.s32 s10, $0x2600;
	[sflag:s31] =	ssyncadd.s32 $0xFFFFF000;
	s5 =	sadd.s32 $0x1000, s5  }
0xcd: {  	[tilespmem:s30], [sflag:$0x3] =	stream.linear.gather [spmem:s5], $0x1000, $0x38;
	[tilespmem:$0x1F800] =	vst v63  }
0xce: {  	s12 =	smov.u32 s10;
	s10 =	sadd.s32 $0x200, s10;
	_ =	swait.ge [sflag:s31], $0x1000  }
.Ltmp2:
0xcf: {  	[sflag:s31] =	ssyncset.done $0x0;
	(pc) =	sbr.rel @p0 .LBB2_6-.Ltmp2, $4  }
0xd0: {  	s12 =	sadd.s32 s12, s25;
	[sflag:s31] =	ssyncadd.s32 $0xFFFFF000  }
0xd1: {  	[hbm4b:s12+s3] =	stream.linear.scatter [tilespmem:s30], [sflag:$0x3], $0x1000, $0x38;
	[tilespmem:$0x1F800] =	vst v63  }
0xd2: {  	_ =	swait.ge [sflag:s31], $0x1000  }
0xd3: {  	[sflag:s31] =	ssyncset.done $0x0  }
0xd4: {  	s9 =	sadd.s32 $0x1, s9;
	s5 =	rddreg [dreg:$0x5]  }
0xd5: {  	p0 =	sne.s32 s9, s5  }
.Ltmp3:
0xd6: {  	_ = 	snop;
	(pc) =	sbr.rel @p0 .LBB2_1-.Ltmp3, $2  }
0xd7: {  	_ =	sdelay $0x2  }
0xd8: {  	[sflag:s31] =	ssyncadd.s32 $0xFFFFF000  }
0xd9: {  	_ =	sfence.sel $0x180000  }
0xda: {  	[bflag:$0x0] =	sbarrier.arrive $0xFFFF  }
0xdb: {  	_ =	strace $0x90000056  }
0xdc: {  	s0 =	stileid.u32;
	[bflag:$0x2] =	sbarrier.arrive $0xFFFF  }
0xdd: {  	p0 =	sne.s32 s0, $0x0;
	s0 =	rddreg [dreg:$0x2]  }
0xde: {  	s0 =	sadd.s32 @!p0 $0x100000, s0  }
0xdf: {  	[sflag:s0] =	ssyncadd.tile.s32 @!p0 $0x1;
	_ =	shalt  }
.Lfunc_end2:
_tile_overlayer_lowered:
.L_overlay_start_2:
0xe0: {  	(tag) =	ssettag $0x2  }
0xe1: {  	s0 =	rddreg [dreg:$0x0];
	s2 =	stileid.u32  }
0xe2: {  	s1 =	rddreg [dreg:$0x1];
	p0 =	sne.s32 s2, $0x0  }
0xe3: {  	s3 =	rddreg [dreg:$0x2];
	[bflag:$0x3] =	sbarrier.arrive $0xFFFF;
	s2 =	simm.s32 @!p0 $0x1C03  }
0xe4: {  	[timem:s3], [sflag:s2] =	dma.local @!p0 [hbm:s0], s1  }
0xe5: {  	s0 =	simm.s32 @!p0 $0x3  }
0xe6: {  	_ =	swait.ge @!p0 [sflag:s0], s1  }
0xe7: {  	s1 =	ssub.s32 @!p0 $0x0, s1;
	[sflag:s0] =	ssyncset.done @!p0 $0x0  }
0xe8: {  	[sflag:s0] =	ssyncadd.s32 @!p0 s1  }
0xe9: {  	[bflag:$0x3] =	sbarrier.arrive $0xFFFF  }
0xea: {  	_ =	shalt  }

</sc_bundles>
